<compile_context>
chip_gen: v7x
topology: tpu7x:2x2x1
jax: 0.10.2.dev20260603
libtpu: 0.0.44.dev20260713+nightly
codegen_flags: <defaults>
</compile_context>

<pallas_src>
import functools
import math
import jax
import jax.numpy as jnp
from jax import lax
from jax.experimental import pallas as pl
from jax.experimental.pallas import tpu as pltpu
from jax.experimental.pallas import tpu_sc as plsc

_NC = 2
_NS = 16
_NW = _NC * _NS
_RING1 = 2
_RING2 = 4

_MESH = plsc.VectorSubcoreMesh(
    core_axis_name="c", subcore_axis_name="s", num_cores=_NC, num_subcores=_NS
)


def _pad_edges(src, dst, n):
    e = src.shape[0]
    r = max(_RING1, _RING2, 8)
    nb = -(-(-(-e // (_NW * 128))) // r) * r
    e_pad = _NW * nb * 128
    pad = e_pad - e
    if pad:
        j = jnp.arange(pad, dtype=jnp.int32)
        src = jnp.concatenate([src, j % 16])
        dst = jnp.concatenate([dst, n + (j % 8)])
    return (
        (src.reshape(_NW, 2 * nb, 64), dst.reshape(_NW, 2 * nb, 64)),
        (src.reshape(_NW, nb, 128), dst.reshape(_NW, nb, 128)),
        2 * nb,
        nb,
    )


def _make_deg_kernel(n, nb, eb, rpt):
    n_pad = _NS * rpt
    last = n - (_NS - 1) * rpt

    @functools.partial(
        pl.kernel,
        out_type=[
            jax.ShapeDtypeStruct((n,), jnp.float32),
            jax.ShapeDtypeStruct((n,), jnp.float32),
        ],
        mesh=_MESH,
        scratch_types=[
            pltpu.VMEM((nb, eb), jnp.int32),
            pltpu.VMEM((eb,), jnp.float32),
            pltpu.VMEM((16,), jnp.float32),
            pltpu.VMEM((rpt,), jnp.float32),
            pltpu.VMEM_SHARED((n_pad,), jnp.float32),
            pltpu.SemaphoreType.DMA,
        ],
    )
    def deg_kernel(dst_hbm, out0_hbm, out1_hbm, dst_v, ones_v, z_v, wb_v,
                   hist_sh, sem):
        c = lax.axis_index("c")
        s = lax.axis_index("s")
        w = s * _NC + c
        start = pl.multiple_of(s * rpt, rpt)

        z_v[...] = jnp.zeros((16,), jnp.float32)
        for i in range(eb // 16):
            ones_v[pl.ds(i * 16, 16)] = jnp.ones((16,), jnp.float32)
        for k in range(rpt // 16):
            pltpu.sync_copy(z_v, hist_sh.at[pl.ds(start + k * 16, 16)])
        plsc.subcore_barrier()

        pltpu.sync_copy(dst_hbm.at[w], dst_v)

        def step(j, carry):
            pltpu.sync_copy(ones_v, hist_sh.at[dst_v.at[j]], add=True)
            return carry

        lax.fori_loop(0, nb, step, 0)
        plsc.subcore_barrier()

        for cc, out_hbm in ((0, out0_hbm), (1, out1_hbm)):

            @pl.when(jnp.logical_and(c == cc, s < _NS - 1))
            def _():
                pltpu.sync_copy(hist_sh.at[pl.ds(start, rpt)], wb_v)
                pltpu.sync_copy(wb_v, out_hbm.at[pl.ds(start, rpt)])

            @pl.when(jnp.logical_and(c == cc, s == _NS - 1))
            def _():
                pltpu.sync_copy(
                    hist_sh.at[pl.ds((_NS - 1) * rpt, last)], wb_v.at[pl.ds(0, last)]
                )
                pltpu.sync_copy(
                    wb_v.at[pl.ds(0, last)], out_hbm.at[pl.ds((_NS - 1) * rpt, last)]
                )

    return deg_kernel


def _agg_cw(n, rpt, d):
    cw = math.gcd(rpt, n - (_NS - 1) * rpt)
    while cw * d * 4 > 41 * 1024 and cw % 16 == 0:
        cw //= 2
    return cw


def _make_agg_kernel(n, nb, eb, ring, rpt, d):
    n_pad = _NS * rpt
    last = n - (_NS - 1) * rpt
    cw = _agg_cw(n, rpt, d)

    @functools.partial(
        pl.kernel,
        out_type=jax.ShapeDtypeStruct((_NC, n, d), jnp.float32),
        mesh=_MESH,
        compiler_params=pltpu.CompilerParams(use_tc_tiling_on_sc=False),
        scratch_types=[
            pltpu.VMEM((nb, eb), jnp.int32),
            pltpu.VMEM((nb, eb), jnp.int32),
            [pltpu.VMEM((eb, d), jnp.float32)] * ring,
            pltpu.VMEM((cw, d), jnp.float32),
            pltpu.VMEM_SHARED((n_pad, d), jnp.float32),
            [pltpu.SemaphoreType.DMA] * ring,
        ],
    )
    def agg_kernel(rows_hbm, src_hbm, dst_hbm, z_hbm, out_hbm,
                   src_v, dst_v, msgs, wb_v, acc_sh, sems):
        c = lax.axis_index("c")
        s = lax.axis_index("s")
        w = s * _NC + c
        start = pl.multiple_of(s * rpt, rpt)

        pltpu.sync_copy(z_hbm, wb_v)
        for k in range(rpt // cw):
            pltpu.sync_copy(wb_v, acc_sh.at[pl.ds(start + k * cw, cw)])
        plsc.subcore_barrier()

        pltpu.sync_copy(src_hbm.at[w], src_v)
        pltpu.sync_copy(dst_hbm.at[w], dst_v)

        for b in range(ring - 1):
            pltpu.async_copy(rows_hbm.at[src_v.at[b]], msgs[b], sems[b])

        def step(i, carry):
            j = i * ring
            for b in range(ring):
                jj = j + b
                bn = (b + ring - 1) % ring

                @pl.when(jj + ring - 1 < nb)
                def _():
                    pltpu.async_copy(
                        rows_hbm.at[src_v.at[jj + ring - 1]], msgs[bn], sems[bn]
                    )

                pltpu.make_async_copy(
                    rows_hbm.at[src_v.at[jj]], msgs[b], sems[b]
                ).wait()
                pltpu.sync_copy(msgs[b], acc_sh.at[dst_v.at[jj]], add=True)
            return carry

        lax.fori_loop(0, nb // ring, step, 0)
        plsc.subcore_barrier()

        @pl.when(s < _NS - 1)
        def _():
            for t in range(rpt // cw):
                pltpu.sync_copy(acc_sh.at[pl.ds(start + t * cw, cw)], wb_v)
                pltpu.sync_copy(wb_v, out_hbm.at[c, pl.ds(start + t * cw, cw)])

        @pl.when(s == _NS - 1)
        def _():
            for t in range(last // cw):
                off = (_NS - 1) * rpt + t * cw
                pltpu.sync_copy(acc_sh.at[pl.ds(off, cw)], wb_v)
                pltpu.sync_copy(wb_v, out_hbm.at[c, pl.ds(off, cw)])

    return agg_kernel


def _tc_matmul(x, w1, bn):
    n, d_in = x.shape
    d_hid = w1.shape[1]

    def body(x_ref, w_ref, t_ref):
        t_ref[...] = jnp.dot(
            x_ref[...], w_ref[...], preferred_element_type=jnp.float32
        )

    return pl.pallas_call(
        body,
        grid=(n // bn,),
        in_specs=[
            pl.BlockSpec((bn, d_in), lambda i: (i, 0)),
            pl.BlockSpec((d_in, d_hid), lambda i: (0, 0)),
        ],
        out_specs=pl.BlockSpec((bn, d_hid), lambda i: (i, 0)),
        out_shape=jax.ShapeDtypeStruct((n, d_hid), jnp.float32),
    )(x, w1)


def _tc_scale(d0, d1, t, bn):
    n, d_hid = t.shape

    def body(d0_ref, d1_ref, t_ref, xs_ref, dinv_ref):
        deg = d0_ref[...] + d1_ref[...] + 1.0
        dinv = lax.rsqrt(jnp.maximum(deg, 1.0))
        xs_ref[...] = t_ref[...] * dinv
        dinv_ref[...] = dinv

    return pl.pallas_call(
        body,
        grid=(n // bn,),
        in_specs=[
            pl.BlockSpec((bn, 1), lambda i: (i, 0)),
            pl.BlockSpec((bn, 1), lambda i: (i, 0)),
            pl.BlockSpec((bn, d_hid), lambda i: (i, 0)),
        ],
        out_specs=[
            pl.BlockSpec((bn, d_hid), lambda i: (i, 0)),
            pl.BlockSpec((bn, 1), lambda i: (i, 0)),
        ],
        out_shape=[
            jax.ShapeDtypeStruct((n, d_hid), jnp.float32),
            jax.ShapeDtypeStruct((n, 1), jnp.float32),
        ],
    )(d0, d1, t)


def _tc_mid(p1, xs, dinv, b1, w2, bn):
    n, d_hid = xs.shape
    d_out = w2.shape[1]

    def body(p_ref, xs_ref, dinv_ref, b_ref, w_ref, ys_ref):
        agg = p_ref[0] + p_ref[1] + xs_ref[...]
        dinv = dinv_ref[...]
        h1 = jnp.tanh(agg * dinv + b_ref[...])
        ys = jnp.dot(h1, w_ref[...], preferred_element_type=jnp.float32)
        ys_ref[...] = ys * dinv

    return pl.pallas_call(
        body,
        grid=(n // bn,),
        in_specs=[
            pl.BlockSpec((_NC, bn, d_hid), lambda i: (0, i, 0)),
            pl.BlockSpec((bn, d_hid), lambda i: (i, 0)),
            pl.BlockSpec((bn, 1), lambda i: (i, 0)),
            pl.BlockSpec((1, d_hid), lambda i: (0, 0)),
            pl.BlockSpec((d_hid, d_out), lambda i: (0, 0)),
        ],
        out_specs=pl.BlockSpec((bn, d_out), lambda i: (i, 0)),
        out_shape=jax.ShapeDtypeStruct((n, d_out), jnp.float32),
    )(p1, xs, dinv, b1, w2)


def _tc_last(p2, ys, dinv, b2, bn):
    n, d_out = ys.shape

    def body(p_ref, ys_ref, dinv_ref, b_ref, out_ref):
        agg = p_ref[0] + p_ref[1] + ys_ref[...]
        out_ref[...] = agg * dinv_ref[...] + b_ref[...]

    return pl.pallas_call(
        body,
        grid=(n // bn,),
        in_specs=[
            pl.BlockSpec((_NC, bn, d_out), lambda i: (0, i, 0)),
            pl.BlockSpec((bn, d_out), lambda i: (i, 0)),
            pl.BlockSpec((bn, 1), lambda i: (i, 0)),
            pl.BlockSpec((1, d_out), lambda i: (0, 0)),
        ],
        out_specs=pl.BlockSpec((bn, d_out), lambda i: (i, 0)),
        out_shape=jax.ShapeDtypeStruct((n, d_out), jnp.float32),
    )(p2, ys, dinv, b2)


def kernel(x, edge_index, W1, b1, W2, b2):
    n, d_in = x.shape
    d_hid = W1.shape[1]
    d_out = W2.shape[1]

    (src64, dst64), (src128, dst128), nb64, nb128 = _pad_edges(
        edge_index[0], edge_index[1], n
    )
    rpt = -(-(n + 8) // (_NS * 16)) * 16
    bn = 2000 if n % 2000 == 0 else 8

    t = _tc_matmul(x, W1, bn)
    d0, d1 = _make_deg_kernel(n, nb128, 128, rpt)(dst128)
    xs, dinv = _tc_scale(d0.reshape(n, 1), d1.reshape(n, 1), t, bn)

    z1 = jnp.zeros((_agg_cw(n, rpt, d_hid), d_hid), jnp.float32)
    p1 = _make_agg_kernel(n, nb64, 64, _RING1, rpt, d_hid)(xs, src64, dst64, z1)

    ys = _tc_mid(p1, xs, dinv, b1.reshape(1, d_hid), W2, bn)

    z2 = jnp.zeros((_agg_cw(n, rpt, d_out), d_out), jnp.float32)
    p2 = _make_agg_kernel(n, nb128, 128, _RING2, rpt, d_out)(ys, src128, dst128, z2)

    return _tc_last(p2, ys, dinv, b2.reshape(1, d_out), bn)

# --- scband reference (transcript-rebuilt; emitter-appended) ---
"""Pipeline reference for scband-gcn-encoder-17849884082524 (READ-ONLY COPY).

The authoritative reference and input builder live on the scoring server;
editing this copy changes nothing except your own understanding.
"""

import jax, jax.numpy as jnp
import numpy as np

N = 10000
E = 320000
D_IN = 128
D_HID = 128
D_OUT = 64


def setup_inputs(seed: int = 0) -> dict:
    key = jax.random.key(seed)
    k1, k2, k3, k4, k5, k6 = jax.random.split(key, 6)
    x = jax.random.normal(k1, (N, D_IN), dtype=jnp.float32)
    edge_index = jax.random.randint(k2, (2, E), 0, N, dtype=jnp.int32)
    W1 = jax.random.normal(k3, (D_IN, D_HID), dtype=jnp.float32) * (1.0 / np.sqrt(D_IN))
    b1 = jnp.zeros((D_HID,), dtype=jnp.float32)
    W2 = jax.random.normal(k4, (D_HID, D_OUT), dtype=jnp.float32) * (1.0 / np.sqrt(D_HID))
    b2 = jnp.zeros((D_OUT,), dtype=jnp.float32)
    return {"x": x, "edge_index": edge_index, "W1": W1, "b1": b1, "W2": W2, "b2": b2}


def reference(x, edge_index, W1, b1, W2, b2):
    # GCNConv with symmetric normalization and self-loops (PyG semantics, cached
    # normalization shared by both layers). Dropout is identity in eval mode.
    src = edge_index[0]
    dst = edge_index[1]
    loop = jnp.arange(N, dtype=src.dtype)
    src_f = jnp.concatenate([src, loop])
    dst_f = jnp.concatenate([dst, loop])
    ones = jnp.ones((E + N,), dtype=jnp.float32)
    deg = jax.ops.segment_sum(ones, dst_f, num_segments=N)
    dinv = jax.lax.rsqrt(jnp.maximum(deg, 1.0))
    norm = dinv[src_f] * dinv[dst_f]

    def gcn_conv(h, W, b):
        h = h @ W
        msg = jnp.take(h, src_f, axis=0) * norm[:, None]
        agg = jax.ops.segment_sum(msg, dst_f, num_segments=N)
        return agg + b

    h1 = jnp.tanh(gcn_conv(x, W1, b1))
    out = gcn_conv(h1, W2, b2)
    return out

if __name__ == "__main__":
    import jax
    _d = setup_inputs()
    print(jax.jit(kernel)(*tuple(_d.values())))

</pallas_src>

<mosaic_0001>
#map = affine_map<(d0, d1) -> (0, 0)>
#map1 = affine_map<(d0, d1) -> (0, 0, 0)>
module attributes {stable_mosaic.version = 14 : i64} {
  func.func @agg_kernel(%arg0: i32, %arg1: i32, %arg2: memref<10000x128xf32, #tpu.memory_space<hbm>>, %arg3: memref<32x160x64xi32, #tpu.memory_space<hbm>>, %arg4: memref<32x160x64xi32, #tpu.memory_space<hbm>>, %arg5: memref<80x128xf32, #tpu.memory_space<hbm>>, %arg6: memref<2x10000x128xf32, #tpu.memory_space<hbm>>, %arg7: memref<160x64xi32, #tpu.memory_space<vmem>>, %arg8: memref<160x64xi32, #tpu.memory_space<vmem>>, %arg9: memref<64x128xf32, #tpu.memory_space<vmem>>, %arg10: memref<64x128xf32, #tpu.memory_space<vmem>>, %arg11: memref<80x128xf32, #tpu.memory_space<vmem>>, %arg12: memref<10240x128xf32, #tpu.memory_space<vmem_shared>>, %arg13: memref<!tpu.dma_semaphore, #tpu.memory_space<semaphore_mem>>, %arg14: memref<!tpu.dma_semaphore, #tpu.memory_space<semaphore_mem>>) attributes {dimension_semantics = [#tpu.dimension_semantics<core_parallel>, #tpu.dimension_semantics<subcore_parallel>], iteration_bounds = array<i64: 2, 16>, scalar_prefetch = 0 : i64, scratch_operands = 8 : i64, tpu.core_type = #tpu.core_type<sc_vector_subcore>, window_params = [{transform_indices = #map}, {transform_indices = #map1}, {transform_indices = #map1}, {transform_indices = #map}, {transform_indices = #map1}]} {
    %mul3A = arith.constant 2 : i32
    %mul3A_0 = arith.muli %arg1, %mul3A : i32
    %add3A = arith.addi %mul3A_0, %arg0 : i32
    %mul3A_1 = arith.constant 640 : i32
    %mul3A_2 = arith.muli %arg1, %mul3A_1 : i32
    %multiple_of3A = tpu.assume_multiple %mul3A_2, 640 : i32
    "tpu.region"() ({
      %run_scoped3A = tpu.sem_alloc : memref<!tpu.dma_semaphore, #tpu.memory_space<semaphore_mem>>
      tpu.enqueue_dma source(%arg5 : memref<80x128xf32, #tpu.memory_space<hbm>>) target(%arg11 : memref<80x128xf32, #tpu.memory_space<vmem>>) target_semaphore(%run_scoped3A : memref<!tpu.dma_semaphore, #tpu.memory_space<semaphore_mem>>)
      tpu.wait_dma2 semaphore(%run_scoped3A : memref<!tpu.dma_semaphore, #tpu.memory_space<semaphore_mem>>) src(%arg5 : memref<80x128xf32, #tpu.memory_space<hbm>>) dst(%arg11 : memref<80x128xf32, #tpu.memory_space<vmem>>)
      tpu.yield
    }) : () -> ()
    %add3A_3 = arith.constant 0 : i32
    %add3A_4 = arith.addi %multiple_of3A, %add3A_3 : i32
    "tpu.region"() ({
      %run_scoped3A = tpu.sem_alloc : memref<!tpu.dma_semaphore, #tpu.memory_space<semaphore_mem>>
      %dma_start3A_37 = arith.constant 0 : i32
      %dma_start3A_38 = tpu.memref_slice %arg12[%add3A_4, %dma_start3A_37] : memref<10240x128xf32, #tpu.memory_space<vmem_shared>> -> memref<80x128xf32, #tpu.memory_space<vmem_shared>>
      %dma_start3A_39 = arith.constant 0 : i32
      %dma_start3A_40 = tpu.memref_slice %arg12[%add3A_4, %dma_start3A_39] : memref<10240x128xf32, #tpu.memory_space<vmem_shared>> -> memref<80x128xf32, #tpu.memory_space<vmem_shared>>
      tpu.enqueue_dma source(%arg11 : memref<80x128xf32, #tpu.memory_space<vmem>>) target(%dma_start3A_40 : memref<80x128xf32, #tpu.memory_space<vmem_shared>>) target_semaphore(%run_scoped3A : memref<!tpu.dma_semaphore, #tpu.memory_space<semaphore_mem>>)
      %dma_wait3A = arith.constant 0 : i32
      %dma_wait3A_41 = tpu.memref_slice %arg12[%add3A_4, %dma_wait3A] : memref<10240x128xf32, #tpu.memory_space<vmem_shared>> -> memref<80x128xf32, #tpu.memory_space<vmem_shared>>
      %dma_wait3A_42 = arith.constant 0 : i32
      %dma_wait3A_43 = tpu.memref_slice %arg12[%add3A_4, %dma_wait3A_42] : memref<10240x128xf32, #tpu.memory_space<vmem_shared>> -> memref<80x128xf32, #tpu.memory_space<vmem_shared>>
      tpu.wait_dma2 semaphore(%run_scoped3A : memref<!tpu.dma_semaphore, #tpu.memory_space<semaphore_mem>>) src(%arg11 : memref<80x128xf32, #tpu.memory_space<vmem>>) dst(%dma_wait3A_43 : memref<80x128xf32, #tpu.memory_space<vmem_shared>>)
      tpu.yield
    }) : () -> ()
    %add3A_5 = arith.constant 80 : i32
    %add3A_6 = arith.addi %multiple_of3A, %add3A_5 : i32
    "tpu.region"() ({
      %run_scoped3A = tpu.sem_alloc : memref<!tpu.dma_semaphore, #tpu.memory_space<semaphore_mem>>
      %dma_start3A_37 = arith.constant 0 : i32
      %dma_start3A_38 = tpu.memref_slice %arg12[%add3A_6, %dma_start3A_37] : memref<10240x128xf32, #tpu.memory_space<vmem_shared>> -> memref<80x128xf32, #tpu.memory_space<vmem_shared>>
      %dma_start3A_39 = arith.constant 0 : i32
      %dma_start3A_40 = tpu.memref_slice %arg12[%add3A_6, %dma_start3A_39] : memref<10240x128xf32, #tpu.memory_space<vmem_shared>> -> memref<80x128xf32, #tpu.memory_space<vmem_shared>>
      tpu.enqueue_dma source(%arg11 : memref<80x128xf32, #tpu.memory_space<vmem>>) target(%dma_start3A_40 : memref<80x128xf32, #tpu.memory_space<vmem_shared>>) target_semaphore(%run_scoped3A : memref<!tpu.dma_semaphore, #tpu.memory_space<semaphore_mem>>)
      %dma_wait3A = arith.constant 0 : i32
      %dma_wait3A_41 = tpu.memref_slice %arg12[%add3A_6, %dma_wait3A] : memref<10240x128xf32, #tpu.memory_space<vmem_shared>> -> memref<80x128xf32, #tpu.memory_space<vmem_shared>>
      %dma_wait3A_42 = arith.constant 0 : i32
      %dma_wait3A_43 = tpu.memref_slice %arg12[%add3A_6, %dma_wait3A_42] : memref<10240x128xf32, #tpu.memory_space<vmem_shared>> -> memref<80x128xf32, #tpu.memory_space<vmem_shared>>
      tpu.wait_dma2 semaphore(%run_scoped3A : memref<!tpu.dma_semaphore, #tpu.memory_space<semaphore_mem>>) src(%arg11 : memref<80x128xf32, #tpu.memory_space<vmem>>) dst(%dma_wait3A_43 : memref<80x128xf32, #tpu.memory_space<vmem_shared>>)
      tpu.yield
    }) : () -> ()
    %add3A_7 = arith.constant 160 : i32
    %add3A_8 = arith.addi %multiple_of3A, %add3A_7 : i32
    "tpu.region"() ({
      %run_scoped3A = tpu.sem_alloc : memref<!tpu.dma_semaphore, #tpu.memory_space<semaphore_mem>>
      %dma_start3A_37 = arith.constant 0 : i32
      %dma_start3A_38 = tpu.memref_slice %arg12[%add3A_8, %dma_start3A_37] : memref<10240x128xf32, #tpu.memory_space<vmem_shared>> -> memref<80x128xf32, #tpu.memory_space<vmem_shared>>
      %dma_start3A_39 = arith.constant 0 : i32
      %dma_start3A_40 = tpu.memref_slice %arg12[%add3A_8, %dma_start3A_39] : memref<10240x128xf32, #tpu.memory_space<vmem_shared>> -> memref<80x128xf32, #tpu.memory_space<vmem_shared>>
      tpu.enqueue_dma source(%arg11 : memref<80x128xf32, #tpu.memory_space<vmem>>) target(%dma_start3A_40 : memref<80x128xf32, #tpu.memory_space<vmem_shared>>) target_semaphore(%run_scoped3A : memref<!tpu.dma_semaphore, #tpu.memory_space<semaphore_mem>>)
      %dma_wait3A = arith.constant 0 : i32
      %dma_wait3A_41 = tpu.memref_slice %arg12[%add3A_8, %dma_wait3A] : memref<10240x128xf32, #tpu.memory_space<vmem_shared>> -> memref<80x128xf32, #tpu.memory_space<vmem_shared>>
      %dma_wait3A_42 = arith.constant 0 : i32
      %dma_wait3A_43 = tpu.memref_slice %arg12[%add3A_8, %dma_wait3A_42] : memref<10240x128xf32, #tpu.memory_space<vmem_shared>> -> memref<80x128xf32, #tpu.memory_space<vmem_shared>>
      tpu.wait_dma2 semaphore(%run_scoped3A : memref<!tpu.dma_semaphore, #tpu.memory_space<semaphore_mem>>) src(%arg11 : memref<80x128xf32, #tpu.memory_space<vmem>>) dst(%dma_wait3A_43 : memref<80x128xf32, #tpu.memory_space<vmem_shared>>)
      tpu.yield
    }) : () -> ()
    %add3A_9 = arith.constant 240 : i32
    %add3A_10 = arith.addi %multiple_of3A, %add3A_9 : i32
    "tpu.region"() ({
      %run_scoped3A = tpu.sem_alloc : memref<!tpu.dma_semaphore, #tpu.memory_space<semaphore_mem>>
      %dma_start3A_37 = arith.constant 0 : i32
      %dma_start3A_38 = tpu.memref_slice %arg12[%add3A_10, %dma_start3A_37] : memref<10240x128xf32, #tpu.memory_space<vmem_shared>> -> memref<80x128xf32, #tpu.memory_space<vmem_shared>>
      %dma_start3A_39 = arith.constant 0 : i32
      %dma_start3A_40 = tpu.memref_slice %arg12[%add3A_10, %dma_start3A_39] : memref<10240x128xf32, #tpu.memory_space<vmem_shared>> -> memref<80x128xf32, #tpu.memory_space<vmem_shared>>
      tpu.enqueue_dma source(%arg11 : memref<80x128xf32, #tpu.memory_space<vmem>>) target(%dma_start3A_40 : memref<80x128xf32, #tpu.memory_space<vmem_shared>>) target_semaphore(%run_scoped3A : memref<!tpu.dma_semaphore, #tpu.memory_space<semaphore_mem>>)
      %dma_wait3A = arith.constant 0 : i32
      %dma_wait3A_41 = tpu.memref_slice %arg12[%add3A_10, %dma_wait3A] : memref<10240x128xf32, #tpu.memory_space<vmem_shared>> -> memref<80x128xf32, #tpu.memory_space<vmem_shared>>
      %dma_wait3A_42 = arith.constant 0 : i32
      %dma_wait3A_43 = tpu.memref_slice %arg12[%add3A_10, %dma_wait3A_42] : memref<10240x128xf32, #tpu.memory_space<vmem_shared>> -> memref<80x128xf32, #tpu.memory_space<vmem_shared>>
      tpu.wait_dma2 semaphore(%run_scoped3A : memref<!tpu.dma_semaphore, #tpu.memory_space<semaphore_mem>>) src(%arg11 : memref<80x128xf32, #tpu.memory_space<vmem>>) dst(%dma_wait3A_43 : memref<80x128xf32, #tpu.memory_space<vmem_shared>>)
      tpu.yield
    }) : () -> ()
    %add3A_11 = arith.constant 320 : i32
    %add3A_12 = arith.addi %multiple_of3A, %add3A_11 : i32
    "tpu.region"() ({
      %run_scoped3A = tpu.sem_alloc : memref<!tpu.dma_semaphore, #tpu.memory_space<semaphore_mem>>
      %dma_start3A_37 = arith.constant 0 : i32
      %dma_start3A_38 = tpu.memref_slice %arg12[%add3A_12, %dma_start3A_37] : memref<10240x128xf32, #tpu.memory_space<vmem_shared>> -> memref<80x128xf32, #tpu.memory_space<vmem_shared>>
      %dma_start3A_39 = arith.constant 0 : i32
      %dma_start3A_40 = tpu.memref_slice %arg12[%add3A_12, %dma_start3A_39] : memref<10240x128xf32, #tpu.memory_space<vmem_shared>> -> memref<80x128xf32, #tpu.memory_space<vmem_shared>>
      tpu.enqueue_dma source(%arg11 : memref<80x128xf32, #tpu.memory_space<vmem>>) target(%dma_start3A_40 : memref<80x128xf32, #tpu.memory_space<vmem_shared>>) target_semaphore(%run_scoped3A : memref<!tpu.dma_semaphore, #tpu.memory_space<semaphore_mem>>)
      %dma_wait3A = arith.constant 0 : i32
      %dma_wait3A_41 = tpu.memref_slice %arg12[%add3A_12, %dma_wait3A] : memref<10240x128xf32, #tpu.memory_space<vmem_shared>> -> memref<80x128xf32, #tpu.memory_space<vmem_shared>>
      %dma_wait3A_42 = arith.constant 0 : i32
      %dma_wait3A_43 = tpu.memref_slice %arg12[%add3A_12, %dma_wait3A_42] : memref<10240x128xf32, #tpu.memory_space<vmem_shared>> -> memref<80x128xf32, #tpu.memory_space<vmem_shared>>
      tpu.wait_dma2 semaphore(%run_scoped3A : memref<!tpu.dma_semaphore, #tpu.memory_space<semaphore_mem>>) src(%arg11 : memref<80x128xf32, #tpu.memory_space<vmem>>) dst(%dma_wait3A_43 : memref<80x128xf32, #tpu.memory_space<vmem_shared>>)
      tpu.yield
    }) : () -> ()
    %add3A_13 = arith.constant 400 : i32
    %add3A_14 = arith.addi %multiple_of3A, %add3A_13 : i32
    "tpu.region"() ({
      %run_scoped3A = tpu.sem_alloc : memref<!tpu.dma_semaphore, #tpu.memory_space<semaphore_mem>>
      %dma_start3A_37 = arith.constant 0 : i32
      %dma_start3A_38 = tpu.memref_slice %arg12[%add3A_14, %dma_start3A_37] : memref<10240x128xf32, #tpu.memory_space<vmem_shared>> -> memref<80x128xf32, #tpu.memory_space<vmem_shared>>
      %dma_start3A_39 = arith.constant 0 : i32
      %dma_start3A_40 = tpu.memref_slice %arg12[%add3A_14, %dma_start3A_39] : memref<10240x128xf32, #tpu.memory_space<vmem_shared>> -> memref<80x128xf32, #tpu.memory_space<vmem_shared>>
      tpu.enqueue_dma source(%arg11 : memref<80x128xf32, #tpu.memory_space<vmem>>) target(%dma_start3A_40 : memref<80x128xf32, #tpu.memory_space<vmem_shared>>) target_semaphore(%run_scoped3A : memref<!tpu.dma_semaphore, #tpu.memory_space<semaphore_mem>>)
      %dma_wait3A = arith.constant 0 : i32
      %dma_wait3A_41 = tpu.memref_slice %arg12[%add3A_14, %dma_wait3A] : memref<10240x128xf32, #tpu.memory_space<vmem_shared>> -> memref<80x128xf32, #tpu.memory_space<vmem_shared>>
      %dma_wait3A_42 = arith.constant 0 : i32
      %dma_wait3A_43 = tpu.memref_slice %arg12[%add3A_14, %dma_wait3A_42] : memref<10240x128xf32, #tpu.memory_space<vmem_shared>> -> memref<80x128xf32, #tpu.memory_space<vmem_shared>>
      tpu.wait_dma2 semaphore(%run_scoped3A : memref<!tpu.dma_semaphore, #tpu.memory_space<semaphore_mem>>) src(%arg11 : memref<80x128xf32, #tpu.memory_space<vmem>>) dst(%dma_wait3A_43 : memref<80x128xf32, #tpu.memory_space<vmem_shared>>)
      tpu.yield
    }) : () -> ()
    %add3A_15 = arith.constant 480 : i32
    %add3A_16 = arith.addi %multiple_of3A, %add3A_15 : i32
    "tpu.region"() ({
      %run_scoped3A = tpu.sem_alloc : memref<!tpu.dma_semaphore, #tpu.memory_space<semaphore_mem>>
      %dma_start3A_37 = arith.constant 0 : i32
      %dma_start3A_38 = tpu.memref_slice %arg12[%add3A_16, %dma_start3A_37] : memref<10240x128xf32, #tpu.memory_space<vmem_shared>> -> memref<80x128xf32, #tpu.memory_space<vmem_shared>>
      %dma_start3A_39 = arith.constant 0 : i32
      %dma_start3A_40 = tpu.memref_slice %arg12[%add3A_16, %dma_start3A_39] : memref<10240x128xf32, #tpu.memory_space<vmem_shared>> -> memref<80x128xf32, #tpu.memory_space<vmem_shared>>
      tpu.enqueue_dma source(%arg11 : memref<80x128xf32, #tpu.memory_space<vmem>>) target(%dma_start3A_40 : memref<80x128xf32, #tpu.memory_space<vmem_shared>>) target_semaphore(%run_scoped3A : memref<!tpu.dma_semaphore, #tpu.memory_space<semaphore_mem>>)
      %dma_wait3A = arith.constant 0 : i32
      %dma_wait3A_41 = tpu.memref_slice %arg12[%add3A_16, %dma_wait3A] : memref<10240x128xf32, #tpu.memory_space<vmem_shared>> -> memref<80x128xf32, #tpu.memory_space<vmem_shared>>
      %dma_wait3A_42 = arith.constant 0 : i32
      %dma_wait3A_43 = tpu.memref_slice %arg12[%add3A_16, %dma_wait3A_42] : memref<10240x128xf32, #tpu.memory_space<vmem_shared>> -> memref<80x128xf32, #tpu.memory_space<vmem_shared>>
      tpu.wait_dma2 semaphore(%run_scoped3A : memref<!tpu.dma_semaphore, #tpu.memory_space<semaphore_mem>>) src(%arg11 : memref<80x128xf32, #tpu.memory_space<vmem>>) dst(%dma_wait3A_43 : memref<80x128xf32, #tpu.memory_space<vmem_shared>>)
      tpu.yield
    }) : () -> ()
    %add3A_17 = arith.constant 560 : i32
    %add3A_18 = arith.addi %multiple_of3A, %add3A_17 : i32
    "tpu.region"() ({
      %run_scoped3A = tpu.sem_alloc : memref<!tpu.dma_semaphore, #tpu.memory_space<semaphore_mem>>
      %dma_start3A_37 = arith.constant 0 : i32
      %dma_start3A_38 = tpu.memref_slice %arg12[%add3A_18, %dma_start3A_37] : memref<10240x128xf32, #tpu.memory_space<vmem_shared>> -> memref<80x128xf32, #tpu.memory_space<vmem_shared>>
      %dma_start3A_39 = arith.constant 0 : i32
      %dma_start3A_40 = tpu.memref_slice %arg12[%add3A_18, %dma_start3A_39] : memref<10240x128xf32, #tpu.memory_space<vmem_shared>> -> memref<80x128xf32, #tpu.memory_space<vmem_shared>>
      tpu.enqueue_dma source(%arg11 : memref<80x128xf32, #tpu.memory_space<vmem>>) target(%dma_start3A_40 : memref<80x128xf32, #tpu.memory_space<vmem_shared>>) target_semaphore(%run_scoped3A : memref<!tpu.dma_semaphore, #tpu.memory_space<semaphore_mem>>)
      %dma_wait3A = arith.constant 0 : i32
      %dma_wait3A_41 = tpu.memref_slice %arg12[%add3A_18, %dma_wait3A] : memref<10240x128xf32, #tpu.memory_space<vmem_shared>> -> memref<80x128xf32, #tpu.memory_space<vmem_shared>>
      %dma_wait3A_42 = arith.constant 0 : i32
      %dma_wait3A_43 = tpu.memref_slice %arg12[%add3A_18, %dma_wait3A_42] : memref<10240x128xf32, #tpu.memory_space<vmem_shared>> -> memref<80x128xf32, #tpu.memory_space<vmem_shared>>
      tpu.wait_dma2 semaphore(%run_scoped3A : memref<!tpu.dma_semaphore, #tpu.memory_space<semaphore_mem>>) src(%arg11 : memref<80x128xf32, #tpu.memory_space<vmem>>) dst(%dma_wait3A_43 : memref<80x128xf32, #tpu.memory_space<vmem_shared>>)
      tpu.yield
    }) : () -> ()
    %barrier3A = arith.constant 0 : index
    tpu.barrier barrier_id(%barrier3A)
    "tpu.region"() ({
      %run_scoped3A = tpu.sem_alloc : memref<!tpu.dma_semaphore, #tpu.memory_space<semaphore_mem>>
      %dma_start3A_37 = arith.constant 0 : i32
      %dma_start3A_38 = arith.constant 0 : i32
      %dma_start3A_39 = tpu.memref_slice %arg3[%add3A, %dma_start3A_37, %dma_start3A_38] : memref<32x160x64xi32, #tpu.memory_space<hbm>> -> memref<1x160x64xi32, #tpu.memory_space<hbm>>
      %dma_start3A_40 = tpu.memref_squeeze %dma_start3A_39 : memref<1x160x64xi32, #tpu.memory_space<hbm>> -> memref<160x64xi32, #tpu.memory_space<hbm>>
      %dma_start3A_41 = arith.constant 0 : i32
      %dma_start3A_42 = arith.constant 0 : i32
      %dma_start3A_43 = tpu.memref_slice %arg3[%add3A, %dma_start3A_41, %dma_start3A_42] : memref<32x160x64xi32, #tpu.memory_space<hbm>> -> memref<1x160x64xi32, #tpu.memory_space<hbm>>
      %dma_start3A_44 = tpu.memref_squeeze %dma_start3A_43 : memref<1x160x64xi32, #tpu.memory_space<hbm>> -> memref<160x64xi32, #tpu.memory_space<hbm>>
      tpu.enqueue_dma source(%dma_start3A_44 : memref<160x64xi32, #tpu.memory_space<hbm>>) target(%arg7 : memref<160x64xi32, #tpu.memory_space<vmem>>) target_semaphore(%run_scoped3A : memref<!tpu.dma_semaphore, #tpu.memory_space<semaphore_mem>>)
      %dma_wait3A = arith.constant 0 : i32
      %dma_wait3A_45 = arith.constant 0 : i32
      %dma_wait3A_46 = tpu.memref_slice %arg3[%add3A, %dma_wait3A, %dma_wait3A_45] : memref<32x160x64xi32, #tpu.memory_space<hbm>> -> memref<1x160x64xi32, #tpu.memory_space<hbm>>
      %dma_wait3A_47 = tpu.memref_squeeze %dma_wait3A_46 : memref<1x160x64xi32, #tpu.memory_space<hbm>> -> memref<160x64xi32, #tpu.memory_space<hbm>>
      %dma_wait3A_48 = arith.constant 0 : i32
      %dma_wait3A_49 = arith.constant 0 : i32
      %dma_wait3A_50 = tpu.memref_slice %arg3[%add3A, %dma_wait3A_48, %dma_wait3A_49] : memref<32x160x64xi32, #tpu.memory_space<hbm>> -> memref<1x160x64xi32, #tpu.memory_space<hbm>>
      %dma_wait3A_51 = tpu.memref_squeeze %dma_wait3A_50 : memref<1x160x64xi32, #tpu.memory_space<hbm>> -> memref<160x64xi32, #tpu.memory_space<hbm>>
      tpu.wait_dma2 semaphore(%run_scoped3A : memref<!tpu.dma_semaphore, #tpu.memory_space<semaphore_mem>>) src(%dma_wait3A_51 : memref<160x64xi32, #tpu.memory_space<hbm>>) dst(%arg7 : memref<160x64xi32, #tpu.memory_space<vmem>>)
      tpu.yield
    }) : () -> ()
    "tpu.region"() ({
      %run_scoped3A = tpu.sem_alloc : memref<!tpu.dma_semaphore, #tpu.memory_space<semaphore_mem>>
      %dma_start3A_37 = arith.constant 0 : i32
      %dma_start3A_38 = arith.constant 0 : i32
      %dma_start3A_39 = tpu.memref_slice %arg4[%add3A, %dma_start3A_37, %dma_start3A_38] : memref<32x160x64xi32, #tpu.memory_space<hbm>> -> memref<1x160x64xi32, #tpu.memory_space<hbm>>
      %dma_start3A_40 = tpu.memref_squeeze %dma_start3A_39 : memref<1x160x64xi32, #tpu.memory_space<hbm>> -> memref<160x64xi32, #tpu.memory_space<hbm>>
      %dma_start3A_41 = arith.constant 0 : i32
      %dma_start3A_42 = arith.constant 0 : i32
      %dma_start3A_43 = tpu.memref_slice %arg4[%add3A, %dma_start3A_41, %dma_start3A_42] : memref<32x160x64xi32, #tpu.memory_space<hbm>> -> memref<1x160x64xi32, #tpu.memory_space<hbm>>
      %dma_start3A_44 = tpu.memref_squeeze %dma_start3A_43 : memref<1x160x64xi32, #tpu.memory_space<hbm>> -> memref<160x64xi32, #tpu.memory_space<hbm>>
      tpu.enqueue_dma source(%dma_start3A_44 : memref<160x64xi32, #tpu.memory_space<hbm>>) target(%arg8 : memref<160x64xi32, #tpu.memory_space<vmem>>) target_semaphore(%run_scoped3A : memref<!tpu.dma_semaphore, #tpu.memory_space<semaphore_mem>>)
      %dma_wait3A = arith.constant 0 : i32
      %dma_wait3A_45 = arith.constant 0 : i32
      %dma_wait3A_46 = tpu.memref_slice %arg4[%add3A, %dma_wait3A, %dma_wait3A_45] : memref<32x160x64xi32, #tpu.memory_space<hbm>> -> memref<1x160x64xi32, #tpu.memory_space<hbm>>
      %dma_wait3A_47 = tpu.memref_squeeze %dma_wait3A_46 : memref<1x160x64xi32, #tpu.memory_space<hbm>> -> memref<160x64xi32, #tpu.memory_space<hbm>>
      %dma_wait3A_48 = arith.constant 0 : i32
      %dma_wait3A_49 = arith.constant 0 : i32
      %dma_wait3A_50 = tpu.memref_slice %arg4[%add3A, %dma_wait3A_48, %dma_wait3A_49] : memref<32x160x64xi32, #tpu.memory_space<hbm>> -> memref<1x160x64xi32, #tpu.memory_space<hbm>>
      %dma_wait3A_51 = tpu.memref_squeeze %dma_wait3A_50 : memref<1x160x64xi32, #tpu.memory_space<hbm>> -> memref<160x64xi32, #tpu.memory_space<hbm>>
      tpu.wait_dma2 semaphore(%run_scoped3A : memref<!tpu.dma_semaphore, #tpu.memory_space<semaphore_mem>>) src(%dma_wait3A_51 : memref<160x64xi32, #tpu.memory_space<hbm>>) dst(%arg8 : memref<160x64xi32, #tpu.memory_space<vmem>>)
      tpu.yield
    }) : () -> ()
    %dma_start3A = arith.constant 0 : i32
    %dma_start3A_19 = arith.constant 0 : i32
    %dma_start3A_20 = tpu.memref_slice %arg7[%dma_start3A, %dma_start3A_19] : memref<160x64xi32, #tpu.memory_space<vmem>> -> memref<1x64xi32, #tpu.memory_space<vmem>>
    %dma_start3A_21 = tpu.memref_squeeze %dma_start3A_20 : memref<1x64xi32, #tpu.memory_space<vmem>> -> memref<64xi32, #tpu.memory_space<vmem>>
    %dma_start3A_22 = arith.constant 0 : i32
    %dma_start3A_23 = arith.constant 0 : i32
    %dma_start3A_24 = tpu.memref_slice %arg2[%dma_start3A_22, %dma_start3A_23] : memref<10000x128xf32, #tpu.memory_space<hbm>> -> memref<10000x128xf32, #tpu.memory_space<hbm>>
    tpu.enqueue_indirect_dma source(%dma_start3A_24 : memref<10000x128xf32, #tpu.memory_space<hbm>>) target(%arg9 : memref<64x128xf32, #tpu.memory_space<vmem>>) offsets(%dma_start3A_21 : memref<64xi32, #tpu.memory_space<vmem>>) semaphore(%arg13 : memref<!tpu.dma_semaphore, #tpu.memory_space<semaphore_mem>>)
    %scan3A = arith.constant 0 : i32
    %scan3A_25 = arith.constant 0 : i32
    %scan3A_26 = arith.constant 80 : i32
    %scan3A_27 = arith.addi %scan3A_25, %scan3A_26 : i32
    %scan3A_28 = arith.constant 1 : i32
    scf.for %scan3A_37 = %scan3A_25 to %scan3A_27 step %scan3A_28  : i32 {
      %mul3A_38 = arith.constant 2 : i32
      %mul3A_39 = arith.muli %scan3A_37, %mul3A_38 : i32
      %add3A_40 = arith.constant 0 : i32
      %add3A_41 = arith.addi %mul3A_39, %add3A_40 : i32
      %add3A_42 = arith.constant 2 : i32
      %add3A_43 = arith.addi %add3A_41, %add3A_42 : i32
      %sub3A = arith.constant 1 : i32
      %sub3A_44 = arith.subi %add3A_43, %sub3A : i32
      %lt3A_45 = arith.constant 160 : i32
      %lt3A_46 = arith.cmpi slt, %sub3A_44, %lt3A_45 : i32
      %convert_element_type3A_47 = arith.extui %lt3A_46 : i1 to i32
      %cond3A_48 = arith.constant 0 : i32
      %cond3A_49 = arith.cmpi ne, %convert_element_type3A_47, %cond3A_48 : i32
      scf.if %cond3A_49 {
        %add3A_72 = arith.constant 2 : i32
        %add3A_73 = arith.addi %add3A_41, %add3A_72 : i32
        %sub3A_74 = arith.constant 1 : i32
        %sub3A_75 = arith.subi %add3A_73, %sub3A_74 : i32
        %dma_start3A_76 = arith.constant 0 : i32
        %dma_start3A_77 = tpu.memref_slice %arg7[%sub3A_75, %dma_start3A_76] : memref<160x64xi32, #tpu.memory_space<vmem>> -> memref<1x64xi32, #tpu.memory_space<vmem>>
        %dma_start3A_78 = tpu.memref_squeeze %dma_start3A_77 : memref<1x64xi32, #tpu.memory_space<vmem>> -> memref<64xi32, #tpu.memory_space<vmem>>
        %dma_start3A_79 = arith.constant 0 : i32
        %dma_start3A_80 = arith.constant 0 : i32
        %dma_start3A_81 = tpu.memref_slice %arg2[%dma_start3A_79, %dma_start3A_80] : memref<10000x128xf32, #tpu.memory_space<hbm>> -> memref<10000x128xf32, #tpu.memory_space<hbm>>
        tpu.enqueue_indirect_dma source(%dma_start3A_81 : memref<10000x128xf32, #tpu.memory_space<hbm>>) target(%arg10 : memref<64x128xf32, #tpu.memory_space<vmem>>) offsets(%dma_start3A_78 : memref<64xi32, #tpu.memory_space<vmem>>) semaphore(%arg14 : memref<!tpu.dma_semaphore, #tpu.memory_space<semaphore_mem>>)
      } else {
      }
      %dma_wait3A = arith.constant 0 : i32
      %dma_wait3A_50 = tpu.memref_slice %arg7[%add3A_41, %dma_wait3A] : memref<160x64xi32, #tpu.memory_space<vmem>> -> memref<1x64xi32, #tpu.memory_space<vmem>>
      %dma_wait3A_51 = tpu.memref_squeeze %dma_wait3A_50 : memref<1x64xi32, #tpu.memory_space<vmem>> -> memref<64xi32, #tpu.memory_space<vmem>>
      %dma_wait3A_52 = arith.constant 0 : i32
      %dma_wait3A_53 = arith.constant 0 : i32
      %dma_wait3A_54 = tpu.memref_slice %arg2[%dma_wait3A_52, %dma_wait3A_53] : memref<10000x128xf32, #tpu.memory_space<hbm>> -> memref<10000x128xf32, #tpu.memory_space<hbm>>
      tpu.wait_indirect_dma semaphore(%arg13 : memref<!tpu.dma_semaphore, #tpu.memory_space<semaphore_mem>>) src(%dma_wait3A_54 : memref<10000x128xf32, #tpu.memory_space<hbm>>) dst(%arg9 : memref<64x128xf32, #tpu.memory_space<vmem>>)
      "tpu.region"() ({
        %run_scoped3A = tpu.sem_alloc : memref<!tpu.dma_semaphore, #tpu.memory_space<semaphore_mem>>
        %dma_start3A_72 = arith.constant 0 : i32
        %dma_start3A_73 = tpu.memref_slice %arg8[%add3A_41, %dma_start3A_72] : memref<160x64xi32, #tpu.memory_space<vmem>> -> memref<1x64xi32, #tpu.memory_space<vmem>>
        %dma_start3A_74 = tpu.memref_squeeze %dma_start3A_73 : memref<1x64xi32, #tpu.memory_space<vmem>> -> memref<64xi32, #tpu.memory_space<vmem>>
        %dma_start3A_75 = arith.constant 0 : i32
        %dma_start3A_76 = arith.constant 0 : i32
        %dma_start3A_77 = tpu.memref_slice %arg12[%dma_start3A_75, %dma_start3A_76] : memref<10240x128xf32, #tpu.memory_space<vmem_shared>> -> memref<10240x128xf32, #tpu.memory_space<vmem_shared>>
        tpu.enqueue_indirect_dma source(%arg9 : memref<64x128xf32, #tpu.memory_space<vmem>>) target(%dma_start3A_77 : memref<10240x128xf32, #tpu.memory_space<vmem_shared>>) offsets(%dma_start3A_74 : memref<64xi32, #tpu.memory_space<vmem>>) semaphore(%run_scoped3A : memref<!tpu.dma_semaphore, #tpu.memory_space<semaphore_mem>>) {add = true}
        %dma_wait3A_78 = arith.constant 0 : i32
        %dma_wait3A_79 = tpu.memref_slice %arg8[%add3A_41, %dma_wait3A_78] : memref<160x64xi32, #tpu.memory_space<vmem>> -> memref<1x64xi32, #tpu.memory_space<vmem>>
        %dma_wait3A_80 = tpu.memref_squeeze %dma_wait3A_79 : memref<1x64xi32, #tpu.memory_space<vmem>> -> memref<64xi32, #tpu.memory_space<vmem>>
        %dma_wait3A_81 = arith.constant 0 : i32
        %dma_wait3A_82 = arith.constant 0 : i32
        %dma_wait3A_83 = tpu.memref_slice %arg12[%dma_wait3A_81, %dma_wait3A_82] : memref<10240x128xf32, #tpu.memory_space<vmem_shared>> -> memref<10240x128xf32, #tpu.memory_space<vmem_shared>>
        tpu.wait_indirect_dma semaphore(%run_scoped3A : memref<!tpu.dma_semaphore, #tpu.memory_space<semaphore_mem>>) src(%arg9 : memref<64x128xf32, #tpu.memory_space<vmem>>) dst(%dma_wait3A_83 : memref<10240x128xf32, #tpu.memory_space<vmem_shared>>)
        tpu.yield
      }) : () -> ()
      %add3A_55 = arith.constant 1 : i32
      %add3A_56 = arith.addi %mul3A_39, %add3A_55 : i32
      %add3A_57 = arith.constant 2 : i32
      %add3A_58 = arith.addi %add3A_56, %add3A_57 : i32
      %sub3A_59 = arith.constant 1 : i32
      %sub3A_60 = arith.subi %add3A_58, %sub3A_59 : i32
      %lt3A_61 = arith.constant 160 : i32
      %lt3A_62 = arith.cmpi slt, %sub3A_60, %lt3A_61 : i32
      %convert_element_type3A_63 = arith.extui %lt3A_62 : i1 to i32
      %cond3A_64 = arith.constant 0 : i32
      %cond3A_65 = arith.cmpi ne, %convert_element_type3A_63, %cond3A_64 : i32
      scf.if %cond3A_65 {
        %add3A_72 = arith.constant 2 : i32
        %add3A_73 = arith.addi %add3A_56, %add3A_72 : i32
        %sub3A_74 = arith.constant 1 : i32
        %sub3A_75 = arith.subi %add3A_73, %sub3A_74 : i32
        %dma_start3A_76 = arith.constant 0 : i32
        %dma_start3A_77 = tpu.memref_slice %arg7[%sub3A_75, %dma_start3A_76] : memref<160x64xi32, #tpu.memory_space<vmem>> -> memref<1x64xi32, #tpu.memory_space<vmem>>
        %dma_start3A_78 = tpu.memref_squeeze %dma_start3A_77 : memref<1x64xi32, #tpu.memory_space<vmem>> -> memref<64xi32, #tpu.memory_space<vmem>>
        %dma_start3A_79 = arith.constant 0 : i32
        %dma_start3A_80 = arith.constant 0 : i32
        %dma_start3A_81 = tpu.memref_slice %arg2[%dma_start3A_79, %dma_start3A_80] : memref<10000x128xf32, #tpu.memory_space<hbm>> -> memref<10000x128xf32, #tpu.memory_space<hbm>>
        tpu.enqueue_indirect_dma source(%dma_start3A_81 : memref<10000x128xf32, #tpu.memory_space<hbm>>) target(%arg9 : memref<64x128xf32, #tpu.memory_space<vmem>>) offsets(%dma_start3A_78 : memref<64xi32, #tpu.memory_space<vmem>>) semaphore(%arg13 : memref<!tpu.dma_semaphore, #tpu.memory_space<semaphore_mem>>)
      } else {
      }
      %dma_wait3A_66 = arith.constant 0 : i32
      %dma_wait3A_67 = tpu.memref_slice %arg7[%add3A_56, %dma_wait3A_66] : memref<160x64xi32, #tpu.memory_space<vmem>> -> memref<1x64xi32, #tpu.memory_space<vmem>>
      %dma_wait3A_68 = tpu.memref_squeeze %dma_wait3A_67 : memref<1x64xi32, #tpu.memory_space<vmem>> -> memref<64xi32, #tpu.memory_space<vmem>>
      %dma_wait3A_69 = arith.constant 0 : i32
      %dma_wait3A_70 = arith.constant 0 : i32
      %dma_wait3A_71 = tpu.memref_slice %arg2[%dma_wait3A_69, %dma_wait3A_70] : memref<10000x128xf32, #tpu.memory_space<hbm>> -> memref<10000x128xf32, #tpu.memory_space<hbm>>
      tpu.wait_indirect_dma semaphore(%arg14 : memref<!tpu.dma_semaphore, #tpu.memory_space<semaphore_mem>>) src(%dma_wait3A_71 : memref<10000x128xf32, #tpu.memory_space<hbm>>) dst(%arg10 : memref<64x128xf32, #tpu.memory_space<vmem>>)
      "tpu.region"() ({
        %run_scoped3A = tpu.sem_alloc : memref<!tpu.dma_semaphore, #tpu.memory_space<semaphore_mem>>
        %dma_start3A_72 = arith.constant 0 : i32
        %dma_start3A_73 = tpu.memref_slice %arg8[%add3A_56, %dma_start3A_72] : memref<160x64xi32, #tpu.memory_space<vmem>> -> memref<1x64xi32, #tpu.memory_space<vmem>>
        %dma_start3A_74 = tpu.memref_squeeze %dma_start3A_73 : memref<1x64xi32, #tpu.memory_space<vmem>> -> memref<64xi32, #tpu.memory_space<vmem>>
        %dma_start3A_75 = arith.constant 0 : i32
        %dma_start3A_76 = arith.constant 0 : i32
        %dma_start3A_77 = tpu.memref_slice %arg12[%dma_start3A_75, %dma_start3A_76] : memref<10240x128xf32, #tpu.memory_space<vmem_shared>> -> memref<10240x128xf32, #tpu.memory_space<vmem_shared>>
        tpu.enqueue_indirect_dma source(%arg10 : memref<64x128xf32, #tpu.memory_space<vmem>>) target(%dma_start3A_77 : memref<10240x128xf32, #tpu.memory_space<vmem_shared>>) offsets(%dma_start3A_74 : memref<64xi32, #tpu.memory_space<vmem>>) semaphore(%run_scoped3A : memref<!tpu.dma_semaphore, #tpu.memory_space<semaphore_mem>>) {add = true}
        %dma_wait3A_78 = arith.constant 0 : i32
        %dma_wait3A_79 = tpu.memref_slice %arg8[%add3A_56, %dma_wait3A_78] : memref<160x64xi32, #tpu.memory_space<vmem>> -> memref<1x64xi32, #tpu.memory_space<vmem>>
        %dma_wait3A_80 = tpu.memref_squeeze %dma_wait3A_79 : memref<1x64xi32, #tpu.memory_space<vmem>> -> memref<64xi32, #tpu.memory_space<vmem>>
        %dma_wait3A_81 = arith.constant 0 : i32
        %dma_wait3A_82 = arith.constant 0 : i32
        %dma_wait3A_83 = tpu.memref_slice %arg12[%dma_wait3A_81, %dma_wait3A_82] : memref<10240x128xf32, #tpu.memory_space<vmem_shared>> -> memref<10240x128xf32, #tpu.memory_space<vmem_shared>>
        tpu.wait_indirect_dma semaphore(%run_scoped3A : memref<!tpu.dma_semaphore, #tpu.memory_space<semaphore_mem>>) src(%arg10 : memref<64x128xf32, #tpu.memory_space<vmem>>) dst(%dma_wait3A_83 : memref<10240x128xf32, #tpu.memory_space<vmem_shared>>)
        tpu.yield
      }) : () -> ()
    }
    %scan3A_29 = arith.constant 80 : i32
    %barrier3A_30 = arith.constant 0 : index
    tpu.barrier barrier_id(%barrier3A_30)
    %lt3A = arith.constant 15 : i32
    %lt3A_31 = arith.cmpi slt, %arg1, %lt3A : i32
    %convert_element_type3A = arith.extui %lt3A_31 : i1 to i32
    %cond3A = arith.constant 0 : i32
    %cond3A_32 = arith.cmpi ne, %convert_element_type3A, %cond3A : i32
    scf.if %cond3A_32 {
      %add3A_37 = arith.constant 0 : i32
      %add3A_38 = arith.addi %multiple_of3A, %add3A_37 : i32
      "tpu.region"() ({
        %run_scoped3A = tpu.sem_alloc : memref<!tpu.dma_semaphore, #tpu.memory_space<semaphore_mem>>
        %dma_start3A_69 = arith.constant 0 : i32
        %dma_start3A_70 = tpu.memref_slice %arg12[%add3A_38, %dma_start3A_69] : memref<10240x128xf32, #tpu.memory_space<vmem_shared>> -> memref<80x128xf32, #tpu.memory_space<vmem_shared>>
        %dma_start3A_71 = arith.constant 0 : i32
        %dma_start3A_72 = tpu.memref_slice %arg12[%add3A_38, %dma_start3A_71] : memref<10240x128xf32, #tpu.memory_space<vmem_shared>> -> memref<80x128xf32, #tpu.memory_space<vmem_shared>>
        tpu.enqueue_dma source(%dma_start3A_72 : memref<80x128xf32, #tpu.memory_space<vmem_shared>>) target(%arg11 : memref<80x128xf32, #tpu.memory_space<vmem>>) target_semaphore(%run_scoped3A : memref<!tpu.dma_semaphore, #tpu.memory_space<semaphore_mem>>)
        %dma_wait3A = arith.constant 0 : i32
        %dma_wait3A_73 = tpu.memref_slice %arg12[%add3A_38, %dma_wait3A] : memref<10240x128xf32, #tpu.memory_space<vmem_shared>> -> memref<80x128xf32, #tpu.memory_space<vmem_shared>>
        %dma_wait3A_74 = arith.constant 0 : i32
        %dma_wait3A_75 = tpu.memref_slice %arg12[%add3A_38, %dma_wait3A_74] : memref<10240x128xf32, #tpu.memory_space<vmem_shared>> -> memref<80x128xf32, #tpu.memory_space<vmem_shared>>
        tpu.wait_dma2 semaphore(%run_scoped3A : memref<!tpu.dma_semaphore, #tpu.memory_space<semaphore_mem>>) src(%dma_wait3A_75 : memref<80x128xf32, #tpu.memory_space<vmem_shared>>) dst(%arg11 : memref<80x128xf32, #tpu.memory_space<vmem>>)
        tpu.yield
      }) : () -> ()
      %add3A_39 = arith.constant 0 : i32
      %add3A_40 = arith.addi %multiple_of3A, %add3A_39 : i32
      "tpu.region"() ({
        %run_scoped3A = tpu.sem_alloc : memref<!tpu.dma_semaphore, #tpu.memory_space<semaphore_mem>>
        %dma_start3A_69 = arith.constant 0 : i32
        %dma_start3A_70 = tpu.memref_slice %arg6[%arg0, %add3A_40, %dma_start3A_69] : memref<2x10000x128xf32, #tpu.memory_space<hbm>> -> memref<1x80x128xf32, #tpu.memory_space<hbm>>
        %dma_start3A_71 = tpu.memref_squeeze %dma_start3A_70 : memref<1x80x128xf32, #tpu.memory_space<hbm>> -> memref<80x128xf32, #tpu.memory_space<hbm>>
        %dma_start3A_72 = arith.constant 0 : i32
        %dma_start3A_73 = tpu.memref_slice %arg6[%arg0, %add3A_40, %dma_start3A_72] : memref<2x10000x128xf32, #tpu.memory_space<hbm>> -> memref<1x80x128xf32, #tpu.memory_space<hbm>>
        %dma_start3A_74 = tpu.memref_squeeze %dma_start3A_73 : memref<1x80x128xf32, #tpu.memory_space<hbm>> -> memref<80x128xf32, #tpu.memory_space<hbm>>
        tpu.enqueue_dma source(%arg11 : memref<80x128xf32, #tpu.memory_space<vmem>>) target(%dma_start3A_74 : memref<80x128xf32, #tpu.memory_space<hbm>>) target_semaphore(%run_scoped3A : memref<!tpu.dma_semaphore, #tpu.memory_space<semaphore_mem>>)
        %dma_wait3A = arith.constant 0 : i32
        %dma_wait3A_75 = tpu.memref_slice %arg6[%arg0, %add3A_40, %dma_wait3A] : memref<2x10000x128xf32, #tpu.memory_space<hbm>> -> memref<1x80x128xf32, #tpu.memory_space<hbm>>
        %dma_wait3A_76 = tpu.memref_squeeze %dma_wait3A_75 : memref<1x80x128xf32, #tpu.memory_space<hbm>> -> memref<80x128xf32, #tpu.memory_space<hbm>>
        %dma_wait3A_77 = arith.constant 0 : i32
        %dma_wait3A_78 = tpu.memref_slice %arg6[%arg0, %add3A_40, %dma_wait3A_77] : memref<2x10000x128xf32, #tpu.memory_space<hbm>> -> memref<1x80x128xf32, #tpu.memory_space<hbm>>
        %dma_wait3A_79 = tpu.memref_squeeze %dma_wait3A_78 : memref<1x80x128xf32, #tpu.memory_space<hbm>> -> memref<80x128xf32, #tpu.memory_space<hbm>>
        tpu.wait_dma2 semaphore(%run_scoped3A : memref<!tpu.dma_semaphore, #tpu.memory_space<semaphore_mem>>) src(%arg11 : memref<80x128xf32, #tpu.memory_space<vmem>>) dst(%dma_wait3A_79 : memref<80x128xf32, #tpu.memory_space<hbm>>)
        tpu.yield
      }) : () -> ()
      %add3A_41 = arith.constant 80 : i32
      %add3A_42 = arith.addi %multiple_of3A, %add3A_41 : i32
      "tpu.region"() ({
        %run_scoped3A = tpu.sem_alloc : memref<!tpu.dma_semaphore, #tpu.memory_space<semaphore_mem>>
        %dma_start3A_69 = arith.constant 0 : i32
        %dma_start3A_70 = tpu.memref_slice %arg12[%add3A_42, %dma_start3A_69] : memref<10240x128xf32, #tpu.memory_space<vmem_shared>> -> memref<80x128xf32, #tpu.memory_space<vmem_shared>>
        %dma_start3A_71 = arith.constant 0 : i32
        %dma_start3A_72 = tpu.memref_slice %arg12[%add3A_42, %dma_start3A_71] : memref<10240x128xf32, #tpu.memory_space<vmem_shared>> -> memref<80x128xf32, #tpu.memory_space<vmem_shared>>
        tpu.enqueue_dma source(%dma_start3A_72 : memref<80x128xf32, #tpu.memory_space<vmem_shared>>) target(%arg11 : memref<80x128xf32, #tpu.memory_space<vmem>>) target_semaphore(%run_scoped3A : memref<!tpu.dma_semaphore, #tpu.memory_space<semaphore_mem>>)
        %dma_wait3A = arith.constant 0 : i32
        %dma_wait3A_73 = tpu.memref_slice %arg12[%add3A_42, %dma_wait3A] : memref<10240x128xf32, #tpu.memory_space<vmem_shared>> -> memref<80x128xf32, #tpu.memory_space<vmem_shared>>
        %dma_wait3A_74 = arith.constant 0 : i32
        %dma_wait3A_75 = tpu.memref_slice %arg12[%add3A_42, %dma_wait3A_74] : memref<10240x128xf32, #tpu.memory_space<vmem_shared>> -> memref<80x128xf32, #tpu.memory_space<vmem_shared>>
        tpu.wait_dma2 semaphore(%run_scoped3A : memref<!tpu.dma_semaphore, #tpu.memory_space<semaphore_mem>>) src(%dma_wait3A_75 : memref<80x128xf32, #tpu.memory_space<vmem_shared>>) dst(%arg11 : memref<80x128xf32, #tpu.memory_space<vmem>>)
        tpu.yield
      }) : () -> ()
      %add3A_43 = arith.constant 80 : i32
      %add3A_44 = arith.addi %multiple_of3A, %add3A_43 : i32
      "tpu.region"() ({
        %run_scoped3A = tpu.sem_alloc : memref<!tpu.dma_semaphore, #tpu.memory_space<semaphore_mem>>
        %dma_start3A_69 = arith.constant 0 : i32
        %dma_start3A_70 = tpu.memref_slice %arg6[%arg0, %add3A_44, %dma_start3A_69] : memref<2x10000x128xf32, #tpu.memory_space<hbm>> -> memref<1x80x128xf32, #tpu.memory_space<hbm>>
        %dma_start3A_71 = tpu.memref_squeeze %dma_start3A_70 : memref<1x80x128xf32, #tpu.memory_space<hbm>> -> memref<80x128xf32, #tpu.memory_space<hbm>>
        %dma_start3A_72 = arith.constant 0 : i32
        %dma_start3A_73 = tpu.memref_slice %arg6[%arg0, %add3A_44, %dma_start3A_72] : memref<2x10000x128xf32, #tpu.memory_space<hbm>> -> memref<1x80x128xf32, #tpu.memory_space<hbm>>
        %dma_start3A_74 = tpu.memref_squeeze %dma_start3A_73 : memref<1x80x128xf32, #tpu.memory_space<hbm>> -> memref<80x128xf32, #tpu.memory_space<hbm>>
        tpu.enqueue_dma source(%arg11 : memref<80x128xf32, #tpu.memory_space<vmem>>) target(%dma_start3A_74 : memref<80x128xf32, #tpu.memory_space<hbm>>) target_semaphore(%run_scoped3A : memref<!tpu.dma_semaphore, #tpu.memory_space<semaphore_mem>>)
        %dma_wait3A = arith.constant 0 : i32
        %dma_wait3A_75 = tpu.memref_slice %arg6[%arg0, %add3A_44, %dma_wait3A] : memref<2x10000x128xf32, #tpu.memory_space<hbm>> -> memref<1x80x128xf32, #tpu.memory_space<hbm>>
        %dma_wait3A_76 = tpu.memref_squeeze %dma_wait3A_75 : memref<1x80x128xf32, #tpu.memory_space<hbm>> -> memref<80x128xf32, #tpu.memory_space<hbm>>
        %dma_wait3A_77 = arith.constant 0 : i32
        %dma_wait3A_78 = tpu.memref_slice %arg6[%arg0, %add3A_44, %dma_wait3A_77] : memref<2x10000x128xf32, #tpu.memory_space<hbm>> -> memref<1x80x128xf32, #tpu.memory_space<hbm>>
        %dma_wait3A_79 = tpu.memref_squeeze %dma_wait3A_78 : memref<1x80x128xf32, #tpu.memory_space<hbm>> -> memref<80x128xf32, #tpu.memory_space<hbm>>
        tpu.wait_dma2 semaphore(%run_scoped3A : memref<!tpu.dma_semaphore, #tpu.memory_space<semaphore_mem>>) src(%arg11 : memref<80x128xf32, #tpu.memory_space<vmem>>) dst(%dma_wait3A_79 : memref<80x128xf32, #tpu.memory_space<hbm>>)
        tpu.yield
      }) : () -> ()
      %add3A_45 = arith.constant 160 : i32
      %add3A_46 = arith.addi %multiple_of3A, %add3A_45 : i32
      "tpu.region"() ({
        %run_scoped3A = tpu.sem_alloc : memref<!tpu.dma_semaphore, #tpu.memory_space<semaphore_mem>>
        %dma_start3A_69 = arith.constant 0 : i32
        %dma_start3A_70 = tpu.memref_slice %arg12[%add3A_46, %dma_start3A_69] : memref<10240x128xf32, #tpu.memory_space<vmem_shared>> -> memref<80x128xf32, #tpu.memory_space<vmem_shared>>
        %dma_start3A_71 = arith.constant 0 : i32
        %dma_start3A_72 = tpu.memref_slice %arg12[%add3A_46, %dma_start3A_71] : memref<10240x128xf32, #tpu.memory_space<vmem_shared>> -> memref<80x128xf32, #tpu.memory_space<vmem_shared>>
        tpu.enqueue_dma source(%dma_start3A_72 : memref<80x128xf32, #tpu.memory_space<vmem_shared>>) target(%arg11 : memref<80x128xf32, #tpu.memory_space<vmem>>) target_semaphore(%run_scoped3A : memref<!tpu.dma_semaphore, #tpu.memory_space<semaphore_mem>>)
        %dma_wait3A = arith.constant 0 : i32
        %dma_wait3A_73 = tpu.memref_slice %arg12[%add3A_46, %dma_wait3A] : memref<10240x128xf32, #tpu.memory_space<vmem_shared>> -> memref<80x128xf32, #tpu.memory_space<vmem_shared>>
        %dma_wait3A_74 = arith.constant 0 : i32
        %dma_wait3A_75 = tpu.memref_slice %arg12[%add3A_46, %dma_wait3A_74] : memref<10240x128xf32, #tpu.memory_space<vmem_shared>> -> memref<80x128xf32, #tpu.memory_space<vmem_shared>>
        tpu.wait_dma2 semaphore(%run_scoped3A : memref<!tpu.dma_semaphore, #tpu.memory_space<semaphore_mem>>) src(%dma_wait3A_75 : memref<80x128xf32, #tpu.memory_space<vmem_shared>>) dst(%arg11 : memref<80x128xf32, #tpu.memory_space<vmem>>)
        tpu.yield
      }) : () -> ()
      %add3A_47 = arith.constant 160 : i32
      %add3A_48 = arith.addi %multiple_of3A, %add3A_47 : i32
      "tpu.region"() ({
        %run_scoped3A = tpu.sem_alloc : memref<!tpu.dma_semaphore, #tpu.memory_space<semaphore_mem>>
        %dma_start3A_69 = arith.constant 0 : i32
        %dma_start3A_70 = tpu.memref_slice %arg6[%arg0, %add3A_48, %dma_start3A_69] : memref<2x10000x128xf32, #tpu.memory_space<hbm>> -> memref<1x80x128xf32, #tpu.memory_space<hbm>>
        %dma_start3A_71 = tpu.memref_squeeze %dma_start3A_70 : memref<1x80x128xf32, #tpu.memory_space<hbm>> -> memref<80x128xf32, #tpu.memory_space<hbm>>
        %dma_start3A_72 = arith.constant 0 : i32
        %dma_start3A_73 = tpu.memref_slice %arg6[%arg0, %add3A_48, %dma_start3A_72] : memref<2x10000x128xf32, #tpu.memory_space<hbm>> -> memref<1x80x128xf32, #tpu.memory_space<hbm>>
        %dma_start3A_74 = tpu.memref_squeeze %dma_start3A_73 : memref<1x80x128xf32, #tpu.memory_space<hbm>> -> memref<80x128xf32, #tpu.memory_space<hbm>>
        tpu.enqueue_dma source(%arg11 : memref<80x128xf32, #tpu.memory_space<vmem>>) target(%dma_start3A_74 : memref<80x128xf32, #tpu.memory_space<hbm>>) target_semaphore(%run_scoped3A : memref<!tpu.dma_semaphore, #tpu.memory_space<semaphore_mem>>)
        %dma_wait3A = arith.constant 0 : i32
        %dma_wait3A_75 = tpu.memref_slice %arg6[%arg0, %add3A_48, %dma_wait3A] : memref<2x10000x128xf32, #tpu.memory_space<hbm>> -> memref<1x80x128xf32, #tpu.memory_space<hbm>>
        %dma_wait3A_76 = tpu.memref_squeeze %dma_wait3A_75 : memref<1x80x128xf32, #tpu.memory_space<hbm>> -> memref<80x128xf32, #tpu.memory_space<hbm>>
        %dma_wait3A_77 = arith.constant 0 : i32
        %dma_wait3A_78 = tpu.memref_slice %arg6[%arg0, %add3A_48, %dma_wait3A_77] : memref<2x10000x128xf32, #tpu.memory_space<hbm>> -> memref<1x80x128xf32, #tpu.memory_space<hbm>>
        %dma_wait3A_79 = tpu.memref_squeeze %dma_wait3A_78 : memref<1x80x128xf32, #tpu.memory_space<hbm>> -> memref<80x128xf32, #tpu.memory_space<hbm>>
        tpu.wait_dma2 semaphore(%run_scoped3A : memref<!tpu.dma_semaphore, #tpu.memory_space<semaphore_mem>>) src(%arg11 : memref<80x128xf32, #tpu.memory_space<vmem>>) dst(%dma_wait3A_79 : memref<80x128xf32, #tpu.memory_space<hbm>>)
        tpu.yield
      }) : () -> ()
      %add3A_49 = arith.constant 240 : i32
      %add3A_50 = arith.addi %multiple_of3A, %add3A_49 : i32
      "tpu.region"() ({
        %run_scoped3A = tpu.sem_alloc : memref<!tpu.dma_semaphore, #tpu.memory_space<semaphore_mem>>
        %dma_start3A_69 = arith.constant 0 : i32
        %dma_start3A_70 = tpu.memref_slice %arg12[%add3A_50, %dma_start3A_69] : memref<10240x128xf32, #tpu.memory_space<vmem_shared>> -> memref<80x128xf32, #tpu.memory_space<vmem_shared>>
        %dma_start3A_71 = arith.constant 0 : i32
        %dma_start3A_72 = tpu.memref_slice %arg12[%add3A_50, %dma_start3A_71] : memref<10240x128xf32, #tpu.memory_space<vmem_shared>> -> memref<80x128xf32, #tpu.memory_space<vmem_shared>>
        tpu.enqueue_dma source(%dma_start3A_72 : memref<80x128xf32, #tpu.memory_space<vmem_shared>>) target(%arg11 : memref<80x128xf32, #tpu.memory_space<vmem>>) target_semaphore(%run_scoped3A : memref<!tpu.dma_semaphore, #tpu.memory_space<semaphore_mem>>)
        %dma_wait3A = arith.constant 0 : i32
        %dma_wait3A_73 = tpu.memref_slice %arg12[%add3A_50, %dma_wait3A] : memref<10240x128xf32, #tpu.memory_space<vmem_shared>> -> memref<80x128xf32, #tpu.memory_space<vmem_shared>>
        %dma_wait3A_74 = arith.constant 0 : i32
        %dma_wait3A_75 = tpu.memref_slice %arg12[%add3A_50, %dma_wait3A_74] : memref<10240x128xf32, #tpu.memory_space<vmem_shared>> -> memref<80x128xf32, #tpu.memory_space<vmem_shared>>
        tpu.wait_dma2 semaphore(%run_scoped3A : memref<!tpu.dma_semaphore, #tpu.memory_space<semaphore_mem>>) src(%dma_wait3A_75 : memref<80x128xf32, #tpu.memory_space<vmem_shared>>) dst(%arg11 : memref<80x128xf32, #tpu.memory_space<vmem>>)
        tpu.yield
      }) : () -> ()
      %add3A_51 = arith.constant 240 : i32
      %add3A_52 = arith.addi %multiple_of3A, %add3A_51 : i32
      "tpu.region"() ({
        %run_scoped3A = tpu.sem_alloc : memref<!tpu.dma_semaphore, #tpu.memory_space<semaphore_mem>>
        %dma_start3A_69 = arith.constant 0 : i32
        %dma_start3A_70 = tpu.memref_slice %arg6[%arg0, %add3A_52, %dma_start3A_69] : memref<2x10000x128xf32, #tpu.memory_space<hbm>> -> memref<1x80x128xf32, #tpu.memory_space<hbm>>
        %dma_start3A_71 = tpu.memref_squeeze %dma_start3A_70 : memref<1x80x128xf32, #tpu.memory_space<hbm>> -> memref<80x128xf32, #tpu.memory_space<hbm>>
        %dma_start3A_72 = arith.constant 0 : i32
        %dma_start3A_73 = tpu.memref_slice %arg6[%arg0, %add3A_52, %dma_start3A_72] : memref<2x10000x128xf32, #tpu.memory_space<hbm>> -> memref<1x80x128xf32, #tpu.memory_space<hbm>>
        %dma_start3A_74 = tpu.memref_squeeze %dma_start3A_73 : memref<1x80x128xf32, #tpu.memory_space<hbm>> -> memref<80x128xf32, #tpu.memory_space<hbm>>
        tpu.enqueue_dma source(%arg11 : memref<80x128xf32, #tpu.memory_space<vmem>>) target(%dma_start3A_74 : memref<80x128xf32, #tpu.memory_space<hbm>>) target_semaphore(%run_scoped3A : memref<!tpu.dma_semaphore, #tpu.memory_space<semaphore_mem>>)
        %dma_wait3A = arith.constant 0 : i32
        %dma_wait3A_75 = tpu.memref_slice %arg6[%arg0, %add3A_52, %dma_wait3A] : memref<2x10000x128xf32, #tpu.memory_space<hbm>> -> memref<1x80x128xf32, #tpu.memory_space<hbm>>
        %dma_wait3A_76 = tpu.memref_squeeze %dma_wait3A_75 : memref<1x80x128xf32, #tpu.memory_space<hbm>> -> memref<80x128xf32, #tpu.memory_space<hbm>>
        %dma_wait3A_77 = arith.constant 0 : i32
        %dma_wait3A_78 = tpu.memref_slice %arg6[%arg0, %add3A_52, %dma_wait3A_77] : memref<2x10000x128xf32, #tpu.memory_space<hbm>> -> memref<1x80x128xf32, #tpu.memory_space<hbm>>
        %dma_wait3A_79 = tpu.memref_squeeze %dma_wait3A_78 : memref<1x80x128xf32, #tpu.memory_space<hbm>> -> memref<80x128xf32, #tpu.memory_space<hbm>>
        tpu.wait_dma2 semaphore(%run_scoped3A : memref<!tpu.dma_semaphore, #tpu.memory_space<semaphore_mem>>) src(%arg11 : memref<80x128xf32, #tpu.memory_space<vmem>>) dst(%dma_wait3A_79 : memref<80x128xf32, #tpu.memory_space<hbm>>)
        tpu.yield
      }) : () -> ()
      %add3A_53 = arith.constant 320 : i32
      %add3A_54 = arith.addi %multiple_of3A, %add3A_53 : i32
      "tpu.region"() ({
        %run_scoped3A = tpu.sem_alloc : memref<!tpu.dma_semaphore, #tpu.memory_space<semaphore_mem>>
        %dma_start3A_69 = arith.constant 0 : i32
        %dma_start3A_70 = tpu.memref_slice %arg12[%add3A_54, %dma_start3A_69] : memref<10240x128xf32, #tpu.memory_space<vmem_shared>> -> memref<80x128xf32, #tpu.memory_space<vmem_shared>>
        %dma_start3A_71 = arith.constant 0 : i32
        %dma_start3A_72 = tpu.memref_slice %arg12[%add3A_54, %dma_start3A_71] : memref<10240x128xf32, #tpu.memory_space<vmem_shared>> -> memref<80x128xf32, #tpu.memory_space<vmem_shared>>
        tpu.enqueue_dma source(%dma_start3A_72 : memref<80x128xf32, #tpu.memory_space<vmem_shared>>) target(%arg11 : memref<80x128xf32, #tpu.memory_space<vmem>>) target_semaphore(%run_scoped3A : memref<!tpu.dma_semaphore, #tpu.memory_space<semaphore_mem>>)
        %dma_wait3A = arith.constant 0 : i32
        %dma_wait3A_73 = tpu.memref_slice %arg12[%add3A_54, %dma_wait3A] : memref<10240x128xf32, #tpu.memory_space<vmem_shared>> -> memref<80x128xf32, #tpu.memory_space<vmem_shared>>
        %dma_wait3A_74 = arith.constant 0 : i32
        %dma_wait3A_75 = tpu.memref_slice %arg12[%add3A_54, %dma_wait3A_74] : memref<10240x128xf32, #tpu.memory_space<vmem_shared>> -> memref<80x128xf32, #tpu.memory_space<vmem_shared>>
        tpu.wait_dma2 semaphore(%run_scoped3A : memref<!tpu.dma_semaphore, #tpu.memory_space<semaphore_mem>>) src(%dma_wait3A_75 : memref<80x128xf32, #tpu.memory_space<vmem_shared>>) dst(%arg11 : memref<80x128xf32, #tpu.memory_space<vmem>>)
        tpu.yield
      }) : () -> ()
      %add3A_55 = arith.constant 320 : i32
      %add3A_56 = arith.addi %multiple_of3A, %add3A_55 : i32
      "tpu.region"() ({
        %run_scoped3A = tpu.sem_alloc : memref<!tpu.dma_semaphore, #tpu.memory_space<semaphore_mem>>
        %dma_start3A_69 = arith.constant 0 : i32
        %dma_start3A_70 = tpu.memref_slice %arg6[%arg0, %add3A_56, %dma_start3A_69] : memref<2x10000x128xf32, #tpu.memory_space<hbm>> -> memref<1x80x128xf32, #tpu.memory_space<hbm>>
        %dma_start3A_71 = tpu.memref_squeeze %dma_start3A_70 : memref<1x80x128xf32, #tpu.memory_space<hbm>> -> memref<80x128xf32, #tpu.memory_space<hbm>>
        %dma_start3A_72 = arith.constant 0 : i32
        %dma_start3A_73 = tpu.memref_slice %arg6[%arg0, %add3A_56, %dma_start3A_72] : memref<2x10000x128xf32, #tpu.memory_space<hbm>> -> memref<1x80x128xf32, #tpu.memory_space<hbm>>
        %dma_start3A_74 = tpu.memref_squeeze %dma_start3A_73 : memref<1x80x128xf32, #tpu.memory_space<hbm>> -> memref<80x128xf32, #tpu.memory_space<hbm>>
        tpu.enqueue_dma source(%arg11 : memref<80x128xf32, #tpu.memory_space<vmem>>) target(%dma_start3A_74 : memref<80x128xf32, #tpu.memory_space<hbm>>) target_semaphore(%run_scoped3A : memref<!tpu.dma_semaphore, #tpu.memory_space<semaphore_mem>>)
        %dma_wait3A = arith.constant 0 : i32
        %dma_wait3A_75 = tpu.memref_slice %arg6[%arg0, %add3A_56, %dma_wait3A] : memref<2x10000x128xf32, #tpu.memory_space<hbm>> -> memref<1x80x128xf32, #tpu.memory_space<hbm>>
        %dma_wait3A_76 = tpu.memref_squeeze %dma_wait3A_75 : memref<1x80x128xf32, #tpu.memory_space<hbm>> -> memref<80x128xf32, #tpu.memory_space<hbm>>
        %dma_wait3A_77 = arith.constant 0 : i32
        %dma_wait3A_78 = tpu.memref_slice %arg6[%arg0, %add3A_56, %dma_wait3A_77] : memref<2x10000x128xf32, #tpu.memory_space<hbm>> -> memref<1x80x128xf32, #tpu.memory_space<hbm>>
        %dma_wait3A_79 = tpu.memref_squeeze %dma_wait3A_78 : memref<1x80x128xf32, #tpu.memory_space<hbm>> -> memref<80x128xf32, #tpu.memory_space<hbm>>
        tpu.wait_dma2 semaphore(%run_scoped3A : memref<!tpu.dma_semaphore, #tpu.memory_space<semaphore_mem>>) src(%arg11 : memref<80x128xf32, #tpu.memory_space<vmem>>) dst(%dma_wait3A_79 : memref<80x128xf32, #tpu.memory_space<hbm>>)
        tpu.yield
      }) : () -> ()
      %add3A_57 = arith.constant 400 : i32
      %add3A_58 = arith.addi %multiple_of3A, %add3A_57 : i32
      "tpu.region"() ({
        %run_scoped3A = tpu.sem_alloc : memref<!tpu.dma_semaphore, #tpu.memory_space<semaphore_mem>>
        %dma_start3A_69 = arith.constant 0 : i32
        %dma_start3A_70 = tpu.memref_slice %arg12[%add3A_58, %dma_start3A_69] : memref<10240x128xf32, #tpu.memory_space<vmem_shared>> -> memref<80x128xf32, #tpu.memory_space<vmem_shared>>
        %dma_start3A_71 = arith.constant 0 : i32
        %dma_start3A_72 = tpu.memref_slice %arg12[%add3A_58, %dma_start3A_71] : memref<10240x128xf32, #tpu.memory_space<vmem_shared>> -> memref<80x128xf32, #tpu.memory_space<vmem_shared>>
        tpu.enqueue_dma source(%dma_start3A_72 : memref<80x128xf32, #tpu.memory_space<vmem_shared>>) target(%arg11 : memref<80x128xf32, #tpu.memory_space<vmem>>) target_semaphore(%run_scoped3A : memref<!tpu.dma_semaphore, #tpu.memory_space<semaphore_mem>>)
        %dma_wait3A = arith.constant 0 : i32
        %dma_wait3A_73 = tpu.memref_slice %arg12[%add3A_58, %dma_wait3A] : memref<10240x128xf32, #tpu.memory_space<vmem_shared>> -> memref<80x128xf32, #tpu.memory_space<vmem_shared>>
        %dma_wait3A_74 = arith.constant 0 : i32
        %dma_wait3A_75 = tpu.memref_slice %arg12[%add3A_58, %dma_wait3A_74] : memref<10240x128xf32, #tpu.memory_space<vmem_shared>> -> memref<80x128xf32, #tpu.memory_space<vmem_shared>>
        tpu.wait_dma2 semaphore(%run_scoped3A : memref<!tpu.dma_semaphore, #tpu.memory_space<semaphore_mem>>) src(%dma_wait3A_75 : memref<80x128xf32, #tpu.memory_space<vmem_shared>>) dst(%arg11 : memref<80x128xf32, #tpu.memory_space<vmem>>)
        tpu.yield
      }) : () -> ()
      %add3A_59 = arith.constant 400 : i32
      %add3A_60 = arith.addi %multiple_of3A, %add3A_59 : i32
      "tpu.region"() ({
        %run_scoped3A = tpu.sem_alloc : memref<!tpu.dma_semaphore, #tpu.memory_space<semaphore_mem>>
        %dma_start3A_69 = arith.constant 0 : i32
        %dma_start3A_70 = tpu.memref_slice %arg6[%arg0, %add3A_60, %dma_start3A_69] : memref<2x10000x128xf32, #tpu.memory_space<hbm>> -> memref<1x80x128xf32, #tpu.memory_space<hbm>>
        %dma_start3A_71 = tpu.memref_squeeze %dma_start3A_70 : memref<1x80x128xf32, #tpu.memory_space<hbm>> -> memref<80x128xf32, #tpu.memory_space<hbm>>
        %dma_start3A_72 = arith.constant 0 : i32
        %dma_start3A_73 = tpu.memref_slice %arg6[%arg0, %add3A_60, %dma_start3A_72] : memref<2x10000x128xf32, #tpu.memory_space<hbm>> -> memref<1x80x128xf32, #tpu.memory_space<hbm>>
        %dma_start3A_74 = tpu.memref_squeeze %dma_start3A_73 : memref<1x80x128xf32, #tpu.memory_space<hbm>> -> memref<80x128xf32, #tpu.memory_space<hbm>>
        tpu.enqueue_dma source(%arg11 : memref<80x128xf32, #tpu.memory_space<vmem>>) target(%dma_start3A_74 : memref<80x128xf32, #tpu.memory_space<hbm>>) target_semaphore(%run_scoped3A : memref<!tpu.dma_semaphore, #tpu.memory_space<semaphore_mem>>)
        %dma_wait3A = arith.constant 0 : i32
        %dma_wait3A_75 = tpu.memref_slice %arg6[%arg0, %add3A_60, %dma_wait3A] : memref<2x10000x128xf32, #tpu.memory_space<hbm>> -> memref<1x80x128xf32, #tpu.memory_space<hbm>>
        %dma_wait3A_76 = tpu.memref_squeeze %dma_wait3A_75 : memref<1x80x128xf32, #tpu.memory_space<hbm>> -> memref<80x128xf32, #tpu.memory_space<hbm>>
        %dma_wait3A_77 = arith.constant 0 : i32
        %dma_wait3A_78 = tpu.memref_slice %arg6[%arg0, %add3A_60, %dma_wait3A_77] : memref<2x10000x128xf32, #tpu.memory_space<hbm>> -> memref<1x80x128xf32, #tpu.memory_space<hbm>>
        %dma_wait3A_79 = tpu.memref_squeeze %dma_wait3A_78 : memref<1x80x128xf32, #tpu.memory_space<hbm>> -> memref<80x128xf32, #tpu.memory_space<hbm>>
        tpu.wait_dma2 semaphore(%run_scoped3A : memref<!tpu.dma_semaphore, #tpu.memory_space<semaphore_mem>>) src(%arg11 : memref<80x128xf32, #tpu.memory_space<vmem>>) dst(%dma_wait3A_79 : memref<80x128xf32, #tpu.memory_space<hbm>>)
        tpu.yield
      }) : () -> ()
      %add3A_61 = arith.constant 480 : i32
      %add3A_62 = arith.addi %multiple_of3A, %add3A_61 : i32
      "tpu.region"() ({
        %run_scoped3A = tpu.sem_alloc : memref<!tpu.dma_semaphore, #tpu.memory_space<semaphore_mem>>
        %dma_start3A_69 = arith.constant 0 : i32
        %dma_start3A_70 = tpu.memref_slice %arg12[%add3A_62, %dma_start3A_69] : memref<10240x128xf32, #tpu.memory_space<vmem_shared>> -> memref<80x128xf32, #tpu.memory_space<vmem_shared>>
        %dma_start3A_71 = arith.constant 0 : i32
        %dma_start3A_72 = tpu.memref_slice %arg12[%add3A_62, %dma_start3A_71] : memref<10240x128xf32, #tpu.memory_space<vmem_shared>> -> memref<80x128xf32, #tpu.memory_space<vmem_shared>>
        tpu.enqueue_dma source(%dma_start3A_72 : memref<80x128xf32, #tpu.memory_space<vmem_shared>>) target(%arg11 : memref<80x128xf32, #tpu.memory_space<vmem>>) target_semaphore(%run_scoped3A : memref<!tpu.dma_semaphore, #tpu.memory_space<semaphore_mem>>)
        %dma_wait3A = arith.constant 0 : i32
        %dma_wait3A_73 = tpu.memref_slice %arg12[%add3A_62, %dma_wait3A] : memref<10240x128xf32, #tpu.memory_space<vmem_shared>> -> memref<80x128xf32, #tpu.memory_space<vmem_shared>>
        %dma_wait3A_74 = arith.constant 0 : i32
        %dma_wait3A_75 = tpu.memref_slice %arg12[%add3A_62, %dma_wait3A_74] : memref<10240x128xf32, #tpu.memory_space<vmem_shared>> -> memref<80x128xf32, #tpu.memory_space<vmem_shared>>
        tpu.wait_dma2 semaphore(%run_scoped3A : memref<!tpu.dma_semaphore, #tpu.memory_space<semaphore_mem>>) src(%dma_wait3A_75 : memref<80x128xf32, #tpu.memory_space<vmem_shared>>) dst(%arg11 : memref<80x128xf32, #tpu.memory_space<vmem>>)
        tpu.yield
      }) : () -> ()
      %add3A_63 = arith.constant 480 : i32
      %add3A_64 = arith.addi %multiple_of3A, %add3A_63 : i32
      "tpu.region"() ({
        %run_scoped3A = tpu.sem_alloc : memref<!tpu.dma_semaphore, #tpu.memory_space<semaphore_mem>>
        %dma_start3A_69 = arith.constant 0 : i32
        %dma_start3A_70 = tpu.memref_slice %arg6[%arg0, %add3A_64, %dma_start3A_69] : memref<2x10000x128xf32, #tpu.memory_space<hbm>> -> memref<1x80x128xf32, #tpu.memory_space<hbm>>
        %dma_start3A_71 = tpu.memref_squeeze %dma_start3A_70 : memref<1x80x128xf32, #tpu.memory_space<hbm>> -> memref<80x128xf32, #tpu.memory_space<hbm>>
        %dma_start3A_72 = arith.constant 0 : i32
        %dma_start3A_73 = tpu.memref_slice %arg6[%arg0, %add3A_64, %dma_start3A_72] : memref<2x10000x128xf32, #tpu.memory_space<hbm>> -> memref<1x80x128xf32, #tpu.memory_space<hbm>>
        %dma_start3A_74 = tpu.memref_squeeze %dma_start3A_73 : memref<1x80x128xf32, #tpu.memory_space<hbm>> -> memref<80x128xf32, #tpu.memory_space<hbm>>
        tpu.enqueue_dma source(%arg11 : memref<80x128xf32, #tpu.memory_space<vmem>>) target(%dma_start3A_74 : memref<80x128xf32, #tpu.memory_space<hbm>>) target_semaphore(%run_scoped3A : memref<!tpu.dma_semaphore, #tpu.memory_space<semaphore_mem>>)
        %dma_wait3A = arith.constant 0 : i32
        %dma_wait3A_75 = tpu.memref_slice %arg6[%arg0, %add3A_64, %dma_wait3A] : memref<2x10000x128xf32, #tpu.memory_space<hbm>> -> memref<1x80x128xf32, #tpu.memory_space<hbm>>
        %dma_wait3A_76 = tpu.memref_squeeze %dma_wait3A_75 : memref<1x80x128xf32, #tpu.memory_space<hbm>> -> memref<80x128xf32, #tpu.memory_space<hbm>>
        %dma_wait3A_77 = arith.constant 0 : i32
        %dma_wait3A_78 = tpu.memref_slice %arg6[%arg0, %add3A_64, %dma_wait3A_77] : memref<2x10000x128xf32, #tpu.memory_space<hbm>> -> memref<1x80x128xf32, #tpu.memory_space<hbm>>
        %dma_wait3A_79 = tpu.memref_squeeze %dma_wait3A_78 : memref<1x80x128xf32, #tpu.memory_space<hbm>> -> memref<80x128xf32, #tpu.memory_space<hbm>>
        tpu.wait_dma2 semaphore(%run_scoped3A : memref<!tpu.dma_semaphore, #tpu.memory_space<semaphore_mem>>) src(%arg11 : memref<80x128xf32, #tpu.memory_space<vmem>>) dst(%dma_wait3A_79 : memref<80x128xf32, #tpu.memory_space<hbm>>)
        tpu.yield
      }) : () -> ()
      %add3A_65 = arith.constant 560 : i32
      %add3A_66 = arith.addi %multiple_of3A, %add3A_65 : i32
      "tpu.region"() ({
        %run_scoped3A = tpu.sem_alloc : memref<!tpu.dma_semaphore, #tpu.memory_space<semaphore_mem>>
        %dma_start3A_69 = arith.constant 0 : i32
        %dma_start3A_70 = tpu.memref_slice %arg12[%add3A_66, %dma_start3A_69] : memref<10240x128xf32, #tpu.memory_space<vmem_shared>> -> memref<80x128xf32, #tpu.memory_space<vmem_shared>>
        %dma_start3A_71 = arith.constant 0 : i32
        %dma_start3A_72 = tpu.memref_slice %arg12[%add3A_66, %dma_start3A_71] : memref<10240x128xf32, #tpu.memory_space<vmem_shared>> -> memref<80x128xf32, #tpu.memory_space<vmem_shared>>
        tpu.enqueue_dma source(%dma_start3A_72 : memref<80x128xf32, #tpu.memory_space<vmem_shared>>) target(%arg11 : memref<80x128xf32, #tpu.memory_space<vmem>>) target_semaphore(%run_scoped3A : memref<!tpu.dma_semaphore, #tpu.memory_space<semaphore_mem>>)
        %dma_wait3A = arith.constant 0 : i32
        %dma_wait3A_73 = tpu.memref_slice %arg12[%add3A_66, %dma_wait3A] : memref<10240x128xf32, #tpu.memory_space<vmem_shared>> -> memref<80x128xf32, #tpu.memory_space<vmem_shared>>
        %dma_wait3A_74 = arith.constant 0 : i32
        %dma_wait3A_75 = tpu.memref_slice %arg12[%add3A_66, %dma_wait3A_74] : memref<10240x128xf32, #tpu.memory_space<vmem_shared>> -> memref<80x128xf32, #tpu.memory_space<vmem_shared>>
        tpu.wait_dma2 semaphore(%run_scoped3A : memref<!tpu.dma_semaphore, #tpu.memory_space<semaphore_mem>>) src(%dma_wait3A_75 : memref<80x128xf32, #tpu.memory_space<vmem_shared>>) dst(%arg11 : memref<80x128xf32, #tpu.memory_space<vmem>>)
        tpu.yield
      }) : () -> ()
      %add3A_67 = arith.constant 560 : i32
      %add3A_68 = arith.addi %multiple_of3A, %add3A_67 : i32
      "tpu.region"() ({
        %run_scoped3A = tpu.sem_alloc : memref<!tpu.dma_semaphore, #tpu.memory_space<semaphore_mem>>
        %dma_start3A_69 = arith.constant 0 : i32
        %dma_start3A_70 = tpu.memref_slice %arg6[%arg0, %add3A_68, %dma_start3A_69] : memref<2x10000x128xf32, #tpu.memory_space<hbm>> -> memref<1x80x128xf32, #tpu.memory_space<hbm>>
        %dma_start3A_71 = tpu.memref_squeeze %dma_start3A_70 : memref<1x80x128xf32, #tpu.memory_space<hbm>> -> memref<80x128xf32, #tpu.memory_space<hbm>>
        %dma_start3A_72 = arith.constant 0 : i32
        %dma_start3A_73 = tpu.memref_slice %arg6[%arg0, %add3A_68, %dma_start3A_72] : memref<2x10000x128xf32, #tpu.memory_space<hbm>> -> memref<1x80x128xf32, #tpu.memory_space<hbm>>
        %dma_start3A_74 = tpu.memref_squeeze %dma_start3A_73 : memref<1x80x128xf32, #tpu.memory_space<hbm>> -> memref<80x128xf32, #tpu.memory_space<hbm>>
        tpu.enqueue_dma source(%arg11 : memref<80x128xf32, #tpu.memory_space<vmem>>) target(%dma_start3A_74 : memref<80x128xf32, #tpu.memory_space<hbm>>) target_semaphore(%run_scoped3A : memref<!tpu.dma_semaphore, #tpu.memory_space<semaphore_mem>>)
        %dma_wait3A = arith.constant 0 : i32
        %dma_wait3A_75 = tpu.memref_slice %arg6[%arg0, %add3A_68, %dma_wait3A] : memref<2x10000x128xf32, #tpu.memory_space<hbm>> -> memref<1x80x128xf32, #tpu.memory_space<hbm>>
        %dma_wait3A_76 = tpu.memref_squeeze %dma_wait3A_75 : memref<1x80x128xf32, #tpu.memory_space<hbm>> -> memref<80x128xf32, #tpu.memory_space<hbm>>
        %dma_wait3A_77 = arith.constant 0 : i32
        %dma_wait3A_78 = tpu.memref_slice %arg6[%arg0, %add3A_68, %dma_wait3A_77] : memref<2x10000x128xf32, #tpu.memory_space<hbm>> -> memref<1x80x128xf32, #tpu.memory_space<hbm>>
        %dma_wait3A_79 = tpu.memref_squeeze %dma_wait3A_78 : memref<1x80x128xf32, #tpu.memory_space<hbm>> -> memref<80x128xf32, #tpu.memory_space<hbm>>
        tpu.wait_dma2 semaphore(%run_scoped3A : memref<!tpu.dma_semaphore, #tpu.memory_space<semaphore_mem>>) src(%arg11 : memref<80x128xf32, #tpu.memory_space<vmem>>) dst(%dma_wait3A_79 : memref<80x128xf32, #tpu.memory_space<hbm>>)
        tpu.yield
      }) : () -> ()
    } else {
    }
    %eq3A = arith.constant 15 : i32
    %eq3A_33 = arith.cmpi eq, %arg1, %eq3A : i32
    %convert_element_type3A_34 = arith.extui %eq3A_33 : i1 to i32
    %cond3A_35 = arith.constant 0 : i32
    %cond3A_36 = arith.cmpi ne, %convert_element_type3A_34, %cond3A_35 : i32
    scf.if %cond3A_36 {
      "tpu.region"() ({
        %run_scoped3A = tpu.sem_alloc : memref<!tpu.dma_semaphore, #tpu.memory_space<semaphore_mem>>
        %dma_start3A_37 = arith.constant 9600 : i32
        %dma_start3A_38 = arith.constant 0 : i32
        %dma_start3A_39 = tpu.memref_slice %arg12[%dma_start3A_37, %dma_start3A_38] : memref<10240x128xf32, #tpu.memory_space<vmem_shared>> -> memref<80x128xf32, #tpu.memory_space<vmem_shared>>
        %dma_start3A_40 = arith.constant 9600 : i32
        %dma_start3A_41 = arith.constant 0 : i32
        %dma_start3A_42 = tpu.memref_slice %arg12[%dma_start3A_40, %dma_start3A_41] : memref<10240x128xf32, #tpu.memory_space<vmem_shared>> -> memref<80x128xf32, #tpu.memory_space<vmem_shared>>
        tpu.enqueue_dma source(%dma_start3A_42 : memref<80x128xf32, #tpu.memory_space<vmem_shared>>) target(%arg11 : memref<80x128xf32, #tpu.memory_space<vmem>>) target_semaphore(%run_scoped3A : memref<!tpu.dma_semaphore, #tpu.memory_space<semaphore_mem>>)
        %dma_wait3A = arith.constant 9600 : i32
        %dma_wait3A_43 = arith.constant 0 : i32
        %dma_wait3A_44 = tpu.memref_slice %arg12[%dma_wait3A, %dma_wait3A_43] : memref<10240x128xf32, #tpu.memory_space<vmem_shared>> -> memref<80x128xf32, #tpu.memory_space<vmem_shared>>
        %dma_wait3A_45 = arith.constant 9600 : i32
        %dma_wait3A_46 = arith.constant 0 : i32
        %dma_wait3A_47 = tpu.memref_slice %arg12[%dma_wait3A_45, %dma_wait3A_46] : memref<10240x128xf32, #tpu.memory_space<vmem_shared>> -> memref<80x128xf32, #tpu.memory_space<vmem_shared>>
        tpu.wait_dma2 semaphore(%run_scoped3A : memref<!tpu.dma_semaphore, #tpu.memory_space<semaphore_mem>>) src(%dma_wait3A_47 : memref<80x128xf32, #tpu.memory_space<vmem_shared>>) dst(%arg11 : memref<80x128xf32, #tpu.memory_space<vmem>>)
        tpu.yield
      }) : () -> ()
      "tpu.region"() ({
        %run_scoped3A = tpu.sem_alloc : memref<!tpu.dma_semaphore, #tpu.memory_space<semaphore_mem>>
        %dma_start3A_37 = arith.constant 9600 : i32
        %dma_start3A_38 = arith.constant 0 : i32
        %dma_start3A_39 = tpu.memref_slice %arg6[%arg0, %dma_start3A_37, %dma_start3A_38] : memref<2x10000x128xf32, #tpu.memory_space<hbm>> -> memref<1x80x128xf32, #tpu.memory_space<hbm>>
        %dma_start3A_40 = tpu.memref_squeeze %dma_start3A_39 : memref<1x80x128xf32, #tpu.memory_space<hbm>> -> memref<80x128xf32, #tpu.memory_space<hbm>>
        %dma_start3A_41 = arith.constant 9600 : i32
        %dma_start3A_42 = arith.constant 0 : i32
        %dma_start3A_43 = tpu.memref_slice %arg6[%arg0, %dma_start3A_41, %dma_start3A_42] : memref<2x10000x128xf32, #tpu.memory_space<hbm>> -> memref<1x80x128xf32, #tpu.memory_space<hbm>>
        %dma_start3A_44 = tpu.memref_squeeze %dma_start3A_43 : memref<1x80x128xf32, #tpu.memory_space<hbm>> -> memref<80x128xf32, #tpu.memory_space<hbm>>
        tpu.enqueue_dma source(%arg11 : memref<80x128xf32, #tpu.memory_space<vmem>>) target(%dma_start3A_44 : memref<80x128xf32, #tpu.memory_space<hbm>>) target_semaphore(%run_scoped3A : memref<!tpu.dma_semaphore, #tpu.memory_space<semaphore_mem>>)
        %dma_wait3A = arith.constant 9600 : i32
        %dma_wait3A_45 = arith.constant 0 : i32
        %dma_wait3A_46 = tpu.memref_slice %arg6[%arg0, %dma_wait3A, %dma_wait3A_45] : memref<2x10000x128xf32, #tpu.memory_space<hbm>> -> memref<1x80x128xf32, #tpu.memory_space<hbm>>
        %dma_wait3A_47 = tpu.memref_squeeze %dma_wait3A_46 : memref<1x80x128xf32, #tpu.memory_space<hbm>> -> memref<80x128xf32, #tpu.memory_space<hbm>>
        %dma_wait3A_48 = arith.constant 9600 : i32
        %dma_wait3A_49 = arith.constant 0 : i32
        %dma_wait3A_50 = tpu.memref_slice %arg6[%arg0, %dma_wait3A_48, %dma_wait3A_49] : memref<2x10000x128xf32, #tpu.memory_space<hbm>> -> memref<1x80x128xf32, #tpu.memory_space<hbm>>
        %dma_wait3A_51 = tpu.memref_squeeze %dma_wait3A_50 : memref<1x80x128xf32, #tpu.memory_space<hbm>> -> memref<80x128xf32, #tpu.memory_space<hbm>>
        tpu.wait_dma2 semaphore(%run_scoped3A : memref<!tpu.dma_semaphore, #tpu.memory_space<semaphore_mem>>) src(%arg11 : memref<80x128xf32, #tpu.memory_space<vmem>>) dst(%dma_wait3A_51 : memref<80x128xf32, #tpu.memory_space<hbm>>)
        tpu.yield
      }) : () -> ()
      "tpu.region"() ({
        %run_scoped3A = tpu.sem_alloc : memref<!tpu.dma_semaphore, #tpu.memory_space<semaphore_mem>>
        %dma_start3A_37 = arith.constant 9680 : i32
        %dma_start3A_38 = arith.constant 0 : i32
        %dma_start3A_39 = tpu.memref_slice %arg12[%dma_start3A_37, %dma_start3A_38] : memref<10240x128xf32, #tpu.memory_space<vmem_shared>> -> memref<80x128xf32, #tpu.memory_space<vmem_shared>>
        %dma_start3A_40 = arith.constant 9680 : i32
        %dma_start3A_41 = arith.constant 0 : i32
        %dma_start3A_42 = tpu.memref_slice %arg12[%dma_start3A_40, %dma_start3A_41] : memref<10240x128xf32, #tpu.memory_space<vmem_shared>> -> memref<80x128xf32, #tpu.memory_space<vmem_shared>>
        tpu.enqueue_dma source(%dma_start3A_42 : memref<80x128xf32, #tpu.memory_space<vmem_shared>>) target(%arg11 : memref<80x128xf32, #tpu.memory_space<vmem>>) target_semaphore(%run_scoped3A : memref<!tpu.dma_semaphore, #tpu.memory_space<semaphore_mem>>)
        %dma_wait3A = arith.constant 9680 : i32
        %dma_wait3A_43 = arith.constant 0 : i32
        %dma_wait3A_44 = tpu.memref_slice %arg12[%dma_wait3A, %dma_wait3A_43] : memref<10240x128xf32, #tpu.memory_space<vmem_shared>> -> memref<80x128xf32, #tpu.memory_space<vmem_shared>>
        %dma_wait3A_45 = arith.constant 9680 : i32
        %dma_wait3A_46 = arith.constant 0 : i32
        %dma_wait3A_47 = tpu.memref_slice %arg12[%dma_wait3A_45, %dma_wait3A_46] : memref<10240x128xf32, #tpu.memory_space<vmem_shared>> -> memref<80x128xf32, #tpu.memory_space<vmem_shared>>
        tpu.wait_dma2 semaphore(%run_scoped3A : memref<!tpu.dma_semaphore, #tpu.memory_space<semaphore_mem>>) src(%dma_wait3A_47 : memref<80x128xf32, #tpu.memory_space<vmem_shared>>) dst(%arg11 : memref<80x128xf32, #tpu.memory_space<vmem>>)
        tpu.yield
      }) : () -> ()
      "tpu.region"() ({
        %run_scoped3A = tpu.sem_alloc : memref<!tpu.dma_semaphore, #tpu.memory_space<semaphore_mem>>
        %dma_start3A_37 = arith.constant 9680 : i32
        %dma_start3A_38 = arith.constant 0 : i32
        %dma_start3A_39 = tpu.memref_slice %arg6[%arg0, %dma_start3A_37, %dma_start3A_38] : memref<2x10000x128xf32, #tpu.memory_space<hbm>> -> memref<1x80x128xf32, #tpu.memory_space<hbm>>
        %dma_start3A_40 = tpu.memref_squeeze %dma_start3A_39 : memref<1x80x128xf32, #tpu.memory_space<hbm>> -> memref<80x128xf32, #tpu.memory_space<hbm>>
        %dma_start3A_41 = arith.constant 9680 : i32
        %dma_start3A_42 = arith.constant 0 : i32
        %dma_start3A_43 = tpu.memref_slice %arg6[%arg0, %dma_start3A_41, %dma_start3A_42] : memref<2x10000x128xf32, #tpu.memory_space<hbm>> -> memref<1x80x128xf32, #tpu.memory_space<hbm>>
        %dma_start3A_44 = tpu.memref_squeeze %dma_start3A_43 : memref<1x80x128xf32, #tpu.memory_space<hbm>> -> memref<80x128xf32, #tpu.memory_space<hbm>>
        tpu.enqueue_dma source(%arg11 : memref<80x128xf32, #tpu.memory_space<vmem>>) target(%dma_start3A_44 : memref<80x128xf32, #tpu.memory_space<hbm>>) target_semaphore(%run_scoped3A : memref<!tpu.dma_semaphore, #tpu.memory_space<semaphore_mem>>)
        %dma_wait3A = arith.constant 9680 : i32
        %dma_wait3A_45 = arith.constant 0 : i32
        %dma_wait3A_46 = tpu.memref_slice %arg6[%arg0, %dma_wait3A, %dma_wait3A_45] : memref<2x10000x128xf32, #tpu.memory_space<hbm>> -> memref<1x80x128xf32, #tpu.memory_space<hbm>>
        %dma_wait3A_47 = tpu.memref_squeeze %dma_wait3A_46 : memref<1x80x128xf32, #tpu.memory_space<hbm>> -> memref<80x128xf32, #tpu.memory_space<hbm>>
        %dma_wait3A_48 = arith.constant 9680 : i32
        %dma_wait3A_49 = arith.constant 0 : i32
        %dma_wait3A_50 = tpu.memref_slice %arg6[%arg0, %dma_wait3A_48, %dma_wait3A_49] : memref<2x10000x128xf32, #tpu.memory_space<hbm>> -> memref<1x80x128xf32, #tpu.memory_space<hbm>>
        %dma_wait3A_51 = tpu.memref_squeeze %dma_wait3A_50 : memref<1x80x128xf32, #tpu.memory_space<hbm>> -> memref<80x128xf32, #tpu.memory_space<hbm>>
        tpu.wait_dma2 semaphore(%run_scoped3A : memref<!tpu.dma_semaphore, #tpu.memory_space<semaphore_mem>>) src(%arg11 : memref<80x128xf32, #tpu.memory_space<vmem>>) dst(%dma_wait3A_51 : memref<80x128xf32, #tpu.memory_space<hbm>>)
        tpu.yield
      }) : () -> ()
      "tpu.region"() ({
        %run_scoped3A = tpu.sem_alloc : memref<!tpu.dma_semaphore, #tpu.memory_space<semaphore_mem>>
        %dma_start3A_37 = arith.constant 9760 : i32
        %dma_start3A_38 = arith.constant 0 : i32
        %dma_start3A_39 = tpu.memref_slice %arg12[%dma_start3A_37, %dma_start3A_38] : memref<10240x128xf32, #tpu.memory_space<vmem_shared>> -> memref<80x128xf32, #tpu.memory_space<vmem_shared>>
        %dma_start3A_40 = arith.constant 9760 : i32
        %dma_start3A_41 = arith.constant 0 : i32
        %dma_start3A_42 = tpu.memref_slice %arg12[%dma_start3A_40, %dma_start3A_41] : memref<10240x128xf32, #tpu.memory_space<vmem_shared>> -> memref<80x128xf32, #tpu.memory_space<vmem_shared>>
        tpu.enqueue_dma source(%dma_start3A_42 : memref<80x128xf32, #tpu.memory_space<vmem_shared>>) target(%arg11 : memref<80x128xf32, #tpu.memory_space<vmem>>) target_semaphore(%run_scoped3A : memref<!tpu.dma_semaphore, #tpu.memory_space<semaphore_mem>>)
        %dma_wait3A = arith.constant 9760 : i32
        %dma_wait3A_43 = arith.constant 0 : i32
        %dma_wait3A_44 = tpu.memref_slice %arg12[%dma_wait3A, %dma_wait3A_43] : memref<10240x128xf32, #tpu.memory_space<vmem_shared>> -> memref<80x128xf32, #tpu.memory_space<vmem_shared>>
        %dma_wait3A_45 = arith.constant 9760 : i32
        %dma_wait3A_46 = arith.constant 0 : i32
        %dma_wait3A_47 = tpu.memref_slice %arg12[%dma_wait3A_45, %dma_wait3A_46] : memref<10240x128xf32, #tpu.memory_space<vmem_shared>> -> memref<80x128xf32, #tpu.memory_space<vmem_shared>>
        tpu.wait_dma2 semaphore(%run_scoped3A : memref<!tpu.dma_semaphore, #tpu.memory_space<semaphore_mem>>) src(%dma_wait3A_47 : memref<80x128xf32, #tpu.memory_space<vmem_shared>>) dst(%arg11 : memref<80x128xf32, #tpu.memory_space<vmem>>)
        tpu.yield
      }) : () -> ()
      "tpu.region"() ({
        %run_scoped3A = tpu.sem_alloc : memref<!tpu.dma_semaphore, #tpu.memory_space<semaphore_mem>>
        %dma_start3A_37 = arith.constant 9760 : i32
        %dma_start3A_38 = arith.constant 0 : i32
        %dma_start3A_39 = tpu.memref_slice %arg6[%arg0, %dma_start3A_37, %dma_start3A_38] : memref<2x10000x128xf32, #tpu.memory_space<hbm>> -> memref<1x80x128xf32, #tpu.memory_space<hbm>>
        %dma_start3A_40 = tpu.memref_squeeze %dma_start3A_39 : memref<1x80x128xf32, #tpu.memory_space<hbm>> -> memref<80x128xf32, #tpu.memory_space<hbm>>
        %dma_start3A_41 = arith.constant 9760 : i32
        %dma_start3A_42 = arith.constant 0 : i32
        %dma_start3A_43 = tpu.memref_slice %arg6[%arg0, %dma_start3A_41, %dma_start3A_42] : memref<2x10000x128xf32, #tpu.memory_space<hbm>> -> memref<1x80x128xf32, #tpu.memory_space<hbm>>
        %dma_start3A_44 = tpu.memref_squeeze %dma_start3A_43 : memref<1x80x128xf32, #tpu.memory_space<hbm>> -> memref<80x128xf32, #tpu.memory_space<hbm>>
        tpu.enqueue_dma source(%arg11 : memref<80x128xf32, #tpu.memory_space<vmem>>) target(%dma_start3A_44 : memref<80x128xf32, #tpu.memory_space<hbm>>) target_semaphore(%run_scoped3A : memref<!tpu.dma_semaphore, #tpu.memory_space<semaphore_mem>>)
        %dma_wait3A = arith.constant 9760 : i32
        %dma_wait3A_45 = arith.constant 0 : i32
        %dma_wait3A_46 = tpu.memref_slice %arg6[%arg0, %dma_wait3A, %dma_wait3A_45] : memref<2x10000x128xf32, #tpu.memory_space<hbm>> -> memref<1x80x128xf32, #tpu.memory_space<hbm>>
        %dma_wait3A_47 = tpu.memref_squeeze %dma_wait3A_46 : memref<1x80x128xf32, #tpu.memory_space<hbm>> -> memref<80x128xf32, #tpu.memory_space<hbm>>
        %dma_wait3A_48 = arith.constant 9760 : i32
        %dma_wait3A_49 = arith.constant 0 : i32
        %dma_wait3A_50 = tpu.memref_slice %arg6[%arg0, %dma_wait3A_48, %dma_wait3A_49] : memref<2x10000x128xf32, #tpu.memory_space<hbm>> -> memref<1x80x128xf32, #tpu.memory_space<hbm>>
        %dma_wait3A_51 = tpu.memref_squeeze %dma_wait3A_50 : memref<1x80x128xf32, #tpu.memory_space<hbm>> -> memref<80x128xf32, #tpu.memory_space<hbm>>
        tpu.wait_dma2 semaphore(%run_scoped3A : memref<!tpu.dma_semaphore, #tpu.memory_space<semaphore_mem>>) src(%arg11 : memref<80x128xf32, #tpu.memory_space<vmem>>) dst(%dma_wait3A_51 : memref<80x128xf32, #tpu.memory_space<hbm>>)
        tpu.yield
      }) : () -> ()
      "tpu.region"() ({
        %run_scoped3A = tpu.sem_alloc : memref<!tpu.dma_semaphore, #tpu.memory_space<semaphore_mem>>
        %dma_start3A_37 = arith.constant 9840 : i32
        %dma_start3A_38 = arith.constant 0 : i32
        %dma_start3A_39 = tpu.memref_slice %arg12[%dma_start3A_37, %dma_start3A_38] : memref<10240x128xf32, #tpu.memory_space<vmem_shared>> -> memref<80x128xf32, #tpu.memory_space<vmem_shared>>
        %dma_start3A_40 = arith.constant 9840 : i32
        %dma_start3A_41 = arith.constant 0 : i32
        %dma_start3A_42 = tpu.memref_slice %arg12[%dma_start3A_40, %dma_start3A_41] : memref<10240x128xf32, #tpu.memory_space<vmem_shared>> -> memref<80x128xf32, #tpu.memory_space<vmem_shared>>
        tpu.enqueue_dma source(%dma_start3A_42 : memref<80x128xf32, #tpu.memory_space<vmem_shared>>) target(%arg11 : memref<80x128xf32, #tpu.memory_space<vmem>>) target_semaphore(%run_scoped3A : memref<!tpu.dma_semaphore, #tpu.memory_space<semaphore_mem>>)
        %dma_wait3A = arith.constant 9840 : i32
        %dma_wait3A_43 = arith.constant 0 : i32
        %dma_wait3A_44 = tpu.memref_slice %arg12[%dma_wait3A, %dma_wait3A_43] : memref<10240x128xf32, #tpu.memory_space<vmem_shared>> -> memref<80x128xf32, #tpu.memory_space<vmem_shared>>
        %dma_wait3A_45 = arith.constant 9840 : i32
        %dma_wait3A_46 = arith.constant 0 : i32
        %dma_wait3A_47 = tpu.memref_slice %arg12[%dma_wait3A_45, %dma_wait3A_46] : memref<10240x128xf32, #tpu.memory_space<vmem_shared>> -> memref<80x128xf32, #tpu.memory_space<vmem_shared>>
        tpu.wait_dma2 semaphore(%run_scoped3A : memref<!tpu.dma_semaphore, #tpu.memory_space<semaphore_mem>>) src(%dma_wait3A_47 : memref<80x128xf32, #tpu.memory_space<vmem_shared>>) dst(%arg11 : memref<80x128xf32, #tpu.memory_space<vmem>>)
        tpu.yield
      }) : () -> ()
      "tpu.region"() ({
        %run_scoped3A = tpu.sem_alloc : memref<!tpu.dma_semaphore, #tpu.memory_space<semaphore_mem>>
        %dma_start3A_37 = arith.constant 9840 : i32
        %dma_start3A_38 = arith.constant 0 : i32
        %dma_start3A_39 = tpu.memref_slice %arg6[%arg0, %dma_start3A_37, %dma_start3A_38] : memref<2x10000x128xf32, #tpu.memory_space<hbm>> -> memref<1x80x128xf32, #tpu.memory_space<hbm>>
        %dma_start3A_40 = tpu.memref_squeeze %dma_start3A_39 : memref<1x80x128xf32, #tpu.memory_space<hbm>> -> memref<80x128xf32, #tpu.memory_space<hbm>>
        %dma_start3A_41 = arith.constant 9840 : i32
        %dma_start3A_42 = arith.constant 0 : i32
        %dma_start3A_43 = tpu.memref_slice %arg6[%arg0, %dma_start3A_41, %dma_start3A_42] : memref<2x10000x128xf32, #tpu.memory_space<hbm>> -> memref<1x80x128xf32, #tpu.memory_space<hbm>>
        %dma_start3A_44 = tpu.memref_squeeze %dma_start3A_43 : memref<1x80x128xf32, #tpu.memory_space<hbm>> -> memref<80x128xf32, #tpu.memory_space<hbm>>
        tpu.enqueue_dma source(%arg11 : memref<80x128xf32, #tpu.memory_space<vmem>>) target(%dma_start3A_44 : memref<80x128xf32, #tpu.memory_space<hbm>>) target_semaphore(%run_scoped3A : memref<!tpu.dma_semaphore, #tpu.memory_space<semaphore_mem>>)
        %dma_wait3A = arith.constant 9840 : i32
        %dma_wait3A_45 = arith.constant 0 : i32
        %dma_wait3A_46 = tpu.memref_slice %arg6[%arg0, %dma_wait3A, %dma_wait3A_45] : memref<2x10000x128xf32, #tpu.memory_space<hbm>> -> memref<1x80x128xf32, #tpu.memory_space<hbm>>
        %dma_wait3A_47 = tpu.memref_squeeze %dma_wait3A_46 : memref<1x80x128xf32, #tpu.memory_space<hbm>> -> memref<80x128xf32, #tpu.memory_space<hbm>>
        %dma_wait3A_48 = arith.constant 9840 : i32
        %dma_wait3A_49 = arith.constant 0 : i32
        %dma_wait3A_50 = tpu.memref_slice %arg6[%arg0, %dma_wait3A_48, %dma_wait3A_49] : memref<2x10000x128xf32, #tpu.memory_space<hbm>> -> memref<1x80x128xf32, #tpu.memory_space<hbm>>
        %dma_wait3A_51 = tpu.memref_squeeze %dma_wait3A_50 : memref<1x80x128xf32, #tpu.memory_space<hbm>> -> memref<80x128xf32, #tpu.memory_space<hbm>>
        tpu.wait_dma2 semaphore(%run_scoped3A : memref<!tpu.dma_semaphore, #tpu.memory_space<semaphore_mem>>) src(%arg11 : memref<80x128xf32, #tpu.memory_space<vmem>>) dst(%dma_wait3A_51 : memref<80x128xf32, #tpu.memory_space<hbm>>)
        tpu.yield
      }) : () -> ()
      "tpu.region"() ({
        %run_scoped3A = tpu.sem_alloc : memref<!tpu.dma_semaphore, #tpu.memory_space<semaphore_mem>>
        %dma_start3A_37 = arith.constant 9920 : i32
        %dma_start3A_38 = arith.constant 0 : i32
        %dma_start3A_39 = tpu.memref_slice %arg12[%dma_start3A_37, %dma_start3A_38] : memref<10240x128xf32, #tpu.memory_space<vmem_shared>> -> memref<80x128xf32, #tpu.memory_space<vmem_shared>>
        %dma_start3A_40 = arith.constant 9920 : i32
        %dma_start3A_41 = arith.constant 0 : i32
        %dma_start3A_42 = tpu.memref_slice %arg12[%dma_start3A_40, %dma_start3A_41] : memref<10240x128xf32, #tpu.memory_space<vmem_shared>> -> memref<80x128xf32, #tpu.memory_space<vmem_shared>>
        tpu.enqueue_dma source(%dma_start3A_42 : memref<80x128xf32, #tpu.memory_space<vmem_shared>>) target(%arg11 : memref<80x128xf32, #tpu.memory_space<vmem>>) target_semaphore(%run_scoped3A : memref<!tpu.dma_semaphore, #tpu.memory_space<semaphore_mem>>)
        %dma_wait3A = arith.constant 9920 : i32
        %dma_wait3A_43 = arith.constant 0 : i32
        %dma_wait3A_44 = tpu.memref_slice %arg12[%dma_wait3A, %dma_wait3A_43] : memref<10240x128xf32, #tpu.memory_space<vmem_shared>> -> memref<80x128xf32, #tpu.memory_space<vmem_shared>>
        %dma_wait3A_45 = arith.constant 9920 : i32
        %dma_wait3A_46 = arith.constant 0 : i32
        %dma_wait3A_47 = tpu.memref_slice %arg12[%dma_wait3A_45, %dma_wait3A_46] : memref<10240x128xf32, #tpu.memory_space<vmem_shared>> -> memref<80x128xf32, #tpu.memory_space<vmem_shared>>
        tpu.wait_dma2 semaphore(%run_scoped3A : memref<!tpu.dma_semaphore, #tpu.memory_space<semaphore_mem>>) src(%dma_wait3A_47 : memref<80x128xf32, #tpu.memory_space<vmem_shared>>) dst(%arg11 : memref<80x128xf32, #tpu.memory_space<vmem>>)
        tpu.yield
      }) : () -> ()
      "tpu.region"() ({
        %run_scoped3A = tpu.sem_alloc : memref<!tpu.dma_semaphore, #tpu.memory_space<semaphore_mem>>
        %dma_start3A_37 = arith.constant 9920 : i32
        %dma_start3A_38 = arith.constant 0 : i32
        %dma_start3A_39 = tpu.memref_slice %arg6[%arg0, %dma_start3A_37, %dma_start3A_38] : memref<2x10000x128xf32, #tpu.memory_space<hbm>> -> memref<1x80x128xf32, #tpu.memory_space<hbm>>
        %dma_start3A_40 = tpu.memref_squeeze %dma_start3A_39 : memref<1x80x128xf32, #tpu.memory_space<hbm>> -> memref<80x128xf32, #tpu.memory_space<hbm>>
        %dma_start3A_41 = arith.constant 9920 : i32
        %dma_start3A_42 = arith.constant 0 : i32
        %dma_start3A_43 = tpu.memref_slice %arg6[%arg0, %dma_start3A_41, %dma_start3A_42] : memref<2x10000x128xf32, #tpu.memory_space<hbm>> -> memref<1x80x128xf32, #tpu.memory_space<hbm>>
        %dma_start3A_44 = tpu.memref_squeeze %dma_start3A_43 : memref<1x80x128xf32, #tpu.memory_space<hbm>> -> memref<80x128xf32, #tpu.memory_space<hbm>>
        tpu.enqueue_dma source(%arg11 : memref<80x128xf32, #tpu.memory_space<vmem>>) target(%dma_start3A_44 : memref<80x128xf32, #tpu.memory_space<hbm>>) target_semaphore(%run_scoped3A : memref<!tpu.dma_semaphore, #tpu.memory_space<semaphore_mem>>)
        %dma_wait3A = arith.constant 9920 : i32
        %dma_wait3A_45 = arith.constant 0 : i32
        %dma_wait3A_46 = tpu.memref_slice %arg6[%arg0, %dma_wait3A, %dma_wait3A_45] : memref<2x10000x128xf32, #tpu.memory_space<hbm>> -> memref<1x80x128xf32, #tpu.memory_space<hbm>>
        %dma_wait3A_47 = tpu.memref_squeeze %dma_wait3A_46 : memref<1x80x128xf32, #tpu.memory_space<hbm>> -> memref<80x128xf32, #tpu.memory_space<hbm>>
        %dma_wait3A_48 = arith.constant 9920 : i32
        %dma_wait3A_49 = arith.constant 0 : i32
        %dma_wait3A_50 = tpu.memref_slice %arg6[%arg0, %dma_wait3A_48, %dma_wait3A_49] : memref<2x10000x128xf32, #tpu.memory_space<hbm>> -> memref<1x80x128xf32, #tpu.memory_space<hbm>>
        %dma_wait3A_51 = tpu.memref_squeeze %dma_wait3A_50 : memref<1x80x128xf32, #tpu.memory_space<hbm>> -> memref<80x128xf32, #tpu.memory_space<hbm>>
        tpu.wait_dma2 semaphore(%run_scoped3A : memref<!tpu.dma_semaphore, #tpu.memory_space<semaphore_mem>>) src(%arg11 : memref<80x128xf32, #tpu.memory_space<vmem>>) dst(%dma_wait3A_51 : memref<80x128xf32, #tpu.memory_space<hbm>>)
        tpu.yield
      }) : () -> ()
    } else {
    }
    return
  }
}

#map = affine_map<(d0, d1) -> (0, 0)>
#map1 = affine_map<(d0, d1) -> (0, 0, 0)>
module attributes {stable_mosaic.version = 14 : i64} {
  func.func @agg_kernel(%arg0: i32, %arg1: i32, %arg2: memref<10000x64xf32, #tpu.memory_space<hbm>>, %arg3: memref<32x80x128xi32, #tpu.memory_space<hbm>>, %arg4: memref<32x80x128xi32, #tpu.memory_space<hbm>>, %arg5: memref<80x64xf32, #tpu.memory_space<hbm>>, %arg6: memref<2x10000x64xf32, #tpu.memory_space<hbm>>, %arg7: memref<80x128xi32, #tpu.memory_space<vmem>>, %arg8: memref<80x128xi32, #tpu.memory_space<vmem>>, %arg9: memref<128x64xf32, #tpu.memory_space<vmem>>, %arg10: memref<128x64xf32, #tpu.memory_space<vmem>>, %arg11: memref<128x64xf32, #tpu.memory_space<vmem>>, %arg12: memref<128x64xf32, #tpu.memory_space<vmem>>, %arg13: memref<80x64xf32, #tpu.memory_space<vmem>>, %arg14: memref<10240x64xf32, #tpu.memory_space<vmem_shared>>, %arg15: memref<!tpu.dma_semaphore, #tpu.memory_space<semaphore_mem>>, %arg16: memref<!tpu.dma_semaphore, #tpu.memory_space<semaphore_mem>>, %arg17: memref<!tpu.dma_semaphore, #tpu.memory_space<semaphore_mem>>, %arg18: memref<!tpu.dma_semaphore, #tpu.memory_space<semaphore_mem>>) attributes {dimension_semantics = [#tpu.dimension_semantics<core_parallel>, #tpu.dimension_semantics<subcore_parallel>], iteration_bounds = array<i64: 2, 16>, scalar_prefetch = 0 : i64, scratch_operands = 12 : i64, tpu.core_type = #tpu.core_type<sc_vector_subcore>, window_params = [{transform_indices = #map}, {transform_indices = #map1}, {transform_indices = #map1}, {transform_indices = #map}, {transform_indices = #map1}]} {
    %mul3A = arith.constant 2 : i32
    %mul3A_0 = arith.muli %arg1, %mul3A : i32
    %add3A = arith.addi %mul3A_0, %arg0 : i32
    %mul3A_1 = arith.constant 640 : i32
    %mul3A_2 = arith.muli %arg1, %mul3A_1 : i32
    %multiple_of3A = tpu.assume_multiple %mul3A_2, 640 : i32
    "tpu.region"() ({
      %run_scoped3A = tpu.sem_alloc : memref<!tpu.dma_semaphore, #tpu.memory_space<semaphore_mem>>
      tpu.enqueue_dma source(%arg5 : memref<80x64xf32, #tpu.memory_space<hbm>>) target(%arg13 : memref<80x64xf32, #tpu.memory_space<vmem>>) target_semaphore(%run_scoped3A : memref<!tpu.dma_semaphore, #tpu.memory_space<semaphore_mem>>)
      tpu.wait_dma2 semaphore(%run_scoped3A : memref<!tpu.dma_semaphore, #tpu.memory_space<semaphore_mem>>) src(%arg5 : memref<80x64xf32, #tpu.memory_space<hbm>>) dst(%arg13 : memref<80x64xf32, #tpu.memory_space<vmem>>)
      tpu.yield
    }) : () -> ()
    %add3A_3 = arith.constant 0 : i32
    %add3A_4 = arith.addi %multiple_of3A, %add3A_3 : i32
    "tpu.region"() ({
      %run_scoped3A = tpu.sem_alloc : memref<!tpu.dma_semaphore, #tpu.memory_space<semaphore_mem>>
      %dma_start3A_51 = arith.constant 0 : i32
      %dma_start3A_52 = tpu.memref_slice %arg14[%add3A_4, %dma_start3A_51] : memref<10240x64xf32, #tpu.memory_space<vmem_shared>> -> memref<80x64xf32, #tpu.memory_space<vmem_shared>>
      %dma_start3A_53 = arith.constant 0 : i32
      %dma_start3A_54 = tpu.memref_slice %arg14[%add3A_4, %dma_start3A_53] : memref<10240x64xf32, #tpu.memory_space<vmem_shared>> -> memref<80x64xf32, #tpu.memory_space<vmem_shared>>
      tpu.enqueue_dma source(%arg13 : memref<80x64xf32, #tpu.memory_space<vmem>>) target(%dma_start3A_54 : memref<80x64xf32, #tpu.memory_space<vmem_shared>>) target_semaphore(%run_scoped3A : memref<!tpu.dma_semaphore, #tpu.memory_space<semaphore_mem>>)
      %dma_wait3A = arith.constant 0 : i32
      %dma_wait3A_55 = tpu.memref_slice %arg14[%add3A_4, %dma_wait3A] : memref<10240x64xf32, #tpu.memory_space<vmem_shared>> -> memref<80x64xf32, #tpu.memory_space<vmem_shared>>
      %dma_wait3A_56 = arith.constant 0 : i32
      %dma_wait3A_57 = tpu.memref_slice %arg14[%add3A_4, %dma_wait3A_56] : memref<10240x64xf32, #tpu.memory_space<vmem_shared>> -> memref<80x64xf32, #tpu.memory_space<vmem_shared>>
      tpu.wait_dma2 semaphore(%run_scoped3A : memref<!tpu.dma_semaphore, #tpu.memory_space<semaphore_mem>>) src(%arg13 : memref<80x64xf32, #tpu.memory_space<vmem>>) dst(%dma_wait3A_57 : memref<80x64xf32, #tpu.memory_space<vmem_shared>>)
      tpu.yield
    }) : () -> ()
    %add3A_5 = arith.constant 80 : i32
    %add3A_6 = arith.addi %multiple_of3A, %add3A_5 : i32
    "tpu.region"() ({
      %run_scoped3A = tpu.sem_alloc : memref<!tpu.dma_semaphore, #tpu.memory_space<semaphore_mem>>
      %dma_start3A_51 = arith.constant 0 : i32
      %dma_start3A_52 = tpu.memref_slice %arg14[%add3A_6, %dma_start3A_51] : memref<10240x64xf32, #tpu.memory_space<vmem_shared>> -> memref<80x64xf32, #tpu.memory_space<vmem_shared>>
      %dma_start3A_53 = arith.constant 0 : i32
      %dma_start3A_54 = tpu.memref_slice %arg14[%add3A_6, %dma_start3A_53] : memref<10240x64xf32, #tpu.memory_space<vmem_shared>> -> memref<80x64xf32, #tpu.memory_space<vmem_shared>>
      tpu.enqueue_dma source(%arg13 : memref<80x64xf32, #tpu.memory_space<vmem>>) target(%dma_start3A_54 : memref<80x64xf32, #tpu.memory_space<vmem_shared>>) target_semaphore(%run_scoped3A : memref<!tpu.dma_semaphore, #tpu.memory_space<semaphore_mem>>)
      %dma_wait3A = arith.constant 0 : i32
      %dma_wait3A_55 = tpu.memref_slice %arg14[%add3A_6, %dma_wait3A] : memref<10240x64xf32, #tpu.memory_space<vmem_shared>> -> memref<80x64xf32, #tpu.memory_space<vmem_shared>>
      %dma_wait3A_56 = arith.constant 0 : i32
      %dma_wait3A_57 = tpu.memref_slice %arg14[%add3A_6, %dma_wait3A_56] : memref<10240x64xf32, #tpu.memory_space<vmem_shared>> -> memref<80x64xf32, #tpu.memory_space<vmem_shared>>
      tpu.wait_dma2 semaphore(%run_scoped3A : memref<!tpu.dma_semaphore, #tpu.memory_space<semaphore_mem>>) src(%arg13 : memref<80x64xf32, #tpu.memory_space<vmem>>) dst(%dma_wait3A_57 : memref<80x64xf32, #tpu.memory_space<vmem_shared>>)
      tpu.yield
    }) : () -> ()
    %add3A_7 = arith.constant 160 : i32
    %add3A_8 = arith.addi %multiple_of3A, %add3A_7 : i32
    "tpu.region"() ({
      %run_scoped3A = tpu.sem_alloc : memref<!tpu.dma_semaphore, #tpu.memory_space<semaphore_mem>>
      %dma_start3A_51 = arith.constant 0 : i32
      %dma_start3A_52 = tpu.memref_slice %arg14[%add3A_8, %dma_start3A_51] : memref<10240x64xf32, #tpu.memory_space<vmem_shared>> -> memref<80x64xf32, #tpu.memory_space<vmem_shared>>
      %dma_start3A_53 = arith.constant 0 : i32
      %dma_start3A_54 = tpu.memref_slice %arg14[%add3A_8, %dma_start3A_53] : memref<10240x64xf32, #tpu.memory_space<vmem_shared>> -> memref<80x64xf32, #tpu.memory_space<vmem_shared>>
      tpu.enqueue_dma source(%arg13 : memref<80x64xf32, #tpu.memory_space<vmem>>) target(%dma_start3A_54 : memref<80x64xf32, #tpu.memory_space<vmem_shared>>) target_semaphore(%run_scoped3A : memref<!tpu.dma_semaphore, #tpu.memory_space<semaphore_mem>>)
      %dma_wait3A = arith.constant 0 : i32
      %dma_wait3A_55 = tpu.memref_slice %arg14[%add3A_8, %dma_wait3A] : memref<10240x64xf32, #tpu.memory_space<vmem_shared>> -> memref<80x64xf32, #tpu.memory_space<vmem_shared>>
      %dma_wait3A_56 = arith.constant 0 : i32
      %dma_wait3A_57 = tpu.memref_slice %arg14[%add3A_8, %dma_wait3A_56] : memref<10240x64xf32, #tpu.memory_space<vmem_shared>> -> memref<80x64xf32, #tpu.memory_space<vmem_shared>>
      tpu.wait_dma2 semaphore(%run_scoped3A : memref<!tpu.dma_semaphore, #tpu.memory_space<semaphore_mem>>) src(%arg13 : memref<80x64xf32, #tpu.memory_space<vmem>>) dst(%dma_wait3A_57 : memref<80x64xf32, #tpu.memory_space<vmem_shared>>)
      tpu.yield
    }) : () -> ()
    %add3A_9 = arith.constant 240 : i32
    %add3A_10 = arith.addi %multiple_of3A, %add3A_9 : i32
    "tpu.region"() ({
      %run_scoped3A = tpu.sem_alloc : memref<!tpu.dma_semaphore, #tpu.memory_space<semaphore_mem>>
      %dma_start3A_51 = arith.constant 0 : i32
      %dma_start3A_52 = tpu.memref_slice %arg14[%add3A_10, %dma_start3A_51] : memref<10240x64xf32, #tpu.memory_space<vmem_shared>> -> memref<80x64xf32, #tpu.memory_space<vmem_shared>>
      %dma_start3A_53 = arith.constant 0 : i32
      %dma_start3A_54 = tpu.memref_slice %arg14[%add3A_10, %dma_start3A_53] : memref<10240x64xf32, #tpu.memory_space<vmem_shared>> -> memref<80x64xf32, #tpu.memory_space<vmem_shared>>
      tpu.enqueue_dma source(%arg13 : memref<80x64xf32, #tpu.memory_space<vmem>>) target(%dma_start3A_54 : memref<80x64xf32, #tpu.memory_space<vmem_shared>>) target_semaphore(%run_scoped3A : memref<!tpu.dma_semaphore, #tpu.memory_space<semaphore_mem>>)
      %dma_wait3A = arith.constant 0 : i32
      %dma_wait3A_55 = tpu.memref_slice %arg14[%add3A_10, %dma_wait3A] : memref<10240x64xf32, #tpu.memory_space<vmem_shared>> -> memref<80x64xf32, #tpu.memory_space<vmem_shared>>
      %dma_wait3A_56 = arith.constant 0 : i32
      %dma_wait3A_57 = tpu.memref_slice %arg14[%add3A_10, %dma_wait3A_56] : memref<10240x64xf32, #tpu.memory_space<vmem_shared>> -> memref<80x64xf32, #tpu.memory_space<vmem_shared>>
      tpu.wait_dma2 semaphore(%run_scoped3A : memref<!tpu.dma_semaphore, #tpu.memory_space<semaphore_mem>>) src(%arg13 : memref<80x64xf32, #tpu.memory_space<vmem>>) dst(%dma_wait3A_57 : memref<80x64xf32, #tpu.memory_space<vmem_shared>>)
      tpu.yield
    }) : () -> ()
    %add3A_11 = arith.constant 320 : i32
    %add3A_12 = arith.addi %multiple_of3A, %add3A_11 : i32
    "tpu.region"() ({
      %run_scoped3A = tpu.sem_alloc : memref<!tpu.dma_semaphore, #tpu.memory_space<semaphore_mem>>
      %dma_start3A_51 = arith.constant 0 : i32
      %dma_start3A_52 = tpu.memref_slice %arg14[%add3A_12, %dma_start3A_51] : memref<10240x64xf32, #tpu.memory_space<vmem_shared>> -> memref<80x64xf32, #tpu.memory_space<vmem_shared>>
      %dma_start3A_53 = arith.constant 0 : i32
      %dma_start3A_54 = tpu.memref_slice %arg14[%add3A_12, %dma_start3A_53] : memref<10240x64xf32, #tpu.memory_space<vmem_shared>> -> memref<80x64xf32, #tpu.memory_space<vmem_shared>>
      tpu.enqueue_dma source(%arg13 : memref<80x64xf32, #tpu.memory_space<vmem>>) target(%dma_start3A_54 : memref<80x64xf32, #tpu.memory_space<vmem_shared>>) target_semaphore(%run_scoped3A : memref<!tpu.dma_semaphore, #tpu.memory_space<semaphore_mem>>)
      %dma_wait3A = arith.constant 0 : i32
      %dma_wait3A_55 = tpu.memref_slice %arg14[%add3A_12, %dma_wait3A] : memref<10240x64xf32, #tpu.memory_space<vmem_shared>> -> memref<80x64xf32, #tpu.memory_space<vmem_shared>>
      %dma_wait3A_56 = arith.constant 0 : i32
      %dma_wait3A_57 = tpu.memref_slice %arg14[%add3A_12, %dma_wait3A_56] : memref<10240x64xf32, #tpu.memory_space<vmem_shared>> -> memref<80x64xf32, #tpu.memory_space<vmem_shared>>
      tpu.wait_dma2 semaphore(%run_scoped3A : memref<!tpu.dma_semaphore, #tpu.memory_space<semaphore_mem>>) src(%arg13 : memref<80x64xf32, #tpu.memory_space<vmem>>) dst(%dma_wait3A_57 : memref<80x64xf32, #tpu.memory_space<vmem_shared>>)
      tpu.yield
    }) : () -> ()
    %add3A_13 = arith.constant 400 : i32
    %add3A_14 = arith.addi %multiple_of3A, %add3A_13 : i32
    "tpu.region"() ({
      %run_scoped3A = tpu.sem_alloc : memref<!tpu.dma_semaphore, #tpu.memory_space<semaphore_mem>>
      %dma_start3A_51 = arith.constant 0 : i32
      %dma_start3A_52 = tpu.memref_slice %arg14[%add3A_14, %dma_start3A_51] : memref<10240x64xf32, #tpu.memory_space<vmem_shared>> -> memref<80x64xf32, #tpu.memory_space<vmem_shared>>
      %dma_start3A_53 = arith.constant 0 : i32
      %dma_start3A_54 = tpu.memref_slice %arg14[%add3A_14, %dma_start3A_53] : memref<10240x64xf32, #tpu.memory_space<vmem_shared>> -> memref<80x64xf32, #tpu.memory_space<vmem_shared>>
      tpu.enqueue_dma source(%arg13 : memref<80x64xf32, #tpu.memory_space<vmem>>) target(%dma_start3A_54 : memref<80x64xf32, #tpu.memory_space<vmem_shared>>) target_semaphore(%run_scoped3A : memref<!tpu.dma_semaphore, #tpu.memory_space<semaphore_mem>>)
      %dma_wait3A = arith.constant 0 : i32
      %dma_wait3A_55 = tpu.memref_slice %arg14[%add3A_14, %dma_wait3A] : memref<10240x64xf32, #tpu.memory_space<vmem_shared>> -> memref<80x64xf32, #tpu.memory_space<vmem_shared>>
      %dma_wait3A_56 = arith.constant 0 : i32
      %dma_wait3A_57 = tpu.memref_slice %arg14[%add3A_14, %dma_wait3A_56] : memref<10240x64xf32, #tpu.memory_space<vmem_shared>> -> memref<80x64xf32, #tpu.memory_space<vmem_shared>>
      tpu.wait_dma2 semaphore(%run_scoped3A : memref<!tpu.dma_semaphore, #tpu.memory_space<semaphore_mem>>) src(%arg13 : memref<80x64xf32, #tpu.memory_space<vmem>>) dst(%dma_wait3A_57 : memref<80x64xf32, #tpu.memory_space<vmem_shared>>)
      tpu.yield
    }) : () -> ()
    %add3A_15 = arith.constant 480 : i32
    %add3A_16 = arith.addi %multiple_of3A, %add3A_15 : i32
    "tpu.region"() ({
      %run_scoped3A = tpu.sem_alloc : memref<!tpu.dma_semaphore, #tpu.memory_space<semaphore_mem>>
      %dma_start3A_51 = arith.constant 0 : i32
      %dma_start3A_52 = tpu.memref_slice %arg14[%add3A_16, %dma_start3A_51] : memref<10240x64xf32, #tpu.memory_space<vmem_shared>> -> memref<80x64xf32, #tpu.memory_space<vmem_shared>>
      %dma_start3A_53 = arith.constant 0 : i32
      %dma_start3A_54 = tpu.memref_slice %arg14[%add3A_16, %dma_start3A_53] : memref<10240x64xf32, #tpu.memory_space<vmem_shared>> -> memref<80x64xf32, #tpu.memory_space<vmem_shared>>
      tpu.enqueue_dma source(%arg13 : memref<80x64xf32, #tpu.memory_space<vmem>>) target(%dma_start3A_54 : memref<80x64xf32, #tpu.memory_space<vmem_shared>>) target_semaphore(%run_scoped3A : memref<!tpu.dma_semaphore, #tpu.memory_space<semaphore_mem>>)
      %dma_wait3A = arith.constant 0 : i32
      %dma_wait3A_55 = tpu.memref_slice %arg14[%add3A_16, %dma_wait3A] : memref<10240x64xf32, #tpu.memory_space<vmem_shared>> -> memref<80x64xf32, #tpu.memory_space<vmem_shared>>
      %dma_wait3A_56 = arith.constant 0 : i32
      %dma_wait3A_57 = tpu.memref_slice %arg14[%add3A_16, %dma_wait3A_56] : memref<10240x64xf32, #tpu.memory_space<vmem_shared>> -> memref<80x64xf32, #tpu.memory_space<vmem_shared>>
      tpu.wait_dma2 semaphore(%run_scoped3A : memref<!tpu.dma_semaphore, #tpu.memory_space<semaphore_mem>>) src(%arg13 : memref<80x64xf32, #tpu.memory_space<vmem>>) dst(%dma_wait3A_57 : memref<80x64xf32, #tpu.memory_space<vmem_shared>>)
      tpu.yield
    }) : () -> ()
    %add3A_17 = arith.constant 560 : i32
    %add3A_18 = arith.addi %multiple_of3A, %add3A_17 : i32
    "tpu.region"() ({
      %run_scoped3A = tpu.sem_alloc : memref<!tpu.dma_semaphore, #tpu.memory_space<semaphore_mem>>
      %dma_start3A_51 = arith.constant 0 : i32
      %dma_start3A_52 = tpu.memref_slice %arg14[%add3A_18, %dma_start3A_51] : memref<10240x64xf32, #tpu.memory_space<vmem_shared>> -> memref<80x64xf32, #tpu.memory_space<vmem_shared>>
      %dma_start3A_53 = arith.constant 0 : i32
      %dma_start3A_54 = tpu.memref_slice %arg14[%add3A_18, %dma_start3A_53] : memref<10240x64xf32, #tpu.memory_space<vmem_shared>> -> memref<80x64xf32, #tpu.memory_space<vmem_shared>>
      tpu.enqueue_dma source(%arg13 : memref<80x64xf32, #tpu.memory_space<vmem>>) target(%dma_start3A_54 : memref<80x64xf32, #tpu.memory_space<vmem_shared>>) target_semaphore(%run_scoped3A : memref<!tpu.dma_semaphore, #tpu.memory_space<semaphore_mem>>)
      %dma_wait3A = arith.constant 0 : i32
      %dma_wait3A_55 = tpu.memref_slice %arg14[%add3A_18, %dma_wait3A] : memref<10240x64xf32, #tpu.memory_space<vmem_shared>> -> memref<80x64xf32, #tpu.memory_space<vmem_shared>>
      %dma_wait3A_56 = arith.constant 0 : i32
      %dma_wait3A_57 = tpu.memref_slice %arg14[%add3A_18, %dma_wait3A_56] : memref<10240x64xf32, #tpu.memory_space<vmem_shared>> -> memref<80x64xf32, #tpu.memory_space<vmem_shared>>
      tpu.wait_dma2 semaphore(%run_scoped3A : memref<!tpu.dma_semaphore, #tpu.memory_space<semaphore_mem>>) src(%arg13 : memref<80x64xf32, #tpu.memory_space<vmem>>) dst(%dma_wait3A_57 : memref<80x64xf32, #tpu.memory_space<vmem_shared>>)
      tpu.yield
    }) : () -> ()
    %barrier3A = arith.constant 0 : index
    tpu.barrier barrier_id(%barrier3A)
    "tpu.region"() ({
      %run_scoped3A = tpu.sem_alloc : memref<!tpu.dma_semaphore, #tpu.memory_space<semaphore_mem>>
      %dma_start3A_51 = arith.constant 0 : i32
      %dma_start3A_52 = arith.constant 0 : i32
      %dma_start3A_53 = tpu.memref_slice %arg3[%add3A, %dma_start3A_51, %dma_start3A_52] : memref<32x80x128xi32, #tpu.memory_space<hbm>> -> memref<1x80x128xi32, #tpu.memory_space<hbm>>
      %dma_start3A_54 = tpu.memref_squeeze %dma_start3A_53 : memref<1x80x128xi32, #tpu.memory_space<hbm>> -> memref<80x128xi32, #tpu.memory_space<hbm>>
      %dma_start3A_55 = arith.constant 0 : i32
      %dma_start3A_56 = arith.constant 0 : i32
      %dma_start3A_57 = tpu.memref_slice %arg3[%add3A, %dma_start3A_55, %dma_start3A_56] : memref<32x80x128xi32, #tpu.memory_space<hbm>> -> memref<1x80x128xi32, #tpu.memory_space<hbm>>
      %dma_start3A_58 = tpu.memref_squeeze %dma_start3A_57 : memref<1x80x128xi32, #tpu.memory_space<hbm>> -> memref<80x128xi32, #tpu.memory_space<hbm>>
      tpu.enqueue_dma source(%dma_start3A_58 : memref<80x128xi32, #tpu.memory_space<hbm>>) target(%arg7 : memref<80x128xi32, #tpu.memory_space<vmem>>) target_semaphore(%run_scoped3A : memref<!tpu.dma_semaphore, #tpu.memory_space<semaphore_mem>>)
      %dma_wait3A = arith.constant 0 : i32
      %dma_wait3A_59 = arith.constant 0 : i32
      %dma_wait3A_60 = tpu.memref_slice %arg3[%add3A, %dma_wait3A, %dma_wait3A_59] : memref<32x80x128xi32, #tpu.memory_space<hbm>> -> memref<1x80x128xi32, #tpu.memory_space<hbm>>
      %dma_wait3A_61 = tpu.memref_squeeze %dma_wait3A_60 : memref<1x80x128xi32, #tpu.memory_space<hbm>> -> memref<80x128xi32, #tpu.memory_space<hbm>>
      %dma_wait3A_62 = arith.constant 0 : i32
      %dma_wait3A_63 = arith.constant 0 : i32
      %dma_wait3A_64 = tpu.memref_slice %arg3[%add3A, %dma_wait3A_62, %dma_wait3A_63] : memref<32x80x128xi32, #tpu.memory_space<hbm>> -> memref<1x80x128xi32, #tpu.memory_space<hbm>>
      %dma_wait3A_65 = tpu.memref_squeeze %dma_wait3A_64 : memref<1x80x128xi32, #tpu.memory_space<hbm>> -> memref<80x128xi32, #tpu.memory_space<hbm>>
      tpu.wait_dma2 semaphore(%run_scoped3A : memref<!tpu.dma_semaphore, #tpu.memory_space<semaphore_mem>>) src(%dma_wait3A_65 : memref<80x128xi32, #tpu.memory_space<hbm>>) dst(%arg7 : memref<80x128xi32, #tpu.memory_space<vmem>>)
      tpu.yield
    }) : () -> ()
    "tpu.region"() ({
      %run_scoped3A = tpu.sem_alloc : memref<!tpu.dma_semaphore, #tpu.memory_space<semaphore_mem>>
      %dma_start3A_51 = arith.constant 0 : i32
      %dma_start3A_52 = arith.constant 0 : i32
      %dma_start3A_53 = tpu.memref_slice %arg4[%add3A, %dma_start3A_51, %dma_start3A_52] : memref<32x80x128xi32, #tpu.memory_space<hbm>> -> memref<1x80x128xi32, #tpu.memory_space<hbm>>
      %dma_start3A_54 = tpu.memref_squeeze %dma_start3A_53 : memref<1x80x128xi32, #tpu.memory_space<hbm>> -> memref<80x128xi32, #tpu.memory_space<hbm>>
      %dma_start3A_55 = arith.constant 0 : i32
      %dma_start3A_56 = arith.constant 0 : i32
      %dma_start3A_57 = tpu.memref_slice %arg4[%add3A, %dma_start3A_55, %dma_start3A_56] : memref<32x80x128xi32, #tpu.memory_space<hbm>> -> memref<1x80x128xi32, #tpu.memory_space<hbm>>
      %dma_start3A_58 = tpu.memref_squeeze %dma_start3A_57 : memref<1x80x128xi32, #tpu.memory_space<hbm>> -> memref<80x128xi32, #tpu.memory_space<hbm>>
      tpu.enqueue_dma source(%dma_start3A_58 : memref<80x128xi32, #tpu.memory_space<hbm>>) target(%arg8 : memref<80x128xi32, #tpu.memory_space<vmem>>) target_semaphore(%run_scoped3A : memref<!tpu.dma_semaphore, #tpu.memory_space<semaphore_mem>>)
      %dma_wait3A = arith.constant 0 : i32
      %dma_wait3A_59 = arith.constant 0 : i32
      %dma_wait3A_60 = tpu.memref_slice %arg4[%add3A, %dma_wait3A, %dma_wait3A_59] : memref<32x80x128xi32, #tpu.memory_space<hbm>> -> memref<1x80x128xi32, #tpu.memory_space<hbm>>
      %dma_wait3A_61 = tpu.memref_squeeze %dma_wait3A_60 : memref<1x80x128xi32, #tpu.memory_space<hbm>> -> memref<80x128xi32, #tpu.memory_space<hbm>>
      %dma_wait3A_62 = arith.constant 0 : i32
      %dma_wait3A_63 = arith.constant 0 : i32
      %dma_wait3A_64 = tpu.memref_slice %arg4[%add3A, %dma_wait3A_62, %dma_wait3A_63] : memref<32x80x128xi32, #tpu.memory_space<hbm>> -> memref<1x80x128xi32, #tpu.memory_space<hbm>>
      %dma_wait3A_65 = tpu.memref_squeeze %dma_wait3A_64 : memref<1x80x128xi32, #tpu.memory_space<hbm>> -> memref<80x128xi32, #tpu.memory_space<hbm>>
      tpu.wait_dma2 semaphore(%run_scoped3A : memref<!tpu.dma_semaphore, #tpu.memory_space<semaphore_mem>>) src(%dma_wait3A_65 : memref<80x128xi32, #tpu.memory_space<hbm>>) dst(%arg8 : memref<80x128xi32, #tpu.memory_space<vmem>>)
      tpu.yield
    }) : () -> ()
    %dma_start3A = arith.constant 0 : i32
    %dma_start3A_19 = arith.constant 0 : i32
    %dma_start3A_20 = tpu.memref_slice %arg7[%dma_start3A, %dma_start3A_19] : memref<80x128xi32, #tpu.memory_space<vmem>> -> memref<1x128xi32, #tpu.memory_space<vmem>>
    %dma_start3A_21 = tpu.memref_squeeze %dma_start3A_20 : memref<1x128xi32, #tpu.memory_space<vmem>> -> memref<128xi32, #tpu.memory_space<vmem>>
    %dma_start3A_22 = arith.constant 0 : i32
    %dma_start3A_23 = arith.constant 0 : i32
    %dma_start3A_24 = tpu.memref_slice %arg2[%dma_start3A_22, %dma_start3A_23] : memref<10000x64xf32, #tpu.memory_space<hbm>> -> memref<10000x64xf32, #tpu.memory_space<hbm>>
    tpu.enqueue_indirect_dma source(%dma_start3A_24 : memref<10000x64xf32, #tpu.memory_space<hbm>>) target(%arg9 : memref<128x64xf32, #tpu.memory_space<vmem>>) offsets(%dma_start3A_21 : memref<128xi32, #tpu.memory_space<vmem>>) semaphore(%arg15 : memref<!tpu.dma_semaphore, #tpu.memory_space<semaphore_mem>>)
    %dma_start3A_25 = arith.constant 1 : i32
    %dma_start3A_26 = arith.constant 0 : i32
    %dma_start3A_27 = tpu.memref_slice %arg7[%dma_start3A_25, %dma_start3A_26] : memref<80x128xi32, #tpu.memory_space<vmem>> -> memref<1x128xi32, #tpu.memory_space<vmem>>
    %dma_start3A_28 = tpu.memref_squeeze %dma_start3A_27 : memref<1x128xi32, #tpu.memory_space<vmem>> -> memref<128xi32, #tpu.memory_space<vmem>>
    %dma_start3A_29 = arith.constant 0 : i32
    %dma_start3A_30 = arith.constant 0 : i32
    %dma_start3A_31 = tpu.memref_slice %arg2[%dma_start3A_29, %dma_start3A_30] : memref<10000x64xf32, #tpu.memory_space<hbm>> -> memref<10000x64xf32, #tpu.memory_space<hbm>>
    tpu.enqueue_indirect_dma source(%dma_start3A_31 : memref<10000x64xf32, #tpu.memory_space<hbm>>) target(%arg10 : memref<128x64xf32, #tpu.memory_space<vmem>>) offsets(%dma_start3A_28 : memref<128xi32, #tpu.memory_space<vmem>>) semaphore(%arg16 : memref<!tpu.dma_semaphore, #tpu.memory_space<semaphore_mem>>)
    %dma_start3A_32 = arith.constant 2 : i32
    %dma_start3A_33 = arith.constant 0 : i32
    %dma_start3A_34 = tpu.memref_slice %arg7[%dma_start3A_32, %dma_start3A_33] : memref<80x128xi32, #tpu.memory_space<vmem>> -> memref<1x128xi32, #tpu.memory_space<vmem>>
    %dma_start3A_35 = tpu.memref_squeeze %dma_start3A_34 : memref<1x128xi32, #tpu.memory_space<vmem>> -> memref<128xi32, #tpu.memory_space<vmem>>
    %dma_start3A_36 = arith.constant 0 : i32
    %dma_start3A_37 = arith.constant 0 : i32
    %dma_start3A_38 = tpu.memref_slice %arg2[%dma_start3A_36, %dma_start3A_37] : memref<10000x64xf32, #tpu.memory_space<hbm>> -> memref<10000x64xf32, #tpu.memory_space<hbm>>
    tpu.enqueue_indirect_dma source(%dma_start3A_38 : memref<10000x64xf32, #tpu.memory_space<hbm>>) target(%arg11 : memref<128x64xf32, #tpu.memory_space<vmem>>) offsets(%dma_start3A_35 : memref<128xi32, #tpu.memory_space<vmem>>) semaphore(%arg17 : memref<!tpu.dma_semaphore, #tpu.memory_space<semaphore_mem>>)
    %scan3A = arith.constant 0 : i32
    %scan3A_39 = arith.constant 0 : i32
    %scan3A_40 = arith.constant 20 : i32
    %scan3A_41 = arith.addi %scan3A_39, %scan3A_40 : i32
    %scan3A_42 = arith.constant 1 : i32
    scf.for %scan3A_51 = %scan3A_39 to %scan3A_41 step %scan3A_42  : i32 {
      %mul3A_52 = arith.constant 4 : i32
      %mul3A_53 = arith.muli %scan3A_51, %mul3A_52 : i32
      %add3A_54 = arith.constant 0 : i32
      %add3A_55 = arith.addi %mul3A_53, %add3A_54 : i32
      %add3A_56 = arith.constant 4 : i32
      %add3A_57 = arith.addi %add3A_55, %add3A_56 : i32
      %sub3A = arith.constant 1 : i32
      %sub3A_58 = arith.subi %add3A_57, %sub3A : i32
      %lt3A_59 = arith.constant 80 : i32
      %lt3A_60 = arith.cmpi slt, %sub3A_58, %lt3A_59 : i32
      %convert_element_type3A_61 = arith.extui %lt3A_60 : i1 to i32
      %cond3A_62 = arith.constant 0 : i32
      %cond3A_63 = arith.cmpi ne, %convert_element_type3A_61, %cond3A_62 : i32
      scf.if %cond3A_63 {
        %add3A_120 = arith.constant 4 : i32
        %add3A_121 = arith.addi %add3A_55, %add3A_120 : i32
        %sub3A_122 = arith.constant 1 : i32
        %sub3A_123 = arith.subi %add3A_121, %sub3A_122 : i32
        %dma_start3A_124 = arith.constant 0 : i32
        %dma_start3A_125 = tpu.memref_slice %arg7[%sub3A_123, %dma_start3A_124] : memref<80x128xi32, #tpu.memory_space<vmem>> -> memref<1x128xi32, #tpu.memory_space<vmem>>
        %dma_start3A_126 = tpu.memref_squeeze %dma_start3A_125 : memref<1x128xi32, #tpu.memory_space<vmem>> -> memref<128xi32, #tpu.memory_space<vmem>>
        %dma_start3A_127 = arith.constant 0 : i32
        %dma_start3A_128 = arith.constant 0 : i32
        %dma_start3A_129 = tpu.memref_slice %arg2[%dma_start3A_127, %dma_start3A_128] : memref<10000x64xf32, #tpu.memory_space<hbm>> -> memref<10000x64xf32, #tpu.memory_space<hbm>>
        tpu.enqueue_indirect_dma source(%dma_start3A_129 : memref<10000x64xf32, #tpu.memory_space<hbm>>) target(%arg12 : memref<128x64xf32, #tpu.memory_space<vmem>>) offsets(%dma_start3A_126 : memref<128xi32, #tpu.memory_space<vmem>>) semaphore(%arg18 : memref<!tpu.dma_semaphore, #tpu.memory_space<semaphore_mem>>)
      } else {
      }
      %dma_wait3A = arith.constant 0 : i32
      %dma_wait3A_64 = tpu.memref_slice %arg7[%add3A_55, %dma_wait3A] : memref<80x128xi32, #tpu.memory_space<vmem>> -> memref<1x128xi32, #tpu.memory_space<vmem>>
      %dma_wait3A_65 = tpu.memref_squeeze %dma_wait3A_64 : memref<1x128xi32, #tpu.memory_space<vmem>> -> memref<128xi32, #tpu.memory_space<vmem>>
      %dma_wait3A_66 = arith.constant 0 : i32
      %dma_wait3A_67 = arith.constant 0 : i32
      %dma_wait3A_68 = tpu.memref_slice %arg2[%dma_wait3A_66, %dma_wait3A_67] : memref<10000x64xf32, #tpu.memory_space<hbm>> -> memref<10000x64xf32, #tpu.memory_space<hbm>>
      tpu.wait_indirect_dma semaphore(%arg15 : memref<!tpu.dma_semaphore, #tpu.memory_space<semaphore_mem>>) src(%dma_wait3A_68 : memref<10000x64xf32, #tpu.memory_space<hbm>>) dst(%arg9 : memref<128x64xf32, #tpu.memory_space<vmem>>)
      "tpu.region"() ({
        %run_scoped3A = tpu.sem_alloc : memref<!tpu.dma_semaphore, #tpu.memory_space<semaphore_mem>>
        %dma_start3A_120 = arith.constant 0 : i32
        %dma_start3A_121 = tpu.memref_slice %arg8[%add3A_55, %dma_start3A_120] : memref<80x128xi32, #tpu.memory_space<vmem>> -> memref<1x128xi32, #tpu.memory_space<vmem>>
        %dma_start3A_122 = tpu.memref_squeeze %dma_start3A_121 : memref<1x128xi32, #tpu.memory_space<vmem>> -> memref<128xi32, #tpu.memory_space<vmem>>
        %dma_start3A_123 = arith.constant 0 : i32
        %dma_start3A_124 = arith.constant 0 : i32
        %dma_start3A_125 = tpu.memref_slice %arg14[%dma_start3A_123, %dma_start3A_124] : memref<10240x64xf32, #tpu.memory_space<vmem_shared>> -> memref<10240x64xf32, #tpu.memory_space<vmem_shared>>
        tpu.enqueue_indirect_dma source(%arg9 : memref<128x64xf32, #tpu.memory_space<vmem>>) target(%dma_start3A_125 : memref<10240x64xf32, #tpu.memory_space<vmem_shared>>) offsets(%dma_start3A_122 : memref<128xi32, #tpu.memory_space<vmem>>) semaphore(%run_scoped3A : memref<!tpu.dma_semaphore, #tpu.memory_space<semaphore_mem>>) {add = true}
        %dma_wait3A_126 = arith.constant 0 : i32
        %dma_wait3A_127 = tpu.memref_slice %arg8[%add3A_55, %dma_wait3A_126] : memref<80x128xi32, #tpu.memory_space<vmem>> -> memref<1x128xi32, #tpu.memory_space<vmem>>
        %dma_wait3A_128 = tpu.memref_squeeze %dma_wait3A_127 : memref<1x128xi32, #tpu.memory_space<vmem>> -> memref<128xi32, #tpu.memory_space<vmem>>
        %dma_wait3A_129 = arith.constant 0 : i32
        %dma_wait3A_130 = arith.constant 0 : i32
        %dma_wait3A_131 = tpu.memref_slice %arg14[%dma_wait3A_129, %dma_wait3A_130] : memref<10240x64xf32, #tpu.memory_space<vmem_shared>> -> memref<10240x64xf32, #tpu.memory_space<vmem_shared>>
        tpu.wait_indirect_dma semaphore(%run_scoped3A : memref<!tpu.dma_semaphore, #tpu.memory_space<semaphore_mem>>) src(%arg9 : memref<128x64xf32, #tpu.memory_space<vmem>>) dst(%dma_wait3A_131 : memref<10240x64xf32, #tpu.memory_space<vmem_shared>>)
        tpu.yield
      }) : () -> ()
      %add3A_69 = arith.constant 1 : i32
      %add3A_70 = arith.addi %mul3A_53, %add3A_69 : i32
      %add3A_71 = arith.constant 4 : i32
      %add3A_72 = arith.addi %add3A_70, %add3A_71 : i32
      %sub3A_73 = arith.constant 1 : i32
      %sub3A_74 = arith.subi %add3A_72, %sub3A_73 : i32
      %lt3A_75 = arith.constant 80 : i32
      %lt3A_76 = arith.cmpi slt, %sub3A_74, %lt3A_75 : i32
      %convert_element_type3A_77 = arith.extui %lt3A_76 : i1 to i32
      %cond3A_78 = arith.constant 0 : i32
      %cond3A_79 = arith.cmpi ne, %convert_element_type3A_77, %cond3A_78 : i32
      scf.if %cond3A_79 {
        %add3A_120 = arith.constant 4 : i32
        %add3A_121 = arith.addi %add3A_70, %add3A_120 : i32
        %sub3A_122 = arith.constant 1 : i32
        %sub3A_123 = arith.subi %add3A_121, %sub3A_122 : i32
        %dma_start3A_124 = arith.constant 0 : i32
        %dma_start3A_125 = tpu.memref_slice %arg7[%sub3A_123, %dma_start3A_124] : memref<80x128xi32, #tpu.memory_space<vmem>> -> memref<1x128xi32, #tpu.memory_space<vmem>>
        %dma_start3A_126 = tpu.memref_squeeze %dma_start3A_125 : memref<1x128xi32, #tpu.memory_space<vmem>> -> memref<128xi32, #tpu.memory_space<vmem>>
        %dma_start3A_127 = arith.constant 0 : i32
        %dma_start3A_128 = arith.constant 0 : i32
        %dma_start3A_129 = tpu.memref_slice %arg2[%dma_start3A_127, %dma_start3A_128] : memref<10000x64xf32, #tpu.memory_space<hbm>> -> memref<10000x64xf32, #tpu.memory_space<hbm>>
        tpu.enqueue_indirect_dma source(%dma_start3A_129 : memref<10000x64xf32, #tpu.memory_space<hbm>>) target(%arg9 : memref<128x64xf32, #tpu.memory_space<vmem>>) offsets(%dma_start3A_126 : memref<128xi32, #tpu.memory_space<vmem>>) semaphore(%arg15 : memref<!tpu.dma_semaphore, #tpu.memory_space<semaphore_mem>>)
      } else {
      }
      %dma_wait3A_80 = arith.constant 0 : i32
      %dma_wait3A_81 = tpu.memref_slice %arg7[%add3A_70, %dma_wait3A_80] : memref<80x128xi32, #tpu.memory_space<vmem>> -> memref<1x128xi32, #tpu.memory_space<vmem>>
      %dma_wait3A_82 = tpu.memref_squeeze %dma_wait3A_81 : memref<1x128xi32, #tpu.memory_space<vmem>> -> memref<128xi32, #tpu.memory_space<vmem>>
      %dma_wait3A_83 = arith.constant 0 : i32
      %dma_wait3A_84 = arith.constant 0 : i32
      %dma_wait3A_85 = tpu.memref_slice %arg2[%dma_wait3A_83, %dma_wait3A_84] : memref<10000x64xf32, #tpu.memory_space<hbm>> -> memref<10000x64xf32, #tpu.memory_space<hbm>>
      tpu.wait_indirect_dma semaphore(%arg16 : memref<!tpu.dma_semaphore, #tpu.memory_space<semaphore_mem>>) src(%dma_wait3A_85 : memref<10000x64xf32, #tpu.memory_space<hbm>>) dst(%arg10 : memref<128x64xf32, #tpu.memory_space<vmem>>)
      "tpu.region"() ({
        %run_scoped3A = tpu.sem_alloc : memref<!tpu.dma_semaphore, #tpu.memory_space<semaphore_mem>>
        %dma_start3A_120 = arith.constant 0 : i32
        %dma_start3A_121 = tpu.memref_slice %arg8[%add3A_70, %dma_start3A_120] : memref<80x128xi32, #tpu.memory_space<vmem>> -> memref<1x128xi32, #tpu.memory_space<vmem>>
        %dma_start3A_122 = tpu.memref_squeeze %dma_start3A_121 : memref<1x128xi32, #tpu.memory_space<vmem>> -> memref<128xi32, #tpu.memory_space<vmem>>
        %dma_start3A_123 = arith.constant 0 : i32
        %dma_start3A_124 = arith.constant 0 : i32
        %dma_start3A_125 = tpu.memref_slice %arg14[%dma_start3A_123, %dma_start3A_124] : memref<10240x64xf32, #tpu.memory_space<vmem_shared>> -> memref<10240x64xf32, #tpu.memory_space<vmem_shared>>
        tpu.enqueue_indirect_dma source(%arg10 : memref<128x64xf32, #tpu.memory_space<vmem>>) target(%dma_start3A_125 : memref<10240x64xf32, #tpu.memory_space<vmem_shared>>) offsets(%dma_start3A_122 : memref<128xi32, #tpu.memory_space<vmem>>) semaphore(%run_scoped3A : memref<!tpu.dma_semaphore, #tpu.memory_space<semaphore_mem>>) {add = true}
        %dma_wait3A_126 = arith.constant 0 : i32
        %dma_wait3A_127 = tpu.memref_slice %arg8[%add3A_70, %dma_wait3A_126] : memref<80x128xi32, #tpu.memory_space<vmem>> -> memref<1x128xi32, #tpu.memory_space<vmem>>
        %dma_wait3A_128 = tpu.memref_squeeze %dma_wait3A_127 : memref<1x128xi32, #tpu.memory_space<vmem>> -> memref<128xi32, #tpu.memory_space<vmem>>
        %dma_wait3A_129 = arith.constant 0 : i32
        %dma_wait3A_130 = arith.constant 0 : i32
        %dma_wait3A_131 = tpu.memref_slice %arg14[%dma_wait3A_129, %dma_wait3A_130] : memref<10240x64xf32, #tpu.memory_space<vmem_shared>> -> memref<10240x64xf32, #tpu.memory_space<vmem_shared>>
        tpu.wait_indirect_dma semaphore(%run_scoped3A : memref<!tpu.dma_semaphore, #tpu.memory_space<semaphore_mem>>) src(%arg10 : memref<128x64xf32, #tpu.memory_space<vmem>>) dst(%dma_wait3A_131 : memref<10240x64xf32, #tpu.memory_space<vmem_shared>>)
        tpu.yield
      }) : () -> ()
      %add3A_86 = arith.constant 2 : i32
      %add3A_87 = arith.addi %mul3A_53, %add3A_86 : i32
      %add3A_88 = arith.constant 4 : i32
      %add3A_89 = arith.addi %add3A_87, %add3A_88 : i32
      %sub3A_90 = arith.constant 1 : i32
      %sub3A_91 = arith.subi %add3A_89, %sub3A_90 : i32
      %lt3A_92 = arith.constant 80 : i32
      %lt3A_93 = arith.cmpi slt, %sub3A_91, %lt3A_92 : i32
      %convert_element_type3A_94 = arith.extui %lt3A_93 : i1 to i32
      %cond3A_95 = arith.constant 0 : i32
      %cond3A_96 = arith.cmpi ne, %convert_element_type3A_94, %cond3A_95 : i32
      scf.if %cond3A_96 {
        %add3A_120 = arith.constant 4 : i32
        %add3A_121 = arith.addi %add3A_87, %add3A_120 : i32
        %sub3A_122 = arith.constant 1 : i32
        %sub3A_123 = arith.subi %add3A_121, %sub3A_122 : i32
        %dma_start3A_124 = arith.constant 0 : i32
        %dma_start3A_125 = tpu.memref_slice %arg7[%sub3A_123, %dma_start3A_124] : memref<80x128xi32, #tpu.memory_space<vmem>> -> memref<1x128xi32, #tpu.memory_space<vmem>>
        %dma_start3A_126 = tpu.memref_squeeze %dma_start3A_125 : memref<1x128xi32, #tpu.memory_space<vmem>> -> memref<128xi32, #tpu.memory_space<vmem>>
        %dma_start3A_127 = arith.constant 0 : i32
        %dma_start3A_128 = arith.constant 0 : i32
        %dma_start3A_129 = tpu.memref_slice %arg2[%dma_start3A_127, %dma_start3A_128] : memref<10000x64xf32, #tpu.memory_space<hbm>> -> memref<10000x64xf32, #tpu.memory_space<hbm>>
        tpu.enqueue_indirect_dma source(%dma_start3A_129 : memref<10000x64xf32, #tpu.memory_space<hbm>>) target(%arg10 : memref<128x64xf32, #tpu.memory_space<vmem>>) offsets(%dma_start3A_126 : memref<128xi32, #tpu.memory_space<vmem>>) semaphore(%arg16 : memref<!tpu.dma_semaphore, #tpu.memory_space<semaphore_mem>>)
      } else {
      }
      %dma_wait3A_97 = arith.constant 0 : i32
      %dma_wait3A_98 = tpu.memref_slice %arg7[%add3A_87, %dma_wait3A_97] : memref<80x128xi32, #tpu.memory_space<vmem>> -> memref<1x128xi32, #tpu.memory_space<vmem>>
      %dma_wait3A_99 = tpu.memref_squeeze %dma_wait3A_98 : memref<1x128xi32, #tpu.memory_space<vmem>> -> memref<128xi32, #tpu.memory_space<vmem>>
      %dma_wait3A_100 = arith.constant 0 : i32
      %dma_wait3A_101 = arith.constant 0 : i32
      %dma_wait3A_102 = tpu.memref_slice %arg2[%dma_wait3A_100, %dma_wait3A_101] : memref<10000x64xf32, #tpu.memory_space<hbm>> -> memref<10000x64xf32, #tpu.memory_space<hbm>>
      tpu.wait_indirect_dma semaphore(%arg17 : memref<!tpu.dma_semaphore, #tpu.memory_space<semaphore_mem>>) src(%dma_wait3A_102 : memref<10000x64xf32, #tpu.memory_space<hbm>>) dst(%arg11 : memref<128x64xf32, #tpu.memory_space<vmem>>)
      "tpu.region"() ({
        %run_scoped3A = tpu.sem_alloc : memref<!tpu.dma_semaphore, #tpu.memory_space<semaphore_mem>>
        %dma_start3A_120 = arith.constant 0 : i32
        %dma_start3A_121 = tpu.memref_slice %arg8[%add3A_87, %dma_start3A_120] : memref<80x128xi32, #tpu.memory_space<vmem>> -> memref<1x128xi32, #tpu.memory_space<vmem>>
        %dma_start3A_122 = tpu.memref_squeeze %dma_start3A_121 : memref<1x128xi32, #tpu.memory_space<vmem>> -> memref<128xi32, #tpu.memory_space<vmem>>
        %dma_start3A_123 = arith.constant 0 : i32
        %dma_start3A_124 = arith.constant 0 : i32
        %dma_start3A_125 = tpu.memref_slice %arg14[%dma_start3A_123, %dma_start3A_124] : memref<10240x64xf32, #tpu.memory_space<vmem_shared>> -> memref<10240x64xf32, #tpu.memory_space<vmem_shared>>
        tpu.enqueue_indirect_dma source(%arg11 : memref<128x64xf32, #tpu.memory_space<vmem>>) target(%dma_start3A_125 : memref<10240x64xf32, #tpu.memory_space<vmem_shared>>) offsets(%dma_start3A_122 : memref<128xi32, #tpu.memory_space<vmem>>) semaphore(%run_scoped3A : memref<!tpu.dma_semaphore, #tpu.memory_space<semaphore_mem>>) {add = true}
        %dma_wait3A_126 = arith.constant 0 : i32
        %dma_wait3A_127 = tpu.memref_slice %arg8[%add3A_87, %dma_wait3A_126] : memref<80x128xi32, #tpu.memory_space<vmem>> -> memref<1x128xi32, #tpu.memory_space<vmem>>
        %dma_wait3A_128 = tpu.memref_squeeze %dma_wait3A_127 : memref<1x128xi32, #tpu.memory_space<vmem>> -> memref<128xi32, #tpu.memory_space<vmem>>
        %dma_wait3A_129 = arith.constant 0 : i32
        %dma_wait3A_130 = arith.constant 0 : i32
        %dma_wait3A_131 = tpu.memref_slice %arg14[%dma_wait3A_129, %dma_wait3A_130] : memref<10240x64xf32, #tpu.memory_space<vmem_shared>> -> memref<10240x64xf32, #tpu.memory_space<vmem_shared>>
        tpu.wait_indirect_dma semaphore(%run_scoped3A : memref<!tpu.dma_semaphore, #tpu.memory_space<semaphore_mem>>) src(%arg11 : memref<128x64xf32, #tpu.memory_space<vmem>>) dst(%dma_wait3A_131 : memref<10240x64xf32, #tpu.memory_space<vmem_shared>>)
        tpu.yield
      }) : () -> ()
      %add3A_103 = arith.constant 3 : i32
      %add3A_104 = arith.addi %mul3A_53, %add3A_103 : i32
      %add3A_105 = arith.constant 4 : i32
      %add3A_106 = arith.addi %add3A_104, %add3A_105 : i32
      %sub3A_107 = arith.constant 1 : i32
      %sub3A_108 = arith.subi %add3A_106, %sub3A_107 : i32
      %lt3A_109 = arith.constant 80 : i32
      %lt3A_110 = arith.cmpi slt, %sub3A_108, %lt3A_109 : i32
      %convert_element_type3A_111 = arith.extui %lt3A_110 : i1 to i32
      %cond3A_112 = arith.constant 0 : i32
      %cond3A_113 = arith.cmpi ne, %convert_element_type3A_111, %cond3A_112 : i32
      scf.if %cond3A_113 {
        %add3A_120 = arith.constant 4 : i32
        %add3A_121 = arith.addi %add3A_104, %add3A_120 : i32
        %sub3A_122 = arith.constant 1 : i32
        %sub3A_123 = arith.subi %add3A_121, %sub3A_122 : i32
        %dma_start3A_124 = arith.constant 0 : i32
        %dma_start3A_125 = tpu.memref_slice %arg7[%sub3A_123, %dma_start3A_124] : memref<80x128xi32, #tpu.memory_space<vmem>> -> memref<1x128xi32, #tpu.memory_space<vmem>>
        %dma_start3A_126 = tpu.memref_squeeze %dma_start3A_125 : memref<1x128xi32, #tpu.memory_space<vmem>> -> memref<128xi32, #tpu.memory_space<vmem>>
        %dma_start3A_127 = arith.constant 0 : i32
        %dma_start3A_128 = arith.constant 0 : i32
        %dma_start3A_129 = tpu.memref_slice %arg2[%dma_start3A_127, %dma_start3A_128] : memref<10000x64xf32, #tpu.memory_space<hbm>> -> memref<10000x64xf32, #tpu.memory_space<hbm>>
        tpu.enqueue_indirect_dma source(%dma_start3A_129 : memref<10000x64xf32, #tpu.memory_space<hbm>>) target(%arg11 : memref<128x64xf32, #tpu.memory_space<vmem>>) offsets(%dma_start3A_126 : memref<128xi32, #tpu.memory_space<vmem>>) semaphore(%arg17 : memref<!tpu.dma_semaphore, #tpu.memory_space<semaphore_mem>>)
      } else {
      }
      %dma_wait3A_114 = arith.constant 0 : i32
      %dma_wait3A_115 = tpu.memref_slice %arg7[%add3A_104, %dma_wait3A_114] : memref<80x128xi32, #tpu.memory_space<vmem>> -> memref<1x128xi32, #tpu.memory_space<vmem>>
      %dma_wait3A_116 = tpu.memref_squeeze %dma_wait3A_115 : memref<1x128xi32, #tpu.memory_space<vmem>> -> memref<128xi32, #tpu.memory_space<vmem>>
      %dma_wait3A_117 = arith.constant 0 : i32
      %dma_wait3A_118 = arith.constant 0 : i32
      %dma_wait3A_119 = tpu.memref_slice %arg2[%dma_wait3A_117, %dma_wait3A_118] : memref<10000x64xf32, #tpu.memory_space<hbm>> -> memref<10000x64xf32, #tpu.memory_space<hbm>>
      tpu.wait_indirect_dma semaphore(%arg18 : memref<!tpu.dma_semaphore, #tpu.memory_space<semaphore_mem>>) src(%dma_wait3A_119 : memref<10000x64xf32, #tpu.memory_space<hbm>>) dst(%arg12 : memref<128x64xf32, #tpu.memory_space<vmem>>)
      "tpu.region"() ({
        %run_scoped3A = tpu.sem_alloc : memref<!tpu.dma_semaphore, #tpu.memory_space<semaphore_mem>>
        %dma_start3A_120 = arith.constant 0 : i32
        %dma_start3A_121 = tpu.memref_slice %arg8[%add3A_104, %dma_start3A_120] : memref<80x128xi32, #tpu.memory_space<vmem>> -> memref<1x128xi32, #tpu.memory_space<vmem>>
        %dma_start3A_122 = tpu.memref_squeeze %dma_start3A_121 : memref<1x128xi32, #tpu.memory_space<vmem>> -> memref<128xi32, #tpu.memory_space<vmem>>
        %dma_start3A_123 = arith.constant 0 : i32
        %dma_start3A_124 = arith.constant 0 : i32
        %dma_start3A_125 = tpu.memref_slice %arg14[%dma_start3A_123, %dma_start3A_124] : memref<10240x64xf32, #tpu.memory_space<vmem_shared>> -> memref<10240x64xf32, #tpu.memory_space<vmem_shared>>
        tpu.enqueue_indirect_dma source(%arg12 : memref<128x64xf32, #tpu.memory_space<vmem>>) target(%dma_start3A_125 : memref<10240x64xf32, #tpu.memory_space<vmem_shared>>) offsets(%dma_start3A_122 : memref<128xi32, #tpu.memory_space<vmem>>) semaphore(%run_scoped3A : memref<!tpu.dma_semaphore, #tpu.memory_space<semaphore_mem>>) {add = true}
        %dma_wait3A_126 = arith.constant 0 : i32
        %dma_wait3A_127 = tpu.memref_slice %arg8[%add3A_104, %dma_wait3A_126] : memref<80x128xi32, #tpu.memory_space<vmem>> -> memref<1x128xi32, #tpu.memory_space<vmem>>
        %dma_wait3A_128 = tpu.memref_squeeze %dma_wait3A_127 : memref<1x128xi32, #tpu.memory_space<vmem>> -> memref<128xi32, #tpu.memory_space<vmem>>
        %dma_wait3A_129 = arith.constant 0 : i32
        %dma_wait3A_130 = arith.constant 0 : i32
        %dma_wait3A_131 = tpu.memref_slice %arg14[%dma_wait3A_129, %dma_wait3A_130] : memref<10240x64xf32, #tpu.memory_space<vmem_shared>> -> memref<10240x64xf32, #tpu.memory_space<vmem_shared>>
        tpu.wait_indirect_dma semaphore(%run_scoped3A : memref<!tpu.dma_semaphore, #tpu.memory_space<semaphore_mem>>) src(%arg12 : memref<128x64xf32, #tpu.memory_space<vmem>>) dst(%dma_wait3A_131 : memref<10240x64xf32, #tpu.memory_space<vmem_shared>>)
        tpu.yield
      }) : () -> ()
    }
    %scan3A_43 = arith.constant 20 : i32
    %barrier3A_44 = arith.constant 0 : index
    tpu.barrier barrier_id(%barrier3A_44)
    %lt3A = arith.constant 15 : i32
    %lt3A_45 = arith.cmpi slt, %arg1, %lt3A : i32
    %convert_element_type3A = arith.extui %lt3A_45 : i1 to i32
    %cond3A = arith.constant 0 : i32
    %cond3A_46 = arith.cmpi ne, %convert_element_type3A, %cond3A : i32
    scf.if %cond3A_46 {
      %add3A_51 = arith.constant 0 : i32
      %add3A_52 = arith.addi %multiple_of3A, %add3A_51 : i32
      "tpu.region"() ({
        %run_scoped3A = tpu.sem_alloc : memref<!tpu.dma_semaphore, #tpu.memory_space<semaphore_mem>>
        %dma_start3A_83 = arith.constant 0 : i32
        %dma_start3A_84 = tpu.memref_slice %arg14[%add3A_52, %dma_start3A_83] : memref<10240x64xf32, #tpu.memory_space<vmem_shared>> -> memref<80x64xf32, #tpu.memory_space<vmem_shared>>
        %dma_start3A_85 = arith.constant 0 : i32
        %dma_start3A_86 = tpu.memref_slice %arg14[%add3A_52, %dma_start3A_85] : memref<10240x64xf32, #tpu.memory_space<vmem_shared>> -> memref<80x64xf32, #tpu.memory_space<vmem_shared>>
        tpu.enqueue_dma source(%dma_start3A_86 : memref<80x64xf32, #tpu.memory_space<vmem_shared>>) target(%arg13 : memref<80x64xf32, #tpu.memory_space<vmem>>) target_semaphore(%run_scoped3A : memref<!tpu.dma_semaphore, #tpu.memory_space<semaphore_mem>>)
        %dma_wait3A = arith.constant 0 : i32
        %dma_wait3A_87 = tpu.memref_slice %arg14[%add3A_52, %dma_wait3A] : memref<10240x64xf32, #tpu.memory_space<vmem_shared>> -> memref<80x64xf32, #tpu.memory_space<vmem_shared>>
        %dma_wait3A_88 = arith.constant 0 : i32
        %dma_wait3A_89 = tpu.memref_slice %arg14[%add3A_52, %dma_wait3A_88] : memref<10240x64xf32, #tpu.memory_space<vmem_shared>> -> memref<80x64xf32, #tpu.memory_space<vmem_shared>>
        tpu.wait_dma2 semaphore(%run_scoped3A : memref<!tpu.dma_semaphore, #tpu.memory_space<semaphore_mem>>) src(%dma_wait3A_89 : memref<80x64xf32, #tpu.memory_space<vmem_shared>>) dst(%arg13 : memref<80x64xf32, #tpu.memory_space<vmem>>)
        tpu.yield
      }) : () -> ()
      %add3A_53 = arith.constant 0 : i32
      %add3A_54 = arith.addi %multiple_of3A, %add3A_53 : i32
      "tpu.region"() ({
        %run_scoped3A = tpu.sem_alloc : memref<!tpu.dma_semaphore, #tpu.memory_space<semaphore_mem>>
        %dma_start3A_83 = arith.constant 0 : i32
        %dma_start3A_84 = tpu.memref_slice %arg6[%arg0, %add3A_54, %dma_start3A_83] : memref<2x10000x64xf32, #tpu.memory_space<hbm>> -> memref<1x80x64xf32, #tpu.memory_space<hbm>>
        %dma_start3A_85 = tpu.memref_squeeze %dma_start3A_84 : memref<1x80x64xf32, #tpu.memory_space<hbm>> -> memref<80x64xf32, #tpu.memory_space<hbm>>
        %dma_start3A_86 = arith.constant 0 : i32
        %dma_start3A_87 = tpu.memref_slice %arg6[%arg0, %add3A_54, %dma_start3A_86] : memref<2x10000x64xf32, #tpu.memory_space<hbm>> -> memref<1x80x64xf32, #tpu.memory_space<hbm>>
        %dma_start3A_88 = tpu.memref_squeeze %dma_start3A_87 : memref<1x80x64xf32, #tpu.memory_space<hbm>> -> memref<80x64xf32, #tpu.memory_space<hbm>>
        tpu.enqueue_dma source(%arg13 : memref<80x64xf32, #tpu.memory_space<vmem>>) target(%dma_start3A_88 : memref<80x64xf32, #tpu.memory_space<hbm>>) target_semaphore(%run_scoped3A : memref<!tpu.dma_semaphore, #tpu.memory_space<semaphore_mem>>)
        %dma_wait3A = arith.constant 0 : i32
        %dma_wait3A_89 = tpu.memref_slice %arg6[%arg0, %add3A_54, %dma_wait3A] : memref<2x10000x64xf32, #tpu.memory_space<hbm>> -> memref<1x80x64xf32, #tpu.memory_space<hbm>>
        %dma_wait3A_90 = tpu.memref_squeeze %dma_wait3A_89 : memref<1x80x64xf32, #tpu.memory_space<hbm>> -> memref<80x64xf32, #tpu.memory_space<hbm>>
        %dma_wait3A_91 = arith.constant 0 : i32
        %dma_wait3A_92 = tpu.memref_slice %arg6[%arg0, %add3A_54, %dma_wait3A_91] : memref<2x10000x64xf32, #tpu.memory_space<hbm>> -> memref<1x80x64xf32, #tpu.memory_space<hbm>>
        %dma_wait3A_93 = tpu.memref_squeeze %dma_wait3A_92 : memref<1x80x64xf32, #tpu.memory_space<hbm>> -> memref<80x64xf32, #tpu.memory_space<hbm>>
        tpu.wait_dma2 semaphore(%run_scoped3A : memref<!tpu.dma_semaphore, #tpu.memory_space<semaphore_mem>>) src(%arg13 : memref<80x64xf32, #tpu.memory_space<vmem>>) dst(%dma_wait3A_93 : memref<80x64xf32, #tpu.memory_space<hbm>>)
        tpu.yield
      }) : () -> ()
      %add3A_55 = arith.constant 80 : i32
      %add3A_56 = arith.addi %multiple_of3A, %add3A_55 : i32
      "tpu.region"() ({
        %run_scoped3A = tpu.sem_alloc : memref<!tpu.dma_semaphore, #tpu.memory_space<semaphore_mem>>
        %dma_start3A_83 = arith.constant 0 : i32
        %dma_start3A_84 = tpu.memref_slice %arg14[%add3A_56, %dma_start3A_83] : memref<10240x64xf32, #tpu.memory_space<vmem_shared>> -> memref<80x64xf32, #tpu.memory_space<vmem_shared>>
        %dma_start3A_85 = arith.constant 0 : i32
        %dma_start3A_86 = tpu.memref_slice %arg14[%add3A_56, %dma_start3A_85] : memref<10240x64xf32, #tpu.memory_space<vmem_shared>> -> memref<80x64xf32, #tpu.memory_space<vmem_shared>>
        tpu.enqueue_dma source(%dma_start3A_86 : memref<80x64xf32, #tpu.memory_space<vmem_shared>>) target(%arg13 : memref<80x64xf32, #tpu.memory_space<vmem>>) target_semaphore(%run_scoped3A : memref<!tpu.dma_semaphore, #tpu.memory_space<semaphore_mem>>)
        %dma_wait3A = arith.constant 0 : i32
        %dma_wait3A_87 = tpu.memref_slice %arg14[%add3A_56, %dma_wait3A] : memref<10240x64xf32, #tpu.memory_space<vmem_shared>> -> memref<80x64xf32, #tpu.memory_space<vmem_shared>>
        %dma_wait3A_88 = arith.constant 0 : i32
        %dma_wait3A_89 = tpu.memref_slice %arg14[%add3A_56, %dma_wait3A_88] : memref<10240x64xf32, #tpu.memory_space<vmem_shared>> -> memref<80x64xf32, #tpu.memory_space<vmem_shared>>
        tpu.wait_dma2 semaphore(%run_scoped3A : memref<!tpu.dma_semaphore, #tpu.memory_space<semaphore_mem>>) src(%dma_wait3A_89 : memref<80x64xf32, #tpu.memory_space<vmem_shared>>) dst(%arg13 : memref<80x64xf32, #tpu.memory_space<vmem>>)
        tpu.yield
      }) : () -> ()
      %add3A_57 = arith.constant 80 : i32
      %add3A_58 = arith.addi %multiple_of3A, %add3A_57 : i32
      "tpu.region"() ({
        %run_scoped3A = tpu.sem_alloc : memref<!tpu.dma_semaphore, #tpu.memory_space<semaphore_mem>>
        %dma_start3A_83 = arith.constant 0 : i32
        %dma_start3A_84 = tpu.memref_slice %arg6[%arg0, %add3A_58, %dma_start3A_83] : memref<2x10000x64xf32, #tpu.memory_space<hbm>> -> memref<1x80x64xf32, #tpu.memory_space<hbm>>
        %dma_start3A_85 = tpu.memref_squeeze %dma_start3A_84 : memref<1x80x64xf32, #tpu.memory_space<hbm>> -> memref<80x64xf32, #tpu.memory_space<hbm>>
        %dma_start3A_86 = arith.constant 0 : i32
        %dma_start3A_87 = tpu.memref_slice %arg6[%arg0, %add3A_58, %dma_start3A_86] : memref<2x10000x64xf32, #tpu.memory_space<hbm>> -> memref<1x80x64xf32, #tpu.memory_space<hbm>>
        %dma_start3A_88 = tpu.memref_squeeze %dma_start3A_87 : memref<1x80x64xf32, #tpu.memory_space<hbm>> -> memref<80x64xf32, #tpu.memory_space<hbm>>
        tpu.enqueue_dma source(%arg13 : memref<80x64xf32, #tpu.memory_space<vmem>>) target(%dma_start3A_88 : memref<80x64xf32, #tpu.memory_space<hbm>>) target_semaphore(%run_scoped3A : memref<!tpu.dma_semaphore, #tpu.memory_space<semaphore_mem>>)
        %dma_wait3A = arith.constant 0 : i32
        %dma_wait3A_89 = tpu.memref_slice %arg6[%arg0, %add3A_58, %dma_wait3A] : memref<2x10000x64xf32, #tpu.memory_space<hbm>> -> memref<1x80x64xf32, #tpu.memory_space<hbm>>
        %dma_wait3A_90 = tpu.memref_squeeze %dma_wait3A_89 : memref<1x80x64xf32, #tpu.memory_space<hbm>> -> memref<80x64xf32, #tpu.memory_space<hbm>>
        %dma_wait3A_91 = arith.constant 0 : i32
        %dma_wait3A_92 = tpu.memref_slice %arg6[%arg0, %add3A_58, %dma_wait3A_91] : memref<2x10000x64xf32, #tpu.memory_space<hbm>> -> memref<1x80x64xf32, #tpu.memory_space<hbm>>
        %dma_wait3A_93 = tpu.memref_squeeze %dma_wait3A_92 : memref<1x80x64xf32, #tpu.memory_space<hbm>> -> memref<80x64xf32, #tpu.memory_space<hbm>>
        tpu.wait_dma2 semaphore(%run_scoped3A : memref<!tpu.dma_semaphore, #tpu.memory_space<semaphore_mem>>) src(%arg13 : memref<80x64xf32, #tpu.memory_space<vmem>>) dst(%dma_wait3A_93 : memref<80x64xf32, #tpu.memory_space<hbm>>)
        tpu.yield
      }) : () -> ()
      %add3A_59 = arith.constant 160 : i32
      %add3A_60 = arith.addi %multiple_of3A, %add3A_59 : i32
      "tpu.region"() ({
        %run_scoped3A = tpu.sem_alloc : memref<!tpu.dma_semaphore, #tpu.memory_space<semaphore_mem>>
        %dma_start3A_83 = arith.constant 0 : i32
        %dma_start3A_84 = tpu.memref_slice %arg14[%add3A_60, %dma_start3A_83] : memref<10240x64xf32, #tpu.memory_space<vmem_shared>> -> memref<80x64xf32, #tpu.memory_space<vmem_shared>>
        %dma_start3A_85 = arith.constant 0 : i32
        %dma_start3A_86 = tpu.memref_slice %arg14[%add3A_60, %dma_start3A_85] : memref<10240x64xf32, #tpu.memory_space<vmem_shared>> -> memref<80x64xf32, #tpu.memory_space<vmem_shared>>
        tpu.enqueue_dma source(%dma_start3A_86 : memref<80x64xf32, #tpu.memory_space<vmem_shared>>) target(%arg13 : memref<80x64xf32, #tpu.memory_space<vmem>>) target_semaphore(%run_scoped3A : memref<!tpu.dma_semaphore, #tpu.memory_space<semaphore_mem>>)
        %dma_wait3A = arith.constant 0 : i32
        %dma_wait3A_87 = tpu.memref_slice %arg14[%add3A_60, %dma_wait3A] : memref<10240x64xf32, #tpu.memory_space<vmem_shared>> -> memref<80x64xf32, #tpu.memory_space<vmem_shared>>
        %dma_wait3A_88 = arith.constant 0 : i32
        %dma_wait3A_89 = tpu.memref_slice %arg14[%add3A_60, %dma_wait3A_88] : memref<10240x64xf32, #tpu.memory_space<vmem_shared>> -> memref<80x64xf32, #tpu.memory_space<vmem_shared>>
        tpu.wait_dma2 semaphore(%run_scoped3A : memref<!tpu.dma_semaphore, #tpu.memory_space<semaphore_mem>>) src(%dma_wait3A_89 : memref<80x64xf32, #tpu.memory_space<vmem_shared>>) dst(%arg13 : memref<80x64xf32, #tpu.memory_space<vmem>>)
        tpu.yield
      }) : () -> ()
      %add3A_61 = arith.constant 160 : i32
      %add3A_62 = arith.addi %multiple_of3A, %add3A_61 : i32
      "tpu.region"() ({
        %run_scoped3A = tpu.sem_alloc : memref<!tpu.dma_semaphore, #tpu.memory_space<semaphore_mem>>
        %dma_start3A_83 = arith.constant 0 : i32
        %dma_start3A_84 = tpu.memref_slice %arg6[%arg0, %add3A_62, %dma_start3A_83] : memref<2x10000x64xf32, #tpu.memory_space<hbm>> -> memref<1x80x64xf32, #tpu.memory_space<hbm>>
        %dma_start3A_85 = tpu.memref_squeeze %dma_start3A_84 : memref<1x80x64xf32, #tpu.memory_space<hbm>> -> memref<80x64xf32, #tpu.memory_space<hbm>>
        %dma_start3A_86 = arith.constant 0 : i32
        %dma_start3A_87 = tpu.memref_slice %arg6[%arg0, %add3A_62, %dma_start3A_86] : memref<2x10000x64xf32, #tpu.memory_space<hbm>> -> memref<1x80x64xf32, #tpu.memory_space<hbm>>
        %dma_start3A_88 = tpu.memref_squeeze %dma_start3A_87 : memref<1x80x64xf32, #tpu.memory_space<hbm>> -> memref<80x64xf32, #tpu.memory_space<hbm>>
        tpu.enqueue_dma source(%arg13 : memref<80x64xf32, #tpu.memory_space<vmem>>) target(%dma_start3A_88 : memref<80x64xf32, #tpu.memory_space<hbm>>) target_semaphore(%run_scoped3A : memref<!tpu.dma_semaphore, #tpu.memory_space<semaphore_mem>>)
        %dma_wait3A = arith.constant 0 : i32
        %dma_wait3A_89 = tpu.memref_slice %arg6[%arg0, %add3A_62, %dma_wait3A] : memref<2x10000x64xf32, #tpu.memory_space<hbm>> -> memref<1x80x64xf32, #tpu.memory_space<hbm>>
        %dma_wait3A_90 = tpu.memref_squeeze %dma_wait3A_89 : memref<1x80x64xf32, #tpu.memory_space<hbm>> -> memref<80x64xf32, #tpu.memory_space<hbm>>
        %dma_wait3A_91 = arith.constant 0 : i32
        %dma_wait3A_92 = tpu.memref_slice %arg6[%arg0, %add3A_62, %dma_wait3A_91] : memref<2x10000x64xf32, #tpu.memory_space<hbm>> -> memref<1x80x64xf32, #tpu.memory_space<hbm>>
        %dma_wait3A_93 = tpu.memref_squeeze %dma_wait3A_92 : memref<1x80x64xf32, #tpu.memory_space<hbm>> -> memref<80x64xf32, #tpu.memory_space<hbm>>
        tpu.wait_dma2 semaphore(%run_scoped3A : memref<!tpu.dma_semaphore, #tpu.memory_space<semaphore_mem>>) src(%arg13 : memref<80x64xf32, #tpu.memory_space<vmem>>) dst(%dma_wait3A_93 : memref<80x64xf32, #tpu.memory_space<hbm>>)
        tpu.yield
      }) : () -> ()
      %add3A_63 = arith.constant 240 : i32
      %add3A_64 = arith.addi %multiple_of3A, %add3A_63 : i32
      "tpu.region"() ({
        %run_scoped3A = tpu.sem_alloc : memref<!tpu.dma_semaphore, #tpu.memory_space<semaphore_mem>>
        %dma_start3A_83 = arith.constant 0 : i32
        %dma_start3A_84 = tpu.memref_slice %arg14[%add3A_64, %dma_start3A_83] : memref<10240x64xf32, #tpu.memory_space<vmem_shared>> -> memref<80x64xf32, #tpu.memory_space<vmem_shared>>
        %dma_start3A_85 = arith.constant 0 : i32
        %dma_start3A_86 = tpu.memref_slice %arg14[%add3A_64, %dma_start3A_85] : memref<10240x64xf32, #tpu.memory_space<vmem_shared>> -> memref<80x64xf32, #tpu.memory_space<vmem_shared>>
        tpu.enqueue_dma source(%dma_start3A_86 : memref<80x64xf32, #tpu.memory_space<vmem_shared>>) target(%arg13 : memref<80x64xf32, #tpu.memory_space<vmem>>) target_semaphore(%run_scoped3A : memref<!tpu.dma_semaphore, #tpu.memory_space<semaphore_mem>>)
        %dma_wait3A = arith.constant 0 : i32
        %dma_wait3A_87 = tpu.memref_slice %arg14[%add3A_64, %dma_wait3A] : memref<10240x64xf32, #tpu.memory_space<vmem_shared>> -> memref<80x64xf32, #tpu.memory_space<vmem_shared>>
        %dma_wait3A_88 = arith.constant 0 : i32
        %dma_wait3A_89 = tpu.memref_slice %arg14[%add3A_64, %dma_wait3A_88] : memref<10240x64xf32, #tpu.memory_space<vmem_shared>> -> memref<80x64xf32, #tpu.memory_space<vmem_shared>>
        tpu.wait_dma2 semaphore(%run_scoped3A : memref<!tpu.dma_semaphore, #tpu.memory_space<semaphore_mem>>) src(%dma_wait3A_89 : memref<80x64xf32, #tpu.memory_space<vmem_shared>>) dst(%arg13 : memref<80x64xf32, #tpu.memory_space<vmem>>)
        tpu.yield
      }) : () -> ()
      %add3A_65 = arith.constant 240 : i32
      %add3A_66 = arith.addi %multiple_of3A, %add3A_65 : i32
      "tpu.region"() ({
        %run_scoped3A = tpu.sem_alloc : memref<!tpu.dma_semaphore, #tpu.memory_space<semaphore_mem>>
        %dma_start3A_83 = arith.constant 0 : i32
        %dma_start3A_84 = tpu.memref_slice %arg6[%arg0, %add3A_66, %dma_start3A_83] : memref<2x10000x64xf32, #tpu.memory_space<hbm>> -> memref<1x80x64xf32, #tpu.memory_space<hbm>>
        %dma_start3A_85 = tpu.memref_squeeze %dma_start3A_84 : memref<1x80x64xf32, #tpu.memory_space<hbm>> -> memref<80x64xf32, #tpu.memory_space<hbm>>
        %dma_start3A_86 = arith.constant 0 : i32
        %dma_start3A_87 = tpu.memref_slice %arg6[%arg0, %add3A_66, %dma_start3A_86] : memref<2x10000x64xf32, #tpu.memory_space<hbm>> -> memref<1x80x64xf32, #tpu.memory_space<hbm>>
        %dma_start3A_88 = tpu.memref_squeeze %dma_start3A_87 : memref<1x80x64xf32, #tpu.memory_space<hbm>> -> memref<80x64xf32, #tpu.memory_space<hbm>>
        tpu.enqueue_dma source(%arg13 : memref<80x64xf32, #tpu.memory_space<vmem>>) target(%dma_start3A_88 : memref<80x64xf32, #tpu.memory_space<hbm>>) target_semaphore(%run_scoped3A : memref<!tpu.dma_semaphore, #tpu.memory_space<semaphore_mem>>)
        %dma_wait3A = arith.constant 0 : i32
        %dma_wait3A_89 = tpu.memref_slice %arg6[%arg0, %add3A_66, %dma_wait3A] : memref<2x10000x64xf32, #tpu.memory_space<hbm>> -> memref<1x80x64xf32, #tpu.memory_space<hbm>>
        %dma_wait3A_90 = tpu.memref_squeeze %dma_wait3A_89 : memref<1x80x64xf32, #tpu.memory_space<hbm>> -> memref<80x64xf32, #tpu.memory_space<hbm>>
        %dma_wait3A_91 = arith.constant 0 : i32
        %dma_wait3A_92 = tpu.memref_slice %arg6[%arg0, %add3A_66, %dma_wait3A_91] : memref<2x10000x64xf32, #tpu.memory_space<hbm>> -> memref<1x80x64xf32, #tpu.memory_space<hbm>>
        %dma_wait3A_93 = tpu.memref_squeeze %dma_wait3A_92 : memref<1x80x64xf32, #tpu.memory_space<hbm>> -> memref<80x64xf32, #tpu.memory_space<hbm>>
        tpu.wait_dma2 semaphore(%run_scoped3A : memref<!tpu.dma_semaphore, #tpu.memory_space<semaphore_mem>>) src(%arg13 : memref<80x64xf32, #tpu.memory_space<vmem>>) dst(%dma_wait3A_93 : memref<80x64xf32, #tpu.memory_space<hbm>>)
        tpu.yield
      }) : () -> ()
      %add3A_67 = arith.constant 320 : i32
      %add3A_68 = arith.addi %multiple_of3A, %add3A_67 : i32
      "tpu.region"() ({
        %run_scoped3A = tpu.sem_alloc : memref<!tpu.dma_semaphore, #tpu.memory_space<semaphore_mem>>
        %dma_start3A_83 = arith.constant 0 : i32
        %dma_start3A_84 = tpu.memref_slice %arg14[%add3A_68, %dma_start3A_83] : memref<10240x64xf32, #tpu.memory_space<vmem_shared>> -> memref<80x64xf32, #tpu.memory_space<vmem_shared>>
        %dma_start3A_85 = arith.constant 0 : i32
        %dma_start3A_86 = tpu.memref_slice %arg14[%add3A_68, %dma_start3A_85] : memref<10240x64xf32, #tpu.memory_space<vmem_shared>> -> memref<80x64xf32, #tpu.memory_space<vmem_shared>>
        tpu.enqueue_dma source(%dma_start3A_86 : memref<80x64xf32, #tpu.memory_space<vmem_shared>>) target(%arg13 : memref<80x64xf32, #tpu.memory_space<vmem>>) target_semaphore(%run_scoped3A : memref<!tpu.dma_semaphore, #tpu.memory_space<semaphore_mem>>)
        %dma_wait3A = arith.constant 0 : i32
        %dma_wait3A_87 = tpu.memref_slice %arg14[%add3A_68, %dma_wait3A] : memref<10240x64xf32, #tpu.memory_space<vmem_shared>> -> memref<80x64xf32, #tpu.memory_space<vmem_shared>>
        %dma_wait3A_88 = arith.constant 0 : i32
        %dma_wait3A_89 = tpu.memref_slice %arg14[%add3A_68, %dma_wait3A_88] : memref<10240x64xf32, #tpu.memory_space<vmem_shared>> -> memref<80x64xf32, #tpu.memory_space<vmem_shared>>
        tpu.wait_dma2 semaphore(%run_scoped3A : memref<!tpu.dma_semaphore, #tpu.memory_space<semaphore_mem>>) src(%dma_wait3A_89 : memref<80x64xf32, #tpu.memory_space<vmem_shared>>) dst(%arg13 : memref<80x64xf32, #tpu.memory_space<vmem>>)
        tpu.yield
      }) : () -> ()
      %add3A_69 = arith.constant 320 : i32
      %add3A_70 = arith.addi %multiple_of3A, %add3A_69 : i32
      "tpu.region"() ({
        %run_scoped3A = tpu.sem_alloc : memref<!tpu.dma_semaphore, #tpu.memory_space<semaphore_mem>>
        %dma_start3A_83 = arith.constant 0 : i32
        %dma_start3A_84 = tpu.memref_slice %arg6[%arg0, %add3A_70, %dma_start3A_83] : memref<2x10000x64xf32, #tpu.memory_space<hbm>> -> memref<1x80x64xf32, #tpu.memory_space<hbm>>
        %dma_start3A_85 = tpu.memref_squeeze %dma_start3A_84 : memref<1x80x64xf32, #tpu.memory_space<hbm>> -> memref<80x64xf32, #tpu.memory_space<hbm>>
        %dma_start3A_86 = arith.constant 0 : i32
        %dma_start3A_87 = tpu.memref_slice %arg6[%arg0, %add3A_70, %dma_start3A_86] : memref<2x10000x64xf32, #tpu.memory_space<hbm>> -> memref<1x80x64xf32, #tpu.memory_space<hbm>>
        %dma_start3A_88 = tpu.memref_squeeze %dma_start3A_87 : memref<1x80x64xf32, #tpu.memory_space<hbm>> -> memref<80x64xf32, #tpu.memory_space<hbm>>
        tpu.enqueue_dma source(%arg13 : memref<80x64xf32, #tpu.memory_space<vmem>>) target(%dma_start3A_88 : memref<80x64xf32, #tpu.memory_space<hbm>>) target_semaphore(%run_scoped3A : memref<!tpu.dma_semaphore, #tpu.memory_space<semaphore_mem>>)
        %dma_wait3A = arith.constant 0 : i32
        %dma_wait3A_89 = tpu.memref_slice %arg6[%arg0, %add3A_70, %dma_wait3A] : memref<2x10000x64xf32, #tpu.memory_space<hbm>> -> memref<1x80x64xf32, #tpu.memory_space<hbm>>
        %dma_wait3A_90 = tpu.memref_squeeze %dma_wait3A_89 : memref<1x80x64xf32, #tpu.memory_space<hbm>> -> memref<80x64xf32, #tpu.memory_space<hbm>>
        %dma_wait3A_91 = arith.constant 0 : i32
        %dma_wait3A_92 = tpu.memref_slice %arg6[%arg0, %add3A_70, %dma_wait3A_91] : memref<2x10000x64xf32, #tpu.memory_space<hbm>> -> memref<1x80x64xf32, #tpu.memory_space<hbm>>
        %dma_wait3A_93 = tpu.memref_squeeze %dma_wait3A_92 : memref<1x80x64xf32, #tpu.memory_space<hbm>> -> memref<80x64xf32, #tpu.memory_space<hbm>>
        tpu.wait_dma2 semaphore(%run_scoped3A : memref<!tpu.dma_semaphore, #tpu.memory_space<semaphore_mem>>) src(%arg13 : memref<80x64xf32, #tpu.memory_space<vmem>>) dst(%dma_wait3A_93 : memref<80x64xf32, #tpu.memory_space<hbm>>)
        tpu.yield
      }) : () -> ()
      %add3A_71 = arith.constant 400 : i32
      %add3A_72 = arith.addi %multiple_of3A, %add3A_71 : i32
      "tpu.region"() ({
        %run_scoped3A = tpu.sem_alloc : memref<!tpu.dma_semaphore, #tpu.memory_space<semaphore_mem>>
        %dma_start3A_83 = arith.constant 0 : i32
        %dma_start3A_84 = tpu.memref_slice %arg14[%add3A_72, %dma_start3A_83] : memref<10240x64xf32, #tpu.memory_space<vmem_shared>> -> memref<80x64xf32, #tpu.memory_space<vmem_shared>>
        %dma_start3A_85 = arith.constant 0 : i32
        %dma_start3A_86 = tpu.memref_slice %arg14[%add3A_72, %dma_start3A_85] : memref<10240x64xf32, #tpu.memory_space<vmem_shared>> -> memref<80x64xf32, #tpu.memory_space<vmem_shared>>
        tpu.enqueue_dma source(%dma_start3A_86 : memref<80x64xf32, #tpu.memory_space<vmem_shared>>) target(%arg13 : memref<80x64xf32, #tpu.memory_space<vmem>>) target_semaphore(%run_scoped3A : memref<!tpu.dma_semaphore, #tpu.memory_space<semaphore_mem>>)
        %dma_wait3A = arith.constant 0 : i32
        %dma_wait3A_87 = tpu.memref_slice %arg14[%add3A_72, %dma_wait3A] : memref<10240x64xf32, #tpu.memory_space<vmem_shared>> -> memref<80x64xf32, #tpu.memory_space<vmem_shared>>
        %dma_wait3A_88 = arith.constant 0 : i32
        %dma_wait3A_89 = tpu.memref_slice %arg14[%add3A_72, %dma_wait3A_88] : memref<10240x64xf32, #tpu.memory_space<vmem_shared>> -> memref<80x64xf32, #tpu.memory_space<vmem_shared>>
        tpu.wait_dma2 semaphore(%run_scoped3A : memref<!tpu.dma_semaphore, #tpu.memory_space<semaphore_mem>>) src(%dma_wait3A_89 : memref<80x64xf32, #tpu.memory_space<vmem_shared>>) dst(%arg13 : memref<80x64xf32, #tpu.memory_space<vmem>>)
        tpu.yield
      }) : () -> ()
      %add3A_73 = arith.constant 400 : i32
      %add3A_74 = arith.addi %multiple_of3A, %add3A_73 : i32
      "tpu.region"() ({
        %run_scoped3A = tpu.sem_alloc : memref<!tpu.dma_semaphore, #tpu.memory_space<semaphore_mem>>
        %dma_start3A_83 = arith.constant 0 : i32
        %dma_start3A_84 = tpu.memref_slice %arg6[%arg0, %add3A_74, %dma_start3A_83] : memref<2x10000x64xf32, #tpu.memory_space<hbm>> -> memref<1x80x64xf32, #tpu.memory_space<hbm>>
        %dma_start3A_85 = tpu.memref_squeeze %dma_start3A_84 : memref<1x80x64xf32, #tpu.memory_space<hbm>> -> memref<80x64xf32, #tpu.memory_space<hbm>>
        %dma_start3A_86 = arith.constant 0 : i32
        %dma_start3A_87 = tpu.memref_slice %arg6[%arg0, %add3A_74, %dma_start3A_86] : memref<2x10000x64xf32, #tpu.memory_space<hbm>> -> memref<1x80x64xf32, #tpu.memory_space<hbm>>
        %dma_start3A_88 = tpu.memref_squeeze %dma_start3A_87 : memref<1x80x64xf32, #tpu.memory_space<hbm>> -> memref<80x64xf32, #tpu.memory_space<hbm>>
        tpu.enqueue_dma source(%arg13 : memref<80x64xf32, #tpu.memory_space<vmem>>) target(%dma_start3A_88 : memref<80x64xf32, #tpu.memory_space<hbm>>) target_semaphore(%run_scoped3A : memref<!tpu.dma_semaphore, #tpu.memory_space<semaphore_mem>>)
        %dma_wait3A = arith.constant 0 : i32
        %dma_wait3A_89 = tpu.memref_slice %arg6[%arg0, %add3A_74, %dma_wait3A] : memref<2x10000x64xf32, #tpu.memory_space<hbm>> -> memref<1x80x64xf32, #tpu.memory_space<hbm>>
        %dma_wait3A_90 = tpu.memref_squeeze %dma_wait3A_89 : memref<1x80x64xf32, #tpu.memory_space<hbm>> -> memref<80x64xf32, #tpu.memory_space<hbm>>
        %dma_wait3A_91 = arith.constant 0 : i32
        %dma_wait3A_92 = tpu.memref_slice %arg6[%arg0, %add3A_74, %dma_wait3A_91] : memref<2x10000x64xf32, #tpu.memory_space<hbm>> -> memref<1x80x64xf32, #tpu.memory_space<hbm>>
        %dma_wait3A_93 = tpu.memref_squeeze %dma_wait3A_92 : memref<1x80x64xf32, #tpu.memory_space<hbm>> -> memref<80x64xf32, #tpu.memory_space<hbm>>
        tpu.wait_dma2 semaphore(%run_scoped3A : memref<!tpu.dma_semaphore, #tpu.memory_space<semaphore_mem>>) src(%arg13 : memref<80x64xf32, #tpu.memory_space<vmem>>) dst(%dma_wait3A_93 : memref<80x64xf32, #tpu.memory_space<hbm>>)
        tpu.yield
      }) : () -> ()
      %add3A_75 = arith.constant 480 : i32
      %add3A_76 = arith.addi %multiple_of3A, %add3A_75 : i32
      "tpu.region"() ({
        %run_scoped3A = tpu.sem_alloc : memref<!tpu.dma_semaphore, #tpu.memory_space<semaphore_mem>>
        %dma_start3A_83 = arith.constant 0 : i32
        %dma_start3A_84 = tpu.memref_slice %arg14[%add3A_76, %dma_start3A_83] : memref<10240x64xf32, #tpu.memory_space<vmem_shared>> -> memref<80x64xf32, #tpu.memory_space<vmem_shared>>
        %dma_start3A_85 = arith.constant 0 : i32
        %dma_start3A_86 = tpu.memref_slice %arg14[%add3A_76, %dma_start3A_85] : memref<10240x64xf32, #tpu.memory_space<vmem_shared>> -> memref<80x64xf32, #tpu.memory_space<vmem_shared>>
        tpu.enqueue_dma source(%dma_start3A_86 : memref<80x64xf32, #tpu.memory_space<vmem_shared>>) target(%arg13 : memref<80x64xf32, #tpu.memory_space<vmem>>) target_semaphore(%run_scoped3A : memref<!tpu.dma_semaphore, #tpu.memory_space<semaphore_mem>>)
        %dma_wait3A = arith.constant 0 : i32
        %dma_wait3A_87 = tpu.memref_slice %arg14[%add3A_76, %dma_wait3A] : memref<10240x64xf32, #tpu.memory_space<vmem_shared>> -> memref<80x64xf32, #tpu.memory_space<vmem_shared>>
        %dma_wait3A_88 = arith.constant 0 : i32
        %dma_wait3A_89 = tpu.memref_slice %arg14[%add3A_76, %dma_wait3A_88] : memref<10240x64xf32, #tpu.memory_space<vmem_shared>> -> memref<80x64xf32, #tpu.memory_space<vmem_shared>>
        tpu.wait_dma2 semaphore(%run_scoped3A : memref<!tpu.dma_semaphore, #tpu.memory_space<semaphore_mem>>) src(%dma_wait3A_89 : memref<80x64xf32, #tpu.memory_space<vmem_shared>>) dst(%arg13 : memref<80x64xf32, #tpu.memory_space<vmem>>)
        tpu.yield
      }) : () -> ()
      %add3A_77 = arith.constant 480 : i32
      %add3A_78 = arith.addi %multiple_of3A, %add3A_77 : i32
      "tpu.region"() ({
        %run_scoped3A = tpu.sem_alloc : memref<!tpu.dma_semaphore, #tpu.memory_space<semaphore_mem>>
        %dma_start3A_83 = arith.constant 0 : i32
        %dma_start3A_84 = tpu.memref_slice %arg6[%arg0, %add3A_78, %dma_start3A_83] : memref<2x10000x64xf32, #tpu.memory_space<hbm>> -> memref<1x80x64xf32, #tpu.memory_space<hbm>>
        %dma_start3A_85 = tpu.memref_squeeze %dma_start3A_84 : memref<1x80x64xf32, #tpu.memory_space<hbm>> -> memref<80x64xf32, #tpu.memory_space<hbm>>
        %dma_start3A_86 = arith.constant 0 : i32
        %dma_start3A_87 = tpu.memref_slice %arg6[%arg0, %add3A_78, %dma_start3A_86] : memref<2x10000x64xf32, #tpu.memory_space<hbm>> -> memref<1x80x64xf32, #tpu.memory_space<hbm>>
        %dma_start3A_88 = tpu.memref_squeeze %dma_start3A_87 : memref<1x80x64xf32, #tpu.memory_space<hbm>> -> memref<80x64xf32, #tpu.memory_space<hbm>>
        tpu.enqueue_dma source(%arg13 : memref<80x64xf32, #tpu.memory_space<vmem>>) target(%dma_start3A_88 : memref<80x64xf32, #tpu.memory_space<hbm>>) target_semaphore(%run_scoped3A : memref<!tpu.dma_semaphore, #tpu.memory_space<semaphore_mem>>)
        %dma_wait3A = arith.constant 0 : i32
        %dma_wait3A_89 = tpu.memref_slice %arg6[%arg0, %add3A_78, %dma_wait3A] : memref<2x10000x64xf32, #tpu.memory_space<hbm>> -> memref<1x80x64xf32, #tpu.memory_space<hbm>>
        %dma_wait3A_90 = tpu.memref_squeeze %dma_wait3A_89 : memref<1x80x64xf32, #tpu.memory_space<hbm>> -> memref<80x64xf32, #tpu.memory_space<hbm>>
        %dma_wait3A_91 = arith.constant 0 : i32
        %dma_wait3A_92 = tpu.memref_slice %arg6[%arg0, %add3A_78, %dma_wait3A_91] : memref<2x10000x64xf32, #tpu.memory_space<hbm>> -> memref<1x80x64xf32, #tpu.memory_space<hbm>>
        %dma_wait3A_93 = tpu.memref_squeeze %dma_wait3A_92 : memref<1x80x64xf32, #tpu.memory_space<hbm>> -> memref<80x64xf32, #tpu.memory_space<hbm>>
        tpu.wait_dma2 semaphore(%run_scoped3A : memref<!tpu.dma_semaphore, #tpu.memory_space<semaphore_mem>>) src(%arg13 : memref<80x64xf32, #tpu.memory_space<vmem>>) dst(%dma_wait3A_93 : memref<80x64xf32, #tpu.memory_space<hbm>>)
        tpu.yield
      }) : () -> ()
      %add3A_79 = arith.constant 560 : i32
      %add3A_80 = arith.addi %multiple_of3A, %add3A_79 : i32
      "tpu.region"() ({
        %run_scoped3A = tpu.sem_alloc : memref<!tpu.dma_semaphore, #tpu.memory_space<semaphore_mem>>
        %dma_start3A_83 = arith.constant 0 : i32
        %dma_start3A_84 = tpu.memref_slice %arg14[%add3A_80, %dma_start3A_83] : memref<10240x64xf32, #tpu.memory_space<vmem_shared>> -> memref<80x64xf32, #tpu.memory_space<vmem_shared>>
        %dma_start3A_85 = arith.constant 0 : i32
        %dma_start3A_86 = tpu.memref_slice %arg14[%add3A_80, %dma_start3A_85] : memref<10240x64xf32, #tpu.memory_space<vmem_shared>> -> memref<80x64xf32, #tpu.memory_space<vmem_shared>>
        tpu.enqueue_dma source(%dma_start3A_86 : memref<80x64xf32, #tpu.memory_space<vmem_shared>>) target(%arg13 : memref<80x64xf32, #tpu.memory_space<vmem>>) target_semaphore(%run_scoped3A : memref<!tpu.dma_semaphore, #tpu.memory_space<semaphore_mem>>)
        %dma_wait3A = arith.constant 0 : i32
        %dma_wait3A_87 = tpu.memref_slice %arg14[%add3A_80, %dma_wait3A] : memref<10240x64xf32, #tpu.memory_space<vmem_shared>> -> memref<80x64xf32, #tpu.memory_space<vmem_shared>>
        %dma_wait3A_88 = arith.constant 0 : i32
        %dma_wait3A_89 = tpu.memref_slice %arg14[%add3A_80, %dma_wait3A_88] : memref<10240x64xf32, #tpu.memory_space<vmem_shared>> -> memref<80x64xf32, #tpu.memory_space<vmem_shared>>
        tpu.wait_dma2 semaphore(%run_scoped3A : memref<!tpu.dma_semaphore, #tpu.memory_space<semaphore_mem>>) src(%dma_wait3A_89 : memref<80x64xf32, #tpu.memory_space<vmem_shared>>) dst(%arg13 : memref<80x64xf32, #tpu.memory_space<vmem>>)
        tpu.yield
      }) : () -> ()
      %add3A_81 = arith.constant 560 : i32
      %add3A_82 = arith.addi %multiple_of3A, %add3A_81 : i32
      "tpu.region"() ({
        %run_scoped3A = tpu.sem_alloc : memref<!tpu.dma_semaphore, #tpu.memory_space<semaphore_mem>>
        %dma_start3A_83 = arith.constant 0 : i32
        %dma_start3A_84 = tpu.memref_slice %arg6[%arg0, %add3A_82, %dma_start3A_83] : memref<2x10000x64xf32, #tpu.memory_space<hbm>> -> memref<1x80x64xf32, #tpu.memory_space<hbm>>
        %dma_start3A_85 = tpu.memref_squeeze %dma_start3A_84 : memref<1x80x64xf32, #tpu.memory_space<hbm>> -> memref<80x64xf32, #tpu.memory_space<hbm>>
        %dma_start3A_86 = arith.constant 0 : i32
        %dma_start3A_87 = tpu.memref_slice %arg6[%arg0, %add3A_82, %dma_start3A_86] : memref<2x10000x64xf32, #tpu.memory_space<hbm>> -> memref<1x80x64xf32, #tpu.memory_space<hbm>>
        %dma_start3A_88 = tpu.memref_squeeze %dma_start3A_87 : memref<1x80x64xf32, #tpu.memory_space<hbm>> -> memref<80x64xf32, #tpu.memory_space<hbm>>
        tpu.enqueue_dma source(%arg13 : memref<80x64xf32, #tpu.memory_space<vmem>>) target(%dma_start3A_88 : memref<80x64xf32, #tpu.memory_space<hbm>>) target_semaphore(%run_scoped3A : memref<!tpu.dma_semaphore, #tpu.memory_space<semaphore_mem>>)
        %dma_wait3A = arith.constant 0 : i32
        %dma_wait3A_89 = tpu.memref_slice %arg6[%arg0, %add3A_82, %dma_wait3A] : memref<2x10000x64xf32, #tpu.memory_space<hbm>> -> memref<1x80x64xf32, #tpu.memory_space<hbm>>
        %dma_wait3A_90 = tpu.memref_squeeze %dma_wait3A_89 : memref<1x80x64xf32, #tpu.memory_space<hbm>> -> memref<80x64xf32, #tpu.memory_space<hbm>>
        %dma_wait3A_91 = arith.constant 0 : i32
        %dma_wait3A_92 = tpu.memref_slice %arg6[%arg0, %add3A_82, %dma_wait3A_91] : memref<2x10000x64xf32, #tpu.memory_space<hbm>> -> memref<1x80x64xf32, #tpu.memory_space<hbm>>
        %dma_wait3A_93 = tpu.memref_squeeze %dma_wait3A_92 : memref<1x80x64xf32, #tpu.memory_space<hbm>> -> memref<80x64xf32, #tpu.memory_space<hbm>>
        tpu.wait_dma2 semaphore(%run_scoped3A : memref<!tpu.dma_semaphore, #tpu.memory_space<semaphore_mem>>) src(%arg13 : memref<80x64xf32, #tpu.memory_space<vmem>>) dst(%dma_wait3A_93 : memref<80x64xf32, #tpu.memory_space<hbm>>)
        tpu.yield
      }) : () -> ()
    } else {
    }
    %eq3A = arith.constant 15 : i32
    %eq3A_47 = arith.cmpi eq, %arg1, %eq3A : i32
    %convert_element_type3A_48 = arith.extui %eq3A_47 : i1 to i32
    %cond3A_49 = arith.constant 0 : i32
    %cond3A_50 = arith.cmpi ne, %convert_element_type3A_48, %cond3A_49 : i32
    scf.if %cond3A_50 {
      "tpu.region"() ({
        %run_scoped3A = tpu.sem_alloc : memref<!tpu.dma_semaphore, #tpu.memory_space<semaphore_mem>>
        %dma_start3A_51 = arith.constant 9600 : i32
        %dma_start3A_52 = arith.constant 0 : i32
        %dma_start3A_53 = tpu.memref_slice %arg14[%dma_start3A_51, %dma_start3A_52] : memref<10240x64xf32, #tpu.memory_space<vmem_shared>> -> memref<80x64xf32, #tpu.memory_space<vmem_shared>>
        %dma_start3A_54 = arith.constant 9600 : i32
        %dma_start3A_55 = arith.constant 0 : i32
        %dma_start3A_56 = tpu.memref_slice %arg14[%dma_start3A_54, %dma_start3A_55] : memref<10240x64xf32, #tpu.memory_space<vmem_shared>> -> memref<80x64xf32, #tpu.memory_space<vmem_shared>>
        tpu.enqueue_dma source(%dma_start3A_56 : memref<80x64xf32, #tpu.memory_space<vmem_shared>>) target(%arg13 : memref<80x64xf32, #tpu.memory_space<vmem>>) target_semaphore(%run_scoped3A : memref<!tpu.dma_semaphore, #tpu.memory_space<semaphore_mem>>)
        %dma_wait3A = arith.constant 9600 : i32
        %dma_wait3A_57 = arith.constant 0 : i32
        %dma_wait3A_58 = tpu.memref_slice %arg14[%dma_wait3A, %dma_wait3A_57] : memref<10240x64xf32, #tpu.memory_space<vmem_shared>> -> memref<80x64xf32, #tpu.memory_space<vmem_shared>>
        %dma_wait3A_59 = arith.constant 9600 : i32
        %dma_wait3A_60 = arith.constant 0 : i32
        %dma_wait3A_61 = tpu.memref_slice %arg14[%dma_wait3A_59, %dma_wait3A_60] : memref<10240x64xf32, #tpu.memory_space<vmem_shared>> -> memref<80x64xf32, #tpu.memory_space<vmem_shared>>
        tpu.wait_dma2 semaphore(%run_scoped3A : memref<!tpu.dma_semaphore, #tpu.memory_space<semaphore_mem>>) src(%dma_wait3A_61 : memref<80x64xf32, #tpu.memory_space<vmem_shared>>) dst(%arg13 : memref<80x64xf32, #tpu.memory_space<vmem>>)
        tpu.yield
      }) : () -> ()
      "tpu.region"() ({
        %run_scoped3A = tpu.sem_alloc : memref<!tpu.dma_semaphore, #tpu.memory_space<semaphore_mem>>
        %dma_start3A_51 = arith.constant 9600 : i32
        %dma_start3A_52 = arith.constant 0 : i32
        %dma_start3A_53 = tpu.memref_slice %arg6[%arg0, %dma_start3A_51, %dma_start3A_52] : memref<2x10000x64xf32, #tpu.memory_space<hbm>> -> memref<1x80x64xf32, #tpu.memory_space<hbm>>
        %dma_start3A_54 = tpu.memref_squeeze %dma_start3A_53 : memref<1x80x64xf32, #tpu.memory_space<hbm>> -> memref<80x64xf32, #tpu.memory_space<hbm>>
        %dma_start3A_55 = arith.constant 9600 : i32
        %dma_start3A_56 = arith.constant 0 : i32
        %dma_start3A_57 = tpu.memref_slice %arg6[%arg0, %dma_start3A_55, %dma_start3A_56] : memref<2x10000x64xf32, #tpu.memory_space<hbm>> -> memref<1x80x64xf32, #tpu.memory_space<hbm>>
        %dma_start3A_58 = tpu.memref_squeeze %dma_start3A_57 : memref<1x80x64xf32, #tpu.memory_space<hbm>> -> memref<80x64xf32, #tpu.memory_space<hbm>>
        tpu.enqueue_dma source(%arg13 : memref<80x64xf32, #tpu.memory_space<vmem>>) target(%dma_start3A_58 : memref<80x64xf32, #tpu.memory_space<hbm>>) target_semaphore(%run_scoped3A : memref<!tpu.dma_semaphore, #tpu.memory_space<semaphore_mem>>)
        %dma_wait3A = arith.constant 9600 : i32
        %dma_wait3A_59 = arith.constant 0 : i32
        %dma_wait3A_60 = tpu.memref_slice %arg6[%arg0, %dma_wait3A, %dma_wait3A_59] : memref<2x10000x64xf32, #tpu.memory_space<hbm>> -> memref<1x80x64xf32, #tpu.memory_space<hbm>>
        %dma_wait3A_61 = tpu.memref_squeeze %dma_wait3A_60 : memref<1x80x64xf32, #tpu.memory_space<hbm>> -> memref<80x64xf32, #tpu.memory_space<hbm>>
        %dma_wait3A_62 = arith.constant 9600 : i32
        %dma_wait3A_63 = arith.constant 0 : i32
        %dma_wait3A_64 = tpu.memref_slice %arg6[%arg0, %dma_wait3A_62, %dma_wait3A_63] : memref<2x10000x64xf32, #tpu.memory_space<hbm>> -> memref<1x80x64xf32, #tpu.memory_space<hbm>>
        %dma_wait3A_65 = tpu.memref_squeeze %dma_wait3A_64 : memref<1x80x64xf32, #tpu.memory_space<hbm>> -> memref<80x64xf32, #tpu.memory_space<hbm>>
        tpu.wait_dma2 semaphore(%run_scoped3A : memref<!tpu.dma_semaphore, #tpu.memory_space<semaphore_mem>>) src(%arg13 : memref<80x64xf32, #tpu.memory_space<vmem>>) dst(%dma_wait3A_65 : memref<80x64xf32, #tpu.memory_space<hbm>>)
        tpu.yield
      }) : () -> ()
      "tpu.region"() ({
        %run_scoped3A = tpu.sem_alloc : memref<!tpu.dma_semaphore, #tpu.memory_space<semaphore_mem>>
        %dma_start3A_51 = arith.constant 9680 : i32
        %dma_start3A_52 = arith.constant 0 : i32
        %dma_start3A_53 = tpu.memref_slice %arg14[%dma_start3A_51, %dma_start3A_52] : memref<10240x64xf32, #tpu.memory_space<vmem_shared>> -> memref<80x64xf32, #tpu.memory_space<vmem_shared>>
        %dma_start3A_54 = arith.constant 9680 : i32
        %dma_start3A_55 = arith.constant 0 : i32
        %dma_start3A_56 = tpu.memref_slice %arg14[%dma_start3A_54, %dma_start3A_55] : memref<10240x64xf32, #tpu.memory_space<vmem_shared>> -> memref<80x64xf32, #tpu.memory_space<vmem_shared>>
        tpu.enqueue_dma source(%dma_start3A_56 : memref<80x64xf32, #tpu.memory_space<vmem_shared>>) target(%arg13 : memref<80x64xf32, #tpu.memory_space<vmem>>) target_semaphore(%run_scoped3A : memref<!tpu.dma_semaphore, #tpu.memory_space<semaphore_mem>>)
        %dma_wait3A = arith.constant 9680 : i32
        %dma_wait3A_57 = arith.constant 0 : i32
        %dma_wait3A_58 = tpu.memref_slice %arg14[%dma_wait3A, %dma_wait3A_57] : memref<10240x64xf32, #tpu.memory_space<vmem_shared>> -> memref<80x64xf32, #tpu.memory_space<vmem_shared>>
        %dma_wait3A_59 = arith.constant 9680 : i32
        %dma_wait3A_60 = arith.constant 0 : i32
        %dma_wait3A_61 = tpu.memref_slice %arg14[%dma_wait3A_59, %dma_wait3A_60] : memref<10240x64xf32, #tpu.memory_space<vmem_shared>> -> memref<80x64xf32, #tpu.memory_space<vmem_shared>>
        tpu.wait_dma2 semaphore(%run_scoped3A : memref<!tpu.dma_semaphore, #tpu.memory_space<semaphore_mem>>) src(%dma_wait3A_61 : memref<80x64xf32, #tpu.memory_space<vmem_shared>>) dst(%arg13 : memref<80x64xf32, #tpu.memory_space<vmem>>)
        tpu.yield
      }) : () -> ()
      "tpu.region"() ({
        %run_scoped3A = tpu.sem_alloc : memref<!tpu.dma_semaphore, #tpu.memory_space<semaphore_mem>>
        %dma_start3A_51 = arith.constant 9680 : i32
        %dma_start3A_52 = arith.constant 0 : i32
        %dma_start3A_53 = tpu.memref_slice %arg6[%arg0, %dma_start3A_51, %dma_start3A_52] : memref<2x10000x64xf32, #tpu.memory_space<hbm>> -> memref<1x80x64xf32, #tpu.memory_space<hbm>>
        %dma_start3A_54 = tpu.memref_squeeze %dma_start3A_53 : memref<1x80x64xf32, #tpu.memory_space<hbm>> -> memref<80x64xf32, #tpu.memory_space<hbm>>
        %dma_start3A_55 = arith.constant 9680 : i32
        %dma_start3A_56 = arith.constant 0 : i32
        %dma_start3A_57 = tpu.memref_slice %arg6[%arg0, %dma_start3A_55, %dma_start3A_56] : memref<2x10000x64xf32, #tpu.memory_space<hbm>> -> memref<1x80x64xf32, #tpu.memory_space<hbm>>
        %dma_start3A_58 = tpu.memref_squeeze %dma_start3A_57 : memref<1x80x64xf32, #tpu.memory_space<hbm>> -> memref<80x64xf32, #tpu.memory_space<hbm>>
        tpu.enqueue_dma source(%arg13 : memref<80x64xf32, #tpu.memory_space<vmem>>) target(%dma_start3A_58 : memref<80x64xf32, #tpu.memory_space<hbm>>) target_semaphore(%run_scoped3A : memref<!tpu.dma_semaphore, #tpu.memory_space<semaphore_mem>>)
        %dma_wait3A = arith.constant 9680 : i32
        %dma_wait3A_59 = arith.constant 0 : i32
        %dma_wait3A_60 = tpu.memref_slice %arg6[%arg0, %dma_wait3A, %dma_wait3A_59] : memref<2x10000x64xf32, #tpu.memory_space<hbm>> -> memref<1x80x64xf32, #tpu.memory_space<hbm>>
        %dma_wait3A_61 = tpu.memref_squeeze %dma_wait3A_60 : memref<1x80x64xf32, #tpu.memory_space<hbm>> -> memref<80x64xf32, #tpu.memory_space<hbm>>
        %dma_wait3A_62 = arith.constant 9680 : i32
        %dma_wait3A_63 = arith.constant 0 : i32
        %dma_wait3A_64 = tpu.memref_slice %arg6[%arg0, %dma_wait3A_62, %dma_wait3A_63] : memref<2x10000x64xf32, #tpu.memory_space<hbm>> -> memref<1x80x64xf32, #tpu.memory_space<hbm>>
        %dma_wait3A_65 = tpu.memref_squeeze %dma_wait3A_64 : memref<1x80x64xf32, #tpu.memory_space<hbm>> -> memref<80x64xf32, #tpu.memory_space<hbm>>
        tpu.wait_dma2 semaphore(%run_scoped3A : memref<!tpu.dma_semaphore, #tpu.memory_space<semaphore_mem>>) src(%arg13 : memref<80x64xf32, #tpu.memory_space<vmem>>) dst(%dma_wait3A_65 : memref<80x64xf32, #tpu.memory_space<hbm>>)
        tpu.yield
      }) : () -> ()
      "tpu.region"() ({
        %run_scoped3A = tpu.sem_alloc : memref<!tpu.dma_semaphore, #tpu.memory_space<semaphore_mem>>
        %dma_start3A_51 = arith.constant 9760 : i32
        %dma_start3A_52 = arith.constant 0 : i32
        %dma_start3A_53 = tpu.memref_slice %arg14[%dma_start3A_51, %dma_start3A_52] : memref<10240x64xf32, #tpu.memory_space<vmem_shared>> -> memref<80x64xf32, #tpu.memory_space<vmem_shared>>
        %dma_start3A_54 = arith.constant 9760 : i32
        %dma_start3A_55 = arith.constant 0 : i32
        %dma_start3A_56 = tpu.memref_slice %arg14[%dma_start3A_54, %dma_start3A_55] : memref<10240x64xf32, #tpu.memory_space<vmem_shared>> -> memref<80x64xf32, #tpu.memory_space<vmem_shared>>
        tpu.enqueue_dma source(%dma_start3A_56 : memref<80x64xf32, #tpu.memory_space<vmem_shared>>) target(%arg13 : memref<80x64xf32, #tpu.memory_space<vmem>>) target_semaphore(%run_scoped3A : memref<!tpu.dma_semaphore, #tpu.memory_space<semaphore_mem>>)
        %dma_wait3A = arith.constant 9760 : i32
        %dma_wait3A_57 = arith.constant 0 : i32
        %dma_wait3A_58 = tpu.memref_slice %arg14[%dma_wait3A, %dma_wait3A_57] : memref<10240x64xf32, #tpu.memory_space<vmem_shared>> -> memref<80x64xf32, #tpu.memory_space<vmem_shared>>
        %dma_wait3A_59 = arith.constant 9760 : i32
        %dma_wait3A_60 = arith.constant 0 : i32
        %dma_wait3A_61 = tpu.memref_slice %arg14[%dma_wait3A_59, %dma_wait3A_60] : memref<10240x64xf32, #tpu.memory_space<vmem_shared>> -> memref<80x64xf32, #tpu.memory_space<vmem_shared>>
        tpu.wait_dma2 semaphore(%run_scoped3A : memref<!tpu.dma_semaphore, #tpu.memory_space<semaphore_mem>>) src(%dma_wait3A_61 : memref<80x64xf32, #tpu.memory_space<vmem_shared>>) dst(%arg13 : memref<80x64xf32, #tpu.memory_space<vmem>>)
        tpu.yield
      }) : () -> ()
      "tpu.region"() ({
        %run_scoped3A = tpu.sem_alloc : memref<!tpu.dma_semaphore, #tpu.memory_space<semaphore_mem>>
        %dma_start3A_51 = arith.constant 9760 : i32
        %dma_start3A_52 = arith.constant 0 : i32
        %dma_start3A_53 = tpu.memref_slice %arg6[%arg0, %dma_start3A_51, %dma_start3A_52] : memref<2x10000x64xf32, #tpu.memory_space<hbm>> -> memref<1x80x64xf32, #tpu.memory_space<hbm>>
        %dma_start3A_54 = tpu.memref_squeeze %dma_start3A_53 : memref<1x80x64xf32, #tpu.memory_space<hbm>> -> memref<80x64xf32, #tpu.memory_space<hbm>>
        %dma_start3A_55 = arith.constant 9760 : i32
        %dma_start3A_56 = arith.constant 0 : i32
        %dma_start3A_57 = tpu.memref_slice %arg6[%arg0, %dma_start3A_55, %dma_start3A_56] : memref<2x10000x64xf32, #tpu.memory_space<hbm>> -> memref<1x80x64xf32, #tpu.memory_space<hbm>>
        %dma_start3A_58 = tpu.memref_squeeze %dma_start3A_57 : memref<1x80x64xf32, #tpu.memory_space<hbm>> -> memref<80x64xf32, #tpu.memory_space<hbm>>
        tpu.enqueue_dma source(%arg13 : memref<80x64xf32, #tpu.memory_space<vmem>>) target(%dma_start3A_58 : memref<80x64xf32, #tpu.memory_space<hbm>>) target_semaphore(%run_scoped3A : memref<!tpu.dma_semaphore, #tpu.memory_space<semaphore_mem>>)
        %dma_wait3A = arith.constant 9760 : i32
        %dma_wait3A_59 = arith.constant 0 : i32
        %dma_wait3A_60 = tpu.memref_slice %arg6[%arg0, %dma_wait3A, %dma_wait3A_59] : memref<2x10000x64xf32, #tpu.memory_space<hbm>> -> memref<1x80x64xf32, #tpu.memory_space<hbm>>
        %dma_wait3A_61 = tpu.memref_squeeze %dma_wait3A_60 : memref<1x80x64xf32, #tpu.memory_space<hbm>> -> memref<80x64xf32, #tpu.memory_space<hbm>>
        %dma_wait3A_62 = arith.constant 9760 : i32
        %dma_wait3A_63 = arith.constant 0 : i32
        %dma_wait3A_64 = tpu.memref_slice %arg6[%arg0, %dma_wait3A_62, %dma_wait3A_63] : memref<2x10000x64xf32, #tpu.memory_space<hbm>> -> memref<1x80x64xf32, #tpu.memory_space<hbm>>
        %dma_wait3A_65 = tpu.memref_squeeze %dma_wait3A_64 : memref<1x80x64xf32, #tpu.memory_space<hbm>> -> memref<80x64xf32, #tpu.memory_space<hbm>>
        tpu.wait_dma2 semaphore(%run_scoped3A : memref<!tpu.dma_semaphore, #tpu.memory_space<semaphore_mem>>) src(%arg13 : memref<80x64xf32, #tpu.memory_space<vmem>>) dst(%dma_wait3A_65 : memref<80x64xf32, #tpu.memory_space<hbm>>)
        tpu.yield
      }) : () -> ()
      "tpu.region"() ({
        %run_scoped3A = tpu.sem_alloc : memref<!tpu.dma_semaphore, #tpu.memory_space<semaphore_mem>>
        %dma_start3A_51 = arith.constant 9840 : i32
        %dma_start3A_52 = arith.constant 0 : i32
        %dma_start3A_53 = tpu.memref_slice %arg14[%dma_start3A_51, %dma_start3A_52] : memref<10240x64xf32, #tpu.memory_space<vmem_shared>> -> memref<80x64xf32, #tpu.memory_space<vmem_shared>>
        %dma_start3A_54 = arith.constant 9840 : i32
        %dma_start3A_55 = arith.constant 0 : i32
        %dma_start3A_56 = tpu.memref_slice %arg14[%dma_start3A_54, %dma_start3A_55] : memref<10240x64xf32, #tpu.memory_space<vmem_shared>> -> memref<80x64xf32, #tpu.memory_space<vmem_shared>>
        tpu.enqueue_dma source(%dma_start3A_56 : memref<80x64xf32, #tpu.memory_space<vmem_shared>>) target(%arg13 : memref<80x64xf32, #tpu.memory_space<vmem>>) target_semaphore(%run_scoped3A : memref<!tpu.dma_semaphore, #tpu.memory_space<semaphore_mem>>)
        %dma_wait3A = arith.constant 9840 : i32
        %dma_wait3A_57 = arith.constant 0 : i32
        %dma_wait3A_58 = tpu.memref_slice %arg14[%dma_wait3A, %dma_wait3A_57] : memref<10240x64xf32, #tpu.memory_space<vmem_shared>> -> memref<80x64xf32, #tpu.memory_space<vmem_shared>>
        %dma_wait3A_59 = arith.constant 9840 : i32
        %dma_wait3A_60 = arith.constant 0 : i32
        %dma_wait3A_61 = tpu.memref_slice %arg14[%dma_wait3A_59, %dma_wait3A_60] : memref<10240x64xf32, #tpu.memory_space<vmem_shared>> -> memref<80x64xf32, #tpu.memory_space<vmem_shared>>
        tpu.wait_dma2 semaphore(%run_scoped3A : memref<!tpu.dma_semaphore, #tpu.memory_space<semaphore_mem>>) src(%dma_wait3A_61 : memref<80x64xf32, #tpu.memory_space<vmem_shared>>) dst(%arg13 : memref<80x64xf32, #tpu.memory_space<vmem>>)
        tpu.yield
      }) : () -> ()
      "tpu.region"() ({
        %run_scoped3A = tpu.sem_alloc : memref<!tpu.dma_semaphore, #tpu.memory_space<semaphore_mem>>
        %dma_start3A_51 = arith.constant 9840 : i32
        %dma_start3A_52 = arith.constant 0 : i32
        %dma_start3A_53 = tpu.memref_slice %arg6[%arg0, %dma_start3A_51, %dma_start3A_52] : memref<2x10000x64xf32, #tpu.memory_space<hbm>> -> memref<1x80x64xf32, #tpu.memory_space<hbm>>
        %dma_start3A_54 = tpu.memref_squeeze %dma_start3A_53 : memref<1x80x64xf32, #tpu.memory_space<hbm>> -> memref<80x64xf32, #tpu.memory_space<hbm>>
        %dma_start3A_55 = arith.constant 9840 : i32
        %dma_start3A_56 = arith.constant 0 : i32
        %dma_start3A_57 = tpu.memref_slice %arg6[%arg0, %dma_start3A_55, %dma_start3A_56] : memref<2x10000x64xf32, #tpu.memory_space<hbm>> -> memref<1x80x64xf32, #tpu.memory_space<hbm>>
        %dma_start3A_58 = tpu.memref_squeeze %dma_start3A_57 : memref<1x80x64xf32, #tpu.memory_space<hbm>> -> memref<80x64xf32, #tpu.memory_space<hbm>>
        tpu.enqueue_dma source(%arg13 : memref<80x64xf32, #tpu.memory_space<vmem>>) target(%dma_start3A_58 : memref<80x64xf32, #tpu.memory_space<hbm>>) target_semaphore(%run_scoped3A : memref<!tpu.dma_semaphore, #tpu.memory_space<semaphore_mem>>)
        %dma_wait3A = arith.constant 9840 : i32
        %dma_wait3A_59 = arith.constant 0 : i32
        %dma_wait3A_60 = tpu.memref_slice %arg6[%arg0, %dma_wait3A, %dma_wait3A_59] : memref<2x10000x64xf32, #tpu.memory_space<hbm>> -> memref<1x80x64xf32, #tpu.memory_space<hbm>>
        %dma_wait3A_61 = tpu.memref_squeeze %dma_wait3A_60 : memref<1x80x64xf32, #tpu.memory_space<hbm>> -> memref<80x64xf32, #tpu.memory_space<hbm>>
        %dma_wait3A_62 = arith.constant 9840 : i32
        %dma_wait3A_63 = arith.constant 0 : i32
        %dma_wait3A_64 = tpu.memref_slice %arg6[%arg0, %dma_wait3A_62, %dma_wait3A_63] : memref<2x10000x64xf32, #tpu.memory_space<hbm>> -> memref<1x80x64xf32, #tpu.memory_space<hbm>>
        %dma_wait3A_65 = tpu.memref_squeeze %dma_wait3A_64 : memref<1x80x64xf32, #tpu.memory_space<hbm>> -> memref<80x64xf32, #tpu.memory_space<hbm>>
        tpu.wait_dma2 semaphore(%run_scoped3A : memref<!tpu.dma_semaphore, #tpu.memory_space<semaphore_mem>>) src(%arg13 : memref<80x64xf32, #tpu.memory_space<vmem>>) dst(%dma_wait3A_65 : memref<80x64xf32, #tpu.memory_space<hbm>>)
        tpu.yield
      }) : () -> ()
      "tpu.region"() ({
        %run_scoped3A = tpu.sem_alloc : memref<!tpu.dma_semaphore, #tpu.memory_space<semaphore_mem>>
        %dma_start3A_51 = arith.constant 9920 : i32
        %dma_start3A_52 = arith.constant 0 : i32
        %dma_start3A_53 = tpu.memref_slice %arg14[%dma_start3A_51, %dma_start3A_52] : memref<10240x64xf32, #tpu.memory_space<vmem_shared>> -> memref<80x64xf32, #tpu.memory_space<vmem_shared>>
        %dma_start3A_54 = arith.constant 9920 : i32
        %dma_start3A_55 = arith.constant 0 : i32
        %dma_start3A_56 = tpu.memref_slice %arg14[%dma_start3A_54, %dma_start3A_55] : memref<10240x64xf32, #tpu.memory_space<vmem_shared>> -> memref<80x64xf32, #tpu.memory_space<vmem_shared>>
        tpu.enqueue_dma source(%dma_start3A_56 : memref<80x64xf32, #tpu.memory_space<vmem_shared>>) target(%arg13 : memref<80x64xf32, #tpu.memory_space<vmem>>) target_semaphore(%run_scoped3A : memref<!tpu.dma_semaphore, #tpu.memory_space<semaphore_mem>>)
        %dma_wait3A = arith.constant 9920 : i32
        %dma_wait3A_57 = arith.constant 0 : i32
        %dma_wait3A_58 = tpu.memref_slice %arg14[%dma_wait3A, %dma_wait3A_57] : memref<10240x64xf32, #tpu.memory_space<vmem_shared>> -> memref<80x64xf32, #tpu.memory_space<vmem_shared>>
        %dma_wait3A_59 = arith.constant 9920 : i32
        %dma_wait3A_60 = arith.constant 0 : i32
        %dma_wait3A_61 = tpu.memref_slice %arg14[%dma_wait3A_59, %dma_wait3A_60] : memref<10240x64xf32, #tpu.memory_space<vmem_shared>> -> memref<80x64xf32, #tpu.memory_space<vmem_shared>>
        tpu.wait_dma2 semaphore(%run_scoped3A : memref<!tpu.dma_semaphore, #tpu.memory_space<semaphore_mem>>) src(%dma_wait3A_61 : memref<80x64xf32, #tpu.memory_space<vmem_shared>>) dst(%arg13 : memref<80x64xf32, #tpu.memory_space<vmem>>)
        tpu.yield
      }) : () -> ()
      "tpu.region"() ({
        %run_scoped3A = tpu.sem_alloc : memref<!tpu.dma_semaphore, #tpu.memory_space<semaphore_mem>>
        %dma_start3A_51 = arith.constant 9920 : i32
        %dma_start3A_52 = arith.constant 0 : i32
        %dma_start3A_53 = tpu.memref_slice %arg6[%arg0, %dma_start3A_51, %dma_start3A_52] : memref<2x10000x64xf32, #tpu.memory_space<hbm>> -> memref<1x80x64xf32, #tpu.memory_space<hbm>>
        %dma_start3A_54 = tpu.memref_squeeze %dma_start3A_53 : memref<1x80x64xf32, #tpu.memory_space<hbm>> -> memref<80x64xf32, #tpu.memory_space<hbm>>
        %dma_start3A_55 = arith.constant 9920 : i32
        %dma_start3A_56 = arith.constant 0 : i32
        %dma_start3A_57 = tpu.memref_slice %arg6[%arg0, %dma_start3A_55, %dma_start3A_56] : memref<2x10000x64xf32, #tpu.memory_space<hbm>> -> memref<1x80x64xf32, #tpu.memory_space<hbm>>
        %dma_start3A_58 = tpu.memref_squeeze %dma_start3A_57 : memref<1x80x64xf32, #tpu.memory_space<hbm>> -> memref<80x64xf32, #tpu.memory_space<hbm>>
        tpu.enqueue_dma source(%arg13 : memref<80x64xf32, #tpu.memory_space<vmem>>) target(%dma_start3A_58 : memref<80x64xf32, #tpu.memory_space<hbm>>) target_semaphore(%run_scoped3A : memref<!tpu.dma_semaphore, #tpu.memory_space<semaphore_mem>>)
        %dma_wait3A = arith.constant 9920 : i32
        %dma_wait3A_59 = arith.constant 0 : i32
        %dma_wait3A_60 = tpu.memref_slice %arg6[%arg0, %dma_wait3A, %dma_wait3A_59] : memref<2x10000x64xf32, #tpu.memory_space<hbm>> -> memref<1x80x64xf32, #tpu.memory_space<hbm>>
        %dma_wait3A_61 = tpu.memref_squeeze %dma_wait3A_60 : memref<1x80x64xf32, #tpu.memory_space<hbm>> -> memref<80x64xf32, #tpu.memory_space<hbm>>
        %dma_wait3A_62 = arith.constant 9920 : i32
        %dma_wait3A_63 = arith.constant 0 : i32
        %dma_wait3A_64 = tpu.memref_slice %arg6[%arg0, %dma_wait3A_62, %dma_wait3A_63] : memref<2x10000x64xf32, #tpu.memory_space<hbm>> -> memref<1x80x64xf32, #tpu.memory_space<hbm>>
        %dma_wait3A_65 = tpu.memref_squeeze %dma_wait3A_64 : memref<1x80x64xf32, #tpu.memory_space<hbm>> -> memref<80x64xf32, #tpu.memory_space<hbm>>
        tpu.wait_dma2 semaphore(%run_scoped3A : memref<!tpu.dma_semaphore, #tpu.memory_space<semaphore_mem>>) src(%arg13 : memref<80x64xf32, #tpu.memory_space<vmem>>) dst(%dma_wait3A_65 : memref<80x64xf32, #tpu.memory_space<hbm>>)
        tpu.yield
      }) : () -> ()
    } else {
    }
    return
  }
}

#map = affine_map<(d0, d1) -> (0, 0, 0)>
#map1 = affine_map<(d0, d1) -> (0)>
module attributes {stable_mosaic.version = 14 : i64} {
  func.func @deg_kernel(%arg0: i32, %arg1: i32, %arg2: memref<32x80x128xi32, #tpu.memory_space<hbm>>, %arg3: memref<10000xf32, #tpu.memory_space<hbm>>, %arg4: memref<10000xf32, #tpu.memory_space<hbm>>, %arg5: memref<80x128xi32, #tpu.memory_space<vmem>>, %arg6: memref<128xf32, #tpu.memory_space<vmem>>, %arg7: memref<16xf32, #tpu.memory_space<vmem>>, %arg8: memref<640xf32, #tpu.memory_space<vmem>>, %arg9: memref<10240xf32, #tpu.memory_space<vmem_shared>>, %arg10: memref<!tpu.dma_semaphore, #tpu.memory_space<semaphore_mem>>) attributes {dimension_semantics = [#tpu.dimension_semantics<core_parallel>, #tpu.dimension_semantics<subcore_parallel>], iteration_bounds = array<i64: 2, 16>, scalar_prefetch = 0 : i64, scratch_operands = 6 : i64, tpu.core_type = #tpu.core_type<sc_vector_subcore>, window_params = [{transform_indices = #map}, {transform_indices = #map1}, {transform_indices = #map1}]} {
    %mul3A = arith.constant 2 : i32
    %mul3A_0 = arith.muli %arg1, %mul3A : i32
    %add3A = arith.addi %mul3A_0, %arg0 : i32
    %mul3A_1 = arith.constant 640 : i32
    %mul3A_2 = arith.muli %arg1, %mul3A_1 : i32
    %multiple_of3A = tpu.assume_multiple %mul3A_2, 640 : i32
    %broadcast_in_dim3A = arith.constant 0.000000e+00 : f32
    %broadcast_in_dim3A_3 = vector.broadcast %broadcast_in_dim3A : f32 to vector<16xf32>
    %swap3A = arith.constant 0 : index
    %swap3A_4 = tpu.vector_load %arg7[%swap3A] {strides = array<i32>} : memref<16xf32, #tpu.memory_space<vmem>>, vector<16xf32>,
    %swap3A_5 = vector.shape_cast %swap3A_4 : vector<16xf32> to vector<16xf32>
    %swap3A_6 = vector.shape_cast %broadcast_in_dim3A_3 : vector<16xf32> to vector<16xf32>
    tpu.vector_store %arg7[%swap3A], %swap3A_6 {strides = array<i32>} : memref<16xf32, #tpu.memory_space<vmem>>, vector<16xf32>,
    %broadcast_in_dim3A_7 = arith.constant 1.000000e+00 : f32
    %broadcast_in_dim3A_8 = vector.broadcast %broadcast_in_dim3A_7 : f32 to vector<16xf32>
    %swap3A_9 = arith.constant 0 : index
    %swap3A_10 = tpu.vector_load %arg6[%swap3A_9] {strides = array<i32>} : memref<128xf32, #tpu.memory_space<vmem>>, vector<16xf32>,
    %swap3A_11 = vector.shape_cast %swap3A_10 : vector<16xf32> to vector<16xf32>
    %swap3A_12 = vector.shape_cast %broadcast_in_dim3A_8 : vector<16xf32> to vector<16xf32>
    tpu.vector_store %arg6[%swap3A_9], %swap3A_12 {strides = array<i32>} : memref<128xf32, #tpu.memory_space<vmem>>, vector<16xf32>,
    %broadcast_in_dim3A_13 = arith.constant 1.000000e+00 : f32
    %broadcast_in_dim3A_14 = vector.broadcast %broadcast_in_dim3A_13 : f32 to vector<16xf32>
    %swap3A_15 = arith.constant 16 : index
    %swap3A_16 = tpu.vector_load %arg6[%swap3A_15] {strides = array<i32>} : memref<128xf32, #tpu.memory_space<vmem>>, vector<16xf32>,
    %swap3A_17 = vector.shape_cast %swap3A_16 : vector<16xf32> to vector<16xf32>
    %swap3A_18 = vector.shape_cast %broadcast_in_dim3A_14 : vector<16xf32> to vector<16xf32>
    tpu.vector_store %arg6[%swap3A_15], %swap3A_18 {strides = array<i32>} : memref<128xf32, #tpu.memory_space<vmem>>, vector<16xf32>,
    %broadcast_in_dim3A_19 = arith.constant 1.000000e+00 : f32
    %broadcast_in_dim3A_20 = vector.broadcast %broadcast_in_dim3A_19 : f32 to vector<16xf32>
    %swap3A_21 = arith.constant 32 : index
    %swap3A_22 = tpu.vector_load %arg6[%swap3A_21] {strides = array<i32>} : memref<128xf32, #tpu.memory_space<vmem>>, vector<16xf32>,
    %swap3A_23 = vector.shape_cast %swap3A_22 : vector<16xf32> to vector<16xf32>
    %swap3A_24 = vector.shape_cast %broadcast_in_dim3A_20 : vector<16xf32> to vector<16xf32>
    tpu.vector_store %arg6[%swap3A_21], %swap3A_24 {strides = array<i32>} : memref<128xf32, #tpu.memory_space<vmem>>, vector<16xf32>,
    %broadcast_in_dim3A_25 = arith.constant 1.000000e+00 : f32
    %broadcast_in_dim3A_26 = vector.broadcast %broadcast_in_dim3A_25 : f32 to vector<16xf32>
    %swap3A_27 = arith.constant 48 : index
    %swap3A_28 = tpu.vector_load %arg6[%swap3A_27] {strides = array<i32>} : memref<128xf32, #tpu.memory_space<vmem>>, vector<16xf32>,
    %swap3A_29 = vector.shape_cast %swap3A_28 : vector<16xf32> to vector<16xf32>
    %swap3A_30 = vector.shape_cast %broadcast_in_dim3A_26 : vector<16xf32> to vector<16xf32>
    tpu.vector_store %arg6[%swap3A_27], %swap3A_30 {strides = array<i32>} : memref<128xf32, #tpu.memory_space<vmem>>, vector<16xf32>,
    %broadcast_in_dim3A_31 = arith.constant 1.000000e+00 : f32
    %broadcast_in_dim3A_32 = vector.broadcast %broadcast_in_dim3A_31 : f32 to vector<16xf32>
    %swap3A_33 = arith.constant 64 : index
    %swap3A_34 = tpu.vector_load %arg6[%swap3A_33] {strides = array<i32>} : memref<128xf32, #tpu.memory_space<vmem>>, vector<16xf32>,
    %swap3A_35 = vector.shape_cast %swap3A_34 : vector<16xf32> to vector<16xf32>
    %swap3A_36 = vector.shape_cast %broadcast_in_dim3A_32 : vector<16xf32> to vector<16xf32>
    tpu.vector_store %arg6[%swap3A_33], %swap3A_36 {strides = array<i32>} : memref<128xf32, #tpu.memory_space<vmem>>, vector<16xf32>,
    %broadcast_in_dim3A_37 = arith.constant 1.000000e+00 : f32
    %broadcast_in_dim3A_38 = vector.broadcast %broadcast_in_dim3A_37 : f32 to vector<16xf32>
    %swap3A_39 = arith.constant 80 : index
    %swap3A_40 = tpu.vector_load %arg6[%swap3A_39] {strides = array<i32>} : memref<128xf32, #tpu.memory_space<vmem>>, vector<16xf32>,
    %swap3A_41 = vector.shape_cast %swap3A_40 : vector<16xf32> to vector<16xf32>
    %swap3A_42 = vector.shape_cast %broadcast_in_dim3A_38 : vector<16xf32> to vector<16xf32>
    tpu.vector_store %arg6[%swap3A_39], %swap3A_42 {strides = array<i32>} : memref<128xf32, #tpu.memory_space<vmem>>, vector<16xf32>,
    %broadcast_in_dim3A_43 = arith.constant 1.000000e+00 : f32
    %broadcast_in_dim3A_44 = vector.broadcast %broadcast_in_dim3A_43 : f32 to vector<16xf32>
    %swap3A_45 = arith.constant 96 : index
    %swap3A_46 = tpu.vector_load %arg6[%swap3A_45] {strides = array<i32>} : memref<128xf32, #tpu.memory_space<vmem>>, vector<16xf32>,
    %swap3A_47 = vector.shape_cast %swap3A_46 : vector<16xf32> to vector<16xf32>
    %swap3A_48 = vector.shape_cast %broadcast_in_dim3A_44 : vector<16xf32> to vector<16xf32>
    tpu.vector_store %arg6[%swap3A_45], %swap3A_48 {strides = array<i32>} : memref<128xf32, #tpu.memory_space<vmem>>, vector<16xf32>,
    %broadcast_in_dim3A_49 = arith.constant 1.000000e+00 : f32
    %broadcast_in_dim3A_50 = vector.broadcast %broadcast_in_dim3A_49 : f32 to vector<16xf32>
    %swap3A_51 = arith.constant 112 : index
    %swap3A_52 = tpu.vector_load %arg6[%swap3A_51] {strides = array<i32>} : memref<128xf32, #tpu.memory_space<vmem>>, vector<16xf32>,
    %swap3A_53 = vector.shape_cast %swap3A_52 : vector<16xf32> to vector<16xf32>
    %swap3A_54 = vector.shape_cast %broadcast_in_dim3A_50 : vector<16xf32> to vector<16xf32>
    tpu.vector_store %arg6[%swap3A_51], %swap3A_54 {strides = array<i32>} : memref<128xf32, #tpu.memory_space<vmem>>, vector<16xf32>,
    %add3A_55 = arith.constant 0 : i32
    %add3A_56 = arith.addi %multiple_of3A, %add3A_55 : i32
    "tpu.region"() ({
      %run_scoped3A = tpu.sem_alloc : memref<!tpu.dma_semaphore, #tpu.memory_space<semaphore_mem>>
      %dma_start3A = tpu.memref_slice %arg9[%add3A_56] : memref<10240xf32, #tpu.memory_space<vmem_shared>> -> memref<16xf32, #tpu.memory_space<vmem_shared>>
      %dma_start3A_168 = tpu.memref_slice %arg9[%add3A_56] : memref<10240xf32, #tpu.memory_space<vmem_shared>> -> memref<16xf32, #tpu.memory_space<vmem_shared>>
      tpu.enqueue_dma source(%arg7 : memref<16xf32, #tpu.memory_space<vmem>>) target(%dma_start3A_168 : memref<16xf32, #tpu.memory_space<vmem_shared>>) target_semaphore(%run_scoped3A : memref<!tpu.dma_semaphore, #tpu.memory_space<semaphore_mem>>)
      %dma_wait3A = tpu.memref_slice %arg9[%add3A_56] : memref<10240xf32, #tpu.memory_space<vmem_shared>> -> memref<16xf32, #tpu.memory_space<vmem_shared>>
      %dma_wait3A_169 = tpu.memref_slice %arg9[%add3A_56] : memref<10240xf32, #tpu.memory_space<vmem_shared>> -> memref<16xf32, #tpu.memory_space<vmem_shared>>
      tpu.wait_dma2 semaphore(%run_scoped3A : memref<!tpu.dma_semaphore, #tpu.memory_space<semaphore_mem>>) src(%arg7 : memref<16xf32, #tpu.memory_space<vmem>>) dst(%dma_wait3A_169 : memref<16xf32, #tpu.memory_space<vmem_shared>>)
      tpu.yield
    }) : () -> ()
    %add3A_57 = arith.constant 16 : i32
    %add3A_58 = arith.addi %multiple_of3A, %add3A_57 : i32
    "tpu.region"() ({
      %run_scoped3A = tpu.sem_alloc : memref<!tpu.dma_semaphore, #tpu.memory_space<semaphore_mem>>
      %dma_start3A = tpu.memref_slice %arg9[%add3A_58] : memref<10240xf32, #tpu.memory_space<vmem_shared>> -> memref<16xf32, #tpu.memory_space<vmem_shared>>
      %dma_start3A_168 = tpu.memref_slice %arg9[%add3A_58] : memref<10240xf32, #tpu.memory_space<vmem_shared>> -> memref<16xf32, #tpu.memory_space<vmem_shared>>
      tpu.enqueue_dma source(%arg7 : memref<16xf32, #tpu.memory_space<vmem>>) target(%dma_start3A_168 : memref<16xf32, #tpu.memory_space<vmem_shared>>) target_semaphore(%run_scoped3A : memref<!tpu.dma_semaphore, #tpu.memory_space<semaphore_mem>>)
      %dma_wait3A = tpu.memref_slice %arg9[%add3A_58] : memref<10240xf32, #tpu.memory_space<vmem_shared>> -> memref<16xf32, #tpu.memory_space<vmem_shared>>
      %dma_wait3A_169 = tpu.memref_slice %arg9[%add3A_58] : memref<10240xf32, #tpu.memory_space<vmem_shared>> -> memref<16xf32, #tpu.memory_space<vmem_shared>>
      tpu.wait_dma2 semaphore(%run_scoped3A : memref<!tpu.dma_semaphore, #tpu.memory_space<semaphore_mem>>) src(%arg7 : memref<16xf32, #tpu.memory_space<vmem>>) dst(%dma_wait3A_169 : memref<16xf32, #tpu.memory_space<vmem_shared>>)
      tpu.yield
    }) : () -> ()
    %add3A_59 = arith.constant 32 : i32
    %add3A_60 = arith.addi %multiple_of3A, %add3A_59 : i32
    "tpu.region"() ({
      %run_scoped3A = tpu.sem_alloc : memref<!tpu.dma_semaphore, #tpu.memory_space<semaphore_mem>>
      %dma_start3A = tpu.memref_slice %arg9[%add3A_60] : memref<10240xf32, #tpu.memory_space<vmem_shared>> -> memref<16xf32, #tpu.memory_space<vmem_shared>>
      %dma_start3A_168 = tpu.memref_slice %arg9[%add3A_60] : memref<10240xf32, #tpu.memory_space<vmem_shared>> -> memref<16xf32, #tpu.memory_space<vmem_shared>>
      tpu.enqueue_dma source(%arg7 : memref<16xf32, #tpu.memory_space<vmem>>) target(%dma_start3A_168 : memref<16xf32, #tpu.memory_space<vmem_shared>>) target_semaphore(%run_scoped3A : memref<!tpu.dma_semaphore, #tpu.memory_space<semaphore_mem>>)
      %dma_wait3A = tpu.memref_slice %arg9[%add3A_60] : memref<10240xf32, #tpu.memory_space<vmem_shared>> -> memref<16xf32, #tpu.memory_space<vmem_shared>>
      %dma_wait3A_169 = tpu.memref_slice %arg9[%add3A_60] : memref<10240xf32, #tpu.memory_space<vmem_shared>> -> memref<16xf32, #tpu.memory_space<vmem_shared>>
      tpu.wait_dma2 semaphore(%run_scoped3A : memref<!tpu.dma_semaphore, #tpu.memory_space<semaphore_mem>>) src(%arg7 : memref<16xf32, #tpu.memory_space<vmem>>) dst(%dma_wait3A_169 : memref<16xf32, #tpu.memory_space<vmem_shared>>)
      tpu.yield
    }) : () -> ()
    %add3A_61 = arith.constant 48 : i32
    %add3A_62 = arith.addi %multiple_of3A, %add3A_61 : i32
    "tpu.region"() ({
      %run_scoped3A = tpu.sem_alloc : memref<!tpu.dma_semaphore, #tpu.memory_space<semaphore_mem>>
      %dma_start3A = tpu.memref_slice %arg9[%add3A_62] : memref<10240xf32, #tpu.memory_space<vmem_shared>> -> memref<16xf32, #tpu.memory_space<vmem_shared>>
      %dma_start3A_168 = tpu.memref_slice %arg9[%add3A_62] : memref<10240xf32, #tpu.memory_space<vmem_shared>> -> memref<16xf32, #tpu.memory_space<vmem_shared>>
      tpu.enqueue_dma source(%arg7 : memref<16xf32, #tpu.memory_space<vmem>>) target(%dma_start3A_168 : memref<16xf32, #tpu.memory_space<vmem_shared>>) target_semaphore(%run_scoped3A : memref<!tpu.dma_semaphore, #tpu.memory_space<semaphore_mem>>)
      %dma_wait3A = tpu.memref_slice %arg9[%add3A_62] : memref<10240xf32, #tpu.memory_space<vmem_shared>> -> memref<16xf32, #tpu.memory_space<vmem_shared>>
      %dma_wait3A_169 = tpu.memref_slice %arg9[%add3A_62] : memref<10240xf32, #tpu.memory_space<vmem_shared>> -> memref<16xf32, #tpu.memory_space<vmem_shared>>
      tpu.wait_dma2 semaphore(%run_scoped3A : memref<!tpu.dma_semaphore, #tpu.memory_space<semaphore_mem>>) src(%arg7 : memref<16xf32, #tpu.memory_space<vmem>>) dst(%dma_wait3A_169 : memref<16xf32, #tpu.memory_space<vmem_shared>>)
      tpu.yield
    }) : () -> ()
    %add3A_63 = arith.constant 64 : i32
    %add3A_64 = arith.addi %multiple_of3A, %add3A_63 : i32
    "tpu.region"() ({
      %run_scoped3A = tpu.sem_alloc : memref<!tpu.dma_semaphore, #tpu.memory_space<semaphore_mem>>
      %dma_start3A = tpu.memref_slice %arg9[%add3A_64] : memref<10240xf32, #tpu.memory_space<vmem_shared>> -> memref<16xf32, #tpu.memory_space<vmem_shared>>
      %dma_start3A_168 = tpu.memref_slice %arg9[%add3A_64] : memref<10240xf32, #tpu.memory_space<vmem_shared>> -> memref<16xf32, #tpu.memory_space<vmem_shared>>
      tpu.enqueue_dma source(%arg7 : memref<16xf32, #tpu.memory_space<vmem>>) target(%dma_start3A_168 : memref<16xf32, #tpu.memory_space<vmem_shared>>) target_semaphore(%run_scoped3A : memref<!tpu.dma_semaphore, #tpu.memory_space<semaphore_mem>>)
      %dma_wait3A = tpu.memref_slice %arg9[%add3A_64] : memref<10240xf32, #tpu.memory_space<vmem_shared>> -> memref<16xf32, #tpu.memory_space<vmem_shared>>
      %dma_wait3A_169 = tpu.memref_slice %arg9[%add3A_64] : memref<10240xf32, #tpu.memory_space<vmem_shared>> -> memref<16xf32, #tpu.memory_space<vmem_shared>>
      tpu.wait_dma2 semaphore(%run_scoped3A : memref<!tpu.dma_semaphore, #tpu.memory_space<semaphore_mem>>) src(%arg7 : memref<16xf32, #tpu.memory_space<vmem>>) dst(%dma_wait3A_169 : memref<16xf32, #tpu.memory_space<vmem_shared>>)
      tpu.yield
    }) : () -> ()
    %add3A_65 = arith.constant 80 : i32
    %add3A_66 = arith.addi %multiple_of3A, %add3A_65 : i32
    "tpu.region"() ({
      %run_scoped3A = tpu.sem_alloc : memref<!tpu.dma_semaphore, #tpu.memory_space<semaphore_mem>>
      %dma_start3A = tpu.memref_slice %arg9[%add3A_66] : memref<10240xf32, #tpu.memory_space<vmem_shared>> -> memref<16xf32, #tpu.memory_space<vmem_shared>>
      %dma_start3A_168 = tpu.memref_slice %arg9[%add3A_66] : memref<10240xf32, #tpu.memory_space<vmem_shared>> -> memref<16xf32, #tpu.memory_space<vmem_shared>>
      tpu.enqueue_dma source(%arg7 : memref<16xf32, #tpu.memory_space<vmem>>) target(%dma_start3A_168 : memref<16xf32, #tpu.memory_space<vmem_shared>>) target_semaphore(%run_scoped3A : memref<!tpu.dma_semaphore, #tpu.memory_space<semaphore_mem>>)
      %dma_wait3A = tpu.memref_slice %arg9[%add3A_66] : memref<10240xf32, #tpu.memory_space<vmem_shared>> -> memref<16xf32, #tpu.memory_space<vmem_shared>>
      %dma_wait3A_169 = tpu.memref_slice %arg9[%add3A_66] : memref<10240xf32, #tpu.memory_space<vmem_shared>> -> memref<16xf32, #tpu.memory_space<vmem_shared>>
      tpu.wait_dma2 semaphore(%run_scoped3A : memref<!tpu.dma_semaphore, #tpu.memory_space<semaphore_mem>>) src(%arg7 : memref<16xf32, #tpu.memory_space<vmem>>) dst(%dma_wait3A_169 : memref<16xf32, #tpu.memory_space<vmem_shared>>)
      tpu.yield
    }) : () -> ()
    %add3A_67 = arith.constant 96 : i32
    %add3A_68 = arith.addi %multiple_of3A, %add3A_67 : i32
    "tpu.region"() ({
      %run_scoped3A = tpu.sem_alloc : memref<!tpu.dma_semaphore, #tpu.memory_space<semaphore_mem>>
      %dma_start3A = tpu.memref_slice %arg9[%add3A_68] : memref<10240xf32, #tpu.memory_space<vmem_shared>> -> memref<16xf32, #tpu.memory_space<vmem_shared>>
      %dma_start3A_168 = tpu.memref_slice %arg9[%add3A_68] : memref<10240xf32, #tpu.memory_space<vmem_shared>> -> memref<16xf32, #tpu.memory_space<vmem_shared>>
      tpu.enqueue_dma source(%arg7 : memref<16xf32, #tpu.memory_space<vmem>>) target(%dma_start3A_168 : memref<16xf32, #tpu.memory_space<vmem_shared>>) target_semaphore(%run_scoped3A : memref<!tpu.dma_semaphore, #tpu.memory_space<semaphore_mem>>)
      %dma_wait3A = tpu.memref_slice %arg9[%add3A_68] : memref<10240xf32, #tpu.memory_space<vmem_shared>> -> memref<16xf32, #tpu.memory_space<vmem_shared>>
      %dma_wait3A_169 = tpu.memref_slice %arg9[%add3A_68] : memref<10240xf32, #tpu.memory_space<vmem_shared>> -> memref<16xf32, #tpu.memory_space<vmem_shared>>
      tpu.wait_dma2 semaphore(%run_scoped3A : memref<!tpu.dma_semaphore, #tpu.memory_space<semaphore_mem>>) src(%arg7 : memref<16xf32, #tpu.memory_space<vmem>>) dst(%dma_wait3A_169 : memref<16xf32, #tpu.memory_space<vmem_shared>>)
      tpu.yield
    }) : () -> ()
    %add3A_69 = arith.constant 112 : i32
    %add3A_70 = arith.addi %multiple_of3A, %add3A_69 : i32
    "tpu.region"() ({
      %run_scoped3A = tpu.sem_alloc : memref<!tpu.dma_semaphore, #tpu.memory_space<semaphore_mem>>
      %dma_start3A = tpu.memref_slice %arg9[%add3A_70] : memref<10240xf32, #tpu.memory_space<vmem_shared>> -> memref<16xf32, #tpu.memory_space<vmem_shared>>
      %dma_start3A_168 = tpu.memref_slice %arg9[%add3A_70] : memref<10240xf32, #tpu.memory_space<vmem_shared>> -> memref<16xf32, #tpu.memory_space<vmem_shared>>
      tpu.enqueue_dma source(%arg7 : memref<16xf32, #tpu.memory_space<vmem>>) target(%dma_start3A_168 : memref<16xf32, #tpu.memory_space<vmem_shared>>) target_semaphore(%run_scoped3A : memref<!tpu.dma_semaphore, #tpu.memory_space<semaphore_mem>>)
      %dma_wait3A = tpu.memref_slice %arg9[%add3A_70] : memref<10240xf32, #tpu.memory_space<vmem_shared>> -> memref<16xf32, #tpu.memory_space<vmem_shared>>
      %dma_wait3A_169 = tpu.memref_slice %arg9[%add3A_70] : memref<10240xf32, #tpu.memory_space<vmem_shared>> -> memref<16xf32, #tpu.memory_space<vmem_shared>>
      tpu.wait_dma2 semaphore(%run_scoped3A : memref<!tpu.dma_semaphore, #tpu.memory_space<semaphore_mem>>) src(%arg7 : memref<16xf32, #tpu.memory_space<vmem>>) dst(%dma_wait3A_169 : memref<16xf32, #tpu.memory_space<vmem_shared>>)
      tpu.yield
    }) : () -> ()
    %add3A_71 = arith.constant 128 : i32
    %add3A_72 = arith.addi %multiple_of3A, %add3A_71 : i32
    "tpu.region"() ({
      %run_scoped3A = tpu.sem_alloc : memref<!tpu.dma_semaphore, #tpu.memory_space<semaphore_mem>>
      %dma_start3A = tpu.memref_slice %arg9[%add3A_72] : memref<10240xf32, #tpu.memory_space<vmem_shared>> -> memref<16xf32, #tpu.memory_space<vmem_shared>>
      %dma_start3A_168 = tpu.memref_slice %arg9[%add3A_72] : memref<10240xf32, #tpu.memory_space<vmem_shared>> -> memref<16xf32, #tpu.memory_space<vmem_shared>>
      tpu.enqueue_dma source(%arg7 : memref<16xf32, #tpu.memory_space<vmem>>) target(%dma_start3A_168 : memref<16xf32, #tpu.memory_space<vmem_shared>>) target_semaphore(%run_scoped3A : memref<!tpu.dma_semaphore, #tpu.memory_space<semaphore_mem>>)
      %dma_wait3A = tpu.memref_slice %arg9[%add3A_72] : memref<10240xf32, #tpu.memory_space<vmem_shared>> -> memref<16xf32, #tpu.memory_space<vmem_shared>>
      %dma_wait3A_169 = tpu.memref_slice %arg9[%add3A_72] : memref<10240xf32, #tpu.memory_space<vmem_shared>> -> memref<16xf32, #tpu.memory_space<vmem_shared>>
      tpu.wait_dma2 semaphore(%run_scoped3A : memref<!tpu.dma_semaphore, #tpu.memory_space<semaphore_mem>>) src(%arg7 : memref<16xf32, #tpu.memory_space<vmem>>) dst(%dma_wait3A_169 : memref<16xf32, #tpu.memory_space<vmem_shared>>)
      tpu.yield
    }) : () -> ()
    %add3A_73 = arith.constant 144 : i32
    %add3A_74 = arith.addi %multiple_of3A, %add3A_73 : i32
    "tpu.region"() ({
      %run_scoped3A = tpu.sem_alloc : memref<!tpu.dma_semaphore, #tpu.memory_space<semaphore_mem>>
      %dma_start3A = tpu.memref_slice %arg9[%add3A_74] : memref<10240xf32, #tpu.memory_space<vmem_shared>> -> memref<16xf32, #tpu.memory_space<vmem_shared>>
      %dma_start3A_168 = tpu.memref_slice %arg9[%add3A_74] : memref<10240xf32, #tpu.memory_space<vmem_shared>> -> memref<16xf32, #tpu.memory_space<vmem_shared>>
      tpu.enqueue_dma source(%arg7 : memref<16xf32, #tpu.memory_space<vmem>>) target(%dma_start3A_168 : memref<16xf32, #tpu.memory_space<vmem_shared>>) target_semaphore(%run_scoped3A : memref<!tpu.dma_semaphore, #tpu.memory_space<semaphore_mem>>)
      %dma_wait3A = tpu.memref_slice %arg9[%add3A_74] : memref<10240xf32, #tpu.memory_space<vmem_shared>> -> memref<16xf32, #tpu.memory_space<vmem_shared>>
      %dma_wait3A_169 = tpu.memref_slice %arg9[%add3A_74] : memref<10240xf32, #tpu.memory_space<vmem_shared>> -> memref<16xf32, #tpu.memory_space<vmem_shared>>
      tpu.wait_dma2 semaphore(%run_scoped3A : memref<!tpu.dma_semaphore, #tpu.memory_space<semaphore_mem>>) src(%arg7 : memref<16xf32, #tpu.memory_space<vmem>>) dst(%dma_wait3A_169 : memref<16xf32, #tpu.memory_space<vmem_shared>>)
      tpu.yield
    }) : () -> ()
    %add3A_75 = arith.constant 160 : i32
    %add3A_76 = arith.addi %multiple_of3A, %add3A_75 : i32
    "tpu.region"() ({
      %run_scoped3A = tpu.sem_alloc : memref<!tpu.dma_semaphore, #tpu.memory_space<semaphore_mem>>
      %dma_start3A = tpu.memref_slice %arg9[%add3A_76] : memref<10240xf32, #tpu.memory_space<vmem_shared>> -> memref<16xf32, #tpu.memory_space<vmem_shared>>
      %dma_start3A_168 = tpu.memref_slice %arg9[%add3A_76] : memref<10240xf32, #tpu.memory_space<vmem_shared>> -> memref<16xf32, #tpu.memory_space<vmem_shared>>
      tpu.enqueue_dma source(%arg7 : memref<16xf32, #tpu.memory_space<vmem>>) target(%dma_start3A_168 : memref<16xf32, #tpu.memory_space<vmem_shared>>) target_semaphore(%run_scoped3A : memref<!tpu.dma_semaphore, #tpu.memory_space<semaphore_mem>>)
      %dma_wait3A = tpu.memref_slice %arg9[%add3A_76] : memref<10240xf32, #tpu.memory_space<vmem_shared>> -> memref<16xf32, #tpu.memory_space<vmem_shared>>
      %dma_wait3A_169 = tpu.memref_slice %arg9[%add3A_76] : memref<10240xf32, #tpu.memory_space<vmem_shared>> -> memref<16xf32, #tpu.memory_space<vmem_shared>>
      tpu.wait_dma2 semaphore(%run_scoped3A : memref<!tpu.dma_semaphore, #tpu.memory_space<semaphore_mem>>) src(%arg7 : memref<16xf32, #tpu.memory_space<vmem>>) dst(%dma_wait3A_169 : memref<16xf32, #tpu.memory_space<vmem_shared>>)
      tpu.yield
    }) : () -> ()
    %add3A_77 = arith.constant 176 : i32
    %add3A_78 = arith.addi %multiple_of3A, %add3A_77 : i32
    "tpu.region"() ({
      %run_scoped3A = tpu.sem_alloc : memref<!tpu.dma_semaphore, #tpu.memory_space<semaphore_mem>>
      %dma_start3A = tpu.memref_slice %arg9[%add3A_78] : memref<10240xf32, #tpu.memory_space<vmem_shared>> -> memref<16xf32, #tpu.memory_space<vmem_shared>>
      %dma_start3A_168 = tpu.memref_slice %arg9[%add3A_78] : memref<10240xf32, #tpu.memory_space<vmem_shared>> -> memref<16xf32, #tpu.memory_space<vmem_shared>>
      tpu.enqueue_dma source(%arg7 : memref<16xf32, #tpu.memory_space<vmem>>) target(%dma_start3A_168 : memref<16xf32, #tpu.memory_space<vmem_shared>>) target_semaphore(%run_scoped3A : memref<!tpu.dma_semaphore, #tpu.memory_space<semaphore_mem>>)
      %dma_wait3A = tpu.memref_slice %arg9[%add3A_78] : memref<10240xf32, #tpu.memory_space<vmem_shared>> -> memref<16xf32, #tpu.memory_space<vmem_shared>>
      %dma_wait3A_169 = tpu.memref_slice %arg9[%add3A_78] : memref<10240xf32, #tpu.memory_space<vmem_shared>> -> memref<16xf32, #tpu.memory_space<vmem_shared>>
      tpu.wait_dma2 semaphore(%run_scoped3A : memref<!tpu.dma_semaphore, #tpu.memory_space<semaphore_mem>>) src(%arg7 : memref<16xf32, #tpu.memory_space<vmem>>) dst(%dma_wait3A_169 : memref<16xf32, #tpu.memory_space<vmem_shared>>)
      tpu.yield
    }) : () -> ()
    %add3A_79 = arith.constant 192 : i32
    %add3A_80 = arith.addi %multiple_of3A, %add3A_79 : i32
    "tpu.region"() ({
      %run_scoped3A = tpu.sem_alloc : memref<!tpu.dma_semaphore, #tpu.memory_space<semaphore_mem>>
      %dma_start3A = tpu.memref_slice %arg9[%add3A_80] : memref<10240xf32, #tpu.memory_space<vmem_shared>> -> memref<16xf32, #tpu.memory_space<vmem_shared>>
      %dma_start3A_168 = tpu.memref_slice %arg9[%add3A_80] : memref<10240xf32, #tpu.memory_space<vmem_shared>> -> memref<16xf32, #tpu.memory_space<vmem_shared>>
      tpu.enqueue_dma source(%arg7 : memref<16xf32, #tpu.memory_space<vmem>>) target(%dma_start3A_168 : memref<16xf32, #tpu.memory_space<vmem_shared>>) target_semaphore(%run_scoped3A : memref<!tpu.dma_semaphore, #tpu.memory_space<semaphore_mem>>)
      %dma_wait3A = tpu.memref_slice %arg9[%add3A_80] : memref<10240xf32, #tpu.memory_space<vmem_shared>> -> memref<16xf32, #tpu.memory_space<vmem_shared>>
      %dma_wait3A_169 = tpu.memref_slice %arg9[%add3A_80] : memref<10240xf32, #tpu.memory_space<vmem_shared>> -> memref<16xf32, #tpu.memory_space<vmem_shared>>
      tpu.wait_dma2 semaphore(%run_scoped3A : memref<!tpu.dma_semaphore, #tpu.memory_space<semaphore_mem>>) src(%arg7 : memref<16xf32, #tpu.memory_space<vmem>>) dst(%dma_wait3A_169 : memref<16xf32, #tpu.memory_space<vmem_shared>>)
      tpu.yield
    }) : () -> ()
    %add3A_81 = arith.constant 208 : i32
    %add3A_82 = arith.addi %multiple_of3A, %add3A_81 : i32
    "tpu.region"() ({
      %run_scoped3A = tpu.sem_alloc : memref<!tpu.dma_semaphore, #tpu.memory_space<semaphore_mem>>
      %dma_start3A = tpu.memref_slice %arg9[%add3A_82] : memref<10240xf32, #tpu.memory_space<vmem_shared>> -> memref<16xf32, #tpu.memory_space<vmem_shared>>
      %dma_start3A_168 = tpu.memref_slice %arg9[%add3A_82] : memref<10240xf32, #tpu.memory_space<vmem_shared>> -> memref<16xf32, #tpu.memory_space<vmem_shared>>
      tpu.enqueue_dma source(%arg7 : memref<16xf32, #tpu.memory_space<vmem>>) target(%dma_start3A_168 : memref<16xf32, #tpu.memory_space<vmem_shared>>) target_semaphore(%run_scoped3A : memref<!tpu.dma_semaphore, #tpu.memory_space<semaphore_mem>>)
      %dma_wait3A = tpu.memref_slice %arg9[%add3A_82] : memref<10240xf32, #tpu.memory_space<vmem_shared>> -> memref<16xf32, #tpu.memory_space<vmem_shared>>
      %dma_wait3A_169 = tpu.memref_slice %arg9[%add3A_82] : memref<10240xf32, #tpu.memory_space<vmem_shared>> -> memref<16xf32, #tpu.memory_space<vmem_shared>>
      tpu.wait_dma2 semaphore(%run_scoped3A : memref<!tpu.dma_semaphore, #tpu.memory_space<semaphore_mem>>) src(%arg7 : memref<16xf32, #tpu.memory_space<vmem>>) dst(%dma_wait3A_169 : memref<16xf32, #tpu.memory_space<vmem_shared>>)
      tpu.yield
    }) : () -> ()
    %add3A_83 = arith.constant 224 : i32
    %add3A_84 = arith.addi %multiple_of3A, %add3A_83 : i32
    "tpu.region"() ({
      %run_scoped3A = tpu.sem_alloc : memref<!tpu.dma_semaphore, #tpu.memory_space<semaphore_mem>>
      %dma_start3A = tpu.memref_slice %arg9[%add3A_84] : memref<10240xf32, #tpu.memory_space<vmem_shared>> -> memref<16xf32, #tpu.memory_space<vmem_shared>>
      %dma_start3A_168 = tpu.memref_slice %arg9[%add3A_84] : memref<10240xf32, #tpu.memory_space<vmem_shared>> -> memref<16xf32, #tpu.memory_space<vmem_shared>>
      tpu.enqueue_dma source(%arg7 : memref<16xf32, #tpu.memory_space<vmem>>) target(%dma_start3A_168 : memref<16xf32, #tpu.memory_space<vmem_shared>>) target_semaphore(%run_scoped3A : memref<!tpu.dma_semaphore, #tpu.memory_space<semaphore_mem>>)
      %dma_wait3A = tpu.memref_slice %arg9[%add3A_84] : memref<10240xf32, #tpu.memory_space<vmem_shared>> -> memref<16xf32, #tpu.memory_space<vmem_shared>>
      %dma_wait3A_169 = tpu.memref_slice %arg9[%add3A_84] : memref<10240xf32, #tpu.memory_space<vmem_shared>> -> memref<16xf32, #tpu.memory_space<vmem_shared>>
      tpu.wait_dma2 semaphore(%run_scoped3A : memref<!tpu.dma_semaphore, #tpu.memory_space<semaphore_mem>>) src(%arg7 : memref<16xf32, #tpu.memory_space<vmem>>) dst(%dma_wait3A_169 : memref<16xf32, #tpu.memory_space<vmem_shared>>)
      tpu.yield
    }) : () -> ()
    %add3A_85 = arith.constant 240 : i32
    %add3A_86 = arith.addi %multiple_of3A, %add3A_85 : i32
    "tpu.region"() ({
      %run_scoped3A = tpu.sem_alloc : memref<!tpu.dma_semaphore, #tpu.memory_space<semaphore_mem>>
      %dma_start3A = tpu.memref_slice %arg9[%add3A_86] : memref<10240xf32, #tpu.memory_space<vmem_shared>> -> memref<16xf32, #tpu.memory_space<vmem_shared>>
      %dma_start3A_168 = tpu.memref_slice %arg9[%add3A_86] : memref<10240xf32, #tpu.memory_space<vmem_shared>> -> memref<16xf32, #tpu.memory_space<vmem_shared>>
      tpu.enqueue_dma source(%arg7 : memref<16xf32, #tpu.memory_space<vmem>>) target(%dma_start3A_168 : memref<16xf32, #tpu.memory_space<vmem_shared>>) target_semaphore(%run_scoped3A : memref<!tpu.dma_semaphore, #tpu.memory_space<semaphore_mem>>)
      %dma_wait3A = tpu.memref_slice %arg9[%add3A_86] : memref<10240xf32, #tpu.memory_space<vmem_shared>> -> memref<16xf32, #tpu.memory_space<vmem_shared>>
      %dma_wait3A_169 = tpu.memref_slice %arg9[%add3A_86] : memref<10240xf32, #tpu.memory_space<vmem_shared>> -> memref<16xf32, #tpu.memory_space<vmem_shared>>
      tpu.wait_dma2 semaphore(%run_scoped3A : memref<!tpu.dma_semaphore, #tpu.memory_space<semaphore_mem>>) src(%arg7 : memref<16xf32, #tpu.memory_space<vmem>>) dst(%dma_wait3A_169 : memref<16xf32, #tpu.memory_space<vmem_shared>>)
      tpu.yield
    }) : () -> ()
    %add3A_87 = arith.constant 256 : i32
    %add3A_88 = arith.addi %multiple_of3A, %add3A_87 : i32
    "tpu.region"() ({
      %run_scoped3A = tpu.sem_alloc : memref<!tpu.dma_semaphore, #tpu.memory_space<semaphore_mem>>
      %dma_start3A = tpu.memref_slice %arg9[%add3A_88] : memref<10240xf32, #tpu.memory_space<vmem_shared>> -> memref<16xf32, #tpu.memory_space<vmem_shared>>
      %dma_start3A_168 = tpu.memref_slice %arg9[%add3A_88] : memref<10240xf32, #tpu.memory_space<vmem_shared>> -> memref<16xf32, #tpu.memory_space<vmem_shared>>
      tpu.enqueue_dma source(%arg7 : memref<16xf32, #tpu.memory_space<vmem>>) target(%dma_start3A_168 : memref<16xf32, #tpu.memory_space<vmem_shared>>) target_semaphore(%run_scoped3A : memref<!tpu.dma_semaphore, #tpu.memory_space<semaphore_mem>>)
      %dma_wait3A = tpu.memref_slice %arg9[%add3A_88] : memref<10240xf32, #tpu.memory_space<vmem_shared>> -> memref<16xf32, #tpu.memory_space<vmem_shared>>
      %dma_wait3A_169 = tpu.memref_slice %arg9[%add3A_88] : memref<10240xf32, #tpu.memory_space<vmem_shared>> -> memref<16xf32, #tpu.memory_space<vmem_shared>>
      tpu.wait_dma2 semaphore(%run_scoped3A : memref<!tpu.dma_semaphore, #tpu.memory_space<semaphore_mem>>) src(%arg7 : memref<16xf32, #tpu.memory_space<vmem>>) dst(%dma_wait3A_169 : memref<16xf32, #tpu.memory_space<vmem_shared>>)
      tpu.yield
    }) : () -> ()
    %add3A_89 = arith.constant 272 : i32
    %add3A_90 = arith.addi %multiple_of3A, %add3A_89 : i32
    "tpu.region"() ({
      %run_scoped3A = tpu.sem_alloc : memref<!tpu.dma_semaphore, #tpu.memory_space<semaphore_mem>>
      %dma_start3A = tpu.memref_slice %arg9[%add3A_90] : memref<10240xf32, #tpu.memory_space<vmem_shared>> -> memref<16xf32, #tpu.memory_space<vmem_shared>>
      %dma_start3A_168 = tpu.memref_slice %arg9[%add3A_90] : memref<10240xf32, #tpu.memory_space<vmem_shared>> -> memref<16xf32, #tpu.memory_space<vmem_shared>>
      tpu.enqueue_dma source(%arg7 : memref<16xf32, #tpu.memory_space<vmem>>) target(%dma_start3A_168 : memref<16xf32, #tpu.memory_space<vmem_shared>>) target_semaphore(%run_scoped3A : memref<!tpu.dma_semaphore, #tpu.memory_space<semaphore_mem>>)
      %dma_wait3A = tpu.memref_slice %arg9[%add3A_90] : memref<10240xf32, #tpu.memory_space<vmem_shared>> -> memref<16xf32, #tpu.memory_space<vmem_shared>>
      %dma_wait3A_169 = tpu.memref_slice %arg9[%add3A_90] : memref<10240xf32, #tpu.memory_space<vmem_shared>> -> memref<16xf32, #tpu.memory_space<vmem_shared>>
      tpu.wait_dma2 semaphore(%run_scoped3A : memref<!tpu.dma_semaphore, #tpu.memory_space<semaphore_mem>>) src(%arg7 : memref<16xf32, #tpu.memory_space<vmem>>) dst(%dma_wait3A_169 : memref<16xf32, #tpu.memory_space<vmem_shared>>)
      tpu.yield
    }) : () -> ()
    %add3A_91 = arith.constant 288 : i32
    %add3A_92 = arith.addi %multiple_of3A, %add3A_91 : i32
    "tpu.region"() ({
      %run_scoped3A = tpu.sem_alloc : memref<!tpu.dma_semaphore, #tpu.memory_space<semaphore_mem>>
      %dma_start3A = tpu.memref_slice %arg9[%add3A_92] : memref<10240xf32, #tpu.memory_space<vmem_shared>> -> memref<16xf32, #tpu.memory_space<vmem_shared>>
      %dma_start3A_168 = tpu.memref_slice %arg9[%add3A_92] : memref<10240xf32, #tpu.memory_space<vmem_shared>> -> memref<16xf32, #tpu.memory_space<vmem_shared>>
      tpu.enqueue_dma source(%arg7 : memref<16xf32, #tpu.memory_space<vmem>>) target(%dma_start3A_168 : memref<16xf32, #tpu.memory_space<vmem_shared>>) target_semaphore(%run_scoped3A : memref<!tpu.dma_semaphore, #tpu.memory_space<semaphore_mem>>)
      %dma_wait3A = tpu.memref_slice %arg9[%add3A_92] : memref<10240xf32, #tpu.memory_space<vmem_shared>> -> memref<16xf32, #tpu.memory_space<vmem_shared>>
      %dma_wait3A_169 = tpu.memref_slice %arg9[%add3A_92] : memref<10240xf32, #tpu.memory_space<vmem_shared>> -> memref<16xf32, #tpu.memory_space<vmem_shared>>
      tpu.wait_dma2 semaphore(%run_scoped3A : memref<!tpu.dma_semaphore, #tpu.memory_space<semaphore_mem>>) src(%arg7 : memref<16xf32, #tpu.memory_space<vmem>>) dst(%dma_wait3A_169 : memref<16xf32, #tpu.memory_space<vmem_shared>>)
      tpu.yield
    }) : () -> ()
    %add3A_93 = arith.constant 304 : i32
    %add3A_94 = arith.addi %multiple_of3A, %add3A_93 : i32
    "tpu.region"() ({
      %run_scoped3A = tpu.sem_alloc : memref<!tpu.dma_semaphore, #tpu.memory_space<semaphore_mem>>
      %dma_start3A = tpu.memref_slice %arg9[%add3A_94] : memref<10240xf32, #tpu.memory_space<vmem_shared>> -> memref<16xf32, #tpu.memory_space<vmem_shared>>
      %dma_start3A_168 = tpu.memref_slice %arg9[%add3A_94] : memref<10240xf32, #tpu.memory_space<vmem_shared>> -> memref<16xf32, #tpu.memory_space<vmem_shared>>
      tpu.enqueue_dma source(%arg7 : memref<16xf32, #tpu.memory_space<vmem>>) target(%dma_start3A_168 : memref<16xf32, #tpu.memory_space<vmem_shared>>) target_semaphore(%run_scoped3A : memref<!tpu.dma_semaphore, #tpu.memory_space<semaphore_mem>>)
      %dma_wait3A = tpu.memref_slice %arg9[%add3A_94] : memref<10240xf32, #tpu.memory_space<vmem_shared>> -> memref<16xf32, #tpu.memory_space<vmem_shared>>
      %dma_wait3A_169 = tpu.memref_slice %arg9[%add3A_94] : memref<10240xf32, #tpu.memory_space<vmem_shared>> -> memref<16xf32, #tpu.memory_space<vmem_shared>>
      tpu.wait_dma2 semaphore(%run_scoped3A : memref<!tpu.dma_semaphore, #tpu.memory_space<semaphore_mem>>) src(%arg7 : memref<16xf32, #tpu.memory_space<vmem>>) dst(%dma_wait3A_169 : memref<16xf32, #tpu.memory_space<vmem_shared>>)
      tpu.yield
    }) : () -> ()
    %add3A_95 = arith.constant 320 : i32
    %add3A_96 = arith.addi %multiple_of3A, %add3A_95 : i32
    "tpu.region"() ({
      %run_scoped3A = tpu.sem_alloc : memref<!tpu.dma_semaphore, #tpu.memory_space<semaphore_mem>>
      %dma_start3A = tpu.memref_slice %arg9[%add3A_96] : memref<10240xf32, #tpu.memory_space<vmem_shared>> -> memref<16xf32, #tpu.memory_space<vmem_shared>>
      %dma_start3A_168 = tpu.memref_slice %arg9[%add3A_96] : memref<10240xf32, #tpu.memory_space<vmem_shared>> -> memref<16xf32, #tpu.memory_space<vmem_shared>>
      tpu.enqueue_dma source(%arg7 : memref<16xf32, #tpu.memory_space<vmem>>) target(%dma_start3A_168 : memref<16xf32, #tpu.memory_space<vmem_shared>>) target_semaphore(%run_scoped3A : memref<!tpu.dma_semaphore, #tpu.memory_space<semaphore_mem>>)
      %dma_wait3A = tpu.memref_slice %arg9[%add3A_96] : memref<10240xf32, #tpu.memory_space<vmem_shared>> -> memref<16xf32, #tpu.memory_space<vmem_shared>>
      %dma_wait3A_169 = tpu.memref_slice %arg9[%add3A_96] : memref<10240xf32, #tpu.memory_space<vmem_shared>> -> memref<16xf32, #tpu.memory_space<vmem_shared>>
      tpu.wait_dma2 semaphore(%run_scoped3A : memref<!tpu.dma_semaphore, #tpu.memory_space<semaphore_mem>>) src(%arg7 : memref<16xf32, #tpu.memory_space<vmem>>) dst(%dma_wait3A_169 : memref<16xf32, #tpu.memory_space<vmem_shared>>)
      tpu.yield
    }) : () -> ()
    %add3A_97 = arith.constant 336 : i32
    %add3A_98 = arith.addi %multiple_of3A, %add3A_97 : i32
    "tpu.region"() ({
      %run_scoped3A = tpu.sem_alloc : memref<!tpu.dma_semaphore, #tpu.memory_space<semaphore_mem>>
      %dma_start3A = tpu.memref_slice %arg9[%add3A_98] : memref<10240xf32, #tpu.memory_space<vmem_shared>> -> memref<16xf32, #tpu.memory_space<vmem_shared>>
      %dma_start3A_168 = tpu.memref_slice %arg9[%add3A_98] : memref<10240xf32, #tpu.memory_space<vmem_shared>> -> memref<16xf32, #tpu.memory_space<vmem_shared>>
      tpu.enqueue_dma source(%arg7 : memref<16xf32, #tpu.memory_space<vmem>>) target(%dma_start3A_168 : memref<16xf32, #tpu.memory_space<vmem_shared>>) target_semaphore(%run_scoped3A : memref<!tpu.dma_semaphore, #tpu.memory_space<semaphore_mem>>)
      %dma_wait3A = tpu.memref_slice %arg9[%add3A_98] : memref<10240xf32, #tpu.memory_space<vmem_shared>> -> memref<16xf32, #tpu.memory_space<vmem_shared>>
      %dma_wait3A_169 = tpu.memref_slice %arg9[%add3A_98] : memref<10240xf32, #tpu.memory_space<vmem_shared>> -> memref<16xf32, #tpu.memory_space<vmem_shared>>
      tpu.wait_dma2 semaphore(%run_scoped3A : memref<!tpu.dma_semaphore, #tpu.memory_space<semaphore_mem>>) src(%arg7 : memref<16xf32, #tpu.memory_space<vmem>>) dst(%dma_wait3A_169 : memref<16xf32, #tpu.memory_space<vmem_shared>>)
      tpu.yield
    }) : () -> ()
    %add3A_99 = arith.constant 352 : i32
    %add3A_100 = arith.addi %multiple_of3A, %add3A_99 : i32
    "tpu.region"() ({
      %run_scoped3A = tpu.sem_alloc : memref<!tpu.dma_semaphore, #tpu.memory_space<semaphore_mem>>
      %dma_start3A = tpu.memref_slice %arg9[%add3A_100] : memref<10240xf32, #tpu.memory_space<vmem_shared>> -> memref<16xf32, #tpu.memory_space<vmem_shared>>
      %dma_start3A_168 = tpu.memref_slice %arg9[%add3A_100] : memref<10240xf32, #tpu.memory_space<vmem_shared>> -> memref<16xf32, #tpu.memory_space<vmem_shared>>
      tpu.enqueue_dma source(%arg7 : memref<16xf32, #tpu.memory_space<vmem>>) target(%dma_start3A_168 : memref<16xf32, #tpu.memory_space<vmem_shared>>) target_semaphore(%run_scoped3A : memref<!tpu.dma_semaphore, #tpu.memory_space<semaphore_mem>>)
      %dma_wait3A = tpu.memref_slice %arg9[%add3A_100] : memref<10240xf32, #tpu.memory_space<vmem_shared>> -> memref<16xf32, #tpu.memory_space<vmem_shared>>
      %dma_wait3A_169 = tpu.memref_slice %arg9[%add3A_100] : memref<10240xf32, #tpu.memory_space<vmem_shared>> -> memref<16xf32, #tpu.memory_space<vmem_shared>>
      tpu.wait_dma2 semaphore(%run_scoped3A : memref<!tpu.dma_semaphore, #tpu.memory_space<semaphore_mem>>) src(%arg7 : memref<16xf32, #tpu.memory_space<vmem>>) dst(%dma_wait3A_169 : memref<16xf32, #tpu.memory_space<vmem_shared>>)
      tpu.yield
    }) : () -> ()
    %add3A_101 = arith.constant 368 : i32
    %add3A_102 = arith.addi %multiple_of3A, %add3A_101 : i32
    "tpu.region"() ({
      %run_scoped3A = tpu.sem_alloc : memref<!tpu.dma_semaphore, #tpu.memory_space<semaphore_mem>>
      %dma_start3A = tpu.memref_slice %arg9[%add3A_102] : memref<10240xf32, #tpu.memory_space<vmem_shared>> -> memref<16xf32, #tpu.memory_space<vmem_shared>>
      %dma_start3A_168 = tpu.memref_slice %arg9[%add3A_102] : memref<10240xf32, #tpu.memory_space<vmem_shared>> -> memref<16xf32, #tpu.memory_space<vmem_shared>>
      tpu.enqueue_dma source(%arg7 : memref<16xf32, #tpu.memory_space<vmem>>) target(%dma_start3A_168 : memref<16xf32, #tpu.memory_space<vmem_shared>>) target_semaphore(%run_scoped3A : memref<!tpu.dma_semaphore, #tpu.memory_space<semaphore_mem>>)
      %dma_wait3A = tpu.memref_slice %arg9[%add3A_102] : memref<10240xf32, #tpu.memory_space<vmem_shared>> -> memref<16xf32, #tpu.memory_space<vmem_shared>>
      %dma_wait3A_169 = tpu.memref_slice %arg9[%add3A_102] : memref<10240xf32, #tpu.memory_space<vmem_shared>> -> memref<16xf32, #tpu.memory_space<vmem_shared>>
      tpu.wait_dma2 semaphore(%run_scoped3A : memref<!tpu.dma_semaphore, #tpu.memory_space<semaphore_mem>>) src(%arg7 : memref<16xf32, #tpu.memory_space<vmem>>) dst(%dma_wait3A_169 : memref<16xf32, #tpu.memory_space<vmem_shared>>)
      tpu.yield
    }) : () -> ()
    %add3A_103 = arith.constant 384 : i32
    %add3A_104 = arith.addi %multiple_of3A, %add3A_103 : i32
    "tpu.region"() ({
      %run_scoped3A = tpu.sem_alloc : memref<!tpu.dma_semaphore, #tpu.memory_space<semaphore_mem>>
      %dma_start3A = tpu.memref_slice %arg9[%add3A_104] : memref<10240xf32, #tpu.memory_space<vmem_shared>> -> memref<16xf32, #tpu.memory_space<vmem_shared>>
      %dma_start3A_168 = tpu.memref_slice %arg9[%add3A_104] : memref<10240xf32, #tpu.memory_space<vmem_shared>> -> memref<16xf32, #tpu.memory_space<vmem_shared>>
      tpu.enqueue_dma source(%arg7 : memref<16xf32, #tpu.memory_space<vmem>>) target(%dma_start3A_168 : memref<16xf32, #tpu.memory_space<vmem_shared>>) target_semaphore(%run_scoped3A : memref<!tpu.dma_semaphore, #tpu.memory_space<semaphore_mem>>)
      %dma_wait3A = tpu.memref_slice %arg9[%add3A_104] : memref<10240xf32, #tpu.memory_space<vmem_shared>> -> memref<16xf32, #tpu.memory_space<vmem_shared>>
      %dma_wait3A_169 = tpu.memref_slice %arg9[%add3A_104] : memref<10240xf32, #tpu.memory_space<vmem_shared>> -> memref<16xf32, #tpu.memory_space<vmem_shared>>
      tpu.wait_dma2 semaphore(%run_scoped3A : memref<!tpu.dma_semaphore, #tpu.memory_space<semaphore_mem>>) src(%arg7 : memref<16xf32, #tpu.memory_space<vmem>>) dst(%dma_wait3A_169 : memref<16xf32, #tpu.memory_space<vmem_shared>>)
      tpu.yield
    }) : () -> ()
    %add3A_105 = arith.constant 400 : i32
    %add3A_106 = arith.addi %multiple_of3A, %add3A_105 : i32
    "tpu.region"() ({
      %run_scoped3A = tpu.sem_alloc : memref<!tpu.dma_semaphore, #tpu.memory_space<semaphore_mem>>
      %dma_start3A = tpu.memref_slice %arg9[%add3A_106] : memref<10240xf32, #tpu.memory_space<vmem_shared>> -> memref<16xf32, #tpu.memory_space<vmem_shared>>
      %dma_start3A_168 = tpu.memref_slice %arg9[%add3A_106] : memref<10240xf32, #tpu.memory_space<vmem_shared>> -> memref<16xf32, #tpu.memory_space<vmem_shared>>
      tpu.enqueue_dma source(%arg7 : memref<16xf32, #tpu.memory_space<vmem>>) target(%dma_start3A_168 : memref<16xf32, #tpu.memory_space<vmem_shared>>) target_semaphore(%run_scoped3A : memref<!tpu.dma_semaphore, #tpu.memory_space<semaphore_mem>>)
      %dma_wait3A = tpu.memref_slice %arg9[%add3A_106] : memref<10240xf32, #tpu.memory_space<vmem_shared>> -> memref<16xf32, #tpu.memory_space<vmem_shared>>
      %dma_wait3A_169 = tpu.memref_slice %arg9[%add3A_106] : memref<10240xf32, #tpu.memory_space<vmem_shared>> -> memref<16xf32, #tpu.memory_space<vmem_shared>>
      tpu.wait_dma2 semaphore(%run_scoped3A : memref<!tpu.dma_semaphore, #tpu.memory_space<semaphore_mem>>) src(%arg7 : memref<16xf32, #tpu.memory_space<vmem>>) dst(%dma_wait3A_169 : memref<16xf32, #tpu.memory_space<vmem_shared>>)
      tpu.yield
    }) : () -> ()
    %add3A_107 = arith.constant 416 : i32
    %add3A_108 = arith.addi %multiple_of3A, %add3A_107 : i32
    "tpu.region"() ({
      %run_scoped3A = tpu.sem_alloc : memref<!tpu.dma_semaphore, #tpu.memory_space<semaphore_mem>>
      %dma_start3A = tpu.memref_slice %arg9[%add3A_108] : memref<10240xf32, #tpu.memory_space<vmem_shared>> -> memref<16xf32, #tpu.memory_space<vmem_shared>>
      %dma_start3A_168 = tpu.memref_slice %arg9[%add3A_108] : memref<10240xf32, #tpu.memory_space<vmem_shared>> -> memref<16xf32, #tpu.memory_space<vmem_shared>>
      tpu.enqueue_dma source(%arg7 : memref<16xf32, #tpu.memory_space<vmem>>) target(%dma_start3A_168 : memref<16xf32, #tpu.memory_space<vmem_shared>>) target_semaphore(%run_scoped3A : memref<!tpu.dma_semaphore, #tpu.memory_space<semaphore_mem>>)
      %dma_wait3A = tpu.memref_slice %arg9[%add3A_108] : memref<10240xf32, #tpu.memory_space<vmem_shared>> -> memref<16xf32, #tpu.memory_space<vmem_shared>>
      %dma_wait3A_169 = tpu.memref_slice %arg9[%add3A_108] : memref<10240xf32, #tpu.memory_space<vmem_shared>> -> memref<16xf32, #tpu.memory_space<vmem_shared>>
      tpu.wait_dma2 semaphore(%run_scoped3A : memref<!tpu.dma_semaphore, #tpu.memory_space<semaphore_mem>>) src(%arg7 : memref<16xf32, #tpu.memory_space<vmem>>) dst(%dma_wait3A_169 : memref<16xf32, #tpu.memory_space<vmem_shared>>)
      tpu.yield
    }) : () -> ()
    %add3A_109 = arith.constant 432 : i32
    %add3A_110 = arith.addi %multiple_of3A, %add3A_109 : i32
    "tpu.region"() ({
      %run_scoped3A = tpu.sem_alloc : memref<!tpu.dma_semaphore, #tpu.memory_space<semaphore_mem>>
      %dma_start3A = tpu.memref_slice %arg9[%add3A_110] : memref<10240xf32, #tpu.memory_space<vmem_shared>> -> memref<16xf32, #tpu.memory_space<vmem_shared>>
      %dma_start3A_168 = tpu.memref_slice %arg9[%add3A_110] : memref<10240xf32, #tpu.memory_space<vmem_shared>> -> memref<16xf32, #tpu.memory_space<vmem_shared>>
      tpu.enqueue_dma source(%arg7 : memref<16xf32, #tpu.memory_space<vmem>>) target(%dma_start3A_168 : memref<16xf32, #tpu.memory_space<vmem_shared>>) target_semaphore(%run_scoped3A : memref<!tpu.dma_semaphore, #tpu.memory_space<semaphore_mem>>)
      %dma_wait3A = tpu.memref_slice %arg9[%add3A_110] : memref<10240xf32, #tpu.memory_space<vmem_shared>> -> memref<16xf32, #tpu.memory_space<vmem_shared>>
      %dma_wait3A_169 = tpu.memref_slice %arg9[%add3A_110] : memref<10240xf32, #tpu.memory_space<vmem_shared>> -> memref<16xf32, #tpu.memory_space<vmem_shared>>
      tpu.wait_dma2 semaphore(%run_scoped3A : memref<!tpu.dma_semaphore, #tpu.memory_space<semaphore_mem>>) src(%arg7 : memref<16xf32, #tpu.memory_space<vmem>>) dst(%dma_wait3A_169 : memref<16xf32, #tpu.memory_space<vmem_shared>>)
      tpu.yield
    }) : () -> ()
    %add3A_111 = arith.constant 448 : i32
    %add3A_112 = arith.addi %multiple_of3A, %add3A_111 : i32
    "tpu.region"() ({
      %run_scoped3A = tpu.sem_alloc : memref<!tpu.dma_semaphore, #tpu.memory_space<semaphore_mem>>
      %dma_start3A = tpu.memref_slice %arg9[%add3A_112] : memref<10240xf32, #tpu.memory_space<vmem_shared>> -> memref<16xf32, #tpu.memory_space<vmem_shared>>
      %dma_start3A_168 = tpu.memref_slice %arg9[%add3A_112] : memref<10240xf32, #tpu.memory_space<vmem_shared>> -> memref<16xf32, #tpu.memory_space<vmem_shared>>
      tpu.enqueue_dma source(%arg7 : memref<16xf32, #tpu.memory_space<vmem>>) target(%dma_start3A_168 : memref<16xf32, #tpu.memory_space<vmem_shared>>) target_semaphore(%run_scoped3A : memref<!tpu.dma_semaphore, #tpu.memory_space<semaphore_mem>>)
      %dma_wait3A = tpu.memref_slice %arg9[%add3A_112] : memref<10240xf32, #tpu.memory_space<vmem_shared>> -> memref<16xf32, #tpu.memory_space<vmem_shared>>
      %dma_wait3A_169 = tpu.memref_slice %arg9[%add3A_112] : memref<10240xf32, #tpu.memory_space<vmem_shared>> -> memref<16xf32, #tpu.memory_space<vmem_shared>>
      tpu.wait_dma2 semaphore(%run_scoped3A : memref<!tpu.dma_semaphore, #tpu.memory_space<semaphore_mem>>) src(%arg7 : memref<16xf32, #tpu.memory_space<vmem>>) dst(%dma_wait3A_169 : memref<16xf32, #tpu.memory_space<vmem_shared>>)
      tpu.yield
    }) : () -> ()
    %add3A_113 = arith.constant 464 : i32
    %add3A_114 = arith.addi %multiple_of3A, %add3A_113 : i32
    "tpu.region"() ({
      %run_scoped3A = tpu.sem_alloc : memref<!tpu.dma_semaphore, #tpu.memory_space<semaphore_mem>>
      %dma_start3A = tpu.memref_slice %arg9[%add3A_114] : memref<10240xf32, #tpu.memory_space<vmem_shared>> -> memref<16xf32, #tpu.memory_space<vmem_shared>>
      %dma_start3A_168 = tpu.memref_slice %arg9[%add3A_114] : memref<10240xf32, #tpu.memory_space<vmem_shared>> -> memref<16xf32, #tpu.memory_space<vmem_shared>>
      tpu.enqueue_dma source(%arg7 : memref<16xf32, #tpu.memory_space<vmem>>) target(%dma_start3A_168 : memref<16xf32, #tpu.memory_space<vmem_shared>>) target_semaphore(%run_scoped3A : memref<!tpu.dma_semaphore, #tpu.memory_space<semaphore_mem>>)
      %dma_wait3A = tpu.memref_slice %arg9[%add3A_114] : memref<10240xf32, #tpu.memory_space<vmem_shared>> -> memref<16xf32, #tpu.memory_space<vmem_shared>>
      %dma_wait3A_169 = tpu.memref_slice %arg9[%add3A_114] : memref<10240xf32, #tpu.memory_space<vmem_shared>> -> memref<16xf32, #tpu.memory_space<vmem_shared>>
      tpu.wait_dma2 semaphore(%run_scoped3A : memref<!tpu.dma_semaphore, #tpu.memory_space<semaphore_mem>>) src(%arg7 : memref<16xf32, #tpu.memory_space<vmem>>) dst(%dma_wait3A_169 : memref<16xf32, #tpu.memory_space<vmem_shared>>)
      tpu.yield
    }) : () -> ()
    %add3A_115 = arith.constant 480 : i32
    %add3A_116 = arith.addi %multiple_of3A, %add3A_115 : i32
    "tpu.region"() ({
      %run_scoped3A = tpu.sem_alloc : memref<!tpu.dma_semaphore, #tpu.memory_space<semaphore_mem>>
      %dma_start3A = tpu.memref_slice %arg9[%add3A_116] : memref<10240xf32, #tpu.memory_space<vmem_shared>> -> memref<16xf32, #tpu.memory_space<vmem_shared>>
      %dma_start3A_168 = tpu.memref_slice %arg9[%add3A_116] : memref<10240xf32, #tpu.memory_space<vmem_shared>> -> memref<16xf32, #tpu.memory_space<vmem_shared>>
      tpu.enqueue_dma source(%arg7 : memref<16xf32, #tpu.memory_space<vmem>>) target(%dma_start3A_168 : memref<16xf32, #tpu.memory_space<vmem_shared>>) target_semaphore(%run_scoped3A : memref<!tpu.dma_semaphore, #tpu.memory_space<semaphore_mem>>)
      %dma_wait3A = tpu.memref_slice %arg9[%add3A_116] : memref<10240xf32, #tpu.memory_space<vmem_shared>> -> memref<16xf32, #tpu.memory_space<vmem_shared>>
      %dma_wait3A_169 = tpu.memref_slice %arg9[%add3A_116] : memref<10240xf32, #tpu.memory_space<vmem_shared>> -> memref<16xf32, #tpu.memory_space<vmem_shared>>
      tpu.wait_dma2 semaphore(%run_scoped3A : memref<!tpu.dma_semaphore, #tpu.memory_space<semaphore_mem>>) src(%arg7 : memref<16xf32, #tpu.memory_space<vmem>>) dst(%dma_wait3A_169 : memref<16xf32, #tpu.memory_space<vmem_shared>>)
      tpu.yield
    }) : () -> ()
    %add3A_117 = arith.constant 496 : i32
    %add3A_118 = arith.addi %multiple_of3A, %add3A_117 : i32
    "tpu.region"() ({
      %run_scoped3A = tpu.sem_alloc : memref<!tpu.dma_semaphore, #tpu.memory_space<semaphore_mem>>
      %dma_start3A = tpu.memref_slice %arg9[%add3A_118] : memref<10240xf32, #tpu.memory_space<vmem_shared>> -> memref<16xf32, #tpu.memory_space<vmem_shared>>
      %dma_start3A_168 = tpu.memref_slice %arg9[%add3A_118] : memref<10240xf32, #tpu.memory_space<vmem_shared>> -> memref<16xf32, #tpu.memory_space<vmem_shared>>
      tpu.enqueue_dma source(%arg7 : memref<16xf32, #tpu.memory_space<vmem>>) target(%dma_start3A_168 : memref<16xf32, #tpu.memory_space<vmem_shared>>) target_semaphore(%run_scoped3A : memref<!tpu.dma_semaphore, #tpu.memory_space<semaphore_mem>>)
      %dma_wait3A = tpu.memref_slice %arg9[%add3A_118] : memref<10240xf32, #tpu.memory_space<vmem_shared>> -> memref<16xf32, #tpu.memory_space<vmem_shared>>
      %dma_wait3A_169 = tpu.memref_slice %arg9[%add3A_118] : memref<10240xf32, #tpu.memory_space<vmem_shared>> -> memref<16xf32, #tpu.memory_space<vmem_shared>>
      tpu.wait_dma2 semaphore(%run_scoped3A : memref<!tpu.dma_semaphore, #tpu.memory_space<semaphore_mem>>) src(%arg7 : memref<16xf32, #tpu.memory_space<vmem>>) dst(%dma_wait3A_169 : memref<16xf32, #tpu.memory_space<vmem_shared>>)
      tpu.yield
    }) : () -> ()
    %add3A_119 = arith.constant 512 : i32
    %add3A_120 = arith.addi %multiple_of3A, %add3A_119 : i32
    "tpu.region"() ({
      %run_scoped3A = tpu.sem_alloc : memref<!tpu.dma_semaphore, #tpu.memory_space<semaphore_mem>>
      %dma_start3A = tpu.memref_slice %arg9[%add3A_120] : memref<10240xf32, #tpu.memory_space<vmem_shared>> -> memref<16xf32, #tpu.memory_space<vmem_shared>>
      %dma_start3A_168 = tpu.memref_slice %arg9[%add3A_120] : memref<10240xf32, #tpu.memory_space<vmem_shared>> -> memref<16xf32, #tpu.memory_space<vmem_shared>>
      tpu.enqueue_dma source(%arg7 : memref<16xf32, #tpu.memory_space<vmem>>) target(%dma_start3A_168 : memref<16xf32, #tpu.memory_space<vmem_shared>>) target_semaphore(%run_scoped3A : memref<!tpu.dma_semaphore, #tpu.memory_space<semaphore_mem>>)
      %dma_wait3A = tpu.memref_slice %arg9[%add3A_120] : memref<10240xf32, #tpu.memory_space<vmem_shared>> -> memref<16xf32, #tpu.memory_space<vmem_shared>>
      %dma_wait3A_169 = tpu.memref_slice %arg9[%add3A_120] : memref<10240xf32, #tpu.memory_space<vmem_shared>> -> memref<16xf32, #tpu.memory_space<vmem_shared>>
      tpu.wait_dma2 semaphore(%run_scoped3A : memref<!tpu.dma_semaphore, #tpu.memory_space<semaphore_mem>>) src(%arg7 : memref<16xf32, #tpu.memory_space<vmem>>) dst(%dma_wait3A_169 : memref<16xf32, #tpu.memory_space<vmem_shared>>)
      tpu.yield
    }) : () -> ()
    %add3A_121 = arith.constant 528 : i32
    %add3A_122 = arith.addi %multiple_of3A, %add3A_121 : i32
    "tpu.region"() ({
      %run_scoped3A = tpu.sem_alloc : memref<!tpu.dma_semaphore, #tpu.memory_space<semaphore_mem>>
      %dma_start3A = tpu.memref_slice %arg9[%add3A_122] : memref<10240xf32, #tpu.memory_space<vmem_shared>> -> memref<16xf32, #tpu.memory_space<vmem_shared>>
      %dma_start3A_168 = tpu.memref_slice %arg9[%add3A_122] : memref<10240xf32, #tpu.memory_space<vmem_shared>> -> memref<16xf32, #tpu.memory_space<vmem_shared>>
      tpu.enqueue_dma source(%arg7 : memref<16xf32, #tpu.memory_space<vmem>>) target(%dma_start3A_168 : memref<16xf32, #tpu.memory_space<vmem_shared>>) target_semaphore(%run_scoped3A : memref<!tpu.dma_semaphore, #tpu.memory_space<semaphore_mem>>)
      %dma_wait3A = tpu.memref_slice %arg9[%add3A_122] : memref<10240xf32, #tpu.memory_space<vmem_shared>> -> memref<16xf32, #tpu.memory_space<vmem_shared>>
      %dma_wait3A_169 = tpu.memref_slice %arg9[%add3A_122] : memref<10240xf32, #tpu.memory_space<vmem_shared>> -> memref<16xf32, #tpu.memory_space<vmem_shared>>
      tpu.wait_dma2 semaphore(%run_scoped3A : memref<!tpu.dma_semaphore, #tpu.memory_space<semaphore_mem>>) src(%arg7 : memref<16xf32, #tpu.memory_space<vmem>>) dst(%dma_wait3A_169 : memref<16xf32, #tpu.memory_space<vmem_shared>>)
      tpu.yield
    }) : () -> ()
    %add3A_123 = arith.constant 544 : i32
    %add3A_124 = arith.addi %multiple_of3A, %add3A_123 : i32
    "tpu.region"() ({
      %run_scoped3A = tpu.sem_alloc : memref<!tpu.dma_semaphore, #tpu.memory_space<semaphore_mem>>
      %dma_start3A = tpu.memref_slice %arg9[%add3A_124] : memref<10240xf32, #tpu.memory_space<vmem_shared>> -> memref<16xf32, #tpu.memory_space<vmem_shared>>
      %dma_start3A_168 = tpu.memref_slice %arg9[%add3A_124] : memref<10240xf32, #tpu.memory_space<vmem_shared>> -> memref<16xf32, #tpu.memory_space<vmem_shared>>
      tpu.enqueue_dma source(%arg7 : memref<16xf32, #tpu.memory_space<vmem>>) target(%dma_start3A_168 : memref<16xf32, #tpu.memory_space<vmem_shared>>) target_semaphore(%run_scoped3A : memref<!tpu.dma_semaphore, #tpu.memory_space<semaphore_mem>>)
      %dma_wait3A = tpu.memref_slice %arg9[%add3A_124] : memref<10240xf32, #tpu.memory_space<vmem_shared>> -> memref<16xf32, #tpu.memory_space<vmem_shared>>
      %dma_wait3A_169 = tpu.memref_slice %arg9[%add3A_124] : memref<10240xf32, #tpu.memory_space<vmem_shared>> -> memref<16xf32, #tpu.memory_space<vmem_shared>>
      tpu.wait_dma2 semaphore(%run_scoped3A : memref<!tpu.dma_semaphore, #tpu.memory_space<semaphore_mem>>) src(%arg7 : memref<16xf32, #tpu.memory_space<vmem>>) dst(%dma_wait3A_169 : memref<16xf32, #tpu.memory_space<vmem_shared>>)
      tpu.yield
    }) : () -> ()
    %add3A_125 = arith.constant 560 : i32
    %add3A_126 = arith.addi %multiple_of3A, %add3A_125 : i32
    "tpu.region"() ({
      %run_scoped3A = tpu.sem_alloc : memref<!tpu.dma_semaphore, #tpu.memory_space<semaphore_mem>>
      %dma_start3A = tpu.memref_slice %arg9[%add3A_126] : memref<10240xf32, #tpu.memory_space<vmem_shared>> -> memref<16xf32, #tpu.memory_space<vmem_shared>>
      %dma_start3A_168 = tpu.memref_slice %arg9[%add3A_126] : memref<10240xf32, #tpu.memory_space<vmem_shared>> -> memref<16xf32, #tpu.memory_space<vmem_shared>>
      tpu.enqueue_dma source(%arg7 : memref<16xf32, #tpu.memory_space<vmem>>) target(%dma_start3A_168 : memref<16xf32, #tpu.memory_space<vmem_shared>>) target_semaphore(%run_scoped3A : memref<!tpu.dma_semaphore, #tpu.memory_space<semaphore_mem>>)
      %dma_wait3A = tpu.memref_slice %arg9[%add3A_126] : memref<10240xf32, #tpu.memory_space<vmem_shared>> -> memref<16xf32, #tpu.memory_space<vmem_shared>>
      %dma_wait3A_169 = tpu.memref_slice %arg9[%add3A_126] : memref<10240xf32, #tpu.memory_space<vmem_shared>> -> memref<16xf32, #tpu.memory_space<vmem_shared>>
      tpu.wait_dma2 semaphore(%run_scoped3A : memref<!tpu.dma_semaphore, #tpu.memory_space<semaphore_mem>>) src(%arg7 : memref<16xf32, #tpu.memory_space<vmem>>) dst(%dma_wait3A_169 : memref<16xf32, #tpu.memory_space<vmem_shared>>)
      tpu.yield
    }) : () -> ()
    %add3A_127 = arith.constant 576 : i32
    %add3A_128 = arith.addi %multiple_of3A, %add3A_127 : i32
    "tpu.region"() ({
      %run_scoped3A = tpu.sem_alloc : memref<!tpu.dma_semaphore, #tpu.memory_space<semaphore_mem>>
      %dma_start3A = tpu.memref_slice %arg9[%add3A_128] : memref<10240xf32, #tpu.memory_space<vmem_shared>> -> memref<16xf32, #tpu.memory_space<vmem_shared>>
      %dma_start3A_168 = tpu.memref_slice %arg9[%add3A_128] : memref<10240xf32, #tpu.memory_space<vmem_shared>> -> memref<16xf32, #tpu.memory_space<vmem_shared>>
      tpu.enqueue_dma source(%arg7 : memref<16xf32, #tpu.memory_space<vmem>>) target(%dma_start3A_168 : memref<16xf32, #tpu.memory_space<vmem_shared>>) target_semaphore(%run_scoped3A : memref<!tpu.dma_semaphore, #tpu.memory_space<semaphore_mem>>)
      %dma_wait3A = tpu.memref_slice %arg9[%add3A_128] : memref<10240xf32, #tpu.memory_space<vmem_shared>> -> memref<16xf32, #tpu.memory_space<vmem_shared>>
      %dma_wait3A_169 = tpu.memref_slice %arg9[%add3A_128] : memref<10240xf32, #tpu.memory_space<vmem_shared>> -> memref<16xf32, #tpu.memory_space<vmem_shared>>
      tpu.wait_dma2 semaphore(%run_scoped3A : memref<!tpu.dma_semaphore, #tpu.memory_space<semaphore_mem>>) src(%arg7 : memref<16xf32, #tpu.memory_space<vmem>>) dst(%dma_wait3A_169 : memref<16xf32, #tpu.memory_space<vmem_shared>>)
      tpu.yield
    }) : () -> ()
    %add3A_129 = arith.constant 592 : i32
    %add3A_130 = arith.addi %multiple_of3A, %add3A_129 : i32
    "tpu.region"() ({
      %run_scoped3A = tpu.sem_alloc : memref<!tpu.dma_semaphore, #tpu.memory_space<semaphore_mem>>
      %dma_start3A = tpu.memref_slice %arg9[%add3A_130] : memref<10240xf32, #tpu.memory_space<vmem_shared>> -> memref<16xf32, #tpu.memory_space<vmem_shared>>
      %dma_start3A_168 = tpu.memref_slice %arg9[%add3A_130] : memref<10240xf32, #tpu.memory_space<vmem_shared>> -> memref<16xf32, #tpu.memory_space<vmem_shared>>
      tpu.enqueue_dma source(%arg7 : memref<16xf32, #tpu.memory_space<vmem>>) target(%dma_start3A_168 : memref<16xf32, #tpu.memory_space<vmem_shared>>) target_semaphore(%run_scoped3A : memref<!tpu.dma_semaphore, #tpu.memory_space<semaphore_mem>>)
      %dma_wait3A = tpu.memref_slice %arg9[%add3A_130] : memref<10240xf32, #tpu.memory_space<vmem_shared>> -> memref<16xf32, #tpu.memory_space<vmem_shared>>
      %dma_wait3A_169 = tpu.memref_slice %arg9[%add3A_130] : memref<10240xf32, #tpu.memory_space<vmem_shared>> -> memref<16xf32, #tpu.memory_space<vmem_shared>>
      tpu.wait_dma2 semaphore(%run_scoped3A : memref<!tpu.dma_semaphore, #tpu.memory_space<semaphore_mem>>) src(%arg7 : memref<16xf32, #tpu.memory_space<vmem>>) dst(%dma_wait3A_169 : memref<16xf32, #tpu.memory_space<vmem_shared>>)
      tpu.yield
    }) : () -> ()
    %add3A_131 = arith.constant 608 : i32
    %add3A_132 = arith.addi %multiple_of3A, %add3A_131 : i32
    "tpu.region"() ({
      %run_scoped3A = tpu.sem_alloc : memref<!tpu.dma_semaphore, #tpu.memory_space<semaphore_mem>>
      %dma_start3A = tpu.memref_slice %arg9[%add3A_132] : memref<10240xf32, #tpu.memory_space<vmem_shared>> -> memref<16xf32, #tpu.memory_space<vmem_shared>>
      %dma_start3A_168 = tpu.memref_slice %arg9[%add3A_132] : memref<10240xf32, #tpu.memory_space<vmem_shared>> -> memref<16xf32, #tpu.memory_space<vmem_shared>>
      tpu.enqueue_dma source(%arg7 : memref<16xf32, #tpu.memory_space<vmem>>) target(%dma_start3A_168 : memref<16xf32, #tpu.memory_space<vmem_shared>>) target_semaphore(%run_scoped3A : memref<!tpu.dma_semaphore, #tpu.memory_space<semaphore_mem>>)
      %dma_wait3A = tpu.memref_slice %arg9[%add3A_132] : memref<10240xf32, #tpu.memory_space<vmem_shared>> -> memref<16xf32, #tpu.memory_space<vmem_shared>>
      %dma_wait3A_169 = tpu.memref_slice %arg9[%add3A_132] : memref<10240xf32, #tpu.memory_space<vmem_shared>> -> memref<16xf32, #tpu.memory_space<vmem_shared>>
      tpu.wait_dma2 semaphore(%run_scoped3A : memref<!tpu.dma_semaphore, #tpu.memory_space<semaphore_mem>>) src(%arg7 : memref<16xf32, #tpu.memory_space<vmem>>) dst(%dma_wait3A_169 : memref<16xf32, #tpu.memory_space<vmem_shared>>)
      tpu.yield
    }) : () -> ()
    %add3A_133 = arith.constant 624 : i32
    %add3A_134 = arith.addi %multiple_of3A, %add3A_133 : i32
    "tpu.region"() ({
      %run_scoped3A = tpu.sem_alloc : memref<!tpu.dma_semaphore, #tpu.memory_space<semaphore_mem>>
      %dma_start3A = tpu.memref_slice %arg9[%add3A_134] : memref<10240xf32, #tpu.memory_space<vmem_shared>> -> memref<16xf32, #tpu.memory_space<vmem_shared>>
      %dma_start3A_168 = tpu.memref_slice %arg9[%add3A_134] : memref<10240xf32, #tpu.memory_space<vmem_shared>> -> memref<16xf32, #tpu.memory_space<vmem_shared>>
      tpu.enqueue_dma source(%arg7 : memref<16xf32, #tpu.memory_space<vmem>>) target(%dma_start3A_168 : memref<16xf32, #tpu.memory_space<vmem_shared>>) target_semaphore(%run_scoped3A : memref<!tpu.dma_semaphore, #tpu.memory_space<semaphore_mem>>)
      %dma_wait3A = tpu.memref_slice %arg9[%add3A_134] : memref<10240xf32, #tpu.memory_space<vmem_shared>> -> memref<16xf32, #tpu.memory_space<vmem_shared>>
      %dma_wait3A_169 = tpu.memref_slice %arg9[%add3A_134] : memref<10240xf32, #tpu.memory_space<vmem_shared>> -> memref<16xf32, #tpu.memory_space<vmem_shared>>
      tpu.wait_dma2 semaphore(%run_scoped3A : memref<!tpu.dma_semaphore, #tpu.memory_space<semaphore_mem>>) src(%arg7 : memref<16xf32, #tpu.memory_space<vmem>>) dst(%dma_wait3A_169 : memref<16xf32, #tpu.memory_space<vmem_shared>>)
      tpu.yield
    }) : () -> ()
    %barrier3A = arith.constant 0 : index
    tpu.barrier barrier_id(%barrier3A)
    "tpu.region"() ({
      %run_scoped3A = tpu.sem_alloc : memref<!tpu.dma_semaphore, #tpu.memory_space<semaphore_mem>>
      %dma_start3A = arith.constant 0 : i32
      %dma_start3A_168 = arith.constant 0 : i32
      %dma_start3A_169 = tpu.memref_slice %arg2[%add3A, %dma_start3A, %dma_start3A_168] : memref<32x80x128xi32, #tpu.memory_space<hbm>> -> memref<1x80x128xi32, #tpu.memory_space<hbm>>
      %dma_start3A_170 = tpu.memref_squeeze %dma_start3A_169 : memref<1x80x128xi32, #tpu.memory_space<hbm>> -> memref<80x128xi32, #tpu.memory_space<hbm>>
      %dma_start3A_171 = arith.constant 0 : i32
      %dma_start3A_172 = arith.constant 0 : i32
      %dma_start3A_173 = tpu.memref_slice %arg2[%add3A, %dma_start3A_171, %dma_start3A_172] : memref<32x80x128xi32, #tpu.memory_space<hbm>> -> memref<1x80x128xi32, #tpu.memory_space<hbm>>
      %dma_start3A_174 = tpu.memref_squeeze %dma_start3A_173 : memref<1x80x128xi32, #tpu.memory_space<hbm>> -> memref<80x128xi32, #tpu.memory_space<hbm>>
      tpu.enqueue_dma source(%dma_start3A_174 : memref<80x128xi32, #tpu.memory_space<hbm>>) target(%arg5 : memref<80x128xi32, #tpu.memory_space<vmem>>) target_semaphore(%run_scoped3A : memref<!tpu.dma_semaphore, #tpu.memory_space<semaphore_mem>>)
      %dma_wait3A = arith.constant 0 : i32
      %dma_wait3A_175 = arith.constant 0 : i32
      %dma_wait3A_176 = tpu.memref_slice %arg2[%add3A, %dma_wait3A, %dma_wait3A_175] : memref<32x80x128xi32, #tpu.memory_space<hbm>> -> memref<1x80x128xi32, #tpu.memory_space<hbm>>
      %dma_wait3A_177 = tpu.memref_squeeze %dma_wait3A_176 : memref<1x80x128xi32, #tpu.memory_space<hbm>> -> memref<80x128xi32, #tpu.memory_space<hbm>>
      %dma_wait3A_178 = arith.constant 0 : i32
      %dma_wait3A_179 = arith.constant 0 : i32
      %dma_wait3A_180 = tpu.memref_slice %arg2[%add3A, %dma_wait3A_178, %dma_wait3A_179] : memref<32x80x128xi32, #tpu.memory_space<hbm>> -> memref<1x80x128xi32, #tpu.memory_space<hbm>>
      %dma_wait3A_181 = tpu.memref_squeeze %dma_wait3A_180 : memref<1x80x128xi32, #tpu.memory_space<hbm>> -> memref<80x128xi32, #tpu.memory_space<hbm>>
      tpu.wait_dma2 semaphore(%run_scoped3A : memref<!tpu.dma_semaphore, #tpu.memory_space<semaphore_mem>>) src(%dma_wait3A_181 : memref<80x128xi32, #tpu.memory_space<hbm>>) dst(%arg5 : memref<80x128xi32, #tpu.memory_space<vmem>>)
      tpu.yield
    }) : () -> ()
    %scan3A = arith.constant 0 : i32
    %scan3A_135 = arith.constant 0 : i32
    %scan3A_136 = arith.constant 80 : i32
    %scan3A_137 = arith.addi %scan3A_135, %scan3A_136 : i32
    %scan3A_138 = arith.constant 1 : i32
    scf.for %scan3A_168 = %scan3A_135 to %scan3A_137 step %scan3A_138  : i32 {
      "tpu.region"() ({
        %run_scoped3A = tpu.sem_alloc : memref<!tpu.dma_semaphore, #tpu.memory_space<semaphore_mem>>
        %dma_start3A = arith.constant 0 : i32
        %dma_start3A_169 = tpu.memref_slice %arg5[%scan3A_168, %dma_start3A] : memref<80x128xi32, #tpu.memory_space<vmem>> -> memref<1x128xi32, #tpu.memory_space<vmem>>
        %dma_start3A_170 = tpu.memref_squeeze %dma_start3A_169 : memref<1x128xi32, #tpu.memory_space<vmem>> -> memref<128xi32, #tpu.memory_space<vmem>>
        %dma_start3A_171 = arith.constant 0 : i32
        %dma_start3A_172 = tpu.memref_slice %arg9[%dma_start3A_171] : memref<10240xf32, #tpu.memory_space<vmem_shared>> -> memref<10240xf32, #tpu.memory_space<vmem_shared>>
        tpu.enqueue_indirect_dma source(%arg6 : memref<128xf32, #tpu.memory_space<vmem>>) target(%dma_start3A_172 : memref<10240xf32, #tpu.memory_space<vmem_shared>>) offsets(%dma_start3A_170 : memref<128xi32, #tpu.memory_space<vmem>>) semaphore(%run_scoped3A : memref<!tpu.dma_semaphore, #tpu.memory_space<semaphore_mem>>) {add = true}
        %dma_wait3A = arith.constant 0 : i32
        %dma_wait3A_173 = tpu.memref_slice %arg5[%scan3A_168, %dma_wait3A] : memref<80x128xi32, #tpu.memory_space<vmem>> -> memref<1x128xi32, #tpu.memory_space<vmem>>
        %dma_wait3A_174 = tpu.memref_squeeze %dma_wait3A_173 : memref<1x128xi32, #tpu.memory_space<vmem>> -> memref<128xi32, #tpu.memory_space<vmem>>
        %dma_wait3A_175 = arith.constant 0 : i32
        %dma_wait3A_176 = tpu.memref_slice %arg9[%dma_wait3A_175] : memref<10240xf32, #tpu.memory_space<vmem_shared>> -> memref<10240xf32, #tpu.memory_space<vmem_shared>>
        tpu.wait_indirect_dma semaphore(%run_scoped3A : memref<!tpu.dma_semaphore, #tpu.memory_space<semaphore_mem>>) src(%arg6 : memref<128xf32, #tpu.memory_space<vmem>>) dst(%dma_wait3A_176 : memref<10240xf32, #tpu.memory_space<vmem_shared>>)
        tpu.yield
      }) : () -> ()
    }
    %scan3A_139 = arith.constant 80 : i32
    %barrier3A_140 = arith.constant 0 : index
    tpu.barrier barrier_id(%barrier3A_140)
    %eq3A = arith.constant 0 : i32
    %eq3A_141 = arith.cmpi eq, %arg0, %eq3A : i32
    %lt3A = arith.constant 15 : i32
    %lt3A_142 = arith.cmpi slt, %arg1, %lt3A : i32
    %and3A = arith.andi %eq3A_141, %lt3A_142 : i1
    %convert_element_type3A = arith.extui %and3A : i1 to i32
    %cond3A = arith.constant 0 : i32
    %cond3A_143 = arith.cmpi ne, %convert_element_type3A, %cond3A : i32
    scf.if %cond3A_143 {
      "tpu.region"() ({
        %run_scoped3A = tpu.sem_alloc : memref<!tpu.dma_semaphore, #tpu.memory_space<semaphore_mem>>
        %dma_start3A = tpu.memref_slice %arg9[%multiple_of3A] : memref<10240xf32, #tpu.memory_space<vmem_shared>> -> memref<640xf32, #tpu.memory_space<vmem_shared>>
        %dma_start3A_168 = tpu.memref_slice %arg9[%multiple_of3A] : memref<10240xf32, #tpu.memory_space<vmem_shared>> -> memref<640xf32, #tpu.memory_space<vmem_shared>>
        tpu.enqueue_dma source(%dma_start3A_168 : memref<640xf32, #tpu.memory_space<vmem_shared>>) target(%arg8 : memref<640xf32, #tpu.memory_space<vmem>>) target_semaphore(%run_scoped3A : memref<!tpu.dma_semaphore, #tpu.memory_space<semaphore_mem>>)
        %dma_wait3A = tpu.memref_slice %arg9[%multiple_of3A] : memref<10240xf32, #tpu.memory_space<vmem_shared>> -> memref<640xf32, #tpu.memory_space<vmem_shared>>
        %dma_wait3A_169 = tpu.memref_slice %arg9[%multiple_of3A] : memref<10240xf32, #tpu.memory_space<vmem_shared>> -> memref<640xf32, #tpu.memory_space<vmem_shared>>
        tpu.wait_dma2 semaphore(%run_scoped3A : memref<!tpu.dma_semaphore, #tpu.memory_space<semaphore_mem>>) src(%dma_wait3A_169 : memref<640xf32, #tpu.memory_space<vmem_shared>>) dst(%arg8 : memref<640xf32, #tpu.memory_space<vmem>>)
        tpu.yield
      }) : () -> ()
      "tpu.region"() ({
        %run_scoped3A = tpu.sem_alloc : memref<!tpu.dma_semaphore, #tpu.memory_space<semaphore_mem>>
        %dma_start3A = tpu.memref_slice %arg3[%multiple_of3A] : memref<10000xf32, #tpu.memory_space<hbm>> -> memref<640xf32, #tpu.memory_space<hbm>>
        %dma_start3A_168 = tpu.memref_slice %arg3[%multiple_of3A] : memref<10000xf32, #tpu.memory_space<hbm>> -> memref<640xf32, #tpu.memory_space<hbm>>
        tpu.enqueue_dma source(%arg8 : memref<640xf32, #tpu.memory_space<vmem>>) target(%dma_start3A_168 : memref<640xf32, #tpu.memory_space<hbm>>) target_semaphore(%run_scoped3A : memref<!tpu.dma_semaphore, #tpu.memory_space<semaphore_mem>>)
        %dma_wait3A = tpu.memref_slice %arg3[%multiple_of3A] : memref<10000xf32, #tpu.memory_space<hbm>> -> memref<640xf32, #tpu.memory_space<hbm>>
        %dma_wait3A_169 = tpu.memref_slice %arg3[%multiple_of3A] : memref<10000xf32, #tpu.memory_space<hbm>> -> memref<640xf32, #tpu.memory_space<hbm>>
        tpu.wait_dma2 semaphore(%run_scoped3A : memref<!tpu.dma_semaphore, #tpu.memory_space<semaphore_mem>>) src(%arg8 : memref<640xf32, #tpu.memory_space<vmem>>) dst(%dma_wait3A_169 : memref<640xf32, #tpu.memory_space<hbm>>)
        tpu.yield
      }) : () -> ()
    } else {
    }
    %eq3A_144 = arith.constant 0 : i32
    %eq3A_145 = arith.cmpi eq, %arg0, %eq3A_144 : i32
    %eq3A_146 = arith.constant 15 : i32
    %eq3A_147 = arith.cmpi eq, %arg1, %eq3A_146 : i32
    %and3A_148 = arith.andi %eq3A_145, %eq3A_147 : i1
    %convert_element_type3A_149 = arith.extui %and3A_148 : i1 to i32
    %cond3A_150 = arith.constant 0 : i32
    %cond3A_151 = arith.cmpi ne, %convert_element_type3A_149, %cond3A_150 : i32
    scf.if %cond3A_151 {
      "tpu.region"() ({
        %run_scoped3A = tpu.sem_alloc : memref<!tpu.dma_semaphore, #tpu.memory_space<semaphore_mem>>
        %dma_start3A = arith.constant 0 : i32
        %dma_start3A_168 = tpu.memref_slice %arg8[%dma_start3A] : memref<640xf32, #tpu.memory_space<vmem>> -> memref<400xf32, #tpu.memory_space<vmem>>
        %dma_start3A_169 = arith.constant 9600 : i32
        %dma_start3A_170 = tpu.memref_slice %arg9[%dma_start3A_169] : memref<10240xf32, #tpu.memory_space<vmem_shared>> -> memref<400xf32, #tpu.memory_space<vmem_shared>>
        %dma_start3A_171 = arith.constant 0 : i32
        %dma_start3A_172 = tpu.memref_slice %arg8[%dma_start3A_171] : memref<640xf32, #tpu.memory_space<vmem>> -> memref<400xf32, #tpu.memory_space<vmem>>
        %dma_start3A_173 = arith.constant 9600 : i32
        %dma_start3A_174 = tpu.memref_slice %arg9[%dma_start3A_173] : memref<10240xf32, #tpu.memory_space<vmem_shared>> -> memref<400xf32, #tpu.memory_space<vmem_shared>>
        tpu.enqueue_dma source(%dma_start3A_174 : memref<400xf32, #tpu.memory_space<vmem_shared>>) target(%dma_start3A_172 : memref<400xf32, #tpu.memory_space<vmem>>) target_semaphore(%run_scoped3A : memref<!tpu.dma_semaphore, #tpu.memory_space<semaphore_mem>>)
        %dma_wait3A = arith.constant 0 : i32
        %dma_wait3A_175 = tpu.memref_slice %arg8[%dma_wait3A] : memref<640xf32, #tpu.memory_space<vmem>> -> memref<400xf32, #tpu.memory_space<vmem>>
        %dma_wait3A_176 = arith.constant 9600 : i32
        %dma_wait3A_177 = tpu.memref_slice %arg9[%dma_wait3A_176] : memref<10240xf32, #tpu.memory_space<vmem_shared>> -> memref<400xf32, #tpu.memory_space<vmem_shared>>
        %dma_wait3A_178 = arith.constant 0 : i32
        %dma_wait3A_179 = tpu.memref_slice %arg8[%dma_wait3A_178] : memref<640xf32, #tpu.memory_space<vmem>> -> memref<400xf32, #tpu.memory_space<vmem>>
        %dma_wait3A_180 = arith.constant 9600 : i32
        %dma_wait3A_181 = tpu.memref_slice %arg9[%dma_wait3A_180] : memref<10240xf32, #tpu.memory_space<vmem_shared>> -> memref<400xf32, #tpu.memory_space<vmem_shared>>
        tpu.wait_dma2 semaphore(%run_scoped3A : memref<!tpu.dma_semaphore, #tpu.memory_space<semaphore_mem>>) src(%dma_wait3A_181 : memref<400xf32, #tpu.memory_space<vmem_shared>>) dst(%dma_wait3A_179 : memref<400xf32, #tpu.memory_space<vmem>>)
        tpu.yield
      }) : () -> ()
      "tpu.region"() ({
        %run_scoped3A = tpu.sem_alloc : memref<!tpu.dma_semaphore, #tpu.memory_space<semaphore_mem>>
        %dma_start3A = arith.constant 0 : i32
        %dma_start3A_168 = tpu.memref_slice %arg8[%dma_start3A] : memref<640xf32, #tpu.memory_space<vmem>> -> memref<400xf32, #tpu.memory_space<vmem>>
        %dma_start3A_169 = arith.constant 9600 : i32
        %dma_start3A_170 = tpu.memref_slice %arg3[%dma_start3A_169] : memref<10000xf32, #tpu.memory_space<hbm>> -> memref<400xf32, #tpu.memory_space<hbm>>
        %dma_start3A_171 = arith.constant 9600 : i32
        %dma_start3A_172 = tpu.memref_slice %arg3[%dma_start3A_171] : memref<10000xf32, #tpu.memory_space<hbm>> -> memref<400xf32, #tpu.memory_space<hbm>>
        %dma_start3A_173 = arith.constant 0 : i32
        %dma_start3A_174 = tpu.memref_slice %arg8[%dma_start3A_173] : memref<640xf32, #tpu.memory_space<vmem>> -> memref<400xf32, #tpu.memory_space<vmem>>
        tpu.enqueue_dma source(%dma_start3A_174 : memref<400xf32, #tpu.memory_space<vmem>>) target(%dma_start3A_172 : memref<400xf32, #tpu.memory_space<hbm>>) target_semaphore(%run_scoped3A : memref<!tpu.dma_semaphore, #tpu.memory_space<semaphore_mem>>)
        %dma_wait3A = arith.constant 0 : i32
        %dma_wait3A_175 = tpu.memref_slice %arg8[%dma_wait3A] : memref<640xf32, #tpu.memory_space<vmem>> -> memref<400xf32, #tpu.memory_space<vmem>>
        %dma_wait3A_176 = arith.constant 9600 : i32
        %dma_wait3A_177 = tpu.memref_slice %arg3[%dma_wait3A_176] : memref<10000xf32, #tpu.memory_space<hbm>> -> memref<400xf32, #tpu.memory_space<hbm>>
        %dma_wait3A_178 = arith.constant 9600 : i32
        %dma_wait3A_179 = tpu.memref_slice %arg3[%dma_wait3A_178] : memref<10000xf32, #tpu.memory_space<hbm>> -> memref<400xf32, #tpu.memory_space<hbm>>
        %dma_wait3A_180 = arith.constant 0 : i32
        %dma_wait3A_181 = tpu.memref_slice %arg8[%dma_wait3A_180] : memref<640xf32, #tpu.memory_space<vmem>> -> memref<400xf32, #tpu.memory_space<vmem>>
        tpu.wait_dma2 semaphore(%run_scoped3A : memref<!tpu.dma_semaphore, #tpu.memory_space<semaphore_mem>>) src(%dma_wait3A_181 : memref<400xf32, #tpu.memory_space<vmem>>) dst(%dma_wait3A_179 : memref<400xf32, #tpu.memory_space<hbm>>)
        tpu.yield
      }) : () -> ()
    } else {
    }
    %eq3A_152 = arith.constant 1 : i32
    %eq3A_153 = arith.cmpi eq, %arg0, %eq3A_152 : i32
    %lt3A_154 = arith.constant 15 : i32
    %lt3A_155 = arith.cmpi slt, %arg1, %lt3A_154 : i32
    %and3A_156 = arith.andi %eq3A_153, %lt3A_155 : i1
    %convert_element_type3A_157 = arith.extui %and3A_156 : i1 to i32
    %cond3A_158 = arith.constant 0 : i32
    %cond3A_159 = arith.cmpi ne, %convert_element_type3A_157, %cond3A_158 : i32
    scf.if %cond3A_159 {
      "tpu.region"() ({
        %run_scoped3A = tpu.sem_alloc : memref<!tpu.dma_semaphore, #tpu.memory_space<semaphore_mem>>
        %dma_start3A = tpu.memref_slice %arg9[%multiple_of3A] : memref<10240xf32, #tpu.memory_space<vmem_shared>> -> memref<640xf32, #tpu.memory_space<vmem_shared>>
        %dma_start3A_168 = tpu.memref_slice %arg9[%multiple_of3A] : memref<10240xf32, #tpu.memory_space<vmem_shared>> -> memref<640xf32, #tpu.memory_space<vmem_shared>>
        tpu.enqueue_dma source(%dma_start3A_168 : memref<640xf32, #tpu.memory_space<vmem_shared>>) target(%arg8 : memref<640xf32, #tpu.memory_space<vmem>>) target_semaphore(%run_scoped3A : memref<!tpu.dma_semaphore, #tpu.memory_space<semaphore_mem>>)
        %dma_wait3A = tpu.memref_slice %arg9[%multiple_of3A] : memref<10240xf32, #tpu.memory_space<vmem_shared>> -> memref<640xf32, #tpu.memory_space<vmem_shared>>
        %dma_wait3A_169 = tpu.memref_slice %arg9[%multiple_of3A] : memref<10240xf32, #tpu.memory_space<vmem_shared>> -> memref<640xf32, #tpu.memory_space<vmem_shared>>
        tpu.wait_dma2 semaphore(%run_scoped3A : memref<!tpu.dma_semaphore, #tpu.memory_space<semaphore_mem>>) src(%dma_wait3A_169 : memref<640xf32, #tpu.memory_space<vmem_shared>>) dst(%arg8 : memref<640xf32, #tpu.memory_space<vmem>>)
        tpu.yield
      }) : () -> ()
      "tpu.region"() ({
        %run_scoped3A = tpu.sem_alloc : memref<!tpu.dma_semaphore, #tpu.memory_space<semaphore_mem>>
        %dma_start3A = tpu.memref_slice %arg4[%multiple_of3A] : memref<10000xf32, #tpu.memory_space<hbm>> -> memref<640xf32, #tpu.memory_space<hbm>>
        %dma_start3A_168 = tpu.memref_slice %arg4[%multiple_of3A] : memref<10000xf32, #tpu.memory_space<hbm>> -> memref<640xf32, #tpu.memory_space<hbm>>
        tpu.enqueue_dma source(%arg8 : memref<640xf32, #tpu.memory_space<vmem>>) target(%dma_start3A_168 : memref<640xf32, #tpu.memory_space<hbm>>) target_semaphore(%run_scoped3A : memref<!tpu.dma_semaphore, #tpu.memory_space<semaphore_mem>>)
        %dma_wait3A = tpu.memref_slice %arg4[%multiple_of3A] : memref<10000xf32, #tpu.memory_space<hbm>> -> memref<640xf32, #tpu.memory_space<hbm>>
        %dma_wait3A_169 = tpu.memref_slice %arg4[%multiple_of3A] : memref<10000xf32, #tpu.memory_space<hbm>> -> memref<640xf32, #tpu.memory_space<hbm>>
        tpu.wait_dma2 semaphore(%run_scoped3A : memref<!tpu.dma_semaphore, #tpu.memory_space<semaphore_mem>>) src(%arg8 : memref<640xf32, #tpu.memory_space<vmem>>) dst(%dma_wait3A_169 : memref<640xf32, #tpu.memory_space<hbm>>)
        tpu.yield
      }) : () -> ()
    } else {
    }
    %eq3A_160 = arith.constant 1 : i32
    %eq3A_161 = arith.cmpi eq, %arg0, %eq3A_160 : i32
    %eq3A_162 = arith.constant 15 : i32
    %eq3A_163 = arith.cmpi eq, %arg1, %eq3A_162 : i32
    %and3A_164 = arith.andi %eq3A_161, %eq3A_163 : i1
    %convert_element_type3A_165 = arith.extui %and3A_164 : i1 to i32
    %cond3A_166 = arith.constant 0 : i32
    %cond3A_167 = arith.cmpi ne, %convert_element_type3A_165, %cond3A_166 : i32
    scf.if %cond3A_167 {
      "tpu.region"() ({
        %run_scoped3A = tpu.sem_alloc : memref<!tpu.dma_semaphore, #tpu.memory_space<semaphore_mem>>
        %dma_start3A = arith.constant 0 : i32
        %dma_start3A_168 = tpu.memref_slice %arg8[%dma_start3A] : memref<640xf32, #tpu.memory_space<vmem>> -> memref<400xf32, #tpu.memory_space<vmem>>
        %dma_start3A_169 = arith.constant 9600 : i32
        %dma_start3A_170 = tpu.memref_slice %arg9[%dma_start3A_169] : memref<10240xf32, #tpu.memory_space<vmem_shared>> -> memref<400xf32, #tpu.memory_space<vmem_shared>>
        %dma_start3A_171 = arith.constant 0 : i32
        %dma_start3A_172 = tpu.memref_slice %arg8[%dma_start3A_171] : memref<640xf32, #tpu.memory_space<vmem>> -> memref<400xf32, #tpu.memory_space<vmem>>
        %dma_start3A_173 = arith.constant 9600 : i32
        %dma_start3A_174 = tpu.memref_slice %arg9[%dma_start3A_173] : memref<10240xf32, #tpu.memory_space<vmem_shared>> -> memref<400xf32, #tpu.memory_space<vmem_shared>>
        tpu.enqueue_dma source(%dma_start3A_174 : memref<400xf32, #tpu.memory_space<vmem_shared>>) target(%dma_start3A_172 : memref<400xf32, #tpu.memory_space<vmem>>) target_semaphore(%run_scoped3A : memref<!tpu.dma_semaphore, #tpu.memory_space<semaphore_mem>>)
        %dma_wait3A = arith.constant 0 : i32
        %dma_wait3A_175 = tpu.memref_slice %arg8[%dma_wait3A] : memref<640xf32, #tpu.memory_space<vmem>> -> memref<400xf32, #tpu.memory_space<vmem>>
        %dma_wait3A_176 = arith.constant 9600 : i32
        %dma_wait3A_177 = tpu.memref_slice %arg9[%dma_wait3A_176] : memref<10240xf32, #tpu.memory_space<vmem_shared>> -> memref<400xf32, #tpu.memory_space<vmem_shared>>
        %dma_wait3A_178 = arith.constant 0 : i32
        %dma_wait3A_179 = tpu.memref_slice %arg8[%dma_wait3A_178] : memref<640xf32, #tpu.memory_space<vmem>> -> memref<400xf32, #tpu.memory_space<vmem>>
        %dma_wait3A_180 = arith.constant 9600 : i32
        %dma_wait3A_181 = tpu.memref_slice %arg9[%dma_wait3A_180] : memref<10240xf32, #tpu.memory_space<vmem_shared>> -> memref<400xf32, #tpu.memory_space<vmem_shared>>
        tpu.wait_dma2 semaphore(%run_scoped3A : memref<!tpu.dma_semaphore, #tpu.memory_space<semaphore_mem>>) src(%dma_wait3A_181 : memref<400xf32, #tpu.memory_space<vmem_shared>>) dst(%dma_wait3A_179 : memref<400xf32, #tpu.memory_space<vmem>>)
        tpu.yield
      }) : () -> ()
      "tpu.region"() ({
        %run_scoped3A = tpu.sem_alloc : memref<!tpu.dma_semaphore, #tpu.memory_space<semaphore_mem>>
        %dma_start3A = arith.constant 0 : i32
        %dma_start3A_168 = tpu.memref_slice %arg8[%dma_start3A] : memref<640xf32, #tpu.memory_space<vmem>> -> memref<400xf32, #tpu.memory_space<vmem>>
        %dma_start3A_169 = arith.constant 9600 : i32
        %dma_start3A_170 = tpu.memref_slice %arg4[%dma_start3A_169] : memref<10000xf32, #tpu.memory_space<hbm>> -> memref<400xf32, #tpu.memory_space<hbm>>
        %dma_start3A_171 = arith.constant 9600 : i32
        %dma_start3A_172 = tpu.memref_slice %arg4[%dma_start3A_171] : memref<10000xf32, #tpu.memory_space<hbm>> -> memref<400xf32, #tpu.memory_space<hbm>>
        %dma_start3A_173 = arith.constant 0 : i32
        %dma_start3A_174 = tpu.memref_slice %arg8[%dma_start3A_173] : memref<640xf32, #tpu.memory_space<vmem>> -> memref<400xf32, #tpu.memory_space<vmem>>
        tpu.enqueue_dma source(%dma_start3A_174 : memref<400xf32, #tpu.memory_space<vmem>>) target(%dma_start3A_172 : memref<400xf32, #tpu.memory_space<hbm>>) target_semaphore(%run_scoped3A : memref<!tpu.dma_semaphore, #tpu.memory_space<semaphore_mem>>)
        %dma_wait3A = arith.constant 0 : i32
        %dma_wait3A_175 = tpu.memref_slice %arg8[%dma_wait3A] : memref<640xf32, #tpu.memory_space<vmem>> -> memref<400xf32, #tpu.memory_space<vmem>>
        %dma_wait3A_176 = arith.constant 9600 : i32
        %dma_wait3A_177 = tpu.memref_slice %arg4[%dma_wait3A_176] : memref<10000xf32, #tpu.memory_space<hbm>> -> memref<400xf32, #tpu.memory_space<hbm>>
        %dma_wait3A_178 = arith.constant 9600 : i32
        %dma_wait3A_179 = tpu.memref_slice %arg4[%dma_wait3A_178] : memref<10000xf32, #tpu.memory_space<hbm>> -> memref<400xf32, #tpu.memory_space<hbm>>
        %dma_wait3A_180 = arith.constant 0 : i32
        %dma_wait3A_181 = tpu.memref_slice %arg8[%dma_wait3A_180] : memref<640xf32, #tpu.memory_space<vmem>> -> memref<400xf32, #tpu.memory_space<vmem>>
        tpu.wait_dma2 semaphore(%run_scoped3A : memref<!tpu.dma_semaphore, #tpu.memory_space<semaphore_mem>>) src(%dma_wait3A_181 : memref<400xf32, #tpu.memory_space<vmem>>) dst(%dma_wait3A_179 : memref<400xf32, #tpu.memory_space<hbm>>)
        tpu.yield
      }) : () -> ()
    } else {
    }
    return
  }
}

module attributes {stable_mosaic.version = 14 : i64} {
  func.func @body(%arg0: i32, %arg1: memref<2000x128xf32, #tpu.memory_space<vmem>>, %arg2: memref<128x128xf32, #tpu.memory_space<vmem>>, %arg3: memref<2000x128xf32, #tpu.memory_space<vmem>>) attributes {dimension_semantics = [#tpu.dimension_semantics<arbitrary>], iteration_bounds = array<i64: 5>, scalar_prefetch = 0 : i64, scratch_operands = 0 : i64, tpu.core_type = #tpu.core_type<tc>, window_params = [{transform_indices = @transform_0, window_bounds = array<i64: 2000, 128>}, {pipeline_mode = #tpu.pipeline_mode<synchronous>, transform_indices = @transform_1, window_bounds = array<i64: 128, 128>}, {transform_indices = @transform_2, window_bounds = array<i64: 2000, 128>}]} {
    %get3A = arith.constant 0 : index
    %get3A_0 = arith.constant 0 : index
    %get3A_1 = vector.load %arg1[%get3A, %get3A_0] : memref<2000x128xf32, #tpu.memory_space<vmem>>, vector<2000x128xf32>
    %get3A_2 = arith.constant 0 : index
    %get3A_3 = arith.constant 0 : index
    %get3A_4 = vector.load %arg2[%get3A_2, %get3A_3] : memref<128x128xf32, #tpu.memory_space<vmem>>, vector<128x128xf32>
    %dot_general3A = arith.constant dense<0.000000e+00> : vector<2000x128xf32>
    %dot_general3A_5 = tpu.matmul %get3A_1, %get3A_4, %dot_general3A {dimension_numbers = #tpu.dot_dimension_numbers<[1], [0], [0], [1], [0, 0, 1, 1], [], []>, transpose_lhs_hint = false} : vector<2000x128xf32>, vector<128x128xf32>, vector<2000x128xf32> -> vector<2000x128xf32>
    %swap3A = arith.constant 0 : index
    %swap3A_6 = arith.constant 0 : index
    %swap3A_7 = vector.load %arg3[%swap3A, %swap3A_6] : memref<2000x128xf32, #tpu.memory_space<vmem>>, vector<2000x128xf32>
    tpu.vector_store %arg3[%swap3A, %swap3A_6], %dot_general3A_5 {strides = array<i32>} : memref<2000x128xf32, #tpu.memory_space<vmem>>, vector<2000x128xf32>,
    return
  }
  func.func @transform_0(%arg0: i32) -> (i32, i32) {
    %c0_i32 = arith.constant 0 : i32
    %c0_i32_0 = arith.constant 0 : i32
    return %arg0, %c0_i32 : i32, i32
  }
  func.func @transform_1(%arg0: i32) -> (i32, i32) {
    %c0_i32 = arith.constant 0 : i32
    %c0_i32_0 = arith.constant 0 : i32
    %c0_i32_1 = arith.constant 0 : i32
    return %c0_i32, %c0_i32_0 : i32, i32
  }
  func.func @transform_2(%arg0: i32) -> (i32, i32) {
    %c0_i32 = arith.constant 0 : i32
    %c0_i32_0 = arith.constant 0 : i32
    return %arg0, %c0_i32 : i32, i32
  }
}

module attributes {stable_mosaic.version = 14 : i64} {
  func.func @body(%arg0: i32, %arg1: memref<2000x1xf32, #tpu.memory_space<vmem>>, %arg2: memref<2000x1xf32, #tpu.memory_space<vmem>>, %arg3: memref<2000x128xf32, #tpu.memory_space<vmem>>, %arg4: memref<2000x128xf32, #tpu.memory_space<vmem>>, %arg5: memref<2000x1xf32, #tpu.memory_space<vmem>>) attributes {dimension_semantics = [#tpu.dimension_semantics<arbitrary>], iteration_bounds = array<i64: 5>, scalar_prefetch = 0 : i64, scratch_operands = 0 : i64, tpu.core_type = #tpu.core_type<tc>, window_params = [{transform_indices = @transform_0, window_bounds = array<i64: 2000, 1>}, {transform_indices = @transform_1, window_bounds = array<i64: 2000, 1>}, {transform_indices = @transform_2, window_bounds = array<i64: 2000, 128>}, {transform_indices = @transform_3, window_bounds = array<i64: 2000, 128>}, {transform_indices = @transform_4, window_bounds = array<i64: 2000, 1>}]} {
    %get3A = arith.constant 0 : index
    %get3A_0 = arith.constant 0 : index
    %get3A_1 = vector.load %arg1[%get3A, %get3A_0] : memref<2000x1xf32, #tpu.memory_space<vmem>>, vector<2000x1xf32>
    %get3A_2 = arith.constant 0 : index
    %get3A_3 = arith.constant 0 : index
    %get3A_4 = vector.load %arg2[%get3A_2, %get3A_3] : memref<2000x1xf32, #tpu.memory_space<vmem>>, vector<2000x1xf32>
    %add3A = arith.addf %get3A_1, %get3A_4 : vector<2000x1xf32>
    %add3A_5 = arith.constant 1.000000e+00 : f32
    %add3A_6 = vector.broadcast %add3A_5 : f32 to vector<2000x1xf32>
    %add3A_7 = arith.addf %add3A, %add3A_6 : vector<2000x1xf32>
    %max3A = arith.constant 1.000000e+00 : f32
    %max3A_8 = vector.broadcast %max3A : f32 to vector<2000x1xf32>
    %max3A_9 = arith.maximumf %add3A_7, %max3A_8 : vector<2000x1xf32>
    %rsqrt3A = math.rsqrt %max3A_9 : vector<2000x1xf32>
    %get3A_10 = arith.constant 0 : index
    %get3A_11 = arith.constant 0 : index
    %get3A_12 = vector.load %arg3[%get3A_10, %get3A_11] : memref<2000x128xf32, #tpu.memory_space<vmem>>, vector<2000x128xf32>
    %mul3A = vector.broadcast %rsqrt3A : vector<2000x1xf32> to vector<2000x128xf32>
    %mul3A_13 = arith.mulf %get3A_12, %mul3A : vector<2000x128xf32>
    %swap3A = arith.constant 0 : index
    %swap3A_14 = arith.constant 0 : index
    %swap3A_15 = vector.load %arg4[%swap3A, %swap3A_14] : memref<2000x128xf32, #tpu.memory_space<vmem>>, vector<2000x128xf32>
    tpu.vector_store %arg4[%swap3A, %swap3A_14], %mul3A_13 {strides = array<i32>} : memref<2000x128xf32, #tpu.memory_space<vmem>>, vector<2000x128xf32>,
    %swap3A_16 = arith.constant 0 : index
    %swap3A_17 = arith.constant 0 : index
    %swap3A_18 = vector.load %arg5[%swap3A_16, %swap3A_17] : memref<2000x1xf32, #tpu.memory_space<vmem>>, vector<2000x1xf32>
    tpu.vector_store %arg5[%swap3A_16, %swap3A_17], %rsqrt3A {strides = array<i32>} : memref<2000x1xf32, #tpu.memory_space<vmem>>, vector<2000x1xf32>,
    return
  }
  func.func @transform_0(%arg0: i32) -> (i32, i32) {
    %c0_i32 = arith.constant 0 : i32
    %c0_i32_0 = arith.constant 0 : i32
    return %arg0, %c0_i32 : i32, i32
  }
  func.func @transform_1(%arg0: i32) -> (i32, i32) {
    %c0_i32 = arith.constant 0 : i32
    %c0_i32_0 = arith.constant 0 : i32
    return %arg0, %c0_i32 : i32, i32
  }
  func.func @transform_2(%arg0: i32) -> (i32, i32) {
    %c0_i32 = arith.constant 0 : i32
    %c0_i32_0 = arith.constant 0 : i32
    return %arg0, %c0_i32 : i32, i32
  }
  func.func @transform_3(%arg0: i32) -> (i32, i32) {
    %c0_i32 = arith.constant 0 : i32
    %c0_i32_0 = arith.constant 0 : i32
    return %arg0, %c0_i32 : i32, i32
  }
  func.func @transform_4(%arg0: i32) -> (i32, i32) {
    %c0_i32 = arith.constant 0 : i32
    %c0_i32_0 = arith.constant 0 : i32
    return %arg0, %c0_i32 : i32, i32
  }
}

module attributes {stable_mosaic.version = 14 : i64} {
  func.func @body(%arg0: i32, %arg1: memref<2x2000x128xf32, #tpu.memory_space<vmem>>, %arg2: memref<2000x128xf32, #tpu.memory_space<vmem>>, %arg3: memref<2000x1xf32, #tpu.memory_space<vmem>>, %arg4: memref<1x128xf32, #tpu.memory_space<vmem>>, %arg5: memref<128x64xf32, #tpu.memory_space<vmem>>, %arg6: memref<2000x64xf32, #tpu.memory_space<vmem>>) attributes {dimension_semantics = [#tpu.dimension_semantics<arbitrary>], iteration_bounds = array<i64: 5>, scalar_prefetch = 0 : i64, scratch_operands = 0 : i64, tpu.core_type = #tpu.core_type<tc>, window_params = [{transform_indices = @transform_0, window_bounds = array<i64: 2, 2000, 128>}, {transform_indices = @transform_1, window_bounds = array<i64: 2000, 128>}, {transform_indices = @transform_2, window_bounds = array<i64: 2000, 1>}, {pipeline_mode = #tpu.pipeline_mode<synchronous>, transform_indices = @transform_3, window_bounds = array<i64: 1, 128>}, {pipeline_mode = #tpu.pipeline_mode<synchronous>, transform_indices = @transform_4, window_bounds = array<i64: 128, 64>}, {transform_indices = @transform_5, window_bounds = array<i64: 2000, 64>}]} {
    %get3A = arith.constant 0 : index
    %get3A_0 = arith.constant 0 : index
    %get3A_1 = arith.constant 0 : index
    %get3A_2 = vector.load %arg1[%get3A, %get3A_0, %get3A_1] : memref<2x2000x128xf32, #tpu.memory_space<vmem>>, vector<1x2000x128xf32>
    %get3A_3 = vector.shape_cast %get3A_2 : vector<1x2000x128xf32> to vector<2000x128xf32>
    %get3A_4 = arith.constant 1 : index
    %get3A_5 = arith.constant 0 : index
    %get3A_6 = arith.constant 0 : index
    %get3A_7 = vector.load %arg1[%get3A_4, %get3A_5, %get3A_6] : memref<2x2000x128xf32, #tpu.memory_space<vmem>>, vector<1x2000x128xf32>
    %get3A_8 = vector.shape_cast %get3A_7 : vector<1x2000x128xf32> to vector<2000x128xf32>
    %add3A = arith.addf %get3A_3, %get3A_8 : vector<2000x128xf32>
    %get3A_9 = arith.constant 0 : index
    %get3A_10 = arith.constant 0 : index
    %get3A_11 = vector.load %arg2[%get3A_9, %get3A_10] : memref<2000x128xf32, #tpu.memory_space<vmem>>, vector<2000x128xf32>
    %add3A_12 = arith.addf %add3A, %get3A_11 : vector<2000x128xf32>
    %get3A_13 = arith.constant 0 : index
    %get3A_14 = arith.constant 0 : index
    %get3A_15 = vector.load %arg3[%get3A_13, %get3A_14] : memref<2000x1xf32, #tpu.memory_space<vmem>>, vector<2000x1xf32>
    %mul3A = vector.broadcast %get3A_15 : vector<2000x1xf32> to vector<2000x128xf32>
    %mul3A_16 = arith.mulf %add3A_12, %mul3A : vector<2000x128xf32>
    %get3A_17 = arith.constant 0 : index
    %get3A_18 = arith.constant 0 : index
    %get3A_19 = vector.load %arg4[%get3A_17, %get3A_18] : memref<1x128xf32, #tpu.memory_space<vmem>>, vector<1x128xf32>
    %add3A_20 = vector.broadcast %get3A_19 : vector<1x128xf32> to vector<2000x128xf32>
    %add3A_21 = arith.addf %mul3A_16, %add3A_20 : vector<2000x128xf32>
    %tanh3A = math.tanh %add3A_21 : vector<2000x128xf32>
    %get3A_22 = arith.constant 0 : index
    %get3A_23 = arith.constant 0 : index
    %get3A_24 = vector.load %arg5[%get3A_22, %get3A_23] : memref<128x64xf32, #tpu.memory_space<vmem>>, vector<128x64xf32>
    %dot_general3A = arith.constant dense<0.000000e+00> : vector<2000x64xf32>
    %dot_general3A_25 = tpu.matmul %tanh3A, %get3A_24, %dot_general3A {dimension_numbers = #tpu.dot_dimension_numbers<[1], [0], [0], [1], [0, 0, 1, 1], [], []>, transpose_lhs_hint = false} : vector<2000x128xf32>, vector<128x64xf32>, vector<2000x64xf32> -> vector<2000x64xf32>
    %mul3A_26 = vector.broadcast %get3A_15 : vector<2000x1xf32> to vector<2000x64xf32>
    %mul3A_27 = arith.mulf %dot_general3A_25, %mul3A_26 : vector<2000x64xf32>
    %swap3A = arith.constant 0 : index
    %swap3A_28 = arith.constant 0 : index
    %swap3A_29 = vector.load %arg6[%swap3A, %swap3A_28] : memref<2000x64xf32, #tpu.memory_space<vmem>>, vector<2000x64xf32>
    tpu.vector_store %arg6[%swap3A, %swap3A_28], %mul3A_27 {strides = array<i32>} : memref<2000x64xf32, #tpu.memory_space<vmem>>, vector<2000x64xf32>,
    return
  }
  func.func @transform_0(%arg0: i32) -> (i32, i32, i32) {
    %c0_i32 = arith.constant 0 : i32
    %c0_i32_0 = arith.constant 0 : i32
    %c0_i32_1 = arith.constant 0 : i32
    return %c0_i32, %arg0, %c0_i32_0 : i32, i32, i32
  }
  func.func @transform_1(%arg0: i32) -> (i32, i32) {
    %c0_i32 = arith.constant 0 : i32
    %c0_i32_0 = arith.constant 0 : i32
    return %arg0, %c0_i32 : i32, i32
  }
  func.func @transform_2(%arg0: i32) -> (i32, i32) {
    %c0_i32 = arith.constant 0 : i32
    %c0_i32_0 = arith.constant 0 : i32
    return %arg0, %c0_i32 : i32, i32
  }
  func.func @transform_3(%arg0: i32) -> (i32, i32) {
    %c0_i32 = arith.constant 0 : i32
    %c0_i32_0 = arith.constant 0 : i32
    %c0_i32_1 = arith.constant 0 : i32
    return %c0_i32, %c0_i32_0 : i32, i32
  }
  func.func @transform_4(%arg0: i32) -> (i32, i32) {
    %c0_i32 = arith.constant 0 : i32
    %c0_i32_0 = arith.constant 0 : i32
    %c0_i32_1 = arith.constant 0 : i32
    return %c0_i32, %c0_i32_0 : i32, i32
  }
  func.func @transform_5(%arg0: i32) -> (i32, i32) {
    %c0_i32 = arith.constant 0 : i32
    %c0_i32_0 = arith.constant 0 : i32
    return %arg0, %c0_i32 : i32, i32
  }
}

module attributes {stable_mosaic.version = 14 : i64} {
  func.func @body(%arg0: i32, %arg1: memref<2x2000x64xf32, #tpu.memory_space<vmem>>, %arg2: memref<2000x64xf32, #tpu.memory_space<vmem>>, %arg3: memref<2000x1xf32, #tpu.memory_space<vmem>>, %arg4: memref<1x64xf32, #tpu.memory_space<vmem>>, %arg5: memref<2000x64xf32, #tpu.memory_space<vmem>>) attributes {dimension_semantics = [#tpu.dimension_semantics<arbitrary>], iteration_bounds = array<i64: 5>, scalar_prefetch = 0 : i64, scratch_operands = 0 : i64, tpu.core_type = #tpu.core_type<tc>, window_params = [{transform_indices = @transform_0, window_bounds = array<i64: 2, 2000, 64>}, {transform_indices = @transform_1, window_bounds = array<i64: 2000, 64>}, {transform_indices = @transform_2, window_bounds = array<i64: 2000, 1>}, {pipeline_mode = #tpu.pipeline_mode<synchronous>, transform_indices = @transform_3, window_bounds = array<i64: 1, 64>}, {transform_indices = @transform_4, window_bounds = array<i64: 2000, 64>}]} {
    %get3A = arith.constant 0 : index
    %get3A_0 = arith.constant 0 : index
    %get3A_1 = arith.constant 0 : index
    %get3A_2 = vector.load %arg1[%get3A, %get3A_0, %get3A_1] : memref<2x2000x64xf32, #tpu.memory_space<vmem>>, vector<1x2000x64xf32>
    %get3A_3 = vector.shape_cast %get3A_2 : vector<1x2000x64xf32> to vector<2000x64xf32>
    %get3A_4 = arith.constant 1 : index
    %get3A_5 = arith.constant 0 : index
    %get3A_6 = arith.constant 0 : index
    %get3A_7 = vector.load %arg1[%get3A_4, %get3A_5, %get3A_6] : memref<2x2000x64xf32, #tpu.memory_space<vmem>>, vector<1x2000x64xf32>
    %get3A_8 = vector.shape_cast %get3A_7 : vector<1x2000x64xf32> to vector<2000x64xf32>
    %add3A = arith.addf %get3A_3, %get3A_8 : vector<2000x64xf32>
    %get3A_9 = arith.constant 0 : index
    %get3A_10 = arith.constant 0 : index
    %get3A_11 = vector.load %arg2[%get3A_9, %get3A_10] : memref<2000x64xf32, #tpu.memory_space<vmem>>, vector<2000x64xf32>
    %add3A_12 = arith.addf %add3A, %get3A_11 : vector<2000x64xf32>
    %get3A_13 = arith.constant 0 : index
    %get3A_14 = arith.constant 0 : index
    %get3A_15 = vector.load %arg3[%get3A_13, %get3A_14] : memref<2000x1xf32, #tpu.memory_space<vmem>>, vector<2000x1xf32>
    %mul3A = vector.broadcast %get3A_15 : vector<2000x1xf32> to vector<2000x64xf32>
    %mul3A_16 = arith.mulf %add3A_12, %mul3A : vector<2000x64xf32>
    %get3A_17 = arith.constant 0 : index
    %get3A_18 = arith.constant 0 : index
    %get3A_19 = vector.load %arg4[%get3A_17, %get3A_18] : memref<1x64xf32, #tpu.memory_space<vmem>>, vector<1x64xf32>
    %add3A_20 = vector.broadcast %get3A_19 : vector<1x64xf32> to vector<2000x64xf32>
    %add3A_21 = arith.addf %mul3A_16, %add3A_20 : vector<2000x64xf32>
    %swap3A = arith.constant 0 : index
    %swap3A_22 = arith.constant 0 : index
    %swap3A_23 = vector.load %arg5[%swap3A, %swap3A_22] : memref<2000x64xf32, #tpu.memory_space<vmem>>, vector<2000x64xf32>
    tpu.vector_store %arg5[%swap3A, %swap3A_22], %add3A_21 {strides = array<i32>} : memref<2000x64xf32, #tpu.memory_space<vmem>>, vector<2000x64xf32>,
    return
  }
  func.func @transform_0(%arg0: i32) -> (i32, i32, i32) {
    %c0_i32 = arith.constant 0 : i32
    %c0_i32_0 = arith.constant 0 : i32
    %c0_i32_1 = arith.constant 0 : i32
    return %c0_i32, %arg0, %c0_i32_0 : i32, i32, i32
  }
  func.func @transform_1(%arg0: i32) -> (i32, i32) {
    %c0_i32 = arith.constant 0 : i32
    %c0_i32_0 = arith.constant 0 : i32
    return %arg0, %c0_i32 : i32, i32
  }
  func.func @transform_2(%arg0: i32) -> (i32, i32) {
    %c0_i32 = arith.constant 0 : i32
    %c0_i32_0 = arith.constant 0 : i32
    return %arg0, %c0_i32 : i32, i32
  }
  func.func @transform_3(%arg0: i32) -> (i32, i32) {
    %c0_i32 = arith.constant 0 : i32
    %c0_i32_0 = arith.constant 0 : i32
    %c0_i32_1 = arith.constant 0 : i32
    return %c0_i32, %c0_i32_0 : i32, i32
  }
  func.func @transform_4(%arg0: i32) -> (i32, i32) {
    %c0_i32 = arith.constant 0 : i32
    %c0_i32_0 = arith.constant 0 : i32
    return %arg0, %c0_i32 : i32, i32
  }
}

</mosaic_0001>

<sc_bundles>
// kernel: kernel.12.cloned.1.call-start
scs
__scs_entry_jumppad:
0x0: {  	(pc) =	sbr.rel $0x88, $3  }
0x1: {  	(tag) =	ssettag $0x0;
	lr =	simm.s32 $0x1  }
0x2: {  	[smem:$0x3F9B] =	sst lr;
	_ =	strace $0xD0000000  }
0x3: {  	_ = 	snop  }
0x4: {  	_ = 	snop  }
0x5: {  	_ = 	snop  }
0x6: {  	_ = 	snop  }
0x7: {  	_ = 	snop  }
__scs_overlays_trampoline_lowered:
0x8: {  	[smem:$0x3FAA] =	sst s0  }
0x9: {  	[smem:$0x3FAB] =	sst s1  }
0xa: {  	[smem:$0x3FAC] =	sst s2  }
0xb: {  	[smem:$0x3FAD] =	sst s3  }
0xc: {  	[smem:$0x3FAE] =	sst s4  }
0xd: {  	[smem:$0x3FAF] =	sst s5  }
0xe: {  	[smem:$0x3FB0] =	sst s6  }
0xf: {  	[smem:$0x3FB1] =	sst s7  }
0x10: {  	[smem:$0x3FB2] =	sst s8  }
0x11: {  	[smem:$0x3FB3] =	sst s9;
	s0 =	simm.s32 @!p0 $0x0  }
0x12: {  	s1 =	sld [smem:$0x3F99];
	s0 =	simm.s32 @p0 $0x1  }
0x13: {  	[smem:$0x3FB4] =	sst s0;
	s0 =	simm.s32 @!p1 $0x0  }
0x14: {  	s2 =	sld [smem:$0x3F98];
	s0 =	simm.s32 @p1 $0x1  }
0x15: {  	[smem:$0x3FB5] =	sst s0;
	s0 =	simm.s32 @!p2 $0x0  }
0x16: {  	s3 =	sld [smem:$0x3FDB];
	s0 =	simm.s32 @p2 $0x1  }
0x17: {  	s4 =	simm.s32 $0x1BF5;
	[smem:$0x3FB7] =	sst s0  }
0x18: {  	s0 =	sld [smem:$0x3F9A];
	_ =	swait.ge [sflag:s4], $0x0  }
0x19: {  	s7 =	sld [smem:$0x3F9B]  }
0x1a: {  	s8 =	sadd.s32 $0xFFFFE003, lr  }
0x1b: {  	s9 =	sadd.s32 $0xFFFFFEF7, lr;
	s5 =	simm.s32 $0xFFFFFFFF;
	p2 =	slt.u32 s8, $0xFFFFF086  }
0x1c: {  	p1 =	slt.u32 s9, $0xF7A;
	s5 =	simm.s32 @!p2 $0x0  }
0x1d: {  	s5 =	simm.s32 @p1 $0x1;
	p0 =	seq.s32 s7, s2  }
0x1e: {  	s7 =	smul.u32 @!p0 $0xF7A, s2;
	p2 =	seq.s32 @!p0 s5, $0x0  }
0x1f: {  	s9 =	smul.u32 $0xF7A, s1;
	s8 =	simm.s32 @!p0 $0x1BF5;
	p2 =	por !p2, p0  }
0x20: {  	[sflag:s8] =	ssyncset.s32 @!p0 $0xFFFFF086;
	s6 =	sadd.s32 @!p0 s3, s7;
	s7 =	simm.s32 @!p0 $0x108  }
0x21: {  	s3 =	sadd.s32 s3, s9;
	s6 =	sadd.s32 @!p0 $0x88, s6;
	s7 =	simm.s32 @p2 $0x1082  }
0x22: {  	[simem:s7], [sflag:s8] =	dma.local @!p0 [hbm:s6], $0xF7A  }
0x23: {  	s9 =	sor.u32 $0xD0000000, s2;
	s6 =	simm.s32 $0x108;
	_ =	swait.ge @!p0 [sflag:s8], $0x0  }
0x24: {  	s3 =	sadd.s32 $0x88, s3;
	s6 =	simm.s32 @!p1 $0x1082;
	[sflag:s4] =	ssyncset.s32 $0xFFFFF086  }
0x25: {  	[simem:s6], [sflag:s4] =	dma.local [hbm:s3], $0xF7A  }
0x26: {  	[smem:$0x3F9B] =	sst s1;
	(tag) =	ssettag s2;
	_ =	strace s9  }
0x27: {  	s1 =	sld [smem:$0x3FAB]  }
0x28: {  	s2 =	sld [smem:$0x3FAC]  }
0x29: {  	s4 =	sld [smem:$0x3FAE]  }
0x2a: {  	p0 =	seq.s32 s5, $0x0;
	s5 =	sld [smem:$0x3FAF]  }
0x2b: {  	s6 =	sld [smem:$0x3FB0]  }
0x2c: {  	s7 =	sld [smem:$0x3FB1]  }
0x2d: {  	s3 =	simm.s32 $0x108;
	s8 =	sld [smem:$0x3FB2]  }
0x2e: {  	s3 =	simm.s32 @!p0 $0x1082;
	s9 =	sld [smem:$0x3FB3]  }
0x2f: {  	lr =	sadd.s32 s0, s3;
	s0 =	sld [smem:$0x3FAA]  }
0x30: {  	s3 =	sld [smem:$0x3FAD]  }
0x31: {  	[smem:$0x3FB6] =	sst s10  }
0x32: {  	s10 =	sld [smem:$0x3FB4];
	_ =	sdelay $0x3  }
0x33: {  	p0 =	seq.s32 s10, $0x1;
	s10 =	sld [smem:$0x3FB6];
	_ =	sdelay $0x3  }
0x34: {  	[smem:$0x3FB6] =	sst s10  }
0x35: {  	s10 =	sld [smem:$0x3FB5];
	_ =	sdelay $0x3  }
0x36: {  	p1 =	seq.s32 s10, $0x1;
	s10 =	sld [smem:$0x3FB6];
	_ =	sdelay $0x3  }
0x37: {  	[smem:$0x3FB6] =	sst s10  }
0x38: {  	s10 =	sld [smem:$0x3FB7]  }
0x39: {  	_ = 	snop;
	(pc) =	sbr.ind lr, $3  }
0x3a: {  	_ = 	snop  }
0x3b: {  	_ = 	snop  }
0x3c: {  	p2 =	seq.s32 s10, $0x1;
	s10 =	sld [smem:$0x3FB6]  }
0x3d: {  	_ =	shalt  }
0x3e: {  	_ =	shalt  }
0x3f: {  	_ =	shalt  }
0x40: {  	_ =	shalt  }
0x41: {  	_ =	shalt  }
0x42: {  	_ =	shalt  }
0x43: {  	_ =	shalt  }
0x44: {  	_ =	shalt  }
0x45: {  	_ =	shalt  }
0x46: {  	_ =	shalt  }
0x47: {  	_ =	shalt  }
0x48: {  	_ =	shalt  }
0x49: {  	_ =	shalt  }
0x4a: {  	_ =	shalt  }
0x4b: {  	_ =	shalt  }
0x4c: {  	_ =	shalt  }
0x4d: {  	_ =	shalt  }
0x4e: {  	_ =	shalt  }
0x4f: {  	_ =	shalt  }
0x50: {  	_ =	shalt  }
0x51: {  	_ =	shalt  }
0x52: {  	_ =	shalt  }
0x53: {  	_ =	shalt  }
0x54: {  	_ =	shalt  }
0x55: {  	_ =	shalt  }
0x56: {  	_ =	shalt  }
0x57: {  	_ =	shalt  }
0x58: {  	_ =	shalt  }
0x59: {  	_ =	shalt  }
0x5a: {  	_ =	shalt  }
0x5b: {  	_ =	shalt  }
0x5c: {  	_ =	shalt  }
0x5d: {  	_ =	shalt  }
0x5e: {  	_ =	shalt  }
0x5f: {  	_ =	shalt  }
0x60: {  	_ =	shalt  }
0x61: {  	_ =	shalt  }
0x62: {  	_ =	shalt  }
0x63: {  	_ =	shalt  }
0x64: {  	_ =	shalt  }
0x65: {  	_ =	shalt  }
0x66: {  	_ =	shalt  }
0x67: {  	_ =	shalt  }
0x68: {  	_ =	shalt  }
0x69: {  	_ =	shalt  }
0x6a: {  	_ =	shalt  }
0x6b: {  	_ =	shalt  }
0x6c: {  	_ =	shalt  }
0x6d: {  	_ =	shalt  }
0x6e: {  	_ =	shalt  }
0x6f: {  	_ =	shalt  }
0x70: {  	_ =	shalt  }
0x71: {  	_ =	shalt  }
0x72: {  	_ =	shalt  }
0x73: {  	_ =	shalt  }
0x74: {  	_ =	shalt  }
0x75: {  	_ =	shalt  }
0x76: {  	_ =	shalt  }
0x77: {  	_ =	shalt  }
0x78: {  	_ =	shalt  }
0x79: {  	_ =	shalt  }
0x7a: {  	_ =	shalt  }
0x7b: {  	_ =	shalt  }
0x7c: {  	_ =	shalt  }
0x7d: {  	_ =	shalt  }
0x7e: {  	_ =	shalt  }
0x7f: {  	_ =	shalt  }
0x80: {  	_ =	shalt  }
0x81: {  	_ =	shalt  }
0x82: {  	_ =	shalt  }
0x83: {  	_ =	shalt  }
0x84: {  	_ =	shalt  }
0x85: {  	_ =	shalt  }
0x86: {  	_ =	shalt  }
0x87: {  	_ =	shalt  }
.Lfunc_end0:
.L_simem_size_0:
called_computation.1_lowered:
.L_overlay_start_0:
0x88: {  	s2 =	sld [smem:$0x3FD9]  }
0x89: {  	s3 =	sld [smem:$0x3FFE];
	_ =	sdelay $0x1  }
0x8a: {  	s1 =	srdreg.scid  }
0x8b: {  	s0 =	sand.u32 $0x1, s1  }
0x8c: {  	s17 =	sshll.u32 s0, $0xA;
	s2 =	sadd.s32 s3, s2  }
0x8d: {  	s2 =	sadd.s32 s2, s17  }
0x8e: {  	[smem:$0x3FC2] =	sst s2  }
0x8f: {  	_ = 	snop  }
0x90: {  	s2 =	sld [smem:$0x3FD0];
	(tm) =	ssettm $0x1  }
0x91: {  	s18 =	sld [smem:$0x3FFB];
	_ =	sdelay $0x3  }
0x92: {  	_ =	strace s18  }
0x93: {  	s3 =	sld [smem:$0x3FFC];
	_ =	sdelay $0x3  }
0x94: {  	_ =	strace s3  }
0x95: {  	s3 =	sld [smem:$0x3FFD];
	_ =	sdelay $0x3  }
0x96: {  	_ =	strace s3  }
0x97: {  	_ =	strace $0x8FFFFFFF  }
0x98: {  	s19 =	sld [smem:$0x3FDB];
	_ =	sdelay $0x1  }
0x99: {  	s4 =	simm.s32 $_scs_section_size  }
0x9a: {  	s5 =	simm.s32 $_size__tile_overlayer_lowered;
	s6 =	simm.s32 $_tile_overlayer_lowered  }
0x9b: {  	s22 =	simm.s32 $0x1BFF;
	s21 =	sshll.u32 s6, $0x1;
	s3 =	sadd.s32 s4, s19  }
0x9c: {  	s7 =	simm.s32 $0x0;
	s20 =	sshll.u32 s5, $0x1;
	s5 =	sadd.s32 s21, s3  }
0x9d: {  	[timem:s7], [sflag:s22] =	dma.local [hbm:s5], s20  }
0x9e: {  	_ =	swait.ge [sflag:s22], s20  }
0x9f: {  	s4 =	ssub.s32 $0x0, s20;
	[sflag:s22] =	ssyncset.done $0x0  }
0xa0: {  	[sflag:s22] =	ssyncadd.s32 s4;
	_ =	sdelay $0x1  }
0xa1: {  	s23 =	simm.s32 $0x1B8B  }
0xa2: {  	_ =	swait.ge [sflag:s23], $0x1  }
0xa3: {  	[sflag:s23] =	ssyncset.done $0x0  }
0xa4: {  	s25 =	simm.s32 $0x1B8E;
	s24 =	sld [smem:$0x3FFE];
	[sflag:s23] =	ssyncadd.s32 $0xFFFFFFFF  }
0xa5: {  	s26 =	simm.s32 $execute0_lowered;
	[smem:$0x3FD2] =	sst s25  }
0xa6: {  	s5 =	sshll.u32 s26, $0x1;
	_ =	strace $0x80000049;
	[dreg:$0x1] =	wrdreg $0xFFFFFFFF  }
0xa7: {  	s28 =	simm.s32 $_size_execute0_lowered;
	s3 =	sadd.s32 s3, s5;
	[dreg:$0x0] =	wrdreg $0x0  }
0xa8: {  	s5 =	sshll.u32 s28, $0x1;
	[dreg:$0x2] =	wrdreg s3  }
0xa9: {  	[dreg:$0x3] =	wrdreg s5  }
0xaa: {  	[dreg:$0x4] =	wrdreg $0xC0  }
0xab: {  	_ =	task [dreg:s7], $0x5FFFF  }
0xac: {  	[dreg:$0x1] =	wrdreg $0xFFFFFFFF  }
0xad: {  	[dreg:$0x0] =	wrdreg $0x60  }
0xae: {  	[dreg:$0x2] =	wrdreg s24  }
0xaf: {  	[dreg:$0x3] =	wrdreg s2  }
0xb0: {  	[dreg:$0x4] =	wrdreg $0xB8000  }
0xb1: {  	[dreg:$0x5] =	wrdreg $0x9  }
0xb2: {  	_ =	task.clear_ibuf [dreg:s7], $0x6FFFF;
	_ =	strace $0x90000049  }
0xb3: {  	s29 =	simm.s32 $0x9;
	_ =	strace $0x8000004B  }
0xb4: {  	_ =	swait.ge [sflag:s29], $0x1  }
0xb5: {  	[sflag:s29] =	ssyncadd.s32 $0xFFFFFFFF  }
0xb6: {  	_ =	strace $0x9000004B  }
0xb7: {  	_ =	sfence  }
0xb8: {  	s30 =	sld [smem:$0x0];
	_ =	sdelay $0x2  }
0xb9: {  	s31 =	sshll.u32 s1, $0xD;
	s1 =	sshrl.u32 s1, $0x2  }
0xba: {  	s3 =	sand.u32 $0x4000, s31;
	s1 =	sadd.s32 s1, s30  }
0xbb: {  	s0 =	sor.u32 s3, s0;
	s1 =	sshll.u32 s1, $0x11  }
0xbc: {  	s0 =	sor.u32 s1, s0  }
0xbd: {  	s0 =	sadd.s32 $0x8F2B, s0  }
0xbe: {  	[sflag:s0] =	ssyncadd.remote.s32 $0x1  }
0xbf: {  	_ =	sfence.sel $0xFFFF  }
0xc0: {  	[dreg:$0x0] =	wrdreg $0xFFFFFFFF;
	(pc) =	sbr.abs _section_cstart, $3  }
0xc1: {  	[dreg:$0x1] =	wrdreg $0xFFFFFFFF  }
0xc2: {  	_ =	task.clear_ibuf [dreg:s7], $0x2FFFF;
	_ =	strace $0x9FFFFFFF  }
0xc3: {  	(tm) =	ssettm $0x7FFFFFFF  }
tec
execute0_lowered:
.L_overlay_start_1:
0x0: {  	(tag) =	ssettag $0x1  }
0x1: {  	s1 =	rddreg [dreg:$0x2];
	s0 =	srdreg.scid  }
0x2: {  	s14 =	stileid.u32;
	s2 =	simm.s32 $0x0;
	s31 =	simm.s32 $0x9000  }
0x3: {  	s6 =	sand.u32 $0x1, s0;
	s7 =	sshll.u32 s14, $0x1;
	s3 =	smul.u32 $0x14000, s14  }
0x4: {  	[smem:$0x7FF] =	sst s2;
	p0 =	seq.s32 s14, $0xF;
	s14 =	sadd.s32 $0x131000, s1  }
0x5: {  	s0 =	sor.u32 s6, s7;
	s5 =	ssub.s32 $0x2, s6;
	s6 =	smul.u32 $0x138800, s6  }
0x6: {  	s4 =	smul.u32 $0x500, s0;
	s8 =	sshrl.u32 s5, $0x1;
	s7 =	sadd.s32 $0x7800, s3  }
0x7: {  	s9 =	sadd.s32 $0xC800, s3;
	s10 =	sadd.s32 $0xF000, s3;
	s11 =	sadd.s32 $0x11800, s3  }
0x8: {  	s0 =	ssub.s32 s5, s8;
	s8 =	sadd.s32 $0xA000, s3;
	s5 =	sor.u32 $0x2800, s3  }
0x9: {  	s15 =	sadd.s32 s7, s1;
	s20 =	sadd.s32 s9, s1;
	s21 =	sadd.s32 s10, s1  }
0xa: {  	s22 =	sadd.s32 s11, s1;
	s13 =	sadd.s32 s3, s6;
	s7 =	sadd.s32 s6, s7  }
0xb: {  	s16 =	sadd.s32 s6, s9;
	s17 =	sadd.s32 s6, s10;
	s18 =	sadd.s32 s6, s11  }
0xc: {  	s9 =	sadd.s32 $0x12C000, s1;
	s10 =	sadd.s32 $0x12C000, s6;
	s11 =	sadd.s32 $0x12E800, s1  }
0xd: {  	s12 =	sadd.s32 $0x12E800, s6;
	s19 =	sadd.s32 s8, s1;
	[dreg:$0x4] =	wrdreg s15  }
0xe: {  	s8 =	sadd.s32 s6, s8;
	s23 =	smov.u32 s15;
	[dreg:$0x6] =	wrdreg s20  }
0xf: {  	s15 =	sadd.s32 $0x131000, s6;
	s7 =	smov.u32 @p0 s10;
	[dreg:$0x7] =	wrdreg s21  }
0x10: {  	[dreg:$0x8] =	wrdreg s22;
	s13 =	sshrl.u32 s13, $0x3;
	s30 =	smax.u32 s0, $0x1  }
0x11: {  	s0 =	simm.s32 $0x5000;
	s23 =	smov.u32 @p0 s9;
	[dreg:$0x5] =	wrdreg s19  }
0x12: {  	s9 =	smov.u32 s19;
	s19 =	sadd.s32 $0x133800, s1;
	s8 =	smov.u32 @p0 s12  }
0x13: {  	s16 =	smov.u32 @p0 s15;
	s12 =	smov.u32 s22;
	s15 =	sadd.s32 $0x136000, s6  }
0x14: {  	s7 =	sshrl.u32 s7, $0x3;
	[dreg:$0x9] =	wrdreg s23;
	s9 =	smov.u32 @p0 s11  }
0x15: {  	s11 =	smov.u32 s21;
	s18 =	smov.u32 @p0 s15;
	s23 =	rddreg [dreg:$0x0]  }
0x16: {  	s25 =	sshrl.u32 s16, $0x3;
	s26 =	sshrl.u32 s8, $0x3;
	[dreg:$0xa] =	wrdreg s9  }
0x17: {  	s9 =	smov.u32 s20;
	s20 =	sadd.s32 $0x133800, s6;
	s11 =	smov.u32 @p0 s19  }
0x18: {  	s10 =	sadd.s32 $0x3DC00, s23;
	s24 =	sshrl.u32 s18, $0x3;
	s4 =	sadd.s32 s4, s23  }
0x19: {  	s23 =	sadd.s32 $0x16A00, s23;
	s18 =	simm.s32 $0x3;
	s9 =	smov.u32 @p0 s14  }
0x1a: {  	s14 =	sadd.s32 $0x136000, s1;
	s17 =	smov.u32 @p0 s20;
	s20 =	sadd.s32 $0x5000, s3  }
0x1b: {  	s21 =	sadd.s32 s10, s13;
	s16 =	sadd.s32 s10, s24;
	s19 =	sadd.s32 s10, s25  }
0x1c: {  	s22 =	sadd.s32 s10, s7;
	s24 =	sadd.s32 s3, s1;
	s25 =	sadd.s32 s5, s1  }
0x1d: {  	s28 =	sadd.s32 $0xCA00, s4;
	s29 =	sadd.s32 $0x2A00, s4;
	s3 =	simm.s32 $0x7000  }
0x1e: {  	s4 =	simm.s32 $0x1;
	[dreg:$0xb] =	wrdreg s9;
	s12 =	smov.u32 @p0 s14  }
0x1f: {  	s9 =	sadd.s32 s6, s5;
	s6 =	sadd.s32 s6, s20;
	[dreg:$0xc] =	wrdreg s21  }
0x20: {  	s17 =	sshrl.u32 s17, $0x3;
	s21 =	sadd.s32 s10, s26;
	s26 =	sadd.s32 s20, s1  }
0x21: {  	s20 =	simm.s32 $0x40;
	s5 =	simm.s32 $0x2;
	s14 =	sshrl.u32 s9, $0x3  }
0x22: {  	s6 =	sshrl.u32 s6, $0x3;
	s17 =	sadd.s32 s10, s17;
	_ =	strace $0x8000004A  }
0x23: {  	s14 =	sadd.s32 s10, s14;
	s15 =	sadd.s32 s10, s6;
	s6 =	simm.s32 $0x0  }
.LBB2_1:
0x24: {  	s7 =	rddreg [dreg:$0x1]  }
0x25: {  	[tilespmem:s31], [sflag:$0x3] =	stream.linear.gather [hbm4b:s7+s2], $0x2800, $0x38;
	[tilespmem:$0x1F800] =	vst v63  }
0x26: {  	_ =	swait.ge [sflag:s18], $0x2800  }
0x27: {  	[sflag:s18] =	ssyncset.done $0x0  }
0x28: {  	[sflag:s18] =	ssyncadd.s32 $0xFFFFD800  }
0x29: {  	[spmem:s24] =	stream.linear.scatter [tilespmem:s31], [sflag:$0x3], $0x2800, $0x38;
	[tilespmem:$0x1F800] =	vst v63  }
0x2a: {  	_ =	swait.ge [sflag:s18], $0x2800  }
0x2b: {  	[sflag:s18] =	ssyncset.done $0x0  }
0x2c: {  	[sflag:s18] =	ssyncadd.s32 $0xFFFFD800  }
0x2d: {  	[spmem:s25] =	stream.linear.scatter [tilespmem:s31], [sflag:$0x3], $0x2800, $0x38;
	[tilespmem:$0x1F800] =	vst v63  }
0x2e: {  	_ =	swait.ge [sflag:s18], $0x2800  }
0x2f: {  	[sflag:s18] =	ssyncset.done $0x0  }
0x30: {  	[sflag:s18] =	ssyncadd.s32 $0xFFFFD800  }
0x31: {  	[spmem:s26] =	stream.linear.scatter [tilespmem:s31], [sflag:$0x3], $0x2800, $0x38;
	[tilespmem:$0x1F800] =	vst v63  }
0x32: {  	_ =	swait.ge [sflag:s18], $0x2800  }
0x33: {  	[sflag:s18] =	ssyncset.done $0x0  }
0x34: {  	s10 =	rddreg [dreg:$0x4];
	[sflag:s18] =	ssyncadd.s32 $0xFFFFD800  }
0x35: {  	[spmem:s10] =	stream.linear.scatter [tilespmem:s31], [sflag:$0x3], $0x2800, $0x38;
	[tilespmem:$0x1F800] =	vst v63  }
0x36: {  	_ =	swait.ge [sflag:s18], $0x2800  }
0x37: {  	[sflag:s18] =	ssyncset.done $0x0  }
0x38: {  	s13 =	rddreg [dreg:$0x5];
	[sflag:s18] =	ssyncadd.s32 $0xFFFFD800  }
0x39: {  	[spmem:s13] =	stream.linear.scatter [tilespmem:s31], [sflag:$0x3], $0x2800, $0x38;
	[tilespmem:$0x1F800] =	vst v63  }
0x3a: {  	_ =	swait.ge [sflag:s18], $0x2800  }
0x3b: {  	[sflag:s18] =	ssyncset.done $0x0  }
0x3c: {  	s8 =	rddreg [dreg:$0x6];
	[sflag:s18] =	ssyncadd.s32 $0xFFFFD800  }
0x3d: {  	[spmem:s8] =	stream.linear.scatter [tilespmem:s31], [sflag:$0x3], $0x2800, $0x38;
	[tilespmem:$0x1F800] =	vst v63  }
0x3e: {  	_ =	swait.ge [sflag:s18], $0x2800  }
0x3f: {  	[sflag:s18] =	ssyncset.done $0x0  }
0x40: {  	s9 =	rddreg [dreg:$0x7];
	[sflag:s18] =	ssyncadd.s32 $0xFFFFD800  }
0x41: {  	[spmem:s9] =	stream.linear.scatter [tilespmem:s31], [sflag:$0x3], $0x2800, $0x38;
	[tilespmem:$0x1F800] =	vst v63  }
0x42: {  	_ =	swait.ge [sflag:s18], $0x2800  }
0x43: {  	[sflag:s18] =	ssyncset.done $0x0  }
0x44: {  	s10 =	rddreg [dreg:$0x8];
	[sflag:s18] =	ssyncadd.s32 $0xFFFFD800  }
0x45: {  	[spmem:s10] =	stream.linear.scatter [tilespmem:s31], [sflag:$0x3], $0x2800, $0x38;
	[tilespmem:$0x1F800] =	vst v63  }
0x46: {  	_ =	swait.ge [sflag:s18], $0x2800  }
0x47: {  	[sflag:s18] =	ssyncset.done $0x0  }
0x48: {  	[sflag:s18] =	ssyncadd.s32 $0xFFFFD800  }
0x49: {  	[bflag:$0x0] =	sbarrier.arrive $0xFFFF  }
0x4a: {  	[tilespmem:s2], [sflag:$0x3] =	stream.linear.gather [hbm4b:s28+s2], $0x2800, $0x38;
	[tilespmem:$0x1F800] =	vst v63  }
0x4b: {  	_ =	swait.ge [sflag:s18], $0x2800  }
0x4c: {  	[sflag:s18] =	ssyncset.done $0x0  }
0x4d: {  	s13 =	simm.s32 $0x2800;
	[sflag:s18] =	ssyncadd.s32 $0xFFFFD800  }
0x4e: {  	[tilespmem:s13], [sflag:$0x3] =	stream.linear.gather [hbm4b:s29+s2], $0x2800, $0x38;
	[tilespmem:$0x1F800] =	vst v63  }
0x4f: {  	_ =	swait.ge [sflag:s18], $0x2800  }
0x50: {  	[sflag:s18] =	ssyncset.done $0x0  }
0x51: {  	[sflag:s18] =	ssyncadd.s32 $0xFFFFD800  }
0x52: {  	[tilespmem:s0], [sflag:$0x1] =	stream.indirect.gather [hbm4b:s23+s20], $0x80, s2, s20, $0xb8;
	[tilespmem:$0x1F800] =	vst v63  }
0x53: {  	s8 =	simm.s32 $0x40  }
0x54: {  	[tilespmem:s3], [sflag:$0x2] =	stream.indirect.gather [hbm4b:s23+s20], $0x80, s8, s20, $0xb8;
	[tilespmem:$0x1F800] =	vst v63  }
0x55: {  	_ =	swait.ge [sflag:s4], $0x2000  }
0x56: {  	[sflag:s4] =	ssyncset.done $0x0  }
0x57: {  	s9 =	simm.s32 $0x2800;
	[sflag:s4] =	ssyncadd.s32 $0xFFFFE000  }
0x58: {  	[spmem:s1] =	stream.indirect.scatter.add.f32 [tilespmem:s0], [sflag:$0x3], $0x80, s9, s20, $0xb8;
	[tilespmem:$0x1F800] =	vst v63  }
0x59: {  	_ =	swait.ge [sflag:s18], $0x2000  }
0x5a: {  	[sflag:s18] =	ssyncset.done $0x0  }
0x5b: {  	s10 =	simm.s32 $0x80;
	[sflag:s18] =	ssyncadd.s32 $0xFFFFE000  }
0x5c: {  	[tilespmem:s0], [sflag:$0x1] =	stream.indirect.gather [hbm4b:s23+s20], $0x80, s10, s20, $0xb8;
	[tilespmem:$0x1F800] =	vst v63  }
0x5d: {  	_ =	swait.ge [sflag:s5], $0x2000  }
0x5e: {  	[sflag:s5] =	ssyncset.done $0x0  }
0x5f: {  	s13 =	simm.s32 $0x2840;
	[sflag:s5] =	ssyncadd.s32 $0xFFFFE000  }
0x60: {  	[spmem:s1] =	stream.indirect.scatter.add.f32 [tilespmem:s3], [sflag:$0x3], $0x80, s13, s20, $0xb8;
	[tilespmem:$0x1F800] =	vst v63  }
0x61: {  	_ =	swait.ge [sflag:s18], $0x2000  }
0x62: {  	s7 =	simm.s32 $0x80;
	s8 =	simm.s32 $0x400;
	[sflag:s18] =	ssyncset.done $0x0  }
.LBB2_2:
0x63: {  	s9 =	sadd.s32 $0x40, s7  }
0x64: {  	[sflag:s18] =	ssyncadd.s32 $0xFFFFE000;
	s10 =	smov.u32 s8;
	s13 =	sadd.s32 $0x200, s8  }
0x65: {  	[tilespmem:s3], [sflag:$0x2] =	stream.indirect.gather [hbm4b:s23+s20], $0x80, s9, s20, $0xb8;
	[tilespmem:$0x1F800] =	vst v63  }
0x66: {  	p1 =	sne.s32 s8, $0x9C00;
	_ =	swait.ge [sflag:s4], $0x2000  }
0x67: {  	[sflag:s4] =	ssyncset.done $0x0  }
0x68: {  	s8 =	sadd.s32 $0x2800, s7;
	[sflag:s4] =	ssyncadd.s32 $0xFFFFE000  }
0x69: {  	[spmem:s1] =	stream.indirect.scatter.add.f32 [tilespmem:s0], [sflag:$0x3], $0x80, s8, s20, $0xb8;
	[tilespmem:$0x1F800] =	vst v63  }
0x6a: {  	_ =	swait.ge [sflag:s18], $0x2000  }
0x6b: {  	[sflag:s18] =	ssyncset.done $0x0  }
0x6c: {  	s8 =	sadd.s32 $0x80, s7;
	[sflag:s18] =	ssyncadd.s32 $0xFFFFE000  }
0x6d: {  	[tilespmem:s0], [sflag:$0x1] =	stream.indirect.gather [hbm4b:s23+s20], $0x80, s8, s20, $0xb8;
	[tilespmem:$0x1F800] =	vst v63  }
0x6e: {  	_ =	swait.ge [sflag:s5], $0x2000  }
.Ltmp0:
0x6f: {  	[sflag:s5] =	ssyncset.done $0x0;
	(pc) =	sbr.rel @p1 .LBB2_2-.Ltmp0, $4  }
0x70: {  	s7 =	sadd.s32 $0x2840, s7;
	[sflag:s5] =	ssyncadd.s32 $0xFFFFE000  }
0x71: {  	[spmem:s1] =	stream.indirect.scatter.add.f32 [tilespmem:s3], [sflag:$0x3], $0x80, s7, s20, $0xb8;
	[tilespmem:$0x1F800] =	vst v63  }
0x72: {  	_ =	swait.ge [sflag:s18], $0x2000  }
0x73: {  	s8 =	smov.u32 s13;
	s7 =	sshra.s32 s10, $0x2;
	[sflag:s18] =	ssyncset.done $0x0  }
0x74: {  	s8 =	sadd.s32 $0x40, s7;
	[sflag:s18] =	ssyncadd.s32 $0xFFFFE000  }
0x75: {  	[tilespmem:s3], [sflag:$0x2] =	stream.indirect.gather [hbm4b:s23+s20], $0x80, s8, s20, $0xb8;
	[tilespmem:$0x1F800] =	vst v63  }
0x76: {  	_ =	swait.ge [sflag:s4], $0x2000  }
0x77: {  	[sflag:s4] =	ssyncset.done $0x0  }
0x78: {  	s10 =	sadd.s32 $0x2800, s7;
	[sflag:s4] =	ssyncadd.s32 $0xFFFFE000  }
0x79: {  	[spmem:s1] =	stream.indirect.scatter.add.f32 [tilespmem:s0], [sflag:$0x3], $0x80, s10, s20, $0xb8;
	[tilespmem:$0x1F800] =	vst v63  }
0x7a: {  	_ =	swait.ge [sflag:s18], $0x2000  }
0x7b: {  	[sflag:s18] =	ssyncset.done $0x0  }
0x7c: {  	s13 =	sadd.s32 $0x80, s7;
	[sflag:s18] =	ssyncadd.s32 $0xFFFFE000  }
0x7d: {  	[tilespmem:s0], [sflag:$0x1] =	stream.indirect.gather [hbm4b:s23+s20], $0x80, s13, s20, $0xb8;
	[tilespmem:$0x1F800] =	vst v63  }
0x7e: {  	_ =	swait.ge [sflag:s5], $0x2000  }
0x7f: {  	[sflag:s5] =	ssyncset.done $0x0  }
0x80: {  	s9 =	sadd.s32 $0x2840, s7;
	[sflag:s5] =	ssyncadd.s32 $0xFFFFE000  }
0x81: {  	[spmem:s1] =	stream.indirect.scatter.add.f32 [tilespmem:s3], [sflag:$0x3], $0x80, s9, s20, $0xb8;
	[tilespmem:$0x1F800] =	vst v63  }
0x82: {  	_ =	swait.ge [sflag:s18], $0x2000  }
0x83: {  	[sflag:s18] =	ssyncset.done $0x0  }
0x84: {  	s10 =	simm.s32 $0x27C0;
	[sflag:s18] =	ssyncadd.s32 $0xFFFFE000  }
0x85: {  	[tilespmem:s3], [sflag:$0x2] =	stream.indirect.gather [hbm4b:s23+s20], $0x80, s10, s20, $0xb8;
	[tilespmem:$0x1F800] =	vst v63  }
0x86: {  	_ =	swait.ge [sflag:s4], $0x2000  }
0x87: {  	[sflag:s4] =	ssyncset.done $0x0  }
0x88: {  	s13 =	simm.s32 $0x4F80;
	[sflag:s4] =	ssyncadd.s32 $0xFFFFE000  }
0x89: {  	[spmem:s1] =	stream.indirect.scatter.add.f32 [tilespmem:s0], [sflag:$0x3], $0x80, s13, s20, $0xb8;
	[tilespmem:$0x1F800] =	vst v63  }
0x8a: {  	_ =	swait.ge [sflag:s18], $0x2000  }
0x8b: {  	[sflag:s18] =	ssyncset.done $0x0  }
0x8c: {  	[sflag:s18] =	ssyncadd.s32 $0xFFFFE000  }
0x8d: {  	_ =	swait.ge [sflag:s5], $0x2000  }
0x8e: {  	[sflag:s5] =	ssyncset.done $0x0  }
0x8f: {  	s8 =	simm.s32 $0x4FC0;
	[sflag:s5] =	ssyncadd.s32 $0xFFFFE000  }
0x90: {  	[spmem:s1] =	stream.indirect.scatter.add.f32 [tilespmem:s3], [sflag:$0x3], $0x80, s8, s20, $0xb8;
	[tilespmem:$0x1F800] =	vst v63  }
0x91: {  	_ =	swait.ge [sflag:s18], $0x2000  }
0x92: {  	[sflag:s18] =	ssyncset.done $0x0  }
0x93: {  	[sflag:s18] =	ssyncadd.s32 $0xFFFFE000  }
0x94: {  	s7 =	simm.s32 @!p0 $0x9000;
	s8 =	simm.s32 @!p0 $0x3;
	[bflag:$0x0] =	sbarrier.arrive $0xFFFF  }
0x95: {  	[tilespmem:s7], [sflag:$0x3] =	stream.linear.gather @!p0 [spmem:s24], $0x2800, $0x38;
	[tilespmem:$0x1F800] =	vst v63  }
0x96: {  	_ =	swait.ge @!p0 [sflag:s8], $0x2800  }
0x97: {  	[sflag:s8] =	ssyncset.done @!p0 $0x0  }
0x98: {  	s9 =	simm.s32 @!p0 $0x0;
	s10 =	rddreg [dreg:$0xc];
	[sflag:s8] =	ssyncadd.s32 @!p0 $0xFFFFD800  }
0x99: {  	[hbm4b:s10+s9] =	stream.linear.scatter @!p0 [tilespmem:s7], [sflag:$0x3], $0x2800, $0x38;
	[tilespmem:$0x1F800] =	vst v63  }
0x9a: {  	_ =	swait.ge @!p0 [sflag:s8], $0x2800  }
0x9b: {  	[sflag:s8] =	ssyncset.done @!p0 $0x0  }
0x9c: {  	[sflag:s8] =	ssyncadd.s32 @!p0 $0xFFFFD800  }
0x9d: {  	[tilespmem:s7], [sflag:$0x3] =	stream.linear.gather @!p0 [spmem:s25], $0x2800, $0x38;
	[tilespmem:$0x1F800] =	vst v63  }
0x9e: {  	_ =	swait.ge @!p0 [sflag:s8], $0x2800  }
0x9f: {  	[sflag:s8] =	ssyncset.done @!p0 $0x0  }
0xa0: {  	[sflag:s8] =	ssyncadd.s32 @!p0 $0xFFFFD800  }
0xa1: {  	[hbm4b:s14+s9] =	stream.linear.scatter @!p0 [tilespmem:s7], [sflag:$0x3], $0x2800, $0x38;
	[tilespmem:$0x1F800] =	vst v63  }
0xa2: {  	_ =	swait.ge @!p0 [sflag:s8], $0x2800  }
0xa3: {  	[sflag:s8] =	ssyncset.done @!p0 $0x0  }
0xa4: {  	[sflag:s8] =	ssyncadd.s32 @!p0 $0xFFFFD800  }
0xa5: {  	[tilespmem:s7], [sflag:$0x3] =	stream.linear.gather @!p0 [spmem:s26], $0x2800, $0x38;
	[tilespmem:$0x1F800] =	vst v63  }
0xa6: {  	_ =	swait.ge @!p0 [sflag:s8], $0x2800  }
0xa7: {  	[sflag:s8] =	ssyncset.done @!p0 $0x0  }
0xa8: {  	[sflag:s8] =	ssyncadd.s32 @!p0 $0xFFFFD800  }
0xa9: {  	[hbm4b:s15+s9] =	stream.linear.scatter @!p0 [tilespmem:s7], [sflag:$0x3], $0x2800, $0x38;
	[tilespmem:$0x1F800] =	vst v63  }
0xaa: {  	_ =	swait.ge @!p0 [sflag:s8], $0x2800  }
0xab: {  	[sflag:s8] =	ssyncset.done @!p0 $0x0  }
0xac: {  	s9 =	rddreg [dreg:$0x9];
	[sflag:s8] =	ssyncadd.s32 @!p0 $0xFFFFD800  }
0xad: {  	[tilespmem:s31], [sflag:$0x3] =	stream.linear.gather [spmem:s9], $0x2800, $0x38;
	[tilespmem:$0x1F800] =	vst v63  }
0xae: {  	_ =	swait.ge [sflag:s18], $0x2800  }
0xaf: {  	[sflag:s18] =	ssyncset.done $0x0  }
0xb0: {  	[sflag:s18] =	ssyncadd.s32 $0xFFFFD800  }
0xb1: {  	[hbm4b:s22+s2] =	stream.linear.scatter [tilespmem:s31], [sflag:$0x3], $0x2800, $0x38;
	[tilespmem:$0x1F800] =	vst v63  }
0xb2: {  	_ =	swait.ge [sflag:s18], $0x2800  }
0xb3: {  	[sflag:s18] =	ssyncset.done $0x0  }
0xb4: {  	s10 =	rddreg [dreg:$0xa];
	[sflag:s18] =	ssyncadd.s32 $0xFFFFD800  }
0xb5: {  	[tilespmem:s31], [sflag:$0x3] =	stream.linear.gather [spmem:s10], $0x2800, $0x38;
	[tilespmem:$0x1F800] =	vst v63  }
0xb6: {  	_ =	swait.ge [sflag:s18], $0x2800  }
0xb7: {  	[sflag:s18] =	ssyncset.done $0x0  }
0xb8: {  	[sflag:s18] =	ssyncadd.s32 $0xFFFFD800  }
0xb9: {  	[hbm4b:s21+s2] =	stream.linear.scatter [tilespmem:s31], [sflag:$0x3], $0x2800, $0x38;
	[tilespmem:$0x1F800] =	vst v63  }
0xba: {  	_ =	swait.ge [sflag:s18], $0x2800  }
0xbb: {  	[sflag:s18] =	ssyncset.done $0x0  }
0xbc: {  	s13 =	rddreg [dreg:$0xb];
	[sflag:s18] =	ssyncadd.s32 $0xFFFFD800  }
0xbd: {  	[tilespmem:s31], [sflag:$0x3] =	stream.linear.gather [spmem:s13], $0x2800, $0x38;
	[tilespmem:$0x1F800] =	vst v63  }
0xbe: {  	_ =	swait.ge [sflag:s18], $0x2800  }
0xbf: {  	[sflag:s18] =	ssyncset.done $0x0  }
0xc0: {  	[sflag:s18] =	ssyncadd.s32 $0xFFFFD800  }
0xc1: {  	[hbm4b:s19+s2] =	stream.linear.scatter [tilespmem:s31], [sflag:$0x3], $0x2800, $0x38;
	[tilespmem:$0x1F800] =	vst v63  }
0xc2: {  	_ =	swait.ge [sflag:s18], $0x2800  }
0xc3: {  	[sflag:s18] =	ssyncset.done $0x0  }
0xc4: {  	[sflag:s18] =	ssyncadd.s32 $0xFFFFD800  }
0xc5: {  	[tilespmem:s31], [sflag:$0x3] =	stream.linear.gather [spmem:s11], $0x2800, $0x38;
	[tilespmem:$0x1F800] =	vst v63  }
0xc6: {  	_ =	swait.ge [sflag:s18], $0x2800  }
0xc7: {  	[sflag:s18] =	ssyncset.done $0x0  }
0xc8: {  	[sflag:s18] =	ssyncadd.s32 $0xFFFFD800  }
0xc9: {  	[hbm4b:s17+s2] =	stream.linear.scatter [tilespmem:s31], [sflag:$0x3], $0x2800, $0x38;
	[tilespmem:$0x1F800] =	vst v63  }
0xca: {  	_ =	swait.ge [sflag:s18], $0x2800  }
0xcb: {  	[sflag:s18] =	ssyncset.done $0x0  }
0xcc: {  	[sflag:s18] =	ssyncadd.s32 $0xFFFFD800  }
0xcd: {  	[tilespmem:s31], [sflag:$0x3] =	stream.linear.gather [spmem:s12], $0x2800, $0x38;
	[tilespmem:$0x1F800] =	vst v63  }
0xce: {  	s6 =	sadd.s32 $0x1, s6;
	_ =	swait.ge [sflag:s18], $0x2800  }
0xcf: {  	p1 =	sne.s32 s6, s30;
	[sflag:s18] =	ssyncset.done $0x0  }
.Ltmp1:
0xd0: {  	[sflag:s18] =	ssyncadd.s32 $0xFFFFD800;
	(pc) =	sbr.rel @p1 .LBB2_1-.Ltmp1, $4  }
0xd1: {  	[hbm4b:s16+s2] =	stream.linear.scatter [tilespmem:s31], [sflag:$0x3], $0x2800, $0x38;
	[tilespmem:$0x1F800] =	vst v63  }
0xd2: {  	_ =	swait.ge [sflag:s18], $0x2800  }
0xd3: {  	[sflag:s18] =	ssyncset.done $0x0  }
0xd4: {  	[sflag:s18] =	ssyncadd.s32 $0xFFFFD800  }
0xd5: {  	_ =	sfence.sel $0x180000  }
0xd6: {  	[bflag:$0x0] =	sbarrier.arrive $0xFFFF  }
0xd7: {  	_ =	strace $0x9000004A  }
0xd8: {  	s0 =	stileid.u32;
	[bflag:$0x2] =	sbarrier.arrive $0xFFFF  }
0xd9: {  	p0 =	sne.s32 s0, $0x0;
	s0 =	rddreg [dreg:$0x3]  }
0xda: {  	s0 =	sadd.s32 @!p0 $0x100000, s0  }
0xdb: {  	[sflag:s0] =	ssyncadd.tile.s32 @!p0 $0x1;
	_ =	shalt  }
.Lfunc_end2:
_tile_overlayer_lowered:
.L_overlay_start_2:
0xdc: {  	(tag) =	ssettag $0x2  }
0xdd: {  	s0 =	rddreg [dreg:$0x0];
	s2 =	stileid.u32  }
0xde: {  	s1 =	rddreg [dreg:$0x1];
	p0 =	sne.s32 s2, $0x0  }
0xdf: {  	s3 =	rddreg [dreg:$0x2];
	[bflag:$0x3] =	sbarrier.arrive $0xFFFF;
	s2 =	simm.s32 @!p0 $0x1C03  }
0xe0: {  	[timem:s3], [sflag:s2] =	dma.local @!p0 [hbm:s0], s1  }
0xe1: {  	s0 =	simm.s32 @!p0 $0x3  }
0xe2: {  	_ =	swait.ge @!p0 [sflag:s0], s1  }
0xe3: {  	s1 =	ssub.s32 @!p0 $0x0, s1;
	[sflag:s0] =	ssyncset.done @!p0 $0x0  }
0xe4: {  	[sflag:s0] =	ssyncadd.s32 @!p0 s1  }
0xe5: {  	[bflag:$0x3] =	sbarrier.arrive $0xFFFF  }
0xe6: {  	_ =	shalt  }

// kernel: kernel.15.cloned.1.call-start
scs
__scs_entry_jumppad:
0x0: {  	(pc) =	sbr.rel $0x88, $3  }
0x1: {  	(tag) =	ssettag $0x0;
	lr =	simm.s32 $0x1  }
0x2: {  	[smem:$0x3F9B] =	sst lr;
	_ =	strace $0xD0000000  }
0x3: {  	_ = 	snop  }
0x4: {  	_ = 	snop  }
0x5: {  	_ = 	snop  }
0x6: {  	_ = 	snop  }
0x7: {  	_ = 	snop  }
__scs_overlays_trampoline_lowered:
0x8: {  	[smem:$0x3FAA] =	sst s0  }
0x9: {  	[smem:$0x3FAB] =	sst s1  }
0xa: {  	[smem:$0x3FAC] =	sst s2  }
0xb: {  	[smem:$0x3FAD] =	sst s3  }
0xc: {  	[smem:$0x3FAE] =	sst s4  }
0xd: {  	[smem:$0x3FAF] =	sst s5  }
0xe: {  	[smem:$0x3FB0] =	sst s6  }
0xf: {  	[smem:$0x3FB1] =	sst s7  }
0x10: {  	[smem:$0x3FB2] =	sst s8  }
0x11: {  	[smem:$0x3FB3] =	sst s9;
	s0 =	simm.s32 @!p0 $0x0  }
0x12: {  	s1 =	sld [smem:$0x3F99];
	s0 =	simm.s32 @p0 $0x1  }
0x13: {  	[smem:$0x3FB4] =	sst s0;
	s0 =	simm.s32 @!p1 $0x0  }
0x14: {  	s2 =	sld [smem:$0x3F98];
	s0 =	simm.s32 @p1 $0x1  }
0x15: {  	[smem:$0x3FB5] =	sst s0;
	s0 =	simm.s32 @!p2 $0x0  }
0x16: {  	s3 =	sld [smem:$0x3FDB];
	s0 =	simm.s32 @p2 $0x1  }
0x17: {  	s4 =	simm.s32 $0x1BF5;
	[smem:$0x3FB7] =	sst s0  }
0x18: {  	s0 =	sld [smem:$0x3F9A];
	_ =	swait.ge [sflag:s4], $0x0  }
0x19: {  	s7 =	sld [smem:$0x3F9B]  }
0x1a: {  	s8 =	sadd.s32 $0xFFFFE003, lr  }
0x1b: {  	s9 =	sadd.s32 $0xFFFFFEF7, lr;
	s5 =	simm.s32 $0xFFFFFFFF;
	p2 =	slt.u32 s8, $0xFFFFF086  }
0x1c: {  	p1 =	slt.u32 s9, $0xF7A;
	s5 =	simm.s32 @!p2 $0x0  }
0x1d: {  	s5 =	simm.s32 @p1 $0x1;
	p0 =	seq.s32 s7, s2  }
0x1e: {  	s7 =	smul.u32 @!p0 $0xF7A, s2;
	p2 =	seq.s32 @!p0 s5, $0x0  }
0x1f: {  	s9 =	smul.u32 $0xF7A, s1;
	s8 =	simm.s32 @!p0 $0x1BF5;
	p2 =	por !p2, p0  }
0x20: {  	[sflag:s8] =	ssyncset.s32 @!p0 $0xFFFFF086;
	s6 =	sadd.s32 @!p0 s3, s7;
	s7 =	simm.s32 @!p0 $0x108  }
0x21: {  	s3 =	sadd.s32 s3, s9;
	s6 =	sadd.s32 @!p0 $0x88, s6;
	s7 =	simm.s32 @p2 $0x1082  }
0x22: {  	[simem:s7], [sflag:s8] =	dma.local @!p0 [hbm:s6], $0xF7A  }
0x23: {  	s9 =	sor.u32 $0xD0000000, s2;
	s6 =	simm.s32 $0x108;
	_ =	swait.ge @!p0 [sflag:s8], $0x0  }
0x24: {  	s3 =	sadd.s32 $0x88, s3;
	s6 =	simm.s32 @!p1 $0x1082;
	[sflag:s4] =	ssyncset.s32 $0xFFFFF086  }
0x25: {  	[simem:s6], [sflag:s4] =	dma.local [hbm:s3], $0xF7A  }
0x26: {  	[smem:$0x3F9B] =	sst s1;
	(tag) =	ssettag s2;
	_ =	strace s9  }
0x27: {  	s1 =	sld [smem:$0x3FAB]  }
0x28: {  	s2 =	sld [smem:$0x3FAC]  }
0x29: {  	s4 =	sld [smem:$0x3FAE]  }
0x2a: {  	p0 =	seq.s32 s5, $0x0;
	s5 =	sld [smem:$0x3FAF]  }
0x2b: {  	s6 =	sld [smem:$0x3FB0]  }
0x2c: {  	s7 =	sld [smem:$0x3FB1]  }
0x2d: {  	s3 =	simm.s32 $0x108;
	s8 =	sld [smem:$0x3FB2]  }
0x2e: {  	s3 =	simm.s32 @!p0 $0x1082;
	s9 =	sld [smem:$0x3FB3]  }
0x2f: {  	lr =	sadd.s32 s0, s3;
	s0 =	sld [smem:$0x3FAA]  }
0x30: {  	s3 =	sld [smem:$0x3FAD]  }
0x31: {  	[smem:$0x3FB6] =	sst s10  }
0x32: {  	s10 =	sld [smem:$0x3FB4];
	_ =	sdelay $0x3  }
0x33: {  	p0 =	seq.s32 s10, $0x1;
	s10 =	sld [smem:$0x3FB6];
	_ =	sdelay $0x3  }
0x34: {  	[smem:$0x3FB6] =	sst s10  }
0x35: {  	s10 =	sld [smem:$0x3FB5];
	_ =	sdelay $0x3  }
0x36: {  	p1 =	seq.s32 s10, $0x1;
	s10 =	sld [smem:$0x3FB6];
	_ =	sdelay $0x3  }
0x37: {  	[smem:$0x3FB6] =	sst s10  }
0x38: {  	s10 =	sld [smem:$0x3FB7]  }
0x39: {  	_ = 	snop;
	(pc) =	sbr.ind lr, $3  }
0x3a: {  	_ = 	snop  }
0x3b: {  	_ = 	snop  }
0x3c: {  	p2 =	seq.s32 s10, $0x1;
	s10 =	sld [smem:$0x3FB6]  }
0x3d: {  	_ =	shalt  }
0x3e: {  	_ =	shalt  }
0x3f: {  	_ =	shalt  }
0x40: {  	_ =	shalt  }
0x41: {  	_ =	shalt  }
0x42: {  	_ =	shalt  }
0x43: {  	_ =	shalt  }
0x44: {  	_ =	shalt  }
0x45: {  	_ =	shalt  }
0x46: {  	_ =	shalt  }
0x47: {  	_ =	shalt  }
0x48: {  	_ =	shalt  }
0x49: {  	_ =	shalt  }
0x4a: {  	_ =	shalt  }
0x4b: {  	_ =	shalt  }
0x4c: {  	_ =	shalt  }
0x4d: {  	_ =	shalt  }
0x4e: {  	_ =	shalt  }
0x4f: {  	_ =	shalt  }
0x50: {  	_ =	shalt  }
0x51: {  	_ =	shalt  }
0x52: {  	_ =	shalt  }
0x53: {  	_ =	shalt  }
0x54: {  	_ =	shalt  }
0x55: {  	_ =	shalt  }
0x56: {  	_ =	shalt  }
0x57: {  	_ =	shalt  }
0x58: {  	_ =	shalt  }
0x59: {  	_ =	shalt  }
0x5a: {  	_ =	shalt  }
0x5b: {  	_ =	shalt  }
0x5c: {  	_ =	shalt  }
0x5d: {  	_ =	shalt  }
0x5e: {  	_ =	shalt  }
0x5f: {  	_ =	shalt  }
0x60: {  	_ =	shalt  }
0x61: {  	_ =	shalt  }
0x62: {  	_ =	shalt  }
0x63: {  	_ =	shalt  }
0x64: {  	_ =	shalt  }
0x65: {  	_ =	shalt  }
0x66: {  	_ =	shalt  }
0x67: {  	_ =	shalt  }
0x68: {  	_ =	shalt  }
0x69: {  	_ =	shalt  }
0x6a: {  	_ =	shalt  }
0x6b: {  	_ =	shalt  }
0x6c: {  	_ =	shalt  }
0x6d: {  	_ =	shalt  }
0x6e: {  	_ =	shalt  }
0x6f: {  	_ =	shalt  }
0x70: {  	_ =	shalt  }
0x71: {  	_ =	shalt  }
0x72: {  	_ =	shalt  }
0x73: {  	_ =	shalt  }
0x74: {  	_ =	shalt  }
0x75: {  	_ =	shalt  }
0x76: {  	_ =	shalt  }
0x77: {  	_ =	shalt  }
0x78: {  	_ =	shalt  }
0x79: {  	_ =	shalt  }
0x7a: {  	_ =	shalt  }
0x7b: {  	_ =	shalt  }
0x7c: {  	_ =	shalt  }
0x7d: {  	_ =	shalt  }
0x7e: {  	_ =	shalt  }
0x7f: {  	_ =	shalt  }
0x80: {  	_ =	shalt  }
0x81: {  	_ =	shalt  }
0x82: {  	_ =	shalt  }
0x83: {  	_ =	shalt  }
0x84: {  	_ =	shalt  }
0x85: {  	_ =	shalt  }
0x86: {  	_ =	shalt  }
0x87: {  	_ =	shalt  }
.Lfunc_end0:
.L_simem_size_0:
called_computation.2_lowered:
.L_overlay_start_0:
0x88: {  	s2 =	sld [smem:$0x3FD9]  }
0x89: {  	s3 =	sld [smem:$0x3FFE];
	_ =	sdelay $0x1  }
0x8a: {  	s1 =	srdreg.scid  }
0x8b: {  	s0 =	sand.u32 $0x1, s1  }
0x8c: {  	s17 =	sshll.u32 s0, $0xA;
	s2 =	sadd.s32 s3, s2  }
0x8d: {  	s2 =	sadd.s32 s2, s17  }
0x8e: {  	[smem:$0x3FC2] =	sst s2  }
0x8f: {  	_ = 	snop  }
0x90: {  	s2 =	sld [smem:$0x3FD0];
	(tm) =	ssettm $0x1  }
0x91: {  	s18 =	sld [smem:$0x3FFB];
	_ =	sdelay $0x3  }
0x92: {  	_ =	strace s18  }
0x93: {  	s3 =	sld [smem:$0x3FFC];
	_ =	sdelay $0x3  }
0x94: {  	_ =	strace s3  }
0x95: {  	s3 =	sld [smem:$0x3FFD];
	_ =	sdelay $0x3  }
0x96: {  	_ =	strace s3  }
0x97: {  	_ =	strace $0x8FFFFFFF  }
0x98: {  	s19 =	sld [smem:$0x3FDB];
	_ =	sdelay $0x1  }
0x99: {  	s4 =	simm.s32 $_scs_section_size  }
0x9a: {  	s5 =	simm.s32 $_size__tile_overlayer_lowered;
	s6 =	simm.s32 $_tile_overlayer_lowered  }
0x9b: {  	s22 =	simm.s32 $0x1BFF;
	s21 =	sshll.u32 s6, $0x1;
	s3 =	sadd.s32 s4, s19  }
0x9c: {  	s7 =	simm.s32 $0x0;
	s20 =	sshll.u32 s5, $0x1;
	s5 =	sadd.s32 s21, s3  }
0x9d: {  	[timem:s7], [sflag:s22] =	dma.local [hbm:s5], s20  }
0x9e: {  	_ =	swait.ge [sflag:s22], s20  }
0x9f: {  	s4 =	ssub.s32 $0x0, s20;
	[sflag:s22] =	ssyncset.done $0x0  }
0xa0: {  	[sflag:s22] =	ssyncadd.s32 s4;
	_ =	sdelay $0x1  }
0xa1: {  	s23 =	simm.s32 $0x1B8B  }
0xa2: {  	_ =	swait.ge [sflag:s23], $0x1  }
0xa3: {  	[sflag:s23] =	ssyncset.done $0x0  }
0xa4: {  	s25 =	simm.s32 $0x1B8E;
	s24 =	sld [smem:$0x3FFE];
	[sflag:s23] =	ssyncadd.s32 $0xFFFFFFFF  }
0xa5: {  	s26 =	simm.s32 $execute0_lowered;
	[smem:$0x3FD2] =	sst s25  }
0xa6: {  	s5 =	sshll.u32 s26, $0x1;
	_ =	strace $0x8000004C;
	[dreg:$0x1] =	wrdreg $0xFFFFFFFF  }
0xa7: {  	s28 =	simm.s32 $_size_execute0_lowered;
	s3 =	sadd.s32 s3, s5;
	[dreg:$0x0] =	wrdreg $0x0  }
0xa8: {  	s5 =	sshll.u32 s28, $0x1;
	[dreg:$0x2] =	wrdreg s3  }
0xa9: {  	[dreg:$0x3] =	wrdreg s5  }
0xaa: {  	[dreg:$0x4] =	wrdreg $0xC0  }
0xab: {  	_ =	task [dreg:s7], $0x5FFFF  }
0xac: {  	[dreg:$0x1] =	wrdreg $0xFFFFFFFF  }
0xad: {  	[dreg:$0x0] =	wrdreg $0x60  }
0xae: {  	[dreg:$0x2] =	wrdreg s2  }
0xaf: {  	[dreg:$0x3] =	wrdreg s24  }
0xb0: {  	[dreg:$0x4] =	wrdreg $0xE4000  }
0xb1: {  	[dreg:$0x5] =	wrdreg $0x9  }
0xb2: {  	_ =	task.clear_ibuf [dreg:s7], $0x6FFFF;
	_ =	strace $0x9000004C  }
0xb3: {  	s29 =	simm.s32 $0x9;
	_ =	strace $0x8000004E  }
0xb4: {  	_ =	swait.ge [sflag:s29], $0x1  }
0xb5: {  	[sflag:s29] =	ssyncadd.s32 $0xFFFFFFFF  }
0xb6: {  	_ =	strace $0x9000004E  }
0xb7: {  	_ =	sfence  }
0xb8: {  	s30 =	sld [smem:$0x0];
	_ =	sdelay $0x2  }
0xb9: {  	s31 =	sshll.u32 s1, $0xD;
	s1 =	sshrl.u32 s1, $0x2  }
0xba: {  	s3 =	sand.u32 $0x4000, s31;
	s1 =	sadd.s32 s1, s30  }
0xbb: {  	s0 =	sor.u32 s3, s0;
	s1 =	sshll.u32 s1, $0x11  }
0xbc: {  	s0 =	sor.u32 s1, s0  }
0xbd: {  	s0 =	sadd.s32 $0x8F2B, s0  }
0xbe: {  	[sflag:s0] =	ssyncadd.remote.s32 $0x1  }
0xbf: {  	_ =	sfence.sel $0xFFFF  }
0xc0: {  	[dreg:$0x0] =	wrdreg $0xFFFFFFFF;
	(pc) =	sbr.abs _section_cstart, $3  }
0xc1: {  	[dreg:$0x1] =	wrdreg $0xFFFFFFFF  }
0xc2: {  	_ =	task.clear_ibuf [dreg:s7], $0x2FFFF;
	_ =	strace $0x9FFFFFFF  }
0xc3: {  	(tm) =	ssettm $0x7FFFFFFF  }
tec
execute0_lowered:
.L_overlay_start_1:
0x0: {  	(tag) =	ssettag $0x1  }
0x1: {  	s0 =	rddreg [dreg:$0x1]  }
0x2: {  	s1 =	rddreg [dreg:$0x2];
	s3 =	srdreg.scid  }
0x3: {  	s19 =	stileid.u32;
	s2 =	simm.s32 $0x0;
	s31 =	simm.s32 $0xD000  }
0x4: {  	s7 =	sand.u32 $0x1, s3;
	s16 =	sshll.u32 s19, $0x1;
	s4 =	smul.u32 $0xA000, s19  }
0x5: {  	[smem:$0x7FF] =	sst s2;
	s18 =	sadd.s32 $0x98800, s1;
	p0 =	seq.s32 s19, $0xF  }
0x6: {  	s3 =	sor.u32 s7, s16;
	s6 =	ssub.s32 $0x2, s7;
	s7 =	smul.u32 $0x9C400, s7  }
0x7: {  	s19 =	sadd.s32 $0x16E00, s0;
	s16 =	sadd.s32 $0x97400, s1;
	s5 =	smul.u32 $0x500, s3  }
0x8: {  	s17 =	sshrl.u32 s6, $0x1;
	s8 =	sadd.s32 $0x3C00, s4;
	s9 =	sadd.s32 $0x5000, s4  }
0x9: {  	s10 =	sadd.s32 $0x6400, s4;
	s11 =	sadd.s32 $0x7800, s4;
	s13 =	sadd.s32 $0x8C00, s4  }
0xa: {  	s3 =	ssub.s32 s6, s17;
	s6 =	sor.u32 $0x1400, s4;
	s20 =	sadd.s32 s8, s1  }
0xb: {  	s21 =	sadd.s32 s9, s1;
	s22 =	sadd.s32 s10, s1;
	s23 =	sadd.s32 s11, s1  }
0xc: {  	s24 =	sadd.s32 s13, s1;
	s14 =	sadd.s32 s4, s7;
	s8 =	sadd.s32 s7, s8  }
0xd: {  	s9 =	sadd.s32 s7, s9;
	s10 =	sadd.s32 s7, s10;
	s15 =	sadd.s32 s7, s11  }
0xe: {  	s11 =	sadd.s32 $0x96000, s1;
	s12 =	sadd.s32 $0x96000, s7;
	s17 =	sadd.s32 $0x97400, s7  }
0xf: {  	s13 =	sadd.s32 s7, s13;
	[dreg:$0x4] =	wrdreg s20;
	s20 =	smov.u32 @p0 s11  }
0x10: {  	s11 =	sadd.s32 $0x98800, s7;
	s8 =	smov.u32 @p0 s12;
	[dreg:$0x5] =	wrdreg s21  }
0x11: {  	s21 =	smov.u32 @p0 s16;
	s12 =	sadd.s32 $0x99C00, s1;
	[dreg:$0x6] =	wrdreg s22  }
0x12: {  	s9 =	smov.u32 @p0 s17;
	s22 =	smov.u32 @p0 s18;
	[dreg:$0x7] =	wrdreg s23  }
0x13: {  	s16 =	sadd.s32 $0x99C00, s7;
	s17 =	sadd.s32 $0x9B000, s1;
	[dreg:$0x8] =	wrdreg s24  }
0x14: {  	s14 =	sshrl.u32 s14, $0x3;
	s18 =	sadd.s32 s7, s6;
	[dreg:$0x9] =	wrdreg s20  }
0x15: {  	s5 =	sadd.s32 s5, s0;
	s30 =	smax.u32 s3, $0x1;
	[dreg:$0xa] =	wrdreg s21  }
0x16: {  	s3 =	simm.s32 $0x5000;
	[dreg:$0xb] =	wrdreg s22;
	s10 =	smov.u32 @p0 s11  }
0x17: {  	s11 =	smov.u32 s23;
	s15 =	smov.u32 @p0 s16;
	s16 =	sadd.s32 $0x9B000, s7  }
0x18: {  	s14 =	sadd.s32 s19, s14;
	s22 =	sshrl.u32 s18, $0x3;
	s20 =	rddreg [dreg:$0x0]  }
0x19: {  	s26 =	sshrl.u32 s9, $0x3;
	s8 =	sshrl.u32 s8, $0x3;
	s28 =	sadd.s32 $0xCA00, s5  }
0x1a: {  	s29 =	sadd.s32 $0x2A00, s5;
	s5 =	simm.s32 $0x9000;
	s11 =	smov.u32 @p0 s12  }
0x1b: {  	s12 =	smov.u32 s24;
	s13 =	smov.u32 @p0 s16;
	s16 =	sadd.s32 $0x2800, s4  }
0x1c: {  	[dreg:$0xc] =	wrdreg s14;
	s14 =	sadd.s32 s19, s22;
	s24 =	sshrl.u32 s15, $0x3  }
0x1d: {  	s10 =	sshrl.u32 s10, $0x3;
	s21 =	sadd.s32 s19, s26;
	s22 =	sadd.s32 s19, s8  }
0x1e: {  	s8 =	simm.s32 $0x3;
	s15 =	simm.s32 $0x0;
	s12 =	smov.u32 @p0 s17  }
0x1f: {  	s7 =	sadd.s32 s7, s16;
	[dreg:$0xd] =	wrdreg s14;
	s23 =	sshrl.u32 s13, $0x3  }
0x20: {  	s25 =	sadd.s32 s19, s10;
	s26 =	sadd.s32 s16, s1;
	s17 =	simm.s32 $0x5  }
0x21: {  	s13 =	simm.s32 $0x2;
	s14 =	simm.s32 $0x4;
	s7 =	sshrl.u32 s7, $0x3  }
0x22: {  	[dreg:$0x11] =	wrdreg s25;
	s25 =	sadd.s32 s6, s1;
	s7 =	sadd.s32 s19, s7  }
0x23: {  	s6 =	simm.s32 $0xB000;
	[dreg:$0xe] =	wrdreg s7;
	s7 =	sadd.s32 s19, s23  }
0x24: {  	s23 =	sadd.s32 $0x16A00, s0;
	[dreg:$0xf] =	wrdreg s7;
	s7 =	sadd.s32 s19, s24  }
0x25: {  	s0 =	simm.s32 $0x80;
	s24 =	sadd.s32 s4, s1;
	[dreg:$0x10] =	wrdreg s7  }
0x26: {  	s4 =	simm.s32 $0x7000;
	s7 =	simm.s32 $0x1;
	_ =	strace $0x8000004D  }
.LBB2_1:
0x27: {  	[tilespmem:s31], [sflag:$0x5] =	stream.linear.gather [hbm4b:s23+s2], $0x1400, $0x38;
	[tilespmem:$0x18400] =	vst v63  }
0x28: {  	_ =	swait.ge [sflag:s17], $0x1400  }
0x29: {  	[sflag:s17] =	ssyncset.done $0x0  }
0x2a: {  	[sflag:s17] =	ssyncadd.s32 $0xFFFFEC00  }
0x2b: {  	[spmem:s24] =	stream.linear.scatter [tilespmem:s31], [sflag:$0x5], $0x1400, $0x38;
	[tilespmem:$0x18400] =	vst v63  }
0x2c: {  	_ =	swait.ge [sflag:s17], $0x1400  }
0x2d: {  	[sflag:s17] =	ssyncset.done $0x0  }
0x2e: {  	[sflag:s17] =	ssyncadd.s32 $0xFFFFEC00  }
0x2f: {  	[spmem:s25] =	stream.linear.scatter [tilespmem:s31], [sflag:$0x5], $0x1400, $0x38;
	[tilespmem:$0x18400] =	vst v63  }
0x30: {  	_ =	swait.ge [sflag:s17], $0x1400  }
0x31: {  	[sflag:s17] =	ssyncset.done $0x0  }
0x32: {  	[sflag:s17] =	ssyncadd.s32 $0xFFFFEC00  }
0x33: {  	[spmem:s26] =	stream.linear.scatter [tilespmem:s31], [sflag:$0x5], $0x1400, $0x38;
	[tilespmem:$0x18400] =	vst v63  }
0x34: {  	_ =	swait.ge [sflag:s17], $0x1400  }
0x35: {  	[sflag:s17] =	ssyncset.done $0x0  }
0x36: {  	s9 =	rddreg [dreg:$0x4];
	[sflag:s17] =	ssyncadd.s32 $0xFFFFEC00  }
0x37: {  	[spmem:s9] =	stream.linear.scatter [tilespmem:s31], [sflag:$0x5], $0x1400, $0x38;
	[tilespmem:$0x18400] =	vst v63  }
0x38: {  	_ =	swait.ge [sflag:s17], $0x1400  }
0x39: {  	[sflag:s17] =	ssyncset.done $0x0  }
0x3a: {  	s18 =	rddreg [dreg:$0x5];
	[sflag:s17] =	ssyncadd.s32 $0xFFFFEC00  }
0x3b: {  	[spmem:s18] =	stream.linear.scatter [tilespmem:s31], [sflag:$0x5], $0x1400, $0x38;
	[tilespmem:$0x18400] =	vst v63  }
0x3c: {  	_ =	swait.ge [sflag:s17], $0x1400  }
0x3d: {  	[sflag:s17] =	ssyncset.done $0x0  }
0x3e: {  	s19 =	rddreg [dreg:$0x6];
	[sflag:s17] =	ssyncadd.s32 $0xFFFFEC00  }
0x3f: {  	[spmem:s19] =	stream.linear.scatter [tilespmem:s31], [sflag:$0x5], $0x1400, $0x38;
	[tilespmem:$0x18400] =	vst v63  }
0x40: {  	_ =	swait.ge [sflag:s17], $0x1400  }
0x41: {  	[sflag:s17] =	ssyncset.done $0x0  }
0x42: {  	s10 =	rddreg [dreg:$0x7];
	[sflag:s17] =	ssyncadd.s32 $0xFFFFEC00  }
0x43: {  	[spmem:s10] =	stream.linear.scatter [tilespmem:s31], [sflag:$0x5], $0x1400, $0x38;
	[tilespmem:$0x18400] =	vst v63  }
0x44: {  	_ =	swait.ge [sflag:s17], $0x1400  }
0x45: {  	[sflag:s17] =	ssyncset.done $0x0  }
0x46: {  	s16 =	rddreg [dreg:$0x8];
	[sflag:s17] =	ssyncadd.s32 $0xFFFFEC00  }
0x47: {  	[spmem:s16] =	stream.linear.scatter [tilespmem:s31], [sflag:$0x5], $0x1400, $0x38;
	[tilespmem:$0x18400] =	vst v63  }
0x48: {  	_ =	swait.ge [sflag:s17], $0x1400  }
0x49: {  	[sflag:s17] =	ssyncset.done $0x0  }
0x4a: {  	[sflag:s17] =	ssyncadd.s32 $0xFFFFEC00  }
0x4b: {  	[bflag:$0x0] =	sbarrier.arrive $0xFFFF  }
0x4c: {  	[tilespmem:s2], [sflag:$0x5] =	stream.linear.gather [hbm4b:s28+s2], $0x2800, $0x38;
	[tilespmem:$0x18400] =	vst v63  }
0x4d: {  	_ =	swait.ge [sflag:s17], $0x2800  }
0x4e: {  	[sflag:s17] =	ssyncset.done $0x0  }
0x4f: {  	s18 =	simm.s32 $0x2800;
	[sflag:s17] =	ssyncadd.s32 $0xFFFFD800  }
0x50: {  	[tilespmem:s18], [sflag:$0x5] =	stream.linear.gather [hbm4b:s29+s2], $0x2800, $0x38;
	[tilespmem:$0x18400] =	vst v63  }
0x51: {  	_ =	swait.ge [sflag:s17], $0x2800  }
0x52: {  	[sflag:s17] =	ssyncset.done $0x0  }
0x53: {  	[sflag:s17] =	ssyncadd.s32 $0xFFFFD800  }
0x54: {  	[tilespmem:s3], [sflag:$0x1] =	stream.indirect.gather [hbm4b:s20+s0], $0x40, s2, s0, $0xb8;
	[tilespmem:$0x18400] =	vst v63  }
0x55: {  	_ = 	snop  }
0x56: {  	[tilespmem:s4], [sflag:$0x2] =	stream.indirect.gather [hbm4b:s20+s0], $0x40, s0, s0, $0xb8;
	[tilespmem:$0x18400] =	vst v63  }
0x57: {  	s19 =	simm.s32 $0x100  }
0x58: {  	[tilespmem:s5], [sflag:$0x3] =	stream.indirect.gather [hbm4b:s20+s0], $0x40, s19, s0, $0xb8;
	[tilespmem:$0x18400] =	vst v63  }
0x59: {  	s10 =	simm.s32 $0x180  }
0x5a: {  	[tilespmem:s6], [sflag:$0x4] =	stream.indirect.gather [hbm4b:s20+s0], $0x40, s10, s0, $0xb8;
	[tilespmem:$0x18400] =	vst v63  }
0x5b: {  	_ =	swait.ge [sflag:s7], $0x2000  }
0x5c: {  	[sflag:s7] =	ssyncset.done $0x0  }
0x5d: {  	s16 =	simm.s32 $0x2800;
	[sflag:s7] =	ssyncadd.s32 $0xFFFFE000  }
0x5e: {  	[spmem:s1] =	stream.indirect.scatter.add.f32 [tilespmem:s3], [sflag:$0x5], $0x40, s16, s0, $0xb8;
	[tilespmem:$0x18400] =	vst v63  }
0x5f: {  	_ =	swait.ge [sflag:s17], $0x2000  }
0x60: {  	[sflag:s17] =	ssyncset.done $0x0  }
0x61: {  	s18 =	simm.s32 $0x200;
	[sflag:s17] =	ssyncadd.s32 $0xFFFFE000  }
0x62: {  	[tilespmem:s3], [sflag:$0x1] =	stream.indirect.gather [hbm4b:s20+s0], $0x40, s18, s0, $0xb8;
	[tilespmem:$0x18400] =	vst v63  }
0x63: {  	_ =	swait.ge [sflag:s13], $0x2000  }
0x64: {  	[sflag:s13] =	ssyncset.done $0x0  }
0x65: {  	s19 =	simm.s32 $0x2880;
	[sflag:s13] =	ssyncadd.s32 $0xFFFFE000  }
0x66: {  	[spmem:s1] =	stream.indirect.scatter.add.f32 [tilespmem:s4], [sflag:$0x5], $0x40, s19, s0, $0xb8;
	[tilespmem:$0x18400] =	vst v63  }
0x67: {  	_ =	swait.ge [sflag:s17], $0x2000  }
0x68: {  	[sflag:s17] =	ssyncset.done $0x0  }
0x69: {  	s10 =	simm.s32 $0x280;
	[sflag:s17] =	ssyncadd.s32 $0xFFFFE000  }
0x6a: {  	[tilespmem:s4], [sflag:$0x2] =	stream.indirect.gather [hbm4b:s20+s0], $0x40, s10, s0, $0xb8;
	[tilespmem:$0x18400] =	vst v63  }
0x6b: {  	_ =	swait.ge [sflag:s8], $0x2000  }
0x6c: {  	[sflag:s8] =	ssyncset.done $0x0  }
0x6d: {  	s16 =	simm.s32 $0x2900;
	[sflag:s8] =	ssyncadd.s32 $0xFFFFE000  }
0x6e: {  	[spmem:s1] =	stream.indirect.scatter.add.f32 [tilespmem:s5], [sflag:$0x5], $0x40, s16, s0, $0xb8;
	[tilespmem:$0x18400] =	vst v63  }
0x6f: {  	_ =	swait.ge [sflag:s17], $0x2000  }
0x70: {  	[sflag:s17] =	ssyncset.done $0x0  }
0x71: {  	s18 =	simm.s32 $0x300;
	[sflag:s17] =	ssyncadd.s32 $0xFFFFE000  }
0x72: {  	[tilespmem:s5], [sflag:$0x3] =	stream.indirect.gather [hbm4b:s20+s0], $0x40, s18, s0, $0xb8;
	[tilespmem:$0x18400] =	vst v63  }
0x73: {  	_ =	swait.ge [sflag:s14], $0x2000  }
0x74: {  	[sflag:s14] =	ssyncset.done $0x0  }
0x75: {  	s19 =	simm.s32 $0x2980;
	[sflag:s14] =	ssyncadd.s32 $0xFFFFE000  }
0x76: {  	[spmem:s1] =	stream.indirect.scatter.add.f32 [tilespmem:s6], [sflag:$0x5], $0x40, s19, s0, $0xb8;
	[tilespmem:$0x18400] =	vst v63  }
0x77: {  	_ =	swait.ge [sflag:s17], $0x2000  }
0x78: {  	s9 =	simm.s32 $0x200;
	s16 =	simm.s32 $0x1000;
	[sflag:s17] =	ssyncset.done $0x0  }
.LBB2_2:
0x79: {  	s19 =	sadd.s32 $0x180, s9  }
0x7a: {  	[sflag:s17] =	ssyncadd.s32 $0xFFFFE000;
	s10 =	smov.u32 s16;
	s18 =	sadd.s32 $0x800, s16  }
0x7b: {  	[tilespmem:s6], [sflag:$0x4] =	stream.indirect.gather [hbm4b:s20+s0], $0x40, s19, s0, $0xb8;
	[tilespmem:$0x18400] =	vst v63  }
0x7c: {  	p1 =	sne.s32 s16, $0x9000;
	_ =	swait.ge [sflag:s7], $0x2000  }
0x7d: {  	[sflag:s7] =	ssyncset.done $0x0  }
0x7e: {  	s16 =	sadd.s32 $0x2800, s9;
	[sflag:s7] =	ssyncadd.s32 $0xFFFFE000  }
0x7f: {  	[spmem:s1] =	stream.indirect.scatter.add.f32 [tilespmem:s3], [sflag:$0x5], $0x40, s16, s0, $0xb8;
	[tilespmem:$0x18400] =	vst v63  }
0x80: {  	_ =	swait.ge [sflag:s17], $0x2000  }
0x81: {  	[sflag:s17] =	ssyncset.done $0x0  }
0x82: {  	s16 =	sadd.s32 $0x200, s9;
	[sflag:s17] =	ssyncadd.s32 $0xFFFFE000  }
0x83: {  	[tilespmem:s3], [sflag:$0x1] =	stream.indirect.gather [hbm4b:s20+s0], $0x40, s16, s0, $0xb8;
	[tilespmem:$0x18400] =	vst v63  }
0x84: {  	_ =	swait.ge [sflag:s13], $0x2000  }
0x85: {  	[sflag:s13] =	ssyncset.done $0x0  }
0x86: {  	s16 =	sadd.s32 $0x2880, s9;
	[sflag:s13] =	ssyncadd.s32 $0xFFFFE000  }
0x87: {  	[spmem:s1] =	stream.indirect.scatter.add.f32 [tilespmem:s4], [sflag:$0x5], $0x40, s16, s0, $0xb8;
	[tilespmem:$0x18400] =	vst v63  }
0x88: {  	_ =	swait.ge [sflag:s17], $0x2000  }
0x89: {  	[sflag:s17] =	ssyncset.done $0x0  }
0x8a: {  	s16 =	sadd.s32 $0x280, s9;
	[sflag:s17] =	ssyncadd.s32 $0xFFFFE000  }
0x8b: {  	[tilespmem:s4], [sflag:$0x2] =	stream.indirect.gather [hbm4b:s20+s0], $0x40, s16, s0, $0xb8;
	[tilespmem:$0x18400] =	vst v63  }
0x8c: {  	_ =	swait.ge [sflag:s8], $0x2000  }
0x8d: {  	[sflag:s8] =	ssyncset.done $0x0  }
0x8e: {  	s16 =	sadd.s32 $0x2900, s9;
	[sflag:s8] =	ssyncadd.s32 $0xFFFFE000  }
0x8f: {  	[spmem:s1] =	stream.indirect.scatter.add.f32 [tilespmem:s5], [sflag:$0x5], $0x40, s16, s0, $0xb8;
	[tilespmem:$0x18400] =	vst v63  }
0x90: {  	_ =	swait.ge [sflag:s17], $0x2000  }
0x91: {  	[sflag:s17] =	ssyncset.done $0x0  }
0x92: {  	s16 =	sadd.s32 $0x300, s9;
	[sflag:s17] =	ssyncadd.s32 $0xFFFFE000  }
0x93: {  	[tilespmem:s5], [sflag:$0x3] =	stream.indirect.gather [hbm4b:s20+s0], $0x40, s16, s0, $0xb8;
	[tilespmem:$0x18400] =	vst v63  }
0x94: {  	_ =	swait.ge [sflag:s14], $0x2000  }
.Ltmp0:
0x95: {  	[sflag:s14] =	ssyncset.done $0x0;
	(pc) =	sbr.rel @p1 .LBB2_2-.Ltmp0, $4  }
0x96: {  	s9 =	sadd.s32 $0x2980, s9;
	[sflag:s14] =	ssyncadd.s32 $0xFFFFE000  }
0x97: {  	[spmem:s1] =	stream.indirect.scatter.add.f32 [tilespmem:s6], [sflag:$0x5], $0x40, s9, s0, $0xb8;
	[tilespmem:$0x18400] =	vst v63  }
0x98: {  	_ =	swait.ge [sflag:s17], $0x2000  }
0x99: {  	s16 =	smov.u32 s18;
	s9 =	sshra.s32 s10, $0x2;
	[sflag:s17] =	ssyncset.done $0x0  }
0x9a: {  	s10 =	sadd.s32 $0x180, s9;
	[sflag:s17] =	ssyncadd.s32 $0xFFFFE000  }
0x9b: {  	[tilespmem:s6], [sflag:$0x4] =	stream.indirect.gather [hbm4b:s20+s0], $0x40, s10, s0, $0xb8;
	[tilespmem:$0x18400] =	vst v63  }
0x9c: {  	_ =	swait.ge [sflag:s7], $0x2000  }
0x9d: {  	[sflag:s7] =	ssyncset.done $0x0  }
0x9e: {  	s16 =	sadd.s32 $0x2800, s9;
	[sflag:s7] =	ssyncadd.s32 $0xFFFFE000  }
0x9f: {  	[spmem:s1] =	stream.indirect.scatter.add.f32 [tilespmem:s3], [sflag:$0x5], $0x40, s16, s0, $0xb8;
	[tilespmem:$0x18400] =	vst v63  }
0xa0: {  	_ =	swait.ge [sflag:s17], $0x2000  }
0xa1: {  	[sflag:s17] =	ssyncset.done $0x0  }
0xa2: {  	s18 =	sadd.s32 $0x200, s9;
	[sflag:s17] =	ssyncadd.s32 $0xFFFFE000  }
0xa3: {  	[tilespmem:s3], [sflag:$0x1] =	stream.indirect.gather [hbm4b:s20+s0], $0x40, s18, s0, $0xb8;
	[tilespmem:$0x18400] =	vst v63  }
0xa4: {  	_ =	swait.ge [sflag:s13], $0x2000  }
0xa5: {  	[sflag:s13] =	ssyncset.done $0x0  }
0xa6: {  	s19 =	sadd.s32 $0x2880, s9;
	[sflag:s13] =	ssyncadd.s32 $0xFFFFE000  }
0xa7: {  	[spmem:s1] =	stream.indirect.scatter.add.f32 [tilespmem:s4], [sflag:$0x5], $0x40, s19, s0, $0xb8;
	[tilespmem:$0x18400] =	vst v63  }
0xa8: {  	_ =	swait.ge [sflag:s17], $0x2000  }
0xa9: {  	[sflag:s17] =	ssyncset.done $0x0  }
0xaa: {  	s16 =	sadd.s32 $0x280, s9;
	[sflag:s17] =	ssyncadd.s32 $0xFFFFE000  }
0xab: {  	[tilespmem:s4], [sflag:$0x2] =	stream.indirect.gather [hbm4b:s20+s0], $0x40, s16, s0, $0xb8;
	[tilespmem:$0x18400] =	vst v63  }
0xac: {  	_ =	swait.ge [sflag:s8], $0x2000  }
0xad: {  	[sflag:s8] =	ssyncset.done $0x0  }
0xae: {  	s18 =	sadd.s32 $0x2900, s9;
	[sflag:s8] =	ssyncadd.s32 $0xFFFFE000  }
0xaf: {  	[spmem:s1] =	stream.indirect.scatter.add.f32 [tilespmem:s5], [sflag:$0x5], $0x40, s18, s0, $0xb8;
	[tilespmem:$0x18400] =	vst v63  }
0xb0: {  	_ =	swait.ge [sflag:s17], $0x2000  }
0xb1: {  	[sflag:s17] =	ssyncset.done $0x0  }
0xb2: {  	s19 =	sadd.s32 $0x300, s9;
	[sflag:s17] =	ssyncadd.s32 $0xFFFFE000  }
0xb3: {  	[tilespmem:s5], [sflag:$0x3] =	stream.indirect.gather [hbm4b:s20+s0], $0x40, s19, s0, $0xb8;
	[tilespmem:$0x18400] =	vst v63  }
0xb4: {  	_ =	swait.ge [sflag:s14], $0x2000  }
0xb5: {  	[sflag:s14] =	ssyncset.done $0x0  }
0xb6: {  	s10 =	sadd.s32 $0x2980, s9;
	[sflag:s14] =	ssyncadd.s32 $0xFFFFE000  }
0xb7: {  	[spmem:s1] =	stream.indirect.scatter.add.f32 [tilespmem:s6], [sflag:$0x5], $0x40, s10, s0, $0xb8;
	[tilespmem:$0x18400] =	vst v63  }
0xb8: {  	_ =	swait.ge [sflag:s17], $0x2000  }
0xb9: {  	[sflag:s17] =	ssyncset.done $0x0  }
0xba: {  	s16 =	simm.s32 $0x2780;
	[sflag:s17] =	ssyncadd.s32 $0xFFFFE000  }
0xbb: {  	[tilespmem:s6], [sflag:$0x4] =	stream.indirect.gather [hbm4b:s20+s0], $0x40, s16, s0, $0xb8;
	[tilespmem:$0x18400] =	vst v63  }
0xbc: {  	_ =	swait.ge [sflag:s7], $0x2000  }
0xbd: {  	[sflag:s7] =	ssyncset.done $0x0  }
0xbe: {  	s18 =	simm.s32 $0x4E00;
	[sflag:s7] =	ssyncadd.s32 $0xFFFFE000  }
0xbf: {  	[spmem:s1] =	stream.indirect.scatter.add.f32 [tilespmem:s3], [sflag:$0x5], $0x40, s18, s0, $0xb8;
	[tilespmem:$0x18400] =	vst v63  }
0xc0: {  	_ =	swait.ge [sflag:s17], $0x2000  }
0xc1: {  	[sflag:s17] =	ssyncset.done $0x0  }
0xc2: {  	[sflag:s17] =	ssyncadd.s32 $0xFFFFE000  }
0xc3: {  	_ =	swait.ge [sflag:s13], $0x2000  }
0xc4: {  	[sflag:s13] =	ssyncset.done $0x0  }
0xc5: {  	s19 =	simm.s32 $0x4E80;
	[sflag:s13] =	ssyncadd.s32 $0xFFFFE000  }
0xc6: {  	[spmem:s1] =	stream.indirect.scatter.add.f32 [tilespmem:s4], [sflag:$0x5], $0x40, s19, s0, $0xb8;
	[tilespmem:$0x18400] =	vst v63  }
0xc7: {  	_ =	swait.ge [sflag:s17], $0x2000  }
0xc8: {  	[sflag:s17] =	ssyncset.done $0x0  }
0xc9: {  	[sflag:s17] =	ssyncadd.s32 $0xFFFFE000  }
0xca: {  	_ =	swait.ge [sflag:s8], $0x2000  }
0xcb: {  	[sflag:s8] =	ssyncset.done $0x0  }
0xcc: {  	s10 =	simm.s32 $0x4F00;
	[sflag:s8] =	ssyncadd.s32 $0xFFFFE000  }
0xcd: {  	[spmem:s1] =	stream.indirect.scatter.add.f32 [tilespmem:s5], [sflag:$0x5], $0x40, s10, s0, $0xb8;
	[tilespmem:$0x18400] =	vst v63  }
0xce: {  	_ =	swait.ge [sflag:s17], $0x2000  }
0xcf: {  	[sflag:s17] =	ssyncset.done $0x0  }
0xd0: {  	[sflag:s17] =	ssyncadd.s32 $0xFFFFE000  }
0xd1: {  	_ =	swait.ge [sflag:s14], $0x2000  }
0xd2: {  	[sflag:s14] =	ssyncset.done $0x0  }
0xd3: {  	s16 =	simm.s32 $0x4F80;
	[sflag:s14] =	ssyncadd.s32 $0xFFFFE000  }
0xd4: {  	[spmem:s1] =	stream.indirect.scatter.add.f32 [tilespmem:s6], [sflag:$0x5], $0x40, s16, s0, $0xb8;
	[tilespmem:$0x18400] =	vst v63  }
0xd5: {  	_ =	swait.ge [sflag:s17], $0x2000  }
0xd6: {  	[sflag:s17] =	ssyncset.done $0x0  }
0xd7: {  	[sflag:s17] =	ssyncadd.s32 $0xFFFFE000  }
0xd8: {  	s9 =	simm.s32 @!p0 $0xD000;
	s10 =	simm.s32 @!p0 $0x5;
	[bflag:$0x0] =	sbarrier.arrive $0xFFFF  }
0xd9: {  	[tilespmem:s9], [sflag:$0x5] =	stream.linear.gather @!p0 [spmem:s24], $0x1400, $0x38;
	[tilespmem:$0x18400] =	vst v63  }
0xda: {  	_ =	swait.ge @!p0 [sflag:s10], $0x1400  }
0xdb: {  	[sflag:s10] =	ssyncset.done @!p0 $0x0  }
0xdc: {  	s16 =	simm.s32 @!p0 $0x0;
	s18 =	rddreg [dreg:$0xc];
	[sflag:s10] =	ssyncadd.s32 @!p0 $0xFFFFEC00  }
0xdd: {  	[hbm4b:s18+s16] =	stream.linear.scatter @!p0 [tilespmem:s9], [sflag:$0x5], $0x1400, $0x38;
	[tilespmem:$0x18400] =	vst v63  }
0xde: {  	_ =	swait.ge @!p0 [sflag:s10], $0x1400  }
0xdf: {  	[sflag:s10] =	ssyncset.done @!p0 $0x0  }
0xe0: {  	[sflag:s10] =	ssyncadd.s32 @!p0 $0xFFFFEC00  }
0xe1: {  	[tilespmem:s9], [sflag:$0x5] =	stream.linear.gather @!p0 [spmem:s25], $0x1400, $0x38;
	[tilespmem:$0x18400] =	vst v63  }
0xe2: {  	_ =	swait.ge @!p0 [sflag:s10], $0x1400  }
0xe3: {  	[sflag:s10] =	ssyncset.done @!p0 $0x0  }
0xe4: {  	s18 =	rddreg [dreg:$0xd];
	[sflag:s10] =	ssyncadd.s32 @!p0 $0xFFFFEC00  }
0xe5: {  	[hbm4b:s18+s16] =	stream.linear.scatter @!p0 [tilespmem:s9], [sflag:$0x5], $0x1400, $0x38;
	[tilespmem:$0x18400] =	vst v63  }
0xe6: {  	_ =	swait.ge @!p0 [sflag:s10], $0x1400  }
0xe7: {  	[sflag:s10] =	ssyncset.done @!p0 $0x0  }
0xe8: {  	[sflag:s10] =	ssyncadd.s32 @!p0 $0xFFFFEC00  }
0xe9: {  	[tilespmem:s9], [sflag:$0x5] =	stream.linear.gather @!p0 [spmem:s26], $0x1400, $0x38;
	[tilespmem:$0x18400] =	vst v63  }
0xea: {  	_ =	swait.ge @!p0 [sflag:s10], $0x1400  }
0xeb: {  	[sflag:s10] =	ssyncset.done @!p0 $0x0  }
0xec: {  	s18 =	rddreg [dreg:$0xe];
	[sflag:s10] =	ssyncadd.s32 @!p0 $0xFFFFEC00  }
0xed: {  	[hbm4b:s18+s16] =	stream.linear.scatter @!p0 [tilespmem:s9], [sflag:$0x5], $0x1400, $0x38;
	[tilespmem:$0x18400] =	vst v63  }
0xee: {  	_ =	swait.ge @!p0 [sflag:s10], $0x1400  }
0xef: {  	[sflag:s10] =	ssyncset.done @!p0 $0x0  }
0xf0: {  	s18 =	rddreg [dreg:$0x9];
	[sflag:s10] =	ssyncadd.s32 @!p0 $0xFFFFEC00  }
0xf1: {  	[tilespmem:s31], [sflag:$0x5] =	stream.linear.gather [spmem:s18], $0x1400, $0x38;
	[tilespmem:$0x18400] =	vst v63  }
0xf2: {  	_ =	swait.ge [sflag:s17], $0x1400  }
0xf3: {  	[sflag:s17] =	ssyncset.done $0x0  }
0xf4: {  	[sflag:s17] =	ssyncadd.s32 $0xFFFFEC00  }
0xf5: {  	[hbm4b:s22+s2] =	stream.linear.scatter [tilespmem:s31], [sflag:$0x5], $0x1400, $0x38;
	[tilespmem:$0x18400] =	vst v63  }
0xf6: {  	_ =	swait.ge [sflag:s17], $0x1400  }
0xf7: {  	[sflag:s17] =	ssyncset.done $0x0  }
0xf8: {  	s19 =	rddreg [dreg:$0xa];
	[sflag:s17] =	ssyncadd.s32 $0xFFFFEC00  }
0xf9: {  	[tilespmem:s31], [sflag:$0x5] =	stream.linear.gather [spmem:s19], $0x1400, $0x38;
	[tilespmem:$0x18400] =	vst v63  }
0xfa: {  	_ =	swait.ge [sflag:s17], $0x1400  }
0xfb: {  	[sflag:s17] =	ssyncset.done $0x0  }
0xfc: {  	[sflag:s17] =	ssyncadd.s32 $0xFFFFEC00  }
0xfd: {  	[hbm4b:s21+s2] =	stream.linear.scatter [tilespmem:s31], [sflag:$0x5], $0x1400, $0x38;
	[tilespmem:$0x18400] =	vst v63  }
0xfe: {  	_ =	swait.ge [sflag:s17], $0x1400  }
0xff: {  	[sflag:s17] =	ssyncset.done $0x0  }
0x100: {  	s10 =	rddreg [dreg:$0xb];
	[sflag:s17] =	ssyncadd.s32 $0xFFFFEC00  }
0x101: {  	[tilespmem:s31], [sflag:$0x5] =	stream.linear.gather [spmem:s10], $0x1400, $0x38;
	[tilespmem:$0x18400] =	vst v63  }
0x102: {  	_ =	swait.ge [sflag:s17], $0x1400  }
0x103: {  	[sflag:s17] =	ssyncset.done $0x0  }
0x104: {  	s16 =	rddreg [dreg:$0x11];
	[sflag:s17] =	ssyncadd.s32 $0xFFFFEC00  }
0x105: {  	[hbm4b:s16+s2] =	stream.linear.scatter [tilespmem:s31], [sflag:$0x5], $0x1400, $0x38;
	[tilespmem:$0x18400] =	vst v63  }
0x106: {  	_ =	swait.ge [sflag:s17], $0x1400  }
0x107: {  	[sflag:s17] =	ssyncset.done $0x0  }
0x108: {  	[sflag:s17] =	ssyncadd.s32 $0xFFFFEC00  }
0x109: {  	[tilespmem:s31], [sflag:$0x5] =	stream.linear.gather [spmem:s11], $0x1400, $0x38;
	[tilespmem:$0x18400] =	vst v63  }
0x10a: {  	_ =	swait.ge [sflag:s17], $0x1400  }
0x10b: {  	[sflag:s17] =	ssyncset.done $0x0  }
0x10c: {  	s18 =	rddreg [dreg:$0x10];
	[sflag:s17] =	ssyncadd.s32 $0xFFFFEC00  }
0x10d: {  	[hbm4b:s18+s2] =	stream.linear.scatter [tilespmem:s31], [sflag:$0x5], $0x1400, $0x38;
	[tilespmem:$0x18400] =	vst v63  }
0x10e: {  	_ =	swait.ge [sflag:s17], $0x1400  }
0x10f: {  	[sflag:s17] =	ssyncset.done $0x0  }
0x110: {  	[sflag:s17] =	ssyncadd.s32 $0xFFFFEC00  }
0x111: {  	[tilespmem:s31], [sflag:$0x5] =	stream.linear.gather [spmem:s12], $0x1400, $0x38;
	[tilespmem:$0x18400] =	vst v63  }
0x112: {  	s15 =	sadd.s32 $0x1, s15;
	_ =	swait.ge [sflag:s17], $0x1400  }
0x113: {  	p1 =	sne.s32 s15, s30;
	[sflag:s17] =	ssyncset.done $0x0  }
.Ltmp1:
0x114: {  	s19 =	rddreg [dreg:$0xf];
	[sflag:s17] =	ssyncadd.s32 $0xFFFFEC00;
	(pc) =	sbr.rel @p1 .LBB2_1-.Ltmp1, $4  }
0x115: {  	[hbm4b:s19+s2] =	stream.linear.scatter [tilespmem:s31], [sflag:$0x5], $0x1400, $0x38;
	[tilespmem:$0x18400] =	vst v63  }
0x116: {  	_ =	swait.ge [sflag:s17], $0x1400  }
0x117: {  	[sflag:s17] =	ssyncset.done $0x0  }
0x118: {  	[sflag:s17] =	ssyncadd.s32 $0xFFFFEC00  }
0x119: {  	_ =	sfence.sel $0x180000  }
0x11a: {  	[bflag:$0x0] =	sbarrier.arrive $0xFFFF  }
0x11b: {  	_ =	strace $0x9000004D  }
0x11c: {  	s0 =	stileid.u32;
	[bflag:$0x2] =	sbarrier.arrive $0xFFFF  }
0x11d: {  	p0 =	sne.s32 s0, $0x0;
	s0 =	rddreg [dreg:$0x3]  }
0x11e: {  	s0 =	sadd.s32 @!p0 $0x100000, s0  }
0x11f: {  	[sflag:s0] =	ssyncadd.tile.s32 @!p0 $0x1;
	_ =	shalt  }
.Lfunc_end2:
_tile_overlayer_lowered:
.L_overlay_start_2:
0x120: {  	(tag) =	ssettag $0x2  }
0x121: {  	s0 =	rddreg [dreg:$0x0];
	s2 =	stileid.u32  }
0x122: {  	s1 =	rddreg [dreg:$0x1];
	p0 =	sne.s32 s2, $0x0  }
0x123: {  	s3 =	rddreg [dreg:$0x2];
	[bflag:$0x3] =	sbarrier.arrive $0xFFFF;
	s2 =	simm.s32 @!p0 $0x1C05  }
0x124: {  	[timem:s3], [sflag:s2] =	dma.local @!p0 [hbm:s0], s1  }
0x125: {  	s0 =	simm.s32 @!p0 $0x5  }
0x126: {  	_ =	swait.ge @!p0 [sflag:s0], s1  }
0x127: {  	s1 =	ssub.s32 @!p0 $0x0, s1;
	[sflag:s0] =	ssyncset.done @!p0 $0x0  }
0x128: {  	[sflag:s0] =	ssyncadd.s32 @!p0 s1  }
0x129: {  	[bflag:$0x3] =	sbarrier.arrive $0xFFFF  }
0x12a: {  	_ =	shalt  }

// kernel: kernel.9.cloned.1.call-start
scs
__scs_entry_jumppad:
0x0: {  	(pc) =	sbr.rel $0x88, $3  }
0x1: {  	(tag) =	ssettag $0x0;
	lr =	simm.s32 $0x1  }
0x2: {  	[smem:$0x3F9B] =	sst lr;
	_ =	strace $0xD0000000  }
0x3: {  	_ = 	snop  }
0x4: {  	_ = 	snop  }
0x5: {  	_ = 	snop  }
0x6: {  	_ = 	snop  }
0x7: {  	_ = 	snop  }
__scs_overlays_trampoline_lowered:
0x8: {  	[smem:$0x3FAA] =	sst s0  }
0x9: {  	[smem:$0x3FAB] =	sst s1  }
0xa: {  	[smem:$0x3FAC] =	sst s2  }
0xb: {  	[smem:$0x3FAD] =	sst s3  }
0xc: {  	[smem:$0x3FAE] =	sst s4  }
0xd: {  	[smem:$0x3FAF] =	sst s5  }
0xe: {  	[smem:$0x3FB0] =	sst s6  }
0xf: {  	[smem:$0x3FB1] =	sst s7  }
0x10: {  	[smem:$0x3FB2] =	sst s8  }
0x11: {  	[smem:$0x3FB3] =	sst s9;
	s0 =	simm.s32 @!p0 $0x0  }
0x12: {  	s1 =	sld [smem:$0x3F99];
	s0 =	simm.s32 @p0 $0x1  }
0x13: {  	[smem:$0x3FB4] =	sst s0;
	s0 =	simm.s32 @!p1 $0x0  }
0x14: {  	s2 =	sld [smem:$0x3F98];
	s0 =	simm.s32 @p1 $0x1  }
0x15: {  	[smem:$0x3FB5] =	sst s0;
	s0 =	simm.s32 @!p2 $0x0  }
0x16: {  	s3 =	sld [smem:$0x3FDB];
	s0 =	simm.s32 @p2 $0x1  }
0x17: {  	s4 =	simm.s32 $0x1BF5;
	[smem:$0x3FB7] =	sst s0  }
0x18: {  	s0 =	sld [smem:$0x3F9A];
	_ =	swait.ge [sflag:s4], $0x0  }
0x19: {  	s7 =	sld [smem:$0x3F9B]  }
0x1a: {  	s8 =	sadd.s32 $0xFFFFE003, lr  }
0x1b: {  	s9 =	sadd.s32 $0xFFFFFEF7, lr;
	s5 =	simm.s32 $0xFFFFFFFF;
	p2 =	slt.u32 s8, $0xFFFFF086  }
0x1c: {  	p1 =	slt.u32 s9, $0xF7A;
	s5 =	simm.s32 @!p2 $0x0  }
0x1d: {  	s5 =	simm.s32 @p1 $0x1;
	p0 =	seq.s32 s7, s2  }
0x1e: {  	s7 =	smul.u32 @!p0 $0xF7A, s2;
	p2 =	seq.s32 @!p0 s5, $0x0  }
0x1f: {  	s9 =	smul.u32 $0xF7A, s1;
	s8 =	simm.s32 @!p0 $0x1BF5;
	p2 =	por !p2, p0  }
0x20: {  	[sflag:s8] =	ssyncset.s32 @!p0 $0xFFFFF086;
	s6 =	sadd.s32 @!p0 s3, s7;
	s7 =	simm.s32 @!p0 $0x108  }
0x21: {  	s3 =	sadd.s32 s3, s9;
	s6 =	sadd.s32 @!p0 $0x88, s6;
	s7 =	simm.s32 @p2 $0x1082  }
0x22: {  	[simem:s7], [sflag:s8] =	dma.local @!p0 [hbm:s6], $0xF7A  }
0x23: {  	s9 =	sor.u32 $0xD0000000, s2;
	s6 =	simm.s32 $0x108;
	_ =	swait.ge @!p0 [sflag:s8], $0x0  }
0x24: {  	s3 =	sadd.s32 $0x88, s3;
	s6 =	simm.s32 @!p1 $0x1082;
	[sflag:s4] =	ssyncset.s32 $0xFFFFF086  }
0x25: {  	[simem:s6], [sflag:s4] =	dma.local [hbm:s3], $0xF7A  }
0x26: {  	[smem:$0x3F9B] =	sst s1;
	(tag) =	ssettag s2;
	_ =	strace s9  }
0x27: {  	s1 =	sld [smem:$0x3FAB]  }
0x28: {  	s2 =	sld [smem:$0x3FAC]  }
0x29: {  	s4 =	sld [smem:$0x3FAE]  }
0x2a: {  	p0 =	seq.s32 s5, $0x0;
	s5 =	sld [smem:$0x3FAF]  }
0x2b: {  	s6 =	sld [smem:$0x3FB0]  }
0x2c: {  	s7 =	sld [smem:$0x3FB1]  }
0x2d: {  	s3 =	simm.s32 $0x108;
	s8 =	sld [smem:$0x3FB2]  }
0x2e: {  	s3 =	simm.s32 @!p0 $0x1082;
	s9 =	sld [smem:$0x3FB3]  }
0x2f: {  	lr =	sadd.s32 s0, s3;
	s0 =	sld [smem:$0x3FAA]  }
0x30: {  	s3 =	sld [smem:$0x3FAD]  }
0x31: {  	[smem:$0x3FB6] =	sst s10  }
0x32: {  	s10 =	sld [smem:$0x3FB4];
	_ =	sdelay $0x3  }
0x33: {  	p0 =	seq.s32 s10, $0x1;
	s10 =	sld [smem:$0x3FB6];
	_ =	sdelay $0x3  }
0x34: {  	[smem:$0x3FB6] =	sst s10  }
0x35: {  	s10 =	sld [smem:$0x3FB5];
	_ =	sdelay $0x3  }
0x36: {  	p1 =	seq.s32 s10, $0x1;
	s10 =	sld [smem:$0x3FB6];
	_ =	sdelay $0x3  }
0x37: {  	[smem:$0x3FB6] =	sst s10  }
0x38: {  	s10 =	sld [smem:$0x3FB7]  }
0x39: {  	_ = 	snop;
	(pc) =	sbr.ind lr, $3  }
0x3a: {  	_ = 	snop  }
0x3b: {  	_ = 	snop  }
0x3c: {  	p2 =	seq.s32 s10, $0x1;
	s10 =	sld [smem:$0x3FB6]  }
0x3d: {  	_ =	shalt  }
0x3e: {  	_ =	shalt  }
0x3f: {  	_ =	shalt  }
0x40: {  	_ =	shalt  }
0x41: {  	_ =	shalt  }
0x42: {  	_ =	shalt  }
0x43: {  	_ =	shalt  }
0x44: {  	_ =	shalt  }
0x45: {  	_ =	shalt  }
0x46: {  	_ =	shalt  }
0x47: {  	_ =	shalt  }
0x48: {  	_ =	shalt  }
0x49: {  	_ =	shalt  }
0x4a: {  	_ =	shalt  }
0x4b: {  	_ =	shalt  }
0x4c: {  	_ =	shalt  }
0x4d: {  	_ =	shalt  }
0x4e: {  	_ =	shalt  }
0x4f: {  	_ =	shalt  }
0x50: {  	_ =	shalt  }
0x51: {  	_ =	shalt  }
0x52: {  	_ =	shalt  }
0x53: {  	_ =	shalt  }
0x54: {  	_ =	shalt  }
0x55: {  	_ =	shalt  }
0x56: {  	_ =	shalt  }
0x57: {  	_ =	shalt  }
0x58: {  	_ =	shalt  }
0x59: {  	_ =	shalt  }
0x5a: {  	_ =	shalt  }
0x5b: {  	_ =	shalt  }
0x5c: {  	_ =	shalt  }
0x5d: {  	_ =	shalt  }
0x5e: {  	_ =	shalt  }
0x5f: {  	_ =	shalt  }
0x60: {  	_ =	shalt  }
0x61: {  	_ =	shalt  }
0x62: {  	_ =	shalt  }
0x63: {  	_ =	shalt  }
0x64: {  	_ =	shalt  }
0x65: {  	_ =	shalt  }
0x66: {  	_ =	shalt  }
0x67: {  	_ =	shalt  }
0x68: {  	_ =	shalt  }
0x69: {  	_ =	shalt  }
0x6a: {  	_ =	shalt  }
0x6b: {  	_ =	shalt  }
0x6c: {  	_ =	shalt  }
0x6d: {  	_ =	shalt  }
0x6e: {  	_ =	shalt  }
0x6f: {  	_ =	shalt  }
0x70: {  	_ =	shalt  }
0x71: {  	_ =	shalt  }
0x72: {  	_ =	shalt  }
0x73: {  	_ =	shalt  }
0x74: {  	_ =	shalt  }
0x75: {  	_ =	shalt  }
0x76: {  	_ =	shalt  }
0x77: {  	_ =	shalt  }
0x78: {  	_ =	shalt  }
0x79: {  	_ =	shalt  }
0x7a: {  	_ =	shalt  }
0x7b: {  	_ =	shalt  }
0x7c: {  	_ =	shalt  }
0x7d: {  	_ =	shalt  }
0x7e: {  	_ =	shalt  }
0x7f: {  	_ =	shalt  }
0x80: {  	_ =	shalt  }
0x81: {  	_ =	shalt  }
0x82: {  	_ =	shalt  }
0x83: {  	_ =	shalt  }
0x84: {  	_ =	shalt  }
0x85: {  	_ =	shalt  }
0x86: {  	_ =	shalt  }
0x87: {  	_ =	shalt  }
.Lfunc_end0:
.L_simem_size_0:
called_computation_lowered:
.L_overlay_start_0:
0x88: {  	s2 =	sld [smem:$0x3FD9]  }
0x89: {  	s3 =	sld [smem:$0x3FFE];
	_ =	sdelay $0x1  }
0x8a: {  	s1 =	srdreg.scid  }
0x8b: {  	s0 =	sand.u32 $0x1, s1  }
0x8c: {  	s17 =	sshll.u32 s0, $0xA;
	s2 =	sadd.s32 s3, s2  }
0x8d: {  	s2 =	sadd.s32 s2, s17  }
0x8e: {  	[smem:$0x3FC2] =	sst s2  }
0x8f: {  	_ = 	snop  }
0x90: {  	s2 =	sld [smem:$0x3FD0];
	(tm) =	ssettm $0x1  }
0x91: {  	s18 =	sld [smem:$0x3FFB];
	_ =	sdelay $0x3  }
0x92: {  	_ =	strace s18  }
0x93: {  	s3 =	sld [smem:$0x3FFC];
	_ =	sdelay $0x3  }
0x94: {  	_ =	strace s3  }
0x95: {  	s3 =	sld [smem:$0x3FFD];
	_ =	sdelay $0x3  }
0x96: {  	_ =	strace s3  }
0x97: {  	_ =	strace $0x8FFFFFFF  }
0x98: {  	s19 =	sld [smem:$0x3FDB];
	_ =	sdelay $0x1  }
0x99: {  	s4 =	simm.s32 $_scs_section_size  }
0x9a: {  	s5 =	simm.s32 $_size__tile_overlayer_lowered;
	s6 =	simm.s32 $_tile_overlayer_lowered  }
0x9b: {  	s22 =	simm.s32 $0x1BFF;
	s21 =	sshll.u32 s6, $0x1;
	s3 =	sadd.s32 s4, s19  }
0x9c: {  	s7 =	simm.s32 $0x0;
	s20 =	sshll.u32 s5, $0x1;
	s5 =	sadd.s32 s21, s3  }
0x9d: {  	[timem:s7], [sflag:s22] =	dma.local [hbm:s5], s20  }
0x9e: {  	_ =	swait.ge [sflag:s22], s20  }
0x9f: {  	s4 =	ssub.s32 $0x0, s20;
	[sflag:s22] =	ssyncset.done $0x0  }
0xa0: {  	[sflag:s22] =	ssyncadd.s32 s4;
	_ =	sdelay $0x1  }
0xa1: {  	s23 =	simm.s32 $0x1B8B  }
0xa2: {  	_ =	swait.ge [sflag:s23], $0x1  }
0xa3: {  	[sflag:s23] =	ssyncset.done $0x0  }
0xa4: {  	s25 =	simm.s32 $0x1B8E;
	s24 =	sld [smem:$0x3FFE];
	[sflag:s23] =	ssyncadd.s32 $0xFFFFFFFF  }
0xa5: {  	s26 =	simm.s32 $execute0_lowered;
	[smem:$0x3FD2] =	sst s25  }
0xa6: {  	s5 =	sshll.u32 s26, $0x1;
	_ =	strace $0x80000046;
	[dreg:$0x1] =	wrdreg $0xFFFFFFFF  }
0xa7: {  	s28 =	simm.s32 $_size_execute0_lowered;
	s3 =	sadd.s32 s3, s5;
	[dreg:$0x0] =	wrdreg $0x0  }
0xa8: {  	s5 =	sshll.u32 s28, $0x1;
	[dreg:$0x2] =	wrdreg s3  }
0xa9: {  	[dreg:$0x3] =	wrdreg s5  }
0xaa: {  	[dreg:$0x4] =	wrdreg $0xC0  }
0xab: {  	_ =	task [dreg:s7], $0x5FFFF  }
0xac: {  	[dreg:$0x1] =	wrdreg $0xFFFFFFFF  }
0xad: {  	[dreg:$0x0] =	wrdreg $0x60  }
0xae: {  	[dreg:$0x2] =	wrdreg s24  }
0xaf: {  	[dreg:$0x3] =	wrdreg s2  }
0xb0: {  	[dreg:$0x4] =	wrdreg $0x2B800  }
0xb1: {  	[dreg:$0x5] =	wrdreg $0x9  }
0xb2: {  	_ =	task.clear_ibuf [dreg:s7], $0x6FFFF;
	_ =	strace $0x90000046  }
0xb3: {  	s29 =	simm.s32 $0x9;
	_ =	strace $0x80000048  }
0xb4: {  	_ =	swait.ge [sflag:s29], $0x1  }
0xb5: {  	[sflag:s29] =	ssyncadd.s32 $0xFFFFFFFF  }
0xb6: {  	_ =	strace $0x90000048  }
0xb7: {  	_ =	sfence  }
0xb8: {  	s30 =	sld [smem:$0x0];
	_ =	sdelay $0x2  }
0xb9: {  	s31 =	sshll.u32 s1, $0xD;
	s1 =	sshrl.u32 s1, $0x2  }
0xba: {  	s3 =	sand.u32 $0x4000, s31;
	s1 =	sadd.s32 s1, s30  }
0xbb: {  	s0 =	sor.u32 s3, s0;
	s1 =	sshll.u32 s1, $0x11  }
0xbc: {  	s0 =	sor.u32 s1, s0  }
0xbd: {  	s0 =	sadd.s32 $0x8F2B, s0  }
0xbe: {  	[sflag:s0] =	ssyncadd.remote.s32 $0x1  }
0xbf: {  	_ =	sfence.sel $0xFFFF  }
0xc0: {  	[dreg:$0x0] =	wrdreg $0xFFFFFFFF;
	(pc) =	sbr.abs _section_cstart, $3  }
0xc1: {  	[dreg:$0x1] =	wrdreg $0xFFFFFFFF  }
0xc2: {  	_ =	task.clear_ibuf [dreg:s7], $0x2FFFF;
	_ =	strace $0x9FFFFFFF  }
0xc3: {  	(tm) =	ssettm $0x7FFFFFFF  }
tec
execute0_lowered:
.L_overlay_start_1:
0x0: {  	(tag) =	ssettag $0x1  }
0x1: {  	s0 =	rddreg [dreg:$0x0]  }
0x2: {  	s1 =	srdreg.scid;
	s9 =	rddreg [dreg:$0x1]  }
0x3: {  	s8 =	stileid.u32;
	s3 =	rddreg [dreg:$0x2]  }
0x4: {  	s30 =	simm.s32 $0x0;
	s1 =	sand.u32 $0x1, s1;
	s2 =	sshll.u32 s8, $0x1  }
0x5: {  	[smem:$0x7FF] =	sst s30;
	s4 =	smul.u32 $0x280, s8;
	s10 =	sadd.s32 $0x16A00, s0  }
0x6: {  	p4 =	sne.s32 s8, $0xF;
	p1 =	seq.s32 s8, $0xF;
	s2 =	sor.u32 s1, s2  }
0x7: {  	_ =	strace $0x80000047;
	s6 =	ssub.s32 $0x2, s1;
	s5 =	sadd.s32 s4, s3  }
0x8: {  	p3 =	seq.s32 s1, $0x0;
	[dreg:$0x4] =	wrdreg s10;
	s29 =	sadd.s32 $0x10, s5  }
0x9: {  	s7 =	sshrl.u32 s6, $0x1;
	s31 =	sadd.s32 $0x20, s5;
	[dreg:$0x5] =	wrdreg s29  }
0xa: {  	s28 =	ssub.s32 s6, s7;
	s7 =	sadd.s32 $0x30, s5;
	[dreg:$0x6] =	wrdreg s31  }
0xb: {  	p2 =	seq.s32 s1, $0x1;
	s11 =	sadd.s32 $0x40, s5;
	[dreg:$0x7] =	wrdreg s7  }
0xc: {  	s2 =	smul.u32 $0x500, s2;
	s12 =	sadd.s32 $0x50, s5;
	[dreg:$0x8] =	wrdreg s11  }
0xd: {  	p0 =	por !p3, !p4;
	s13 =	sadd.s32 $0x60, s5;
	[dreg:$0x9] =	wrdreg s12  }
0xe: {  	p3 =	por !p3, !p1;
	s14 =	sadd.s32 $0x70, s5;
	[dreg:$0xa] =	wrdreg s13  }
0xf: {  	s23 =	sshrl.u32 s4, $0x3;
	s15 =	sadd.s32 $0x80, s5;
	[dreg:$0xb] =	wrdreg s14  }
0x10: {  	p4 =	por !p4, !p2;
	s16 =	sadd.s32 $0x90, s5;
	[dreg:$0xc] =	wrdreg s15  }
0x11: {  	s17 =	sadd.s32 $0xA0, s5;
	s18 =	sadd.s32 $0xB0, s5;
	[dreg:$0xd] =	wrdreg s16  }
0x12: {  	s19 =	sadd.s32 $0xC0, s5;
	s20 =	sadd.s32 $0xD0, s5;
	[dreg:$0xe] =	wrdreg s17  }
0x13: {  	s21 =	sadd.s32 $0xE0, s5;
	s22 =	sadd.s32 $0xF0, s5;
	[dreg:$0xf] =	wrdreg s18  }
0x14: {  	p0 =	por !p0, !p0;
	p3 =	por !p3, !p3;
	[dreg:$0x10] =	wrdreg s19  }
0x15: {  	s24 =	sadd.s32 s9, s23;
	p4 =	por !p4, !p4;
	[dreg:$0x11] =	wrdreg s20  }
0x16: {  	s1 =	sadd.s32 s10, s23;
	s25 =	sadd.s32 $0x100, s5;
	[dreg:$0x12] =	wrdreg s21  }
0x17: {  	s26 =	sadd.s32 $0x110, s5;
	s23 =	sadd.s32 $0x180, s5;
	[dreg:$0x13] =	wrdreg s22  }
0x18: {  	s6 =	sadd.s32 $0x190, s5;
	s8 =	sadd.s32 $0x1C0, s5;
	[dreg:$0x15] =	wrdreg s24  }
0x19: {  	s9 =	sadd.s32 $0x1D0, s5;
	s10 =	sadd.s32 $0x1E0, s5;
	[dreg:$0x16] =	wrdreg s1  }
0x1a: {  	s4 =	sadd.s32 $0x240, s5;
	s2 =	sadd.s32 s2, s0;
	[dreg:$0x18] =	wrdreg s25  }
0x1b: {  	s0 =	smax.u32 s28, $0x1;
	[dreg:$0x19] =	wrdreg s26;
	s28 =	sadd.s32 $0x120, s5  }
0x1c: {  	s29 =	sadd.s32 $0x130, s5;
	s31 =	sadd.s32 $0x140, s5;
	s1 =	sadd.s32 $0x150, s5  }
0x1d: {  	s24 =	sadd.s32 $0x1A0, s5;
	s7 =	sadd.s32 $0x1B0, s5;
	s11 =	sadd.s32 $0x1F0, s5  }
0x1e: {  	s12 =	sadd.s32 $0x200, s5;
	s13 =	sadd.s32 $0x210, s5;
	s14 =	sadd.s32 $0x220, s5  }
0x1f: {  	s15 =	sadd.s32 $0x230, s5;
	s16 =	sadd.s32 $0x250, s5;
	s17 =	sadd.s32 $0x260, s5  }
0x20: {  	s18 =	sadd.s32 $0x270, s5;
	s19 =	sadd.s32 $0x2580, s3;
	[dreg:$0x17] =	wrdreg s0  }
.Ltmp0:
0x21: {  	s20 =	simm.s32 $0x1;
	[dreg:$0x1a] =	wrdreg s28;
	(pc) =	sbr.rel .LBB2_1-.Ltmp0, $4  }
0x22: {  	s21 =	simm.s32 $0x80;
	s22 =	simm.s32 $0x2800;
	[dreg:$0x1b] =	wrdreg s29  }
0x23: {  	s25 =	simm.s32 $0x2900;
	s26 =	simm.s32 $0x0;
	[dreg:$0x1c] =	wrdreg s31  }
0x24: {  	s2 =	sadd.s32 $0x2A00, s2;
	s0 =	sadd.s32 $0x160, s5;
	[dreg:$0x1d] =	wrdreg s19  }
0x25: {  	v0 =	vimm.f32 $0.0e+00;
	v1 =	vimm.f32 $1.000000000e+00;
	s19 =	simm.s32 $0x2880;
	[dreg:$0x14] =	wrdreg s2;
	s2 =	sadd.s32 $0x170, s5  }
.LBB2_7:
0x26: {  	s29 =	rddreg [dreg:$0x1d]  }
0x27: {  	[tilespmem:s25], [sflag:$0x1] =	stream.linear.gather [spmem:s29], $0x190, $0x38;
	[tilespmem:$0x2E00] =	vst v63  }
0x28: {  	_ =	swait.ge [sflag:s20], $0x190  }
0x29: {  	[sflag:s20] =	ssyncset.done $0x0  }
0x2a: {  	s28 =	sadd.s32 $0x4B0, s28;
	[sflag:s20] =	ssyncadd.s32 $0xFFFFFE70  }
0x2b: {  	[hbm4b:s28+s30] =	stream.linear.scatter [tilespmem:s25], [sflag:$0x1], $0x190, $0x38;
	[tilespmem:$0x2E00] =	vst v63  }
0x2c: {  	_ =	swait.ge [sflag:s20], $0x190  }
0x2d: {  	[sflag:s20] =	ssyncset.done $0x0  }
0x2e: {  	[sflag:s20] =	ssyncadd.s32 $0xFFFFFE70  }
.LBB2_8:
0x2f: {  	s26 =	sadd.s32 $0x1, s26;
	s28 =	rddreg [dreg:$0x17]  }
0x30: {  	p5 =	sne.s32 s26, s28  }
.Ltmp1:
0x31: {  	_ = 	snop;
	(pc) =	sbr.rel @!p5 .LBB2_9-.Ltmp1, $1  }
0x32: {  	_ =	sdelay $0x3  }
.LBB2_1:
0x33: {  	[tilespmem:$0x2880] =	vst v0  }
0x34: {  	[tilespmem:$0x2800] =	vst v1  }
0x35: {  	[tilespmem:$0x2810] =	vst v1  }
0x36: {  	[tilespmem:$0x2820] =	vst v1  }
0x37: {  	[tilespmem:$0x2830] =	vst v1  }
0x38: {  	[tilespmem:$0x2840] =	vst v1  }
0x39: {  	[tilespmem:$0x2850] =	vst v1  }
0x3a: {  	[tilespmem:$0x2860] =	vst v1  }
0x3b: {  	[tilespmem:$0x2870] =	vst v1  }
0x3c: {  	[spmem:s5] =	stream.linear.scatter [tilespmem:s19], [sflag:$0x1], $0x10, $0x38;
	[tilespmem:$0x2E00] =	vst v63  }
0x3d: {  	_ =	swait.ge [sflag:s20], $0x10  }
0x3e: {  	[sflag:s20] =	ssyncset.done $0x0  }
0x3f: {  	s28 =	rddreg [dreg:$0x5];
	[sflag:s20] =	ssyncadd.s32 $0xFFFFFFF0  }
0x40: {  	[spmem:s28] =	stream.linear.scatter [tilespmem:s19], [sflag:$0x1], $0x10, $0x38;
	[tilespmem:$0x2E00] =	vst v63  }
0x41: {  	_ =	swait.ge [sflag:s20], $0x10  }
0x42: {  	[sflag:s20] =	ssyncset.done $0x0  }
0x43: {  	s28 =	rddreg [dreg:$0x6];
	[sflag:s20] =	ssyncadd.s32 $0xFFFFFFF0  }
0x44: {  	[spmem:s28] =	stream.linear.scatter [tilespmem:s19], [sflag:$0x1], $0x10, $0x38;
	[tilespmem:$0x2E00] =	vst v63  }
0x45: {  	_ =	swait.ge [sflag:s20], $0x10  }
0x46: {  	[sflag:s20] =	ssyncset.done $0x0  }
0x47: {  	s28 =	rddreg [dreg:$0x7];
	[sflag:s20] =	ssyncadd.s32 $0xFFFFFFF0  }
0x48: {  	[spmem:s28] =	stream.linear.scatter [tilespmem:s19], [sflag:$0x1], $0x10, $0x38;
	[tilespmem:$0x2E00] =	vst v63  }
0x49: {  	_ =	swait.ge [sflag:s20], $0x10  }
0x4a: {  	[sflag:s20] =	ssyncset.done $0x0  }
0x4b: {  	s28 =	rddreg [dreg:$0x8];
	[sflag:s20] =	ssyncadd.s32 $0xFFFFFFF0  }
0x4c: {  	[spmem:s28] =	stream.linear.scatter [tilespmem:s19], [sflag:$0x1], $0x10, $0x38;
	[tilespmem:$0x2E00] =	vst v63  }
0x4d: {  	_ =	swait.ge [sflag:s20], $0x10  }
0x4e: {  	[sflag:s20] =	ssyncset.done $0x0  }
0x4f: {  	s28 =	rddreg [dreg:$0x9];
	[sflag:s20] =	ssyncadd.s32 $0xFFFFFFF0  }
0x50: {  	[spmem:s28] =	stream.linear.scatter [tilespmem:s19], [sflag:$0x1], $0x10, $0x38;
	[tilespmem:$0x2E00] =	vst v63  }
0x51: {  	_ =	swait.ge [sflag:s20], $0x10  }
0x52: {  	[sflag:s20] =	ssyncset.done $0x0  }
0x53: {  	s28 =	rddreg [dreg:$0xa];
	[sflag:s20] =	ssyncadd.s32 $0xFFFFFFF0  }
0x54: {  	[spmem:s28] =	stream.linear.scatter [tilespmem:s19], [sflag:$0x1], $0x10, $0x38;
	[tilespmem:$0x2E00] =	vst v63  }
0x55: {  	_ =	swait.ge [sflag:s20], $0x10  }
0x56: {  	[sflag:s20] =	ssyncset.done $0x0  }
0x57: {  	s28 =	rddreg [dreg:$0xb];
	[sflag:s20] =	ssyncadd.s32 $0xFFFFFFF0  }
0x58: {  	[spmem:s28] =	stream.linear.scatter [tilespmem:s19], [sflag:$0x1], $0x10, $0x38;
	[tilespmem:$0x2E00] =	vst v63  }
0x59: {  	_ =	swait.ge [sflag:s20], $0x10  }
0x5a: {  	[sflag:s20] =	ssyncset.done $0x0  }
0x5b: {  	s28 =	rddreg [dreg:$0xc];
	[sflag:s20] =	ssyncadd.s32 $0xFFFFFFF0  }
0x5c: {  	[spmem:s28] =	stream.linear.scatter [tilespmem:s19], [sflag:$0x1], $0x10, $0x38;
	[tilespmem:$0x2E00] =	vst v63  }
0x5d: {  	_ =	swait.ge [sflag:s20], $0x10  }
0x5e: {  	[sflag:s20] =	ssyncset.done $0x0  }
0x5f: {  	s28 =	rddreg [dreg:$0xd];
	[sflag:s20] =	ssyncadd.s32 $0xFFFFFFF0  }
0x60: {  	[spmem:s28] =	stream.linear.scatter [tilespmem:s19], [sflag:$0x1], $0x10, $0x38;
	[tilespmem:$0x2E00] =	vst v63  }
0x61: {  	_ =	swait.ge [sflag:s20], $0x10  }
0x62: {  	[sflag:s20] =	ssyncset.done $0x0  }
0x63: {  	s28 =	rddreg [dreg:$0xe];
	[sflag:s20] =	ssyncadd.s32 $0xFFFFFFF0  }
0x64: {  	[spmem:s28] =	stream.linear.scatter [tilespmem:s19], [sflag:$0x1], $0x10, $0x38;
	[tilespmem:$0x2E00] =	vst v63  }
0x65: {  	_ =	swait.ge [sflag:s20], $0x10  }
0x66: {  	[sflag:s20] =	ssyncset.done $0x0  }
0x67: {  	s28 =	rddreg [dreg:$0xf];
	[sflag:s20] =	ssyncadd.s32 $0xFFFFFFF0  }
0x68: {  	[spmem:s28] =	stream.linear.scatter [tilespmem:s19], [sflag:$0x1], $0x10, $0x38;
	[tilespmem:$0x2E00] =	vst v63  }
0x69: {  	_ =	swait.ge [sflag:s20], $0x10  }
0x6a: {  	[sflag:s20] =	ssyncset.done $0x0  }
0x6b: {  	s28 =	rddreg [dreg:$0x10];
	[sflag:s20] =	ssyncadd.s32 $0xFFFFFFF0  }
0x6c: {  	[spmem:s28] =	stream.linear.scatter [tilespmem:s19], [sflag:$0x1], $0x10, $0x38;
	[tilespmem:$0x2E00] =	vst v63  }
0x6d: {  	_ =	swait.ge [sflag:s20], $0x10  }
0x6e: {  	[sflag:s20] =	ssyncset.done $0x0  }
0x6f: {  	s28 =	rddreg [dreg:$0x11];
	[sflag:s20] =	ssyncadd.s32 $0xFFFFFFF0  }
0x70: {  	[spmem:s28] =	stream.linear.scatter [tilespmem:s19], [sflag:$0x1], $0x10, $0x38;
	[tilespmem:$0x2E00] =	vst v63  }
0x71: {  	_ =	swait.ge [sflag:s20], $0x10  }
0x72: {  	[sflag:s20] =	ssyncset.done $0x0  }
0x73: {  	s28 =	rddreg [dreg:$0x12];
	[sflag:s20] =	ssyncadd.s32 $0xFFFFFFF0  }
0x74: {  	[spmem:s28] =	stream.linear.scatter [tilespmem:s19], [sflag:$0x1], $0x10, $0x38;
	[tilespmem:$0x2E00] =	vst v63  }
0x75: {  	_ =	swait.ge [sflag:s20], $0x10  }
0x76: {  	[sflag:s20] =	ssyncset.done $0x0  }
0x77: {  	s28 =	rddreg [dreg:$0x13];
	[sflag:s20] =	ssyncadd.s32 $0xFFFFFFF0  }
0x78: {  	[spmem:s28] =	stream.linear.scatter [tilespmem:s19], [sflag:$0x1], $0x10, $0x38;
	[tilespmem:$0x2E00] =	vst v63  }
0x79: {  	_ =	swait.ge [sflag:s20], $0x10  }
0x7a: {  	[sflag:s20] =	ssyncset.done $0x0  }
0x7b: {  	s28 =	rddreg [dreg:$0x18];
	[sflag:s20] =	ssyncadd.s32 $0xFFFFFFF0  }
0x7c: {  	[spmem:s28] =	stream.linear.scatter [tilespmem:s19], [sflag:$0x1], $0x10, $0x38;
	[tilespmem:$0x2E00] =	vst v63  }
0x7d: {  	_ =	swait.ge [sflag:s20], $0x10  }
0x7e: {  	[sflag:s20] =	ssyncset.done $0x0  }
0x7f: {  	s28 =	rddreg [dreg:$0x19];
	[sflag:s20] =	ssyncadd.s32 $0xFFFFFFF0  }
0x80: {  	[spmem:s28] =	stream.linear.scatter [tilespmem:s19], [sflag:$0x1], $0x10, $0x38;
	[tilespmem:$0x2E00] =	vst v63  }
0x81: {  	_ =	swait.ge [sflag:s20], $0x10  }
0x82: {  	[sflag:s20] =	ssyncset.done $0x0  }
0x83: {  	s28 =	rddreg [dreg:$0x1a];
	[sflag:s20] =	ssyncadd.s32 $0xFFFFFFF0  }
0x84: {  	[spmem:s28] =	stream.linear.scatter [tilespmem:s19], [sflag:$0x1], $0x10, $0x38;
	[tilespmem:$0x2E00] =	vst v63  }
0x85: {  	_ =	swait.ge [sflag:s20], $0x10  }
0x86: {  	[sflag:s20] =	ssyncset.done $0x0  }
0x87: {  	s28 =	rddreg [dreg:$0x1b];
	[sflag:s20] =	ssyncadd.s32 $0xFFFFFFF0  }
0x88: {  	[spmem:s28] =	stream.linear.scatter [tilespmem:s19], [sflag:$0x1], $0x10, $0x38;
	[tilespmem:$0x2E00] =	vst v63  }
0x89: {  	_ =	swait.ge [sflag:s20], $0x10  }
0x8a: {  	[sflag:s20] =	ssyncset.done $0x0  }
0x8b: {  	s28 =	rddreg [dreg:$0x1c];
	[sflag:s20] =	ssyncadd.s32 $0xFFFFFFF0  }
0x8c: {  	[spmem:s28] =	stream.linear.scatter [tilespmem:s19], [sflag:$0x1], $0x10, $0x38;
	[tilespmem:$0x2E00] =	vst v63  }
0x8d: {  	_ =	swait.ge [sflag:s20], $0x10  }
0x8e: {  	[sflag:s20] =	ssyncset.done $0x0  }
0x8f: {  	[sflag:s20] =	ssyncadd.s32 $0xFFFFFFF0  }
0x90: {  	[spmem:s1] =	stream.linear.scatter [tilespmem:s19], [sflag:$0x1], $0x10, $0x38;
	[tilespmem:$0x2E00] =	vst v63  }
0x91: {  	_ =	swait.ge [sflag:s20], $0x10  }
0x92: {  	[sflag:s20] =	ssyncset.done $0x0  }
0x93: {  	[sflag:s20] =	ssyncadd.s32 $0xFFFFFFF0  }
0x94: {  	[spmem:s0] =	stream.linear.scatter [tilespmem:s19], [sflag:$0x1], $0x10, $0x38;
	[tilespmem:$0x2E00] =	vst v63  }
0x95: {  	_ =	swait.ge [sflag:s20], $0x10  }
0x96: {  	[sflag:s20] =	ssyncset.done $0x0  }
0x97: {  	[sflag:s20] =	ssyncadd.s32 $0xFFFFFFF0  }
0x98: {  	[spmem:s2] =	stream.linear.scatter [tilespmem:s19], [sflag:$0x1], $0x10, $0x38;
	[tilespmem:$0x2E00] =	vst v63  }
0x99: {  	_ =	swait.ge [sflag:s20], $0x10  }
0x9a: {  	[sflag:s20] =	ssyncset.done $0x0  }
0x9b: {  	[sflag:s20] =	ssyncadd.s32 $0xFFFFFFF0  }
0x9c: {  	[spmem:s23] =	stream.linear.scatter [tilespmem:s19], [sflag:$0x1], $0x10, $0x38;
	[tilespmem:$0x2E00] =	vst v63  }
0x9d: {  	_ =	swait.ge [sflag:s20], $0x10  }
0x9e: {  	[sflag:s20] =	ssyncset.done $0x0  }
0x9f: {  	[sflag:s20] =	ssyncadd.s32 $0xFFFFFFF0  }
0xa0: {  	[spmem:s6] =	stream.linear.scatter [tilespmem:s19], [sflag:$0x1], $0x10, $0x38;
	[tilespmem:$0x2E00] =	vst v63  }
0xa1: {  	_ =	swait.ge [sflag:s20], $0x10  }
0xa2: {  	[sflag:s20] =	ssyncset.done $0x0  }
0xa3: {  	[sflag:s20] =	ssyncadd.s32 $0xFFFFFFF0  }
0xa4: {  	[spmem:s24] =	stream.linear.scatter [tilespmem:s19], [sflag:$0x1], $0x10, $0x38;
	[tilespmem:$0x2E00] =	vst v63  }
0xa5: {  	_ =	swait.ge [sflag:s20], $0x10  }
0xa6: {  	[sflag:s20] =	ssyncset.done $0x0  }
0xa7: {  	[sflag:s20] =	ssyncadd.s32 $0xFFFFFFF0  }
0xa8: {  	[spmem:s7] =	stream.linear.scatter [tilespmem:s19], [sflag:$0x1], $0x10, $0x38;
	[tilespmem:$0x2E00] =	vst v63  }
0xa9: {  	_ =	swait.ge [sflag:s20], $0x10  }
0xaa: {  	[sflag:s20] =	ssyncset.done $0x0  }
0xab: {  	[sflag:s20] =	ssyncadd.s32 $0xFFFFFFF0  }
0xac: {  	[spmem:s8] =	stream.linear.scatter [tilespmem:s19], [sflag:$0x1], $0x10, $0x38;
	[tilespmem:$0x2E00] =	vst v63  }
0xad: {  	_ =	swait.ge [sflag:s20], $0x10  }
0xae: {  	[sflag:s20] =	ssyncset.done $0x0  }
0xaf: {  	[sflag:s20] =	ssyncadd.s32 $0xFFFFFFF0  }
0xb0: {  	[spmem:s9] =	stream.linear.scatter [tilespmem:s19], [sflag:$0x1], $0x10, $0x38;
	[tilespmem:$0x2E00] =	vst v63  }
0xb1: {  	_ =	swait.ge [sflag:s20], $0x10  }
0xb2: {  	[sflag:s20] =	ssyncset.done $0x0  }
0xb3: {  	[sflag:s20] =	ssyncadd.s32 $0xFFFFFFF0  }
0xb4: {  	[spmem:s10] =	stream.linear.scatter [tilespmem:s19], [sflag:$0x1], $0x10, $0x38;
	[tilespmem:$0x2E00] =	vst v63  }
0xb5: {  	_ =	swait.ge [sflag:s20], $0x10  }
0xb6: {  	[sflag:s20] =	ssyncset.done $0x0  }
0xb7: {  	[sflag:s20] =	ssyncadd.s32 $0xFFFFFFF0  }
0xb8: {  	[spmem:s11] =	stream.linear.scatter [tilespmem:s19], [sflag:$0x1], $0x10, $0x38;
	[tilespmem:$0x2E00] =	vst v63  }
0xb9: {  	_ =	swait.ge [sflag:s20], $0x10  }
0xba: {  	[sflag:s20] =	ssyncset.done $0x0  }
0xbb: {  	[sflag:s20] =	ssyncadd.s32 $0xFFFFFFF0  }
0xbc: {  	[spmem:s12] =	stream.linear.scatter [tilespmem:s19], [sflag:$0x1], $0x10, $0x38;
	[tilespmem:$0x2E00] =	vst v63  }
0xbd: {  	_ =	swait.ge [sflag:s20], $0x10  }
0xbe: {  	[sflag:s20] =	ssyncset.done $0x0  }
0xbf: {  	[sflag:s20] =	ssyncadd.s32 $0xFFFFFFF0  }
0xc0: {  	[spmem:s13] =	stream.linear.scatter [tilespmem:s19], [sflag:$0x1], $0x10, $0x38;
	[tilespmem:$0x2E00] =	vst v63  }
0xc1: {  	_ =	swait.ge [sflag:s20], $0x10  }
0xc2: {  	[sflag:s20] =	ssyncset.done $0x0  }
0xc3: {  	[sflag:s20] =	ssyncadd.s32 $0xFFFFFFF0  }
0xc4: {  	[spmem:s14] =	stream.linear.scatter [tilespmem:s19], [sflag:$0x1], $0x10, $0x38;
	[tilespmem:$0x2E00] =	vst v63  }
0xc5: {  	_ =	swait.ge [sflag:s20], $0x10  }
0xc6: {  	[sflag:s20] =	ssyncset.done $0x0  }
0xc7: {  	[sflag:s20] =	ssyncadd.s32 $0xFFFFFFF0  }
0xc8: {  	[spmem:s15] =	stream.linear.scatter [tilespmem:s19], [sflag:$0x1], $0x10, $0x38;
	[tilespmem:$0x2E00] =	vst v63  }
0xc9: {  	_ =	swait.ge [sflag:s20], $0x10  }
0xca: {  	[sflag:s20] =	ssyncset.done $0x0  }
0xcb: {  	[sflag:s20] =	ssyncadd.s32 $0xFFFFFFF0  }
0xcc: {  	[spmem:s4] =	stream.linear.scatter [tilespmem:s19], [sflag:$0x1], $0x10, $0x38;
	[tilespmem:$0x2E00] =	vst v63  }
0xcd: {  	_ =	swait.ge [sflag:s20], $0x10  }
0xce: {  	[sflag:s20] =	ssyncset.done $0x0  }
0xcf: {  	[sflag:s20] =	ssyncadd.s32 $0xFFFFFFF0  }
0xd0: {  	[spmem:s16] =	stream.linear.scatter [tilespmem:s19], [sflag:$0x1], $0x10, $0x38;
	[tilespmem:$0x2E00] =	vst v63  }
0xd1: {  	_ =	swait.ge [sflag:s20], $0x10  }
0xd2: {  	[sflag:s20] =	ssyncset.done $0x0  }
0xd3: {  	[sflag:s20] =	ssyncadd.s32 $0xFFFFFFF0  }
0xd4: {  	[spmem:s17] =	stream.linear.scatter [tilespmem:s19], [sflag:$0x1], $0x10, $0x38;
	[tilespmem:$0x2E00] =	vst v63  }
0xd5: {  	_ =	swait.ge [sflag:s20], $0x10  }
0xd6: {  	[sflag:s20] =	ssyncset.done $0x0  }
0xd7: {  	[sflag:s20] =	ssyncadd.s32 $0xFFFFFFF0  }
0xd8: {  	[spmem:s18] =	stream.linear.scatter [tilespmem:s19], [sflag:$0x1], $0x10, $0x38;
	[tilespmem:$0x2E00] =	vst v63  }
0xd9: {  	_ =	swait.ge [sflag:s20], $0x10  }
0xda: {  	[sflag:s20] =	ssyncset.done $0x0  }
0xdb: {  	[sflag:s20] =	ssyncadd.s32 $0xFFFFFFF0  }
0xdc: {  	[bflag:$0x0] =	sbarrier.arrive $0xFFFF  }
0xdd: {  	s28 =	rddreg [dreg:$0x14]  }
0xde: {  	[tilespmem:s30], [sflag:$0x1] =	stream.linear.gather [hbm4b:s28+s30], $0x2800, $0x38;
	[tilespmem:$0x2E00] =	vst v63  }
0xdf: {  	_ =	swait.ge [sflag:s20], $0x2800  }
0xe0: {  	[sflag:s20] =	ssyncset.done $0x0  }
0xe1: {  	s28 =	simm.s32 $0x0;
	[sflag:s20] =	ssyncadd.s32 $0xFFFFD800  }
0xe2: {  	[spmem:s3] =	stream.indirect.scatter.add.f32 [tilespmem:s22], [sflag:$0x1], $0x1, s28, s21, $0xb8;
	[tilespmem:$0x2E00] =	vst v63  }
0xe3: {  	_ =	swait.ge [sflag:s20], $0x80  }
0xe4: {  	s28 =	simm.s32 $0x200;
	[sflag:s20] =	ssyncset.done $0x0  }
.LBB2_2:
0xe5: {  	s29 =	sshra.s32 s28, $0x2;
	[sflag:s20] =	ssyncadd.s32 $0xFFFFFF80;
	p5 =	sne.s32 s28, $0x9E00  }
0xe6: {  	[spmem:s3] =	stream.indirect.scatter.add.f32 [tilespmem:s22], [sflag:$0x1], $0x1, s29, s21, $0xb8;
	[tilespmem:$0x2E00] =	vst v63  }
.Ltmp2:
0xe7: {  	_ = 	snop;
	(pc) =	sbr.rel @p5 .LBB2_2-.Ltmp2, $4  }
0xe8: {  	_ = 	snop  }
0xe9: {  	s28 =	sadd.s32 $0x200, s28  }
0xea: {  	_ =	swait.ge [sflag:s20], $0x80  }
0xeb: {  	[sflag:s20] =	ssyncset.done $0x0  }
.Ltmp3:
0xec: {  	(pc) =	sbr.rel @!p0 .LBB2_5-.Ltmp3, $3  }
0xed: {  	_ = 	snop  }
0xee: {  	[sflag:s20] =	ssyncadd.s32 $0xFFFFFF80  }
0xef: {  	[bflag:$0x0] =	sbarrier.arrive $0xFFFF;
	_ =	sdelay $0x1  }
0xf0: {  	[tilespmem:s25], [sflag:$0x1] =	stream.linear.gather [spmem:s5], $0x280, $0x38;
	[tilespmem:$0x2E00] =	vst v63  }
0xf1: {  	_ =	swait.ge [sflag:s20], $0x280  }
0xf2: {  	[sflag:s20] =	ssyncset.done $0x0  }
.Ltmp4:
0xf3: {  	s28 =	rddreg [dreg:$0x15];
	[sflag:s20] =	ssyncadd.s32 $0xFFFFFD80;
	(pc) =	sbr.rel .LBB2_6-.Ltmp4, $4  }
0xf4: {  	[hbm4b:s28+s30] =	stream.linear.scatter [tilespmem:s25], [sflag:$0x1], $0x280, $0x38;
	[tilespmem:$0x2E00] =	vst v63  }
0xf5: {  	_ =	swait.ge [sflag:s20], $0x280  }
0xf6: {  	[sflag:s20] =	ssyncset.done $0x0  }
0xf7: {  	p5 =	por $0x0, $0x0;
	[sflag:s20] =	ssyncadd.s32 $0xFFFFFD80  }
.LBB2_5:
.Ltmp5:
0xf8: {  	(pc) =	sbr.rel @p3 .LBB2_7-.Ltmp5, $2  }
0xf9: {  	_ =	sdelay $0x2  }
0xfa: {  	p5 =	por p1, p1;
	s28 =	rddreg [dreg:$0x1]  }
.LBB2_6:
0xfb: {  	s28 =	simm.s32 @p4 $0x2900;
	s29 =	simm.s32 @p4 $0x1;
	p6 =	por @p4 $0x1, $0x1  }
0xfc: {  	[tilespmem:s28], [sflag:$0x1] =	stream.linear.gather @p4 [spmem:s5], $0x280, $0x38;
	[tilespmem:$0x2E00] =	vst v63  }
0xfd: {  	p6 =	por @!p4 p2, p2;
	_ =	swait.ge @p4 [sflag:s29], $0x280  }
0xfe: {  	s30 =	simm.s32 @p4 $0x0;
	p5 =	por !p6, !p5;
	[sflag:s29] =	ssyncset.done @p4 $0x0  }
0xff: {  	s31 =	rddreg [dreg:$0x16];
	p5 =	por !p5, !p5;
	[sflag:s29] =	ssyncadd.s32 @p4 $0xFFFFFD80  }
0x100: {  	[hbm4b:s31+s30] =	stream.linear.scatter @p4 [tilespmem:s28], [sflag:$0x1], $0x280, $0x38;
	[tilespmem:$0x2E00] =	vst v63  }
.Ltmp6:
0x101: {  	_ = 	snop;
	(pc) =	sbr.rel @!p5 .LBB2_8-.Ltmp6, $4  }
.Ltmp7:
0x102: {  	_ = 	snop;
	(pc) =	sbr.rel @p5 .LBB2_7-.Ltmp7, $4  }
0x103: {  	_ =	swait.ge @p4 [sflag:s29], $0x280  }
0x104: {  	[sflag:s29] =	ssyncset.done @p4 $0x0  }
0x105: {  	s30 =	simm.s32 $0x0;
	s28 =	rddreg [dreg:$0x4];
	[sflag:s29] =	ssyncadd.s32 @p4 $0xFFFFFD80  }
0x106: {  	_ = 	snop  }
.LBB2_9:
0x107: {  	_ =	sfence.sel $0x180000  }
0x108: {  	[bflag:$0x0] =	sbarrier.arrive $0xFFFF  }
0x109: {  	_ =	strace $0x90000047  }
0x10a: {  	s0 =	stileid.u32;
	[bflag:$0x2] =	sbarrier.arrive $0xFFFF  }
0x10b: {  	p0 =	sne.s32 s0, $0x0;
	s0 =	rddreg [dreg:$0x3]  }
0x10c: {  	s0 =	sadd.s32 @!p0 $0x100000, s0  }
0x10d: {  	[sflag:s0] =	ssyncadd.tile.s32 @!p0 $0x1;
	_ =	shalt  }
.Lfunc_end2:
_tile_overlayer_lowered:
.L_overlay_start_2:
0x10e: {  	(tag) =	ssettag $0x2  }
0x10f: {  	s0 =	rddreg [dreg:$0x0];
	s2 =	stileid.u32  }
0x110: {  	s1 =	rddreg [dreg:$0x1];
	p0 =	sne.s32 s2, $0x0  }
0x111: {  	s3 =	rddreg [dreg:$0x2];
	[bflag:$0x3] =	sbarrier.arrive $0xFFFF;
	s2 =	simm.s32 @!p0 $0x1C01  }
0x112: {  	[timem:s3], [sflag:s2] =	dma.local @!p0 [hbm:s0], s1  }
0x113: {  	s0 =	simm.s32 @!p0 $0x1  }
0x114: {  	_ =	swait.ge @!p0 [sflag:s0], s1  }
0x115: {  	s1 =	ssub.s32 @!p0 $0x0, s1;
	[sflag:s0] =	ssyncset.done @!p0 $0x0  }
0x116: {  	[sflag:s0] =	ssyncadd.s32 @!p0 s1  }
0x117: {  	[bflag:$0x3] =	sbarrier.arrive $0xFFFF  }
0x118: {  	_ =	shalt  }

</sc_bundles>
